<compile_context>
chip_gen: v7x
topology: tpu7x:2x2x1
jax: 0.10.2.dev20260603
libtpu: 0.0.44.dev20260713+nightly
codegen_flags: <defaults>
</compile_context>

<pallas_src>
import functools

import jax
import jax.numpy as jnp
from jax import lax
from jax.experimental import pallas as pl
from jax.experimental.pallas import tpu as pltpu
from jax.experimental.pallas import tpu_sc as plsc

_BB = 256
_DEPTH = 3


def _gather_rows(idx_t, table):
    seq, batch = idx_t.shape
    dim = table.shape[1]
    wins_per_row = batch // _BB
    num_tiles = 32
    wins_per_tile = (seq * wins_per_row) // num_tiles
    mesh = plsc.VectorSubcoreMesh(core_axis_name="c", subcore_axis_name="s")

    @functools.partial(
        pl.kernel,
        out_type=jax.ShapeDtypeStruct((seq, batch, dim), table.dtype),
        mesh=mesh,
        scratch_types=(
            [pltpu.VMEM((_BB, dim), table.dtype)] * _DEPTH
            + [pltpu.VMEM((_BB,), jnp.int32)] * _DEPTH
            + [pltpu.SemaphoreType.DMA] * (3 * _DEPTH)
        ),
    )
    def gather_kernel(table_hbm, idx_hbm, out_hbm, *scratch):
        bufs = scratch[:_DEPTH]
        idxs = scratch[_DEPTH:2 * _DEPTH]
        gsems = scratch[2 * _DEPTH:3 * _DEPTH]
        wsems = scratch[3 * _DEPTH:4 * _DEPTH]
        isems = scratch[4 * _DEPTH:5 * _DEPTH]
        wid = lax.axis_index("s") * 2 + lax.axis_index("c")
        base = wid * wins_per_tile

        def win(t):
            w = base + t
            return w // wins_per_row, (w % wins_per_row) * _BB

        def start_idx_load(t):
            k = t % _DEPTH
            s, b = win(t)
            return pltpu.async_copy(
                idx_hbm.at[s, pl.ds(b, _BB)], idxs[k], isems[k]
            )

        def start_gather(t, idx_loads):
            k = t % _DEPTH
            idx_loads[k].wait()
            return pltpu.async_copy(
                table_hbm.at[idxs[k]], bufs[k], gsems[k]
            )

        idx_loads = [None] * _DEPTH
        for t in range(min(_DEPTH, wins_per_tile)):
            idx_loads[t] = start_idx_load(t)
        gathers = [None] * _DEPTH
        writes = [None] * _DEPTH
        for t in range(min(_DEPTH - 1, wins_per_tile)):
            gathers[t] = start_gather(t, idx_loads)
        for t in range(wins_per_tile):
            k = t % _DEPTH
            ahead = t + _DEPTH - 1
            if ahead < wins_per_tile:
                ka = ahead % _DEPTH
                if writes[ka] is not None:
                    writes[ka].wait()
                    writes[ka] = None
                gathers[ka] = start_gather(ahead, idx_loads)
            gathers[k].wait()
            if t + _DEPTH < wins_per_tile:
                idx_loads[k] = start_idx_load(t + _DEPTH)
            s, b = win(t)
            writes[k] = pltpu.async_copy(
                bufs[k], out_hbm.at[s, pl.ds(b, _BB)], wsems[k]
            )
        for wcopy in writes:
            if wcopy is not None:
                wcopy.wait()

    return gather_kernel(table, idx_t)


def kernel(input_ids, table):
    idx_t = input_ids.astype(jnp.int32).T
    out_t = _gather_rows(idx_t, table)
    return out_t.transpose(1, 0, 2)

# --- scband reference (transcript-rebuilt; emitter-appended) ---
"""Pipeline reference for scband-input-embedding-18983755448684 (READ-ONLY COPY).

The authoritative reference and input builder live on the scoring server;
editing this copy changes nothing except your own understanding.
"""

import jax, jax.numpy as jnp
import numpy as np

VOCAB = 100000
EMBED_DIM = 128
PADDING_IDX = 0

def setup_inputs(seed: int = 0) -> dict:
    key = jax.random.key(seed)
    k_idx, k_tab = jax.random.split(key)
    input_ids = jax.random.randint(k_idx, (4096, 50), 0, VOCAB, dtype=jnp.int64)
    table = jax.random.normal(k_tab, (VOCAB, EMBED_DIM), dtype=jnp.float32)
    # nn.Embedding zeroes the padding_idx row at init
    table = table.at[PADDING_IDX].set(0.0)
    return {"input_ids": input_ids, "table": table}

def reference(input_ids, table):
    # Faithful translation of nn.Embedding(input_ids): row gather from table
    return jnp.take(table, input_ids, axis=0)

if __name__ == "__main__":
    import jax
    _d = setup_inputs()
    print(jax.jit(kernel)(*tuple(_d.values())))

</pallas_src>

<mosaic_0001>
#map = affine_map<(d0, d1) -> (0, 0)>
#map1 = affine_map<(d0, d1) -> (0, 0, 0)>
module attributes {stable_mosaic.version = 14 : i64} {
  func.func @gather_kernel(%arg0: i32, %arg1: i32, %arg2: memref<100000x128xf32, #tpu.memory_space<hbm>>, %arg3: memref<50x4096xi32, #tpu.memory_space<hbm>>, %arg4: memref<50x4096x128xf32, #tpu.memory_space<hbm>>, %arg5: memref<256x128xf32, #tpu.memory_space<vmem>>, %arg6: memref<256x128xf32, #tpu.memory_space<vmem>>, %arg7: memref<256x128xf32, #tpu.memory_space<vmem>>, %arg8: memref<256xi32, #tpu.memory_space<vmem>>, %arg9: memref<256xi32, #tpu.memory_space<vmem>>, %arg10: memref<256xi32, #tpu.memory_space<vmem>>, %arg11: memref<!tpu.dma_semaphore, #tpu.memory_space<semaphore_mem>>, %arg12: memref<!tpu.dma_semaphore, #tpu.memory_space<semaphore_mem>>, %arg13: memref<!tpu.dma_semaphore, #tpu.memory_space<semaphore_mem>>, %arg14: memref<!tpu.dma_semaphore, #tpu.memory_space<semaphore_mem>>, %arg15: memref<!tpu.dma_semaphore, #tpu.memory_space<semaphore_mem>>, %arg16: memref<!tpu.dma_semaphore, #tpu.memory_space<semaphore_mem>>, %arg17: memref<!tpu.dma_semaphore, #tpu.memory_space<semaphore_mem>>, %arg18: memref<!tpu.dma_semaphore, #tpu.memory_space<semaphore_mem>>, %arg19: memref<!tpu.dma_semaphore, #tpu.memory_space<semaphore_mem>>) attributes {dimension_semantics = [#tpu.dimension_semantics<core_parallel>, #tpu.dimension_semantics<subcore_parallel>], iteration_bounds = array<i64: 2, 16>, scalar_prefetch = 0 : i64, scratch_operands = 15 : i64, tpu.core_type = #tpu.core_type<sc_vector_subcore>, window_params = [{transform_indices = #map}, {transform_indices = #map}, {transform_indices = #map1}]} {
    %mul3A = arith.constant 2 : i32
    %mul3A_0 = arith.muli %arg1, %mul3A : i32
    %add3A = arith.addi %mul3A_0, %arg0 : i32
    %mul3A_1 = arith.constant 25 : i32
    %mul3A_2 = arith.muli %add3A, %mul3A_1 : i32
    %add3A_3 = arith.constant 0 : i32
    %add3A_4 = arith.addi %mul3A_2, %add3A_3 : i32
    %jit3A = arith.constant 16 : i32
    %div3A = arith.divsi %add3A_4, %jit3A : i32
    %sign3A = arith.constant 0 : i32
    %sign3A_5 = arith.cmpi sgt, %add3A_4, %sign3A : i32
    %sign3A_6 = arith.extui %sign3A_5 : i1 to i32
    %sign3A_7 = arith.constant 0 : i32
    %sign3A_8 = arith.cmpi slt, %add3A_4, %sign3A_7 : i32
    %sign3A_9 = arith.extui %sign3A_8 : i1 to i32
    %sign3A_10 = arith.subi %sign3A_6, %sign3A_9 : i32
    %sign3A_11 = arith.constant 0 : i32
    %sign3A_12 = arith.cmpi sgt, %jit3A, %sign3A_11 : i32
    %sign3A_13 = arith.extui %sign3A_12 : i1 to i32
    %sign3A_14 = arith.constant 0 : i32
    %sign3A_15 = arith.cmpi slt, %jit3A, %sign3A_14 : i32
    %sign3A_16 = arith.extui %sign3A_15 : i1 to i32
    %sign3A_17 = arith.subi %sign3A_13, %sign3A_16 : i32
    %ne3A = arith.cmpi ne, %sign3A_10, %sign3A_17 : i32
    %rem3A = arith.remsi %add3A_4, %jit3A : i32
    %ne3A_18 = arith.constant 0 : i32
    %ne3A_19 = arith.cmpi ne, %rem3A, %ne3A_18 : i32
    %and3A = arith.andi %ne3A, %ne3A_19 : i1
    %sub3A = arith.constant 1 : i32
    %sub3A_20 = arith.subi %div3A, %sub3A : i32
    %select_n3A = arith.select %and3A, %sub3A_20, %div3A : i32
    %jit3A_21 = arith.constant 16 : i32
    %eq3A = arith.constant 0 : i32
    %eq3A_22 = arith.cmpi eq, %jit3A_21, %eq3A : i32
    %jit3A_23 = arith.constant 1 : i32
    %select_n3A_24 = arith.select %eq3A_22, %jit3A_23, %jit3A_21 : i32
    %rem3A_25 = arith.remsi %add3A_4, %select_n3A_24 : i32
    %ne3A_26 = arith.constant 0 : i32
    %ne3A_27 = arith.cmpi ne, %rem3A_25, %ne3A_26 : i32
    %lt3A = arith.constant 0 : i32
    %lt3A_28 = arith.cmpi slt, %rem3A_25, %lt3A : i32
    %lt3A_29 = arith.constant 0 : i32
    %lt3A_30 = arith.cmpi slt, %select_n3A_24, %lt3A_29 : i32
    %ne3A_31 = arith.xori %lt3A_28, %lt3A_30 : i1
    %and3A_32 = arith.andi %ne3A_31, %ne3A_27 : i1
    %add3A_33 = arith.addi %rem3A_25, %select_n3A_24 : i32
    %select_n3A_34 = arith.select %and3A_32, %add3A_33, %rem3A_25 : i32
    %mul3A_35 = arith.constant 256 : i32
    %mul3A_36 = arith.muli %select_n3A_34, %mul3A_35 : i32
    %dma_start3A = tpu.memref_slice %arg3[%select_n3A, %mul3A_36] : memref<50x4096xi32, #tpu.memory_space<hbm>> -> memref<1x256xi32, #tpu.memory_space<hbm>>
    %dma_start3A_37 = tpu.memref_squeeze %dma_start3A : memref<1x256xi32, #tpu.memory_space<hbm>> -> memref<256xi32, #tpu.memory_space<hbm>>
    %dma_start3A_38 = tpu.memref_slice %arg3[%select_n3A, %mul3A_36] : memref<50x4096xi32, #tpu.memory_space<hbm>> -> memref<1x256xi32, #tpu.memory_space<hbm>>
    %dma_start3A_39 = tpu.memref_squeeze %dma_start3A_38 : memref<1x256xi32, #tpu.memory_space<hbm>> -> memref<256xi32, #tpu.memory_space<hbm>>
    tpu.enqueue_dma source(%dma_start3A_39 : memref<256xi32, #tpu.memory_space<hbm>>) target(%arg8 : memref<256xi32, #tpu.memory_space<vmem>>) target_semaphore(%arg17 : memref<!tpu.dma_semaphore, #tpu.memory_space<semaphore_mem>>)
    %add3A_40 = arith.constant 1 : i32
    %add3A_41 = arith.addi %mul3A_2, %add3A_40 : i32
    %jit3A_42 = arith.constant 16 : i32
    %div3A_43 = arith.divsi %add3A_41, %jit3A_42 : i32
    %sign3A_44 = arith.constant 0 : i32
    %sign3A_45 = arith.cmpi sgt, %add3A_41, %sign3A_44 : i32
    %sign3A_46 = arith.extui %sign3A_45 : i1 to i32
    %sign3A_47 = arith.constant 0 : i32
    %sign3A_48 = arith.cmpi slt, %add3A_41, %sign3A_47 : i32
    %sign3A_49 = arith.extui %sign3A_48 : i1 to i32
    %sign3A_50 = arith.subi %sign3A_46, %sign3A_49 : i32
    %sign3A_51 = arith.constant 0 : i32
    %sign3A_52 = arith.cmpi sgt, %jit3A_42, %sign3A_51 : i32
    %sign3A_53 = arith.extui %sign3A_52 : i1 to i32
    %sign3A_54 = arith.constant 0 : i32
    %sign3A_55 = arith.cmpi slt, %jit3A_42, %sign3A_54 : i32
    %sign3A_56 = arith.extui %sign3A_55 : i1 to i32
    %sign3A_57 = arith.subi %sign3A_53, %sign3A_56 : i32
    %ne3A_58 = arith.cmpi ne, %sign3A_50, %sign3A_57 : i32
    %rem3A_59 = arith.remsi %add3A_41, %jit3A_42 : i32
    %ne3A_60 = arith.constant 0 : i32
    %ne3A_61 = arith.cmpi ne, %rem3A_59, %ne3A_60 : i32
    %and3A_62 = arith.andi %ne3A_58, %ne3A_61 : i1
    %sub3A_63 = arith.constant 1 : i32
    %sub3A_64 = arith.subi %div3A_43, %sub3A_63 : i32
    %select_n3A_65 = arith.select %and3A_62, %sub3A_64, %div3A_43 : i32
    %jit3A_66 = arith.constant 16 : i32
    %eq3A_67 = arith.constant 0 : i32
    %eq3A_68 = arith.cmpi eq, %jit3A_66, %eq3A_67 : i32
    %jit3A_69 = arith.constant 1 : i32
    %select_n3A_70 = arith.select %eq3A_68, %jit3A_69, %jit3A_66 : i32
    %rem3A_71 = arith.remsi %add3A_41, %select_n3A_70 : i32
    %ne3A_72 = arith.constant 0 : i32
    %ne3A_73 = arith.cmpi ne, %rem3A_71, %ne3A_72 : i32
    %lt3A_74 = arith.constant 0 : i32
    %lt3A_75 = arith.cmpi slt, %rem3A_71, %lt3A_74 : i32
    %lt3A_76 = arith.constant 0 : i32
    %lt3A_77 = arith.cmpi slt, %select_n3A_70, %lt3A_76 : i32
    %ne3A_78 = arith.xori %lt3A_75, %lt3A_77 : i1
    %and3A_79 = arith.andi %ne3A_78, %ne3A_73 : i1
    %add3A_80 = arith.addi %rem3A_71, %select_n3A_70 : i32
    %select_n3A_81 = arith.select %and3A_79, %add3A_80, %rem3A_71 : i32
    %mul3A_82 = arith.constant 256 : i32
    %mul3A_83 = arith.muli %select_n3A_81, %mul3A_82 : i32
    %dma_start3A_84 = tpu.memref_slice %arg3[%select_n3A_65, %mul3A_83] : memref<50x4096xi32, #tpu.memory_space<hbm>> -> memref<1x256xi32, #tpu.memory_space<hbm>>
    %dma_start3A_85 = tpu.memref_squeeze %dma_start3A_84 : memref<1x256xi32, #tpu.memory_space<hbm>> -> memref<256xi32, #tpu.memory_space<hbm>>
    %dma_start3A_86 = tpu.memref_slice %arg3[%select_n3A_65, %mul3A_83] : memref<50x4096xi32, #tpu.memory_space<hbm>> -> memref<1x256xi32, #tpu.memory_space<hbm>>
    %dma_start3A_87 = tpu.memref_squeeze %dma_start3A_86 : memref<1x256xi32, #tpu.memory_space<hbm>> -> memref<256xi32, #tpu.memory_space<hbm>>
    tpu.enqueue_dma source(%dma_start3A_87 : memref<256xi32, #tpu.memory_space<hbm>>) target(%arg9 : memref<256xi32, #tpu.memory_space<vmem>>) target_semaphore(%arg18 : memref<!tpu.dma_semaphore, #tpu.memory_space<semaphore_mem>>)
    %add3A_88 = arith.constant 2 : i32
    %add3A_89 = arith.addi %mul3A_2, %add3A_88 : i32
    %jit3A_90 = arith.constant 16 : i32
    %div3A_91 = arith.divsi %add3A_89, %jit3A_90 : i32
    %sign3A_92 = arith.constant 0 : i32
    %sign3A_93 = arith.cmpi sgt, %add3A_89, %sign3A_92 : i32
    %sign3A_94 = arith.extui %sign3A_93 : i1 to i32
    %sign3A_95 = arith.constant 0 : i32
    %sign3A_96 = arith.cmpi slt, %add3A_89, %sign3A_95 : i32
    %sign3A_97 = arith.extui %sign3A_96 : i1 to i32
    %sign3A_98 = arith.subi %sign3A_94, %sign3A_97 : i32
    %sign3A_99 = arith.constant 0 : i32
    %sign3A_100 = arith.cmpi sgt, %jit3A_90, %sign3A_99 : i32
    %sign3A_101 = arith.extui %sign3A_100 : i1 to i32
    %sign3A_102 = arith.constant 0 : i32
    %sign3A_103 = arith.cmpi slt, %jit3A_90, %sign3A_102 : i32
    %sign3A_104 = arith.extui %sign3A_103 : i1 to i32
    %sign3A_105 = arith.subi %sign3A_101, %sign3A_104 : i32
    %ne3A_106 = arith.cmpi ne, %sign3A_98, %sign3A_105 : i32
    %rem3A_107 = arith.remsi %add3A_89, %jit3A_90 : i32
    %ne3A_108 = arith.constant 0 : i32
    %ne3A_109 = arith.cmpi ne, %rem3A_107, %ne3A_108 : i32
    %and3A_110 = arith.andi %ne3A_106, %ne3A_109 : i1
    %sub3A_111 = arith.constant 1 : i32
    %sub3A_112 = arith.subi %div3A_91, %sub3A_111 : i32
    %select_n3A_113 = arith.select %and3A_110, %sub3A_112, %div3A_91 : i32
    %jit3A_114 = arith.constant 16 : i32
    %eq3A_115 = arith.constant 0 : i32
    %eq3A_116 = arith.cmpi eq, %jit3A_114, %eq3A_115 : i32
    %jit3A_117 = arith.constant 1 : i32
    %select_n3A_118 = arith.select %eq3A_116, %jit3A_117, %jit3A_114 : i32
    %rem3A_119 = arith.remsi %add3A_89, %select_n3A_118 : i32
    %ne3A_120 = arith.constant 0 : i32
    %ne3A_121 = arith.cmpi ne, %rem3A_119, %ne3A_120 : i32
    %lt3A_122 = arith.constant 0 : i32
    %lt3A_123 = arith.cmpi slt, %rem3A_119, %lt3A_122 : i32
    %lt3A_124 = arith.constant 0 : i32
    %lt3A_125 = arith.cmpi slt, %select_n3A_118, %lt3A_124 : i32
    %ne3A_126 = arith.xori %lt3A_123, %lt3A_125 : i1
    %and3A_127 = arith.andi %ne3A_126, %ne3A_121 : i1
    %add3A_128 = arith.addi %rem3A_119, %select_n3A_118 : i32
    %select_n3A_129 = arith.select %and3A_127, %add3A_128, %rem3A_119 : i32
    %mul3A_130 = arith.constant 256 : i32
    %mul3A_131 = arith.muli %select_n3A_129, %mul3A_130 : i32
    %dma_start3A_132 = tpu.memref_slice %arg3[%select_n3A_113, %mul3A_131] : memref<50x4096xi32, #tpu.memory_space<hbm>> -> memref<1x256xi32, #tpu.memory_space<hbm>>
    %dma_start3A_133 = tpu.memref_squeeze %dma_start3A_132 : memref<1x256xi32, #tpu.memory_space<hbm>> -> memref<256xi32, #tpu.memory_space<hbm>>
    %dma_start3A_134 = tpu.memref_slice %arg3[%select_n3A_113, %mul3A_131] : memref<50x4096xi32, #tpu.memory_space<hbm>> -> memref<1x256xi32, #tpu.memory_space<hbm>>
    %dma_start3A_135 = tpu.memref_squeeze %dma_start3A_134 : memref<1x256xi32, #tpu.memory_space<hbm>> -> memref<256xi32, #tpu.memory_space<hbm>>
    tpu.enqueue_dma source(%dma_start3A_135 : memref<256xi32, #tpu.memory_space<hbm>>) target(%arg10 : memref<256xi32, #tpu.memory_space<vmem>>) target_semaphore(%arg19 : memref<!tpu.dma_semaphore, #tpu.memory_space<semaphore_mem>>)
    %dma_wait3A = tpu.memref_slice %arg3[%select_n3A, %mul3A_36] : memref<50x4096xi32, #tpu.memory_space<hbm>> -> memref<1x256xi32, #tpu.memory_space<hbm>>
    %dma_wait3A_136 = tpu.memref_squeeze %dma_wait3A : memref<1x256xi32, #tpu.memory_space<hbm>> -> memref<256xi32, #tpu.memory_space<hbm>>
    %dma_wait3A_137 = tpu.memref_slice %arg3[%select_n3A, %mul3A_36] : memref<50x4096xi32, #tpu.memory_space<hbm>> -> memref<1x256xi32, #tpu.memory_space<hbm>>
    %dma_wait3A_138 = tpu.memref_squeeze %dma_wait3A_137 : memref<1x256xi32, #tpu.memory_space<hbm>> -> memref<256xi32, #tpu.memory_space<hbm>>
    tpu.wait_dma2 semaphore(%arg17 : memref<!tpu.dma_semaphore, #tpu.memory_space<semaphore_mem>>) src(%dma_wait3A_138 : memref<256xi32, #tpu.memory_space<hbm>>) dst(%arg8 : memref<256xi32, #tpu.memory_space<vmem>>)
    %dma_start3A_139 = arith.constant 0 : i32
    %dma_start3A_140 = arith.constant 0 : i32
    %dma_start3A_141 = tpu.memref_slice %arg2[%dma_start3A_139, %dma_start3A_140] : memref<100000x128xf32, #tpu.memory_space<hbm>> -> memref<100000x128xf32, #tpu.memory_space<hbm>>
    tpu.enqueue_indirect_dma source(%dma_start3A_141 : memref<100000x128xf32, #tpu.memory_space<hbm>>) target(%arg5 : memref<256x128xf32, #tpu.memory_space<vmem>>) offsets(%arg8 : memref<256xi32, #tpu.memory_space<vmem>>) semaphore(%arg11 : memref<!tpu.dma_semaphore, #tpu.memory_space<semaphore_mem>>)
    %dma_wait3A_142 = tpu.memref_slice %arg3[%select_n3A_65, %mul3A_83] : memref<50x4096xi32, #tpu.memory_space<hbm>> -> memref<1x256xi32, #tpu.memory_space<hbm>>
    %dma_wait3A_143 = tpu.memref_squeeze %dma_wait3A_142 : memref<1x256xi32, #tpu.memory_space<hbm>> -> memref<256xi32, #tpu.memory_space<hbm>>
    %dma_wait3A_144 = tpu.memref_slice %arg3[%select_n3A_65, %mul3A_83] : memref<50x4096xi32, #tpu.memory_space<hbm>> -> memref<1x256xi32, #tpu.memory_space<hbm>>
    %dma_wait3A_145 = tpu.memref_squeeze %dma_wait3A_144 : memref<1x256xi32, #tpu.memory_space<hbm>> -> memref<256xi32, #tpu.memory_space<hbm>>
    tpu.wait_dma2 semaphore(%arg18 : memref<!tpu.dma_semaphore, #tpu.memory_space<semaphore_mem>>) src(%dma_wait3A_145 : memref<256xi32, #tpu.memory_space<hbm>>) dst(%arg9 : memref<256xi32, #tpu.memory_space<vmem>>)
    %dma_start3A_146 = arith.constant 0 : i32
    %dma_start3A_147 = arith.constant 0 : i32
    %dma_start3A_148 = tpu.memref_slice %arg2[%dma_start3A_146, %dma_start3A_147] : memref<100000x128xf32, #tpu.memory_space<hbm>> -> memref<100000x128xf32, #tpu.memory_space<hbm>>
    tpu.enqueue_indirect_dma source(%dma_start3A_148 : memref<100000x128xf32, #tpu.memory_space<hbm>>) target(%arg6 : memref<256x128xf32, #tpu.memory_space<vmem>>) offsets(%arg9 : memref<256xi32, #tpu.memory_space<vmem>>) semaphore(%arg12 : memref<!tpu.dma_semaphore, #tpu.memory_space<semaphore_mem>>)
    %dma_wait3A_149 = tpu.memref_slice %arg3[%select_n3A_113, %mul3A_131] : memref<50x4096xi32, #tpu.memory_space<hbm>> -> memref<1x256xi32, #tpu.memory_space<hbm>>
    %dma_wait3A_150 = tpu.memref_squeeze %dma_wait3A_149 : memref<1x256xi32, #tpu.memory_space<hbm>> -> memref<256xi32, #tpu.memory_space<hbm>>
    %dma_wait3A_151 = tpu.memref_slice %arg3[%select_n3A_113, %mul3A_131] : memref<50x4096xi32, #tpu.memory_space<hbm>> -> memref<1x256xi32, #tpu.memory_space<hbm>>
    %dma_wait3A_152 = tpu.memref_squeeze %dma_wait3A_151 : memref<1x256xi32, #tpu.memory_space<hbm>> -> memref<256xi32, #tpu.memory_space<hbm>>
    tpu.wait_dma2 semaphore(%arg19 : memref<!tpu.dma_semaphore, #tpu.memory_space<semaphore_mem>>) src(%dma_wait3A_152 : memref<256xi32, #tpu.memory_space<hbm>>) dst(%arg10 : memref<256xi32, #tpu.memory_space<vmem>>)
    %dma_start3A_153 = arith.constant 0 : i32
    %dma_start3A_154 = arith.constant 0 : i32
    %dma_start3A_155 = tpu.memref_slice %arg2[%dma_start3A_153, %dma_start3A_154] : memref<100000x128xf32, #tpu.memory_space<hbm>> -> memref<100000x128xf32, #tpu.memory_space<hbm>>
    tpu.enqueue_indirect_dma source(%dma_start3A_155 : memref<100000x128xf32, #tpu.memory_space<hbm>>) target(%arg7 : memref<256x128xf32, #tpu.memory_space<vmem>>) offsets(%arg10 : memref<256xi32, #tpu.memory_space<vmem>>) semaphore(%arg13 : memref<!tpu.dma_semaphore, #tpu.memory_space<semaphore_mem>>)
    %dma_wait3A_156 = arith.constant 0 : i32
    %dma_wait3A_157 = arith.constant 0 : i32
    %dma_wait3A_158 = tpu.memref_slice %arg2[%dma_wait3A_156, %dma_wait3A_157] : memref<100000x128xf32, #tpu.memory_space<hbm>> -> memref<100000x128xf32, #tpu.memory_space<hbm>>
    tpu.wait_indirect_dma semaphore(%arg11 : memref<!tpu.dma_semaphore, #tpu.memory_space<semaphore_mem>>) src(%dma_wait3A_158 : memref<100000x128xf32, #tpu.memory_space<hbm>>) dst(%arg5 : memref<256x128xf32, #tpu.memory_space<vmem>>)
    %add3A_159 = arith.constant 3 : i32
    %add3A_160 = arith.addi %mul3A_2, %add3A_159 : i32
    %jit3A_161 = arith.constant 16 : i32
    %div3A_162 = arith.divsi %add3A_160, %jit3A_161 : i32
    %sign3A_163 = arith.constant 0 : i32
    %sign3A_164 = arith.cmpi sgt, %add3A_160, %sign3A_163 : i32
    %sign3A_165 = arith.extui %sign3A_164 : i1 to i32
    %sign3A_166 = arith.constant 0 : i32
    %sign3A_167 = arith.cmpi slt, %add3A_160, %sign3A_166 : i32
    %sign3A_168 = arith.extui %sign3A_167 : i1 to i32
    %sign3A_169 = arith.subi %sign3A_165, %sign3A_168 : i32
    %sign3A_170 = arith.constant 0 : i32
    %sign3A_171 = arith.cmpi sgt, %jit3A_161, %sign3A_170 : i32
    %sign3A_172 = arith.extui %sign3A_171 : i1 to i32
    %sign3A_173 = arith.constant 0 : i32
    %sign3A_174 = arith.cmpi slt, %jit3A_161, %sign3A_173 : i32
    %sign3A_175 = arith.extui %sign3A_174 : i1 to i32
    %sign3A_176 = arith.subi %sign3A_172, %sign3A_175 : i32
    %ne3A_177 = arith.cmpi ne, %sign3A_169, %sign3A_176 : i32
    %rem3A_178 = arith.remsi %add3A_160, %jit3A_161 : i32
    %ne3A_179 = arith.constant 0 : i32
    %ne3A_180 = arith.cmpi ne, %rem3A_178, %ne3A_179 : i32
    %and3A_181 = arith.andi %ne3A_177, %ne3A_180 : i1
    %sub3A_182 = arith.constant 1 : i32
    %sub3A_183 = arith.subi %div3A_162, %sub3A_182 : i32
    %select_n3A_184 = arith.select %and3A_181, %sub3A_183, %div3A_162 : i32
    %jit3A_185 = arith.constant 16 : i32
    %eq3A_186 = arith.constant 0 : i32
    %eq3A_187 = arith.cmpi eq, %jit3A_185, %eq3A_186 : i32
    %jit3A_188 = arith.constant 1 : i32
    %select_n3A_189 = arith.select %eq3A_187, %jit3A_188, %jit3A_185 : i32
    %rem3A_190 = arith.remsi %add3A_160, %select_n3A_189 : i32
    %ne3A_191 = arith.constant 0 : i32
    %ne3A_192 = arith.cmpi ne, %rem3A_190, %ne3A_191 : i32
    %lt3A_193 = arith.constant 0 : i32
    %lt3A_194 = arith.cmpi slt, %rem3A_190, %lt3A_193 : i32
    %lt3A_195 = arith.constant 0 : i32
    %lt3A_196 = arith.cmpi slt, %select_n3A_189, %lt3A_195 : i32
    %ne3A_197 = arith.xori %lt3A_194, %lt3A_196 : i1
    %and3A_198 = arith.andi %ne3A_197, %ne3A_192 : i1
    %add3A_199 = arith.addi %rem3A_190, %select_n3A_189 : i32
    %select_n3A_200 = arith.select %and3A_198, %add3A_199, %rem3A_190 : i32
    %mul3A_201 = arith.constant 256 : i32
    %mul3A_202 = arith.muli %select_n3A_200, %mul3A_201 : i32
    %dma_start3A_203 = tpu.memref_slice %arg3[%select_n3A_184, %mul3A_202] : memref<50x4096xi32, #tpu.memory_space<hbm>> -> memref<1x256xi32, #tpu.memory_space<hbm>>
    %dma_start3A_204 = tpu.memref_squeeze %dma_start3A_203 : memref<1x256xi32, #tpu.memory_space<hbm>> -> memref<256xi32, #tpu.memory_space<hbm>>
    %dma_start3A_205 = tpu.memref_slice %arg3[%select_n3A_184, %mul3A_202] : memref<50x4096xi32, #tpu.memory_space<hbm>> -> memref<1x256xi32, #tpu.memory_space<hbm>>
    %dma_start3A_206 = tpu.memref_squeeze %dma_start3A_205 : memref<1x256xi32, #tpu.memory_space<hbm>> -> memref<256xi32, #tpu.memory_space<hbm>>
    tpu.enqueue_dma source(%dma_start3A_206 : memref<256xi32, #tpu.memory_space<hbm>>) target(%arg8 : memref<256xi32, #tpu.memory_space<vmem>>) target_semaphore(%arg17 : memref<!tpu.dma_semaphore, #tpu.memory_space<semaphore_mem>>)
    %add3A_207 = arith.constant 0 : i32
    %add3A_208 = arith.addi %mul3A_2, %add3A_207 : i32
    %jit3A_209 = arith.constant 16 : i32
    %div3A_210 = arith.divsi %add3A_208, %jit3A_209 : i32
    %sign3A_211 = arith.constant 0 : i32
    %sign3A_212 = arith.cmpi sgt, %add3A_208, %sign3A_211 : i32
    %sign3A_213 = arith.extui %sign3A_212 : i1 to i32
    %sign3A_214 = arith.constant 0 : i32
    %sign3A_215 = arith.cmpi slt, %add3A_208, %sign3A_214 : i32
    %sign3A_216 = arith.extui %sign3A_215 : i1 to i32
    %sign3A_217 = arith.subi %sign3A_213, %sign3A_216 : i32
    %sign3A_218 = arith.constant 0 : i32
    %sign3A_219 = arith.cmpi sgt, %jit3A_209, %sign3A_218 : i32
    %sign3A_220 = arith.extui %sign3A_219 : i1 to i32
    %sign3A_221 = arith.constant 0 : i32
    %sign3A_222 = arith.cmpi slt, %jit3A_209, %sign3A_221 : i32
    %sign3A_223 = arith.extui %sign3A_222 : i1 to i32
    %sign3A_224 = arith.subi %sign3A_220, %sign3A_223 : i32
    %ne3A_225 = arith.cmpi ne, %sign3A_217, %sign3A_224 : i32
    %rem3A_226 = arith.remsi %add3A_208, %jit3A_209 : i32
    %ne3A_227 = arith.constant 0 : i32
    %ne3A_228 = arith.cmpi ne, %rem3A_226, %ne3A_227 : i32
    %and3A_229 = arith.andi %ne3A_225, %ne3A_228 : i1
    %sub3A_230 = arith.constant 1 : i32
    %sub3A_231 = arith.subi %div3A_210, %sub3A_230 : i32
    %select_n3A_232 = arith.select %and3A_229, %sub3A_231, %div3A_210 : i32
    %jit3A_233 = arith.constant 16 : i32
    %eq3A_234 = arith.constant 0 : i32
    %eq3A_235 = arith.cmpi eq, %jit3A_233, %eq3A_234 : i32
    %jit3A_236 = arith.constant 1 : i32
    %select_n3A_237 = arith.select %eq3A_235, %jit3A_236, %jit3A_233 : i32
    %rem3A_238 = arith.remsi %add3A_208, %select_n3A_237 : i32
    %ne3A_239 = arith.constant 0 : i32
    %ne3A_240 = arith.cmpi ne, %rem3A_238, %ne3A_239 : i32
    %lt3A_241 = arith.constant 0 : i32
    %lt3A_242 = arith.cmpi slt, %rem3A_238, %lt3A_241 : i32
    %lt3A_243 = arith.constant 0 : i32
    %lt3A_244 = arith.cmpi slt, %select_n3A_237, %lt3A_243 : i32
    %ne3A_245 = arith.xori %lt3A_242, %lt3A_244 : i1
    %and3A_246 = arith.andi %ne3A_245, %ne3A_240 : i1
    %add3A_247 = arith.addi %rem3A_238, %select_n3A_237 : i32
    %select_n3A_248 = arith.select %and3A_246, %add3A_247, %rem3A_238 : i32
    %mul3A_249 = arith.constant 256 : i32
    %mul3A_250 = arith.muli %select_n3A_248, %mul3A_249 : i32
    %dma_start3A_251 = arith.constant 0 : i32
    %dma_start3A_252 = tpu.memref_slice %arg4[%select_n3A_232, %mul3A_250, %dma_start3A_251] : memref<50x4096x128xf32, #tpu.memory_space<hbm>> -> memref<1x256x128xf32, #tpu.memory_space<hbm>>
    %dma_start3A_253 = tpu.memref_squeeze %dma_start3A_252 : memref<1x256x128xf32, #tpu.memory_space<hbm>> -> memref<256x128xf32, #tpu.memory_space<hbm>>
    %dma_start3A_254 = arith.constant 0 : i32
    %dma_start3A_255 = tpu.memref_slice %arg4[%select_n3A_232, %mul3A_250, %dma_start3A_254] : memref<50x4096x128xf32, #tpu.memory_space<hbm>> -> memref<1x256x128xf32, #tpu.memory_space<hbm>>
    %dma_start3A_256 = tpu.memref_squeeze %dma_start3A_255 : memref<1x256x128xf32, #tpu.memory_space<hbm>> -> memref<256x128xf32, #tpu.memory_space<hbm>>
    tpu.enqueue_dma source(%arg5 : memref<256x128xf32, #tpu.memory_space<vmem>>) target(%dma_start3A_256 : memref<256x128xf32, #tpu.memory_space<hbm>>) target_semaphore(%arg14 : memref<!tpu.dma_semaphore, #tpu.memory_space<semaphore_mem>>)
    %dma_wait3A_257 = arith.constant 0 : i32
    %dma_wait3A_258 = tpu.memref_slice %arg4[%select_n3A_232, %mul3A_250, %dma_wait3A_257] : memref<50x4096x128xf32, #tpu.memory_space<hbm>> -> memref<1x256x128xf32, #tpu.memory_space<hbm>>
    %dma_wait3A_259 = tpu.memref_squeeze %dma_wait3A_258 : memref<1x256x128xf32, #tpu.memory_space<hbm>> -> memref<256x128xf32, #tpu.memory_space<hbm>>
    %dma_wait3A_260 = arith.constant 0 : i32
    %dma_wait3A_261 = tpu.memref_slice %arg4[%select_n3A_232, %mul3A_250, %dma_wait3A_260] : memref<50x4096x128xf32, #tpu.memory_space<hbm>> -> memref<1x256x128xf32, #tpu.memory_space<hbm>>
    %dma_wait3A_262 = tpu.memref_squeeze %dma_wait3A_261 : memref<1x256x128xf32, #tpu.memory_space<hbm>> -> memref<256x128xf32, #tpu.memory_space<hbm>>
    tpu.wait_dma2 semaphore(%arg14 : memref<!tpu.dma_semaphore, #tpu.memory_space<semaphore_mem>>) src(%arg5 : memref<256x128xf32, #tpu.memory_space<vmem>>) dst(%dma_wait3A_262 : memref<256x128xf32, #tpu.memory_space<hbm>>)
    %dma_wait3A_263 = tpu.memref_slice %arg3[%select_n3A_184, %mul3A_202] : memref<50x4096xi32, #tpu.memory_space<hbm>> -> memref<1x256xi32, #tpu.memory_space<hbm>>
    %dma_wait3A_264 = tpu.memref_squeeze %dma_wait3A_263 : memref<1x256xi32, #tpu.memory_space<hbm>> -> memref<256xi32, #tpu.memory_space<hbm>>
    %dma_wait3A_265 = tpu.memref_slice %arg3[%select_n3A_184, %mul3A_202] : memref<50x4096xi32, #tpu.memory_space<hbm>> -> memref<1x256xi32, #tpu.memory_space<hbm>>
    %dma_wait3A_266 = tpu.memref_squeeze %dma_wait3A_265 : memref<1x256xi32, #tpu.memory_space<hbm>> -> memref<256xi32, #tpu.memory_space<hbm>>
    tpu.wait_dma2 semaphore(%arg17 : memref<!tpu.dma_semaphore, #tpu.memory_space<semaphore_mem>>) src(%dma_wait3A_266 : memref<256xi32, #tpu.memory_space<hbm>>) dst(%arg8 : memref<256xi32, #tpu.memory_space<vmem>>)
    %dma_start3A_267 = arith.constant 0 : i32
    %dma_start3A_268 = arith.constant 0 : i32
    %dma_start3A_269 = tpu.memref_slice %arg2[%dma_start3A_267, %dma_start3A_268] : memref<100000x128xf32, #tpu.memory_space<hbm>> -> memref<100000x128xf32, #tpu.memory_space<hbm>>
    tpu.enqueue_indirect_dma source(%dma_start3A_269 : memref<100000x128xf32, #tpu.memory_space<hbm>>) target(%arg5 : memref<256x128xf32, #tpu.memory_space<vmem>>) offsets(%arg8 : memref<256xi32, #tpu.memory_space<vmem>>) semaphore(%arg11 : memref<!tpu.dma_semaphore, #tpu.memory_space<semaphore_mem>>)
    %dma_wait3A_270 = arith.constant 0 : i32
    %dma_wait3A_271 = arith.constant 0 : i32
    %dma_wait3A_272 = tpu.memref_slice %arg2[%dma_wait3A_270, %dma_wait3A_271] : memref<100000x128xf32, #tpu.memory_space<hbm>> -> memref<100000x128xf32, #tpu.memory_space<hbm>>
    tpu.wait_indirect_dma semaphore(%arg12 : memref<!tpu.dma_semaphore, #tpu.memory_space<semaphore_mem>>) src(%dma_wait3A_272 : memref<100000x128xf32, #tpu.memory_space<hbm>>) dst(%arg6 : memref<256x128xf32, #tpu.memory_space<vmem>>)
    %add3A_273 = arith.constant 4 : i32
    %add3A_274 = arith.addi %mul3A_2, %add3A_273 : i32
    %jit3A_275 = arith.constant 16 : i32
    %div3A_276 = arith.divsi %add3A_274, %jit3A_275 : i32
    %sign3A_277 = arith.constant 0 : i32
    %sign3A_278 = arith.cmpi sgt, %add3A_274, %sign3A_277 : i32
    %sign3A_279 = arith.extui %sign3A_278 : i1 to i32
    %sign3A_280 = arith.constant 0 : i32
    %sign3A_281 = arith.cmpi slt, %add3A_274, %sign3A_280 : i32
    %sign3A_282 = arith.extui %sign3A_281 : i1 to i32
    %sign3A_283 = arith.subi %sign3A_279, %sign3A_282 : i32
    %sign3A_284 = arith.constant 0 : i32
    %sign3A_285 = arith.cmpi sgt, %jit3A_275, %sign3A_284 : i32
    %sign3A_286 = arith.extui %sign3A_285 : i1 to i32
    %sign3A_287 = arith.constant 0 : i32
    %sign3A_288 = arith.cmpi slt, %jit3A_275, %sign3A_287 : i32
    %sign3A_289 = arith.extui %sign3A_288 : i1 to i32
    %sign3A_290 = arith.subi %sign3A_286, %sign3A_289 : i32
    %ne3A_291 = arith.cmpi ne, %sign3A_283, %sign3A_290 : i32
    %rem3A_292 = arith.remsi %add3A_274, %jit3A_275 : i32
    %ne3A_293 = arith.constant 0 : i32
    %ne3A_294 = arith.cmpi ne, %rem3A_292, %ne3A_293 : i32
    %and3A_295 = arith.andi %ne3A_291, %ne3A_294 : i1
    %sub3A_296 = arith.constant 1 : i32
    %sub3A_297 = arith.subi %div3A_276, %sub3A_296 : i32
    %select_n3A_298 = arith.select %and3A_295, %sub3A_297, %div3A_276 : i32
    %jit3A_299 = arith.constant 16 : i32
    %eq3A_300 = arith.constant 0 : i32
    %eq3A_301 = arith.cmpi eq, %jit3A_299, %eq3A_300 : i32
    %jit3A_302 = arith.constant 1 : i32
    %select_n3A_303 = arith.select %eq3A_301, %jit3A_302, %jit3A_299 : i32
    %rem3A_304 = arith.remsi %add3A_274, %select_n3A_303 : i32
    %ne3A_305 = arith.constant 0 : i32
    %ne3A_306 = arith.cmpi ne, %rem3A_304, %ne3A_305 : i32
    %lt3A_307 = arith.constant 0 : i32
    %lt3A_308 = arith.cmpi slt, %rem3A_304, %lt3A_307 : i32
    %lt3A_309 = arith.constant 0 : i32
    %lt3A_310 = arith.cmpi slt, %select_n3A_303, %lt3A_309 : i32
    %ne3A_311 = arith.xori %lt3A_308, %lt3A_310 : i1
    %and3A_312 = arith.andi %ne3A_311, %ne3A_306 : i1
    %add3A_313 = arith.addi %rem3A_304, %select_n3A_303 : i32
    %select_n3A_314 = arith.select %and3A_312, %add3A_313, %rem3A_304 : i32
    %mul3A_315 = arith.constant 256 : i32
    %mul3A_316 = arith.muli %select_n3A_314, %mul3A_315 : i32
    %dma_start3A_317 = tpu.memref_slice %arg3[%select_n3A_298, %mul3A_316] : memref<50x4096xi32, #tpu.memory_space<hbm>> -> memref<1x256xi32, #tpu.memory_space<hbm>>
    %dma_start3A_318 = tpu.memref_squeeze %dma_start3A_317 : memref<1x256xi32, #tpu.memory_space<hbm>> -> memref<256xi32, #tpu.memory_space<hbm>>
    %dma_start3A_319 = tpu.memref_slice %arg3[%select_n3A_298, %mul3A_316] : memref<50x4096xi32, #tpu.memory_space<hbm>> -> memref<1x256xi32, #tpu.memory_space<hbm>>
    %dma_start3A_320 = tpu.memref_squeeze %dma_start3A_319 : memref<1x256xi32, #tpu.memory_space<hbm>> -> memref<256xi32, #tpu.memory_space<hbm>>
    tpu.enqueue_dma source(%dma_start3A_320 : memref<256xi32, #tpu.memory_space<hbm>>) target(%arg9 : memref<256xi32, #tpu.memory_space<vmem>>) target_semaphore(%arg18 : memref<!tpu.dma_semaphore, #tpu.memory_space<semaphore_mem>>)
    %add3A_321 = arith.constant 1 : i32
    %add3A_322 = arith.addi %mul3A_2, %add3A_321 : i32
    %jit3A_323 = arith.constant 16 : i32
    %div3A_324 = arith.divsi %add3A_322, %jit3A_323 : i32
    %sign3A_325 = arith.constant 0 : i32
    %sign3A_326 = arith.cmpi sgt, %add3A_322, %sign3A_325 : i32
    %sign3A_327 = arith.extui %sign3A_326 : i1 to i32
    %sign3A_328 = arith.constant 0 : i32
    %sign3A_329 = arith.cmpi slt, %add3A_322, %sign3A_328 : i32
    %sign3A_330 = arith.extui %sign3A_329 : i1 to i32
    %sign3A_331 = arith.subi %sign3A_327, %sign3A_330 : i32
    %sign3A_332 = arith.constant 0 : i32
    %sign3A_333 = arith.cmpi sgt, %jit3A_323, %sign3A_332 : i32
    %sign3A_334 = arith.extui %sign3A_333 : i1 to i32
    %sign3A_335 = arith.constant 0 : i32
    %sign3A_336 = arith.cmpi slt, %jit3A_323, %sign3A_335 : i32
    %sign3A_337 = arith.extui %sign3A_336 : i1 to i32
    %sign3A_338 = arith.subi %sign3A_334, %sign3A_337 : i32
    %ne3A_339 = arith.cmpi ne, %sign3A_331, %sign3A_338 : i32
    %rem3A_340 = arith.remsi %add3A_322, %jit3A_323 : i32
    %ne3A_341 = arith.constant 0 : i32
    %ne3A_342 = arith.cmpi ne, %rem3A_340, %ne3A_341 : i32
    %and3A_343 = arith.andi %ne3A_339, %ne3A_342 : i1
    %sub3A_344 = arith.constant 1 : i32
    %sub3A_345 = arith.subi %div3A_324, %sub3A_344 : i32
    %select_n3A_346 = arith.select %and3A_343, %sub3A_345, %div3A_324 : i32
    %jit3A_347 = arith.constant 16 : i32
    %eq3A_348 = arith.constant 0 : i32
    %eq3A_349 = arith.cmpi eq, %jit3A_347, %eq3A_348 : i32
    %jit3A_350 = arith.constant 1 : i32
    %select_n3A_351 = arith.select %eq3A_349, %jit3A_350, %jit3A_347 : i32
    %rem3A_352 = arith.remsi %add3A_322, %select_n3A_351 : i32
    %ne3A_353 = arith.constant 0 : i32
    %ne3A_354 = arith.cmpi ne, %rem3A_352, %ne3A_353 : i32
    %lt3A_355 = arith.constant 0 : i32
    %lt3A_356 = arith.cmpi slt, %rem3A_352, %lt3A_355 : i32
    %lt3A_357 = arith.constant 0 : i32
    %lt3A_358 = arith.cmpi slt, %select_n3A_351, %lt3A_357 : i32
    %ne3A_359 = arith.xori %lt3A_356, %lt3A_358 : i1
    %and3A_360 = arith.andi %ne3A_359, %ne3A_354 : i1
    %add3A_361 = arith.addi %rem3A_352, %select_n3A_351 : i32
    %select_n3A_362 = arith.select %and3A_360, %add3A_361, %rem3A_352 : i32
    %mul3A_363 = arith.constant 256 : i32
    %mul3A_364 = arith.muli %select_n3A_362, %mul3A_363 : i32
    %dma_start3A_365 = arith.constant 0 : i32
    %dma_start3A_366 = tpu.memref_slice %arg4[%select_n3A_346, %mul3A_364, %dma_start3A_365] : memref<50x4096x128xf32, #tpu.memory_space<hbm>> -> memref<1x256x128xf32, #tpu.memory_space<hbm>>
    %dma_start3A_367 = tpu.memref_squeeze %dma_start3A_366 : memref<1x256x128xf32, #tpu.memory_space<hbm>> -> memref<256x128xf32, #tpu.memory_space<hbm>>
    %dma_start3A_368 = arith.constant 0 : i32
    %dma_start3A_369 = tpu.memref_slice %arg4[%select_n3A_346, %mul3A_364, %dma_start3A_368] : memref<50x4096x128xf32, #tpu.memory_space<hbm>> -> memref<1x256x128xf32, #tpu.memory_space<hbm>>
    %dma_start3A_370 = tpu.memref_squeeze %dma_start3A_369 : memref<1x256x128xf32, #tpu.memory_space<hbm>> -> memref<256x128xf32, #tpu.memory_space<hbm>>
    tpu.enqueue_dma source(%arg6 : memref<256x128xf32, #tpu.memory_space<vmem>>) target(%dma_start3A_370 : memref<256x128xf32, #tpu.memory_space<hbm>>) target_semaphore(%arg15 : memref<!tpu.dma_semaphore, #tpu.memory_space<semaphore_mem>>)
    %dma_wait3A_371 = arith.constant 0 : i32
    %dma_wait3A_372 = tpu.memref_slice %arg4[%select_n3A_346, %mul3A_364, %dma_wait3A_371] : memref<50x4096x128xf32, #tpu.memory_space<hbm>> -> memref<1x256x128xf32, #tpu.memory_space<hbm>>
    %dma_wait3A_373 = tpu.memref_squeeze %dma_wait3A_372 : memref<1x256x128xf32, #tpu.memory_space<hbm>> -> memref<256x128xf32, #tpu.memory_space<hbm>>
    %dma_wait3A_374 = arith.constant 0 : i32
    %dma_wait3A_375 = tpu.memref_slice %arg4[%select_n3A_346, %mul3A_364, %dma_wait3A_374] : memref<50x4096x128xf32, #tpu.memory_space<hbm>> -> memref<1x256x128xf32, #tpu.memory_space<hbm>>
    %dma_wait3A_376 = tpu.memref_squeeze %dma_wait3A_375 : memref<1x256x128xf32, #tpu.memory_space<hbm>> -> memref<256x128xf32, #tpu.memory_space<hbm>>
    tpu.wait_dma2 semaphore(%arg15 : memref<!tpu.dma_semaphore, #tpu.memory_space<semaphore_mem>>) src(%arg6 : memref<256x128xf32, #tpu.memory_space<vmem>>) dst(%dma_wait3A_376 : memref<256x128xf32, #tpu.memory_space<hbm>>)
    %dma_wait3A_377 = tpu.memref_slice %arg3[%select_n3A_298, %mul3A_316] : memref<50x4096xi32, #tpu.memory_space<hbm>> -> memref<1x256xi32, #tpu.memory_space<hbm>>
    %dma_wait3A_378 = tpu.memref_squeeze %dma_wait3A_377 : memref<1x256xi32, #tpu.memory_space<hbm>> -> memref<256xi32, #tpu.memory_space<hbm>>
    %dma_wait3A_379 = tpu.memref_slice %arg3[%select_n3A_298, %mul3A_316] : memref<50x4096xi32, #tpu.memory_space<hbm>> -> memref<1x256xi32, #tpu.memory_space<hbm>>
    %dma_wait3A_380 = tpu.memref_squeeze %dma_wait3A_379 : memref<1x256xi32, #tpu.memory_space<hbm>> -> memref<256xi32, #tpu.memory_space<hbm>>
    tpu.wait_dma2 semaphore(%arg18 : memref<!tpu.dma_semaphore, #tpu.memory_space<semaphore_mem>>) src(%dma_wait3A_380 : memref<256xi32, #tpu.memory_space<hbm>>) dst(%arg9 : memref<256xi32, #tpu.memory_space<vmem>>)
    %dma_start3A_381 = arith.constant 0 : i32
    %dma_start3A_382 = arith.constant 0 : i32
    %dma_start3A_383 = tpu.memref_slice %arg2[%dma_start3A_381, %dma_start3A_382] : memref<100000x128xf32, #tpu.memory_space<hbm>> -> memref<100000x128xf32, #tpu.memory_space<hbm>>
    tpu.enqueue_indirect_dma source(%dma_start3A_383 : memref<100000x128xf32, #tpu.memory_space<hbm>>) target(%arg6 : memref<256x128xf32, #tpu.memory_space<vmem>>) offsets(%arg9 : memref<256xi32, #tpu.memory_space<vmem>>) semaphore(%arg12 : memref<!tpu.dma_semaphore, #tpu.memory_space<semaphore_mem>>)
    %dma_wait3A_384 = arith.constant 0 : i32
    %dma_wait3A_385 = arith.constant 0 : i32
    %dma_wait3A_386 = tpu.memref_slice %arg2[%dma_wait3A_384, %dma_wait3A_385] : memref<100000x128xf32, #tpu.memory_space<hbm>> -> memref<100000x128xf32, #tpu.memory_space<hbm>>
    tpu.wait_indirect_dma semaphore(%arg13 : memref<!tpu.dma_semaphore, #tpu.memory_space<semaphore_mem>>) src(%dma_wait3A_386 : memref<100000x128xf32, #tpu.memory_space<hbm>>) dst(%arg7 : memref<256x128xf32, #tpu.memory_space<vmem>>)
    %add3A_387 = arith.constant 5 : i32
    %add3A_388 = arith.addi %mul3A_2, %add3A_387 : i32
    %jit3A_389 = arith.constant 16 : i32
    %div3A_390 = arith.divsi %add3A_388, %jit3A_389 : i32
    %sign3A_391 = arith.constant 0 : i32
    %sign3A_392 = arith.cmpi sgt, %add3A_388, %sign3A_391 : i32
    %sign3A_393 = arith.extui %sign3A_392 : i1 to i32
    %sign3A_394 = arith.constant 0 : i32
    %sign3A_395 = arith.cmpi slt, %add3A_388, %sign3A_394 : i32
    %sign3A_396 = arith.extui %sign3A_395 : i1 to i32
    %sign3A_397 = arith.subi %sign3A_393, %sign3A_396 : i32
    %sign3A_398 = arith.constant 0 : i32
    %sign3A_399 = arith.cmpi sgt, %jit3A_389, %sign3A_398 : i32
    %sign3A_400 = arith.extui %sign3A_399 : i1 to i32
    %sign3A_401 = arith.constant 0 : i32
    %sign3A_402 = arith.cmpi slt, %jit3A_389, %sign3A_401 : i32
    %sign3A_403 = arith.extui %sign3A_402 : i1 to i32
    %sign3A_404 = arith.subi %sign3A_400, %sign3A_403 : i32
    %ne3A_405 = arith.cmpi ne, %sign3A_397, %sign3A_404 : i32
    %rem3A_406 = arith.remsi %add3A_388, %jit3A_389 : i32
    %ne3A_407 = arith.constant 0 : i32
    %ne3A_408 = arith.cmpi ne, %rem3A_406, %ne3A_407 : i32
    %and3A_409 = arith.andi %ne3A_405, %ne3A_408 : i1
    %sub3A_410 = arith.constant 1 : i32
    %sub3A_411 = arith.subi %div3A_390, %sub3A_410 : i32
    %select_n3A_412 = arith.select %and3A_409, %sub3A_411, %div3A_390 : i32
    %jit3A_413 = arith.constant 16 : i32
    %eq3A_414 = arith.constant 0 : i32
    %eq3A_415 = arith.cmpi eq, %jit3A_413, %eq3A_414 : i32
    %jit3A_416 = arith.constant 1 : i32
    %select_n3A_417 = arith.select %eq3A_415, %jit3A_416, %jit3A_413 : i32
    %rem3A_418 = arith.remsi %add3A_388, %select_n3A_417 : i32
    %ne3A_419 = arith.constant 0 : i32
    %ne3A_420 = arith.cmpi ne, %rem3A_418, %ne3A_419 : i32
    %lt3A_421 = arith.constant 0 : i32
    %lt3A_422 = arith.cmpi slt, %rem3A_418, %lt3A_421 : i32
    %lt3A_423 = arith.constant 0 : i32
    %lt3A_424 = arith.cmpi slt, %select_n3A_417, %lt3A_423 : i32
    %ne3A_425 = arith.xori %lt3A_422, %lt3A_424 : i1
    %and3A_426 = arith.andi %ne3A_425, %ne3A_420 : i1
    %add3A_427 = arith.addi %rem3A_418, %select_n3A_417 : i32
    %select_n3A_428 = arith.select %and3A_426, %add3A_427, %rem3A_418 : i32
    %mul3A_429 = arith.constant 256 : i32
    %mul3A_430 = arith.muli %select_n3A_428, %mul3A_429 : i32
    %dma_start3A_431 = tpu.memref_slice %arg3[%select_n3A_412, %mul3A_430] : memref<50x4096xi32, #tpu.memory_space<hbm>> -> memref<1x256xi32, #tpu.memory_space<hbm>>
    %dma_start3A_432 = tpu.memref_squeeze %dma_start3A_431 : memref<1x256xi32, #tpu.memory_space<hbm>> -> memref<256xi32, #tpu.memory_space<hbm>>
    %dma_start3A_433 = tpu.memref_slice %arg3[%select_n3A_412, %mul3A_430] : memref<50x4096xi32, #tpu.memory_space<hbm>> -> memref<1x256xi32, #tpu.memory_space<hbm>>
    %dma_start3A_434 = tpu.memref_squeeze %dma_start3A_433 : memref<1x256xi32, #tpu.memory_space<hbm>> -> memref<256xi32, #tpu.memory_space<hbm>>
    tpu.enqueue_dma source(%dma_start3A_434 : memref<256xi32, #tpu.memory_space<hbm>>) target(%arg10 : memref<256xi32, #tpu.memory_space<vmem>>) target_semaphore(%arg19 : memref<!tpu.dma_semaphore, #tpu.memory_space<semaphore_mem>>)
    %add3A_435 = arith.constant 2 : i32
    %add3A_436 = arith.addi %mul3A_2, %add3A_435 : i32
    %jit3A_437 = arith.constant 16 : i32
    %div3A_438 = arith.divsi %add3A_436, %jit3A_437 : i32
    %sign3A_439 = arith.constant 0 : i32
    %sign3A_440 = arith.cmpi sgt, %add3A_436, %sign3A_439 : i32
    %sign3A_441 = arith.extui %sign3A_440 : i1 to i32
    %sign3A_442 = arith.constant 0 : i32
    %sign3A_443 = arith.cmpi slt, %add3A_436, %sign3A_442 : i32
    %sign3A_444 = arith.extui %sign3A_443 : i1 to i32
    %sign3A_445 = arith.subi %sign3A_441, %sign3A_444 : i32
    %sign3A_446 = arith.constant 0 : i32
    %sign3A_447 = arith.cmpi sgt, %jit3A_437, %sign3A_446 : i32
    %sign3A_448 = arith.extui %sign3A_447 : i1 to i32
    %sign3A_449 = arith.constant 0 : i32
    %sign3A_450 = arith.cmpi slt, %jit3A_437, %sign3A_449 : i32
    %sign3A_451 = arith.extui %sign3A_450 : i1 to i32
    %sign3A_452 = arith.subi %sign3A_448, %sign3A_451 : i32
    %ne3A_453 = arith.cmpi ne, %sign3A_445, %sign3A_452 : i32
    %rem3A_454 = arith.remsi %add3A_436, %jit3A_437 : i32
    %ne3A_455 = arith.constant 0 : i32
    %ne3A_456 = arith.cmpi ne, %rem3A_454, %ne3A_455 : i32
    %and3A_457 = arith.andi %ne3A_453, %ne3A_456 : i1
    %sub3A_458 = arith.constant 1 : i32
    %sub3A_459 = arith.subi %div3A_438, %sub3A_458 : i32
    %select_n3A_460 = arith.select %and3A_457, %sub3A_459, %div3A_438 : i32
    %jit3A_461 = arith.constant 16 : i32
    %eq3A_462 = arith.constant 0 : i32
    %eq3A_463 = arith.cmpi eq, %jit3A_461, %eq3A_462 : i32
    %jit3A_464 = arith.constant 1 : i32
    %select_n3A_465 = arith.select %eq3A_463, %jit3A_464, %jit3A_461 : i32
    %rem3A_466 = arith.remsi %add3A_436, %select_n3A_465 : i32
    %ne3A_467 = arith.constant 0 : i32
    %ne3A_468 = arith.cmpi ne, %rem3A_466, %ne3A_467 : i32
    %lt3A_469 = arith.constant 0 : i32
    %lt3A_470 = arith.cmpi slt, %rem3A_466, %lt3A_469 : i32
    %lt3A_471 = arith.constant 0 : i32
    %lt3A_472 = arith.cmpi slt, %select_n3A_465, %lt3A_471 : i32
    %ne3A_473 = arith.xori %lt3A_470, %lt3A_472 : i1
    %and3A_474 = arith.andi %ne3A_473, %ne3A_468 : i1
    %add3A_475 = arith.addi %rem3A_466, %select_n3A_465 : i32
    %select_n3A_476 = arith.select %and3A_474, %add3A_475, %rem3A_466 : i32
    %mul3A_477 = arith.constant 256 : i32
    %mul3A_478 = arith.muli %select_n3A_476, %mul3A_477 : i32
    %dma_start3A_479 = arith.constant 0 : i32
    %dma_start3A_480 = tpu.memref_slice %arg4[%select_n3A_460, %mul3A_478, %dma_start3A_479] : memref<50x4096x128xf32, #tpu.memory_space<hbm>> -> memref<1x256x128xf32, #tpu.memory_space<hbm>>
    %dma_start3A_481 = tpu.memref_squeeze %dma_start3A_480 : memref<1x256x128xf32, #tpu.memory_space<hbm>> -> memref<256x128xf32, #tpu.memory_space<hbm>>
    %dma_start3A_482 = arith.constant 0 : i32
    %dma_start3A_483 = tpu.memref_slice %arg4[%select_n3A_460, %mul3A_478, %dma_start3A_482] : memref<50x4096x128xf32, #tpu.memory_space<hbm>> -> memref<1x256x128xf32, #tpu.memory_space<hbm>>
    %dma_start3A_484 = tpu.memref_squeeze %dma_start3A_483 : memref<1x256x128xf32, #tpu.memory_space<hbm>> -> memref<256x128xf32, #tpu.memory_space<hbm>>
    tpu.enqueue_dma source(%arg7 : memref<256x128xf32, #tpu.memory_space<vmem>>) target(%dma_start3A_484 : memref<256x128xf32, #tpu.memory_space<hbm>>) target_semaphore(%arg16 : memref<!tpu.dma_semaphore, #tpu.memory_space<semaphore_mem>>)
    %dma_wait3A_485 = arith.constant 0 : i32
    %dma_wait3A_486 = tpu.memref_slice %arg4[%select_n3A_460, %mul3A_478, %dma_wait3A_485] : memref<50x4096x128xf32, #tpu.memory_space<hbm>> -> memref<1x256x128xf32, #tpu.memory_space<hbm>>
    %dma_wait3A_487 = tpu.memref_squeeze %dma_wait3A_486 : memref<1x256x128xf32, #tpu.memory_space<hbm>> -> memref<256x128xf32, #tpu.memory_space<hbm>>
    %dma_wait3A_488 = arith.constant 0 : i32
    %dma_wait3A_489 = tpu.memref_slice %arg4[%select_n3A_460, %mul3A_478, %dma_wait3A_488] : memref<50x4096x128xf32, #tpu.memory_space<hbm>> -> memref<1x256x128xf32, #tpu.memory_space<hbm>>
    %dma_wait3A_490 = tpu.memref_squeeze %dma_wait3A_489 : memref<1x256x128xf32, #tpu.memory_space<hbm>> -> memref<256x128xf32, #tpu.memory_space<hbm>>
    tpu.wait_dma2 semaphore(%arg16 : memref<!tpu.dma_semaphore, #tpu.memory_space<semaphore_mem>>) src(%arg7 : memref<256x128xf32, #tpu.memory_space<vmem>>) dst(%dma_wait3A_490 : memref<256x128xf32, #tpu.memory_space<hbm>>)
    %dma_wait3A_491 = tpu.memref_slice %arg3[%select_n3A_412, %mul3A_430] : memref<50x4096xi32, #tpu.memory_space<hbm>> -> memref<1x256xi32, #tpu.memory_space<hbm>>
    %dma_wait3A_492 = tpu.memref_squeeze %dma_wait3A_491 : memref<1x256xi32, #tpu.memory_space<hbm>> -> memref<256xi32, #tpu.memory_space<hbm>>
    %dma_wait3A_493 = tpu.memref_slice %arg3[%select_n3A_412, %mul3A_430] : memref<50x4096xi32, #tpu.memory_space<hbm>> -> memref<1x256xi32, #tpu.memory_space<hbm>>
    %dma_wait3A_494 = tpu.memref_squeeze %dma_wait3A_493 : memref<1x256xi32, #tpu.memory_space<hbm>> -> memref<256xi32, #tpu.memory_space<hbm>>
    tpu.wait_dma2 semaphore(%arg19 : memref<!tpu.dma_semaphore, #tpu.memory_space<semaphore_mem>>) src(%dma_wait3A_494 : memref<256xi32, #tpu.memory_space<hbm>>) dst(%arg10 : memref<256xi32, #tpu.memory_space<vmem>>)
    %dma_start3A_495 = arith.constant 0 : i32
    %dma_start3A_496 = arith.constant 0 : i32
    %dma_start3A_497 = tpu.memref_slice %arg2[%dma_start3A_495, %dma_start3A_496] : memref<100000x128xf32, #tpu.memory_space<hbm>> -> memref<100000x128xf32, #tpu.memory_space<hbm>>
    tpu.enqueue_indirect_dma source(%dma_start3A_497 : memref<100000x128xf32, #tpu.memory_space<hbm>>) target(%arg7 : memref<256x128xf32, #tpu.memory_space<vmem>>) offsets(%arg10 : memref<256xi32, #tpu.memory_space<vmem>>) semaphore(%arg13 : memref<!tpu.dma_semaphore, #tpu.memory_space<semaphore_mem>>)
    %dma_wait3A_498 = arith.constant 0 : i32
    %dma_wait3A_499 = arith.constant 0 : i32
    %dma_wait3A_500 = tpu.memref_slice %arg2[%dma_wait3A_498, %dma_wait3A_499] : memref<100000x128xf32, #tpu.memory_space<hbm>> -> memref<100000x128xf32, #tpu.memory_space<hbm>>
    tpu.wait_indirect_dma semaphore(%arg11 : memref<!tpu.dma_semaphore, #tpu.memory_space<semaphore_mem>>) src(%dma_wait3A_500 : memref<100000x128xf32, #tpu.memory_space<hbm>>) dst(%arg5 : memref<256x128xf32, #tpu.memory_space<vmem>>)
    %add3A_501 = arith.constant 6 : i32
    %add3A_502 = arith.addi %mul3A_2, %add3A_501 : i32
    %jit3A_503 = arith.constant 16 : i32
    %div3A_504 = arith.divsi %add3A_502, %jit3A_503 : i32
    %sign3A_505 = arith.constant 0 : i32
    %sign3A_506 = arith.cmpi sgt, %add3A_502, %sign3A_505 : i32
    %sign3A_507 = arith.extui %sign3A_506 : i1 to i32
    %sign3A_508 = arith.constant 0 : i32
    %sign3A_509 = arith.cmpi slt, %add3A_502, %sign3A_508 : i32
    %sign3A_510 = arith.extui %sign3A_509 : i1 to i32
    %sign3A_511 = arith.subi %sign3A_507, %sign3A_510 : i32
    %sign3A_512 = arith.constant 0 : i32
    %sign3A_513 = arith.cmpi sgt, %jit3A_503, %sign3A_512 : i32
    %sign3A_514 = arith.extui %sign3A_513 : i1 to i32
    %sign3A_515 = arith.constant 0 : i32
    %sign3A_516 = arith.cmpi slt, %jit3A_503, %sign3A_515 : i32
    %sign3A_517 = arith.extui %sign3A_516 : i1 to i32
    %sign3A_518 = arith.subi %sign3A_514, %sign3A_517 : i32
    %ne3A_519 = arith.cmpi ne, %sign3A_511, %sign3A_518 : i32
    %rem3A_520 = arith.remsi %add3A_502, %jit3A_503 : i32
    %ne3A_521 = arith.constant 0 : i32
    %ne3A_522 = arith.cmpi ne, %rem3A_520, %ne3A_521 : i32
    %and3A_523 = arith.andi %ne3A_519, %ne3A_522 : i1
    %sub3A_524 = arith.constant 1 : i32
    %sub3A_525 = arith.subi %div3A_504, %sub3A_524 : i32
    %select_n3A_526 = arith.select %and3A_523, %sub3A_525, %div3A_504 : i32
    %jit3A_527 = arith.constant 16 : i32
    %eq3A_528 = arith.constant 0 : i32
    %eq3A_529 = arith.cmpi eq, %jit3A_527, %eq3A_528 : i32
    %jit3A_530 = arith.constant 1 : i32
    %select_n3A_531 = arith.select %eq3A_529, %jit3A_530, %jit3A_527 : i32
    %rem3A_532 = arith.remsi %add3A_502, %select_n3A_531 : i32
    %ne3A_533 = arith.constant 0 : i32
    %ne3A_534 = arith.cmpi ne, %rem3A_532, %ne3A_533 : i32
    %lt3A_535 = arith.constant 0 : i32
    %lt3A_536 = arith.cmpi slt, %rem3A_532, %lt3A_535 : i32
    %lt3A_537 = arith.constant 0 : i32
    %lt3A_538 = arith.cmpi slt, %select_n3A_531, %lt3A_537 : i32
    %ne3A_539 = arith.xori %lt3A_536, %lt3A_538 : i1
    %and3A_540 = arith.andi %ne3A_539, %ne3A_534 : i1
    %add3A_541 = arith.addi %rem3A_532, %select_n3A_531 : i32
    %select_n3A_542 = arith.select %and3A_540, %add3A_541, %rem3A_532 : i32
    %mul3A_543 = arith.constant 256 : i32
    %mul3A_544 = arith.muli %select_n3A_542, %mul3A_543 : i32
    %dma_start3A_545 = tpu.memref_slice %arg3[%select_n3A_526, %mul3A_544] : memref<50x4096xi32, #tpu.memory_space<hbm>> -> memref<1x256xi32, #tpu.memory_space<hbm>>
    %dma_start3A_546 = tpu.memref_squeeze %dma_start3A_545 : memref<1x256xi32, #tpu.memory_space<hbm>> -> memref<256xi32, #tpu.memory_space<hbm>>
    %dma_start3A_547 = tpu.memref_slice %arg3[%select_n3A_526, %mul3A_544] : memref<50x4096xi32, #tpu.memory_space<hbm>> -> memref<1x256xi32, #tpu.memory_space<hbm>>
    %dma_start3A_548 = tpu.memref_squeeze %dma_start3A_547 : memref<1x256xi32, #tpu.memory_space<hbm>> -> memref<256xi32, #tpu.memory_space<hbm>>
    tpu.enqueue_dma source(%dma_start3A_548 : memref<256xi32, #tpu.memory_space<hbm>>) target(%arg8 : memref<256xi32, #tpu.memory_space<vmem>>) target_semaphore(%arg17 : memref<!tpu.dma_semaphore, #tpu.memory_space<semaphore_mem>>)
    %add3A_549 = arith.constant 3 : i32
    %add3A_550 = arith.addi %mul3A_2, %add3A_549 : i32
    %jit3A_551 = arith.constant 16 : i32
    %div3A_552 = arith.divsi %add3A_550, %jit3A_551 : i32
    %sign3A_553 = arith.constant 0 : i32
    %sign3A_554 = arith.cmpi sgt, %add3A_550, %sign3A_553 : i32
    %sign3A_555 = arith.extui %sign3A_554 : i1 to i32
    %sign3A_556 = arith.constant 0 : i32
    %sign3A_557 = arith.cmpi slt, %add3A_550, %sign3A_556 : i32
    %sign3A_558 = arith.extui %sign3A_557 : i1 to i32
    %sign3A_559 = arith.subi %sign3A_555, %sign3A_558 : i32
    %sign3A_560 = arith.constant 0 : i32
    %sign3A_561 = arith.cmpi sgt, %jit3A_551, %sign3A_560 : i32
    %sign3A_562 = arith.extui %sign3A_561 : i1 to i32
    %sign3A_563 = arith.constant 0 : i32
    %sign3A_564 = arith.cmpi slt, %jit3A_551, %sign3A_563 : i32
    %sign3A_565 = arith.extui %sign3A_564 : i1 to i32
    %sign3A_566 = arith.subi %sign3A_562, %sign3A_565 : i32
    %ne3A_567 = arith.cmpi ne, %sign3A_559, %sign3A_566 : i32
    %rem3A_568 = arith.remsi %add3A_550, %jit3A_551 : i32
    %ne3A_569 = arith.constant 0 : i32
    %ne3A_570 = arith.cmpi ne, %rem3A_568, %ne3A_569 : i32
    %and3A_571 = arith.andi %ne3A_567, %ne3A_570 : i1
    %sub3A_572 = arith.constant 1 : i32
    %sub3A_573 = arith.subi %div3A_552, %sub3A_572 : i32
    %select_n3A_574 = arith.select %and3A_571, %sub3A_573, %div3A_552 : i32
    %jit3A_575 = arith.constant 16 : i32
    %eq3A_576 = arith.constant 0 : i32
    %eq3A_577 = arith.cmpi eq, %jit3A_575, %eq3A_576 : i32
    %jit3A_578 = arith.constant 1 : i32
    %select_n3A_579 = arith.select %eq3A_577, %jit3A_578, %jit3A_575 : i32
    %rem3A_580 = arith.remsi %add3A_550, %select_n3A_579 : i32
    %ne3A_581 = arith.constant 0 : i32
    %ne3A_582 = arith.cmpi ne, %rem3A_580, %ne3A_581 : i32
    %lt3A_583 = arith.constant 0 : i32
    %lt3A_584 = arith.cmpi slt, %rem3A_580, %lt3A_583 : i32
    %lt3A_585 = arith.constant 0 : i32
    %lt3A_586 = arith.cmpi slt, %select_n3A_579, %lt3A_585 : i32
    %ne3A_587 = arith.xori %lt3A_584, %lt3A_586 : i1
    %and3A_588 = arith.andi %ne3A_587, %ne3A_582 : i1
    %add3A_589 = arith.addi %rem3A_580, %select_n3A_579 : i32
    %select_n3A_590 = arith.select %and3A_588, %add3A_589, %rem3A_580 : i32
    %mul3A_591 = arith.constant 256 : i32
    %mul3A_592 = arith.muli %select_n3A_590, %mul3A_591 : i32
    %dma_start3A_593 = arith.constant 0 : i32
    %dma_start3A_594 = tpu.memref_slice %arg4[%select_n3A_574, %mul3A_592, %dma_start3A_593] : memref<50x4096x128xf32, #tpu.memory_space<hbm>> -> memref<1x256x128xf32, #tpu.memory_space<hbm>>
    %dma_start3A_595 = tpu.memref_squeeze %dma_start3A_594 : memref<1x256x128xf32, #tpu.memory_space<hbm>> -> memref<256x128xf32, #tpu.memory_space<hbm>>
    %dma_start3A_596 = arith.constant 0 : i32
    %dma_start3A_597 = tpu.memref_slice %arg4[%select_n3A_574, %mul3A_592, %dma_start3A_596] : memref<50x4096x128xf32, #tpu.memory_space<hbm>> -> memref<1x256x128xf32, #tpu.memory_space<hbm>>
    %dma_start3A_598 = tpu.memref_squeeze %dma_start3A_597 : memref<1x256x128xf32, #tpu.memory_space<hbm>> -> memref<256x128xf32, #tpu.memory_space<hbm>>
    tpu.enqueue_dma source(%arg5 : memref<256x128xf32, #tpu.memory_space<vmem>>) target(%dma_start3A_598 : memref<256x128xf32, #tpu.memory_space<hbm>>) target_semaphore(%arg14 : memref<!tpu.dma_semaphore, #tpu.memory_space<semaphore_mem>>)
    %dma_wait3A_599 = arith.constant 0 : i32
    %dma_wait3A_600 = tpu.memref_slice %arg4[%select_n3A_574, %mul3A_592, %dma_wait3A_599] : memref<50x4096x128xf32, #tpu.memory_space<hbm>> -> memref<1x256x128xf32, #tpu.memory_space<hbm>>
    %dma_wait3A_601 = tpu.memref_squeeze %dma_wait3A_600 : memref<1x256x128xf32, #tpu.memory_space<hbm>> -> memref<256x128xf32, #tpu.memory_space<hbm>>
    %dma_wait3A_602 = arith.constant 0 : i32
    %dma_wait3A_603 = tpu.memref_slice %arg4[%select_n3A_574, %mul3A_592, %dma_wait3A_602] : memref<50x4096x128xf32, #tpu.memory_space<hbm>> -> memref<1x256x128xf32, #tpu.memory_space<hbm>>
    %dma_wait3A_604 = tpu.memref_squeeze %dma_wait3A_603 : memref<1x256x128xf32, #tpu.memory_space<hbm>> -> memref<256x128xf32, #tpu.memory_space<hbm>>
    tpu.wait_dma2 semaphore(%arg14 : memref<!tpu.dma_semaphore, #tpu.memory_space<semaphore_mem>>) src(%arg5 : memref<256x128xf32, #tpu.memory_space<vmem>>) dst(%dma_wait3A_604 : memref<256x128xf32, #tpu.memory_space<hbm>>)
    %dma_wait3A_605 = tpu.memref_slice %arg3[%select_n3A_526, %mul3A_544] : memref<50x4096xi32, #tpu.memory_space<hbm>> -> memref<1x256xi32, #tpu.memory_space<hbm>>
    %dma_wait3A_606 = tpu.memref_squeeze %dma_wait3A_605 : memref<1x256xi32, #tpu.memory_space<hbm>> -> memref<256xi32, #tpu.memory_space<hbm>>
    %dma_wait3A_607 = tpu.memref_slice %arg3[%select_n3A_526, %mul3A_544] : memref<50x4096xi32, #tpu.memory_space<hbm>> -> memref<1x256xi32, #tpu.memory_space<hbm>>
    %dma_wait3A_608 = tpu.memref_squeeze %dma_wait3A_607 : memref<1x256xi32, #tpu.memory_space<hbm>> -> memref<256xi32, #tpu.memory_space<hbm>>
    tpu.wait_dma2 semaphore(%arg17 : memref<!tpu.dma_semaphore, #tpu.memory_space<semaphore_mem>>) src(%dma_wait3A_608 : memref<256xi32, #tpu.memory_space<hbm>>) dst(%arg8 : memref<256xi32, #tpu.memory_space<vmem>>)
    %dma_start3A_609 = arith.constant 0 : i32
    %dma_start3A_610 = arith.constant 0 : i32
    %dma_start3A_611 = tpu.memref_slice %arg2[%dma_start3A_609, %dma_start3A_610] : memref<100000x128xf32, #tpu.memory_space<hbm>> -> memref<100000x128xf32, #tpu.memory_space<hbm>>
    tpu.enqueue_indirect_dma source(%dma_start3A_611 : memref<100000x128xf32, #tpu.memory_space<hbm>>) target(%arg5 : memref<256x128xf32, #tpu.memory_space<vmem>>) offsets(%arg8 : memref<256xi32, #tpu.memory_space<vmem>>) semaphore(%arg11 : memref<!tpu.dma_semaphore, #tpu.memory_space<semaphore_mem>>)
    %dma_wait3A_612 = arith.constant 0 : i32
    %dma_wait3A_613 = arith.constant 0 : i32
    %dma_wait3A_614 = tpu.memref_slice %arg2[%dma_wait3A_612, %dma_wait3A_613] : memref<100000x128xf32, #tpu.memory_space<hbm>> -> memref<100000x128xf32, #tpu.memory_space<hbm>>
    tpu.wait_indirect_dma semaphore(%arg12 : memref<!tpu.dma_semaphore, #tpu.memory_space<semaphore_mem>>) src(%dma_wait3A_614 : memref<100000x128xf32, #tpu.memory_space<hbm>>) dst(%arg6 : memref<256x128xf32, #tpu.memory_space<vmem>>)
    %add3A_615 = arith.constant 7 : i32
    %add3A_616 = arith.addi %mul3A_2, %add3A_615 : i32
    %jit3A_617 = arith.constant 16 : i32
    %div3A_618 = arith.divsi %add3A_616, %jit3A_617 : i32
    %sign3A_619 = arith.constant 0 : i32
    %sign3A_620 = arith.cmpi sgt, %add3A_616, %sign3A_619 : i32
    %sign3A_621 = arith.extui %sign3A_620 : i1 to i32
    %sign3A_622 = arith.constant 0 : i32
    %sign3A_623 = arith.cmpi slt, %add3A_616, %sign3A_622 : i32
    %sign3A_624 = arith.extui %sign3A_623 : i1 to i32
    %sign3A_625 = arith.subi %sign3A_621, %sign3A_624 : i32
    %sign3A_626 = arith.constant 0 : i32
    %sign3A_627 = arith.cmpi sgt, %jit3A_617, %sign3A_626 : i32
    %sign3A_628 = arith.extui %sign3A_627 : i1 to i32
    %sign3A_629 = arith.constant 0 : i32
    %sign3A_630 = arith.cmpi slt, %jit3A_617, %sign3A_629 : i32
    %sign3A_631 = arith.extui %sign3A_630 : i1 to i32
    %sign3A_632 = arith.subi %sign3A_628, %sign3A_631 : i32
    %ne3A_633 = arith.cmpi ne, %sign3A_625, %sign3A_632 : i32
    %rem3A_634 = arith.remsi %add3A_616, %jit3A_617 : i32
    %ne3A_635 = arith.constant 0 : i32
    %ne3A_636 = arith.cmpi ne, %rem3A_634, %ne3A_635 : i32
    %and3A_637 = arith.andi %ne3A_633, %ne3A_636 : i1
    %sub3A_638 = arith.constant 1 : i32
    %sub3A_639 = arith.subi %div3A_618, %sub3A_638 : i32
    %select_n3A_640 = arith.select %and3A_637, %sub3A_639, %div3A_618 : i32
    %jit3A_641 = arith.constant 16 : i32
    %eq3A_642 = arith.constant 0 : i32
    %eq3A_643 = arith.cmpi eq, %jit3A_641, %eq3A_642 : i32
    %jit3A_644 = arith.constant 1 : i32
    %select_n3A_645 = arith.select %eq3A_643, %jit3A_644, %jit3A_641 : i32
    %rem3A_646 = arith.remsi %add3A_616, %select_n3A_645 : i32
    %ne3A_647 = arith.constant 0 : i32
    %ne3A_648 = arith.cmpi ne, %rem3A_646, %ne3A_647 : i32
    %lt3A_649 = arith.constant 0 : i32
    %lt3A_650 = arith.cmpi slt, %rem3A_646, %lt3A_649 : i32
    %lt3A_651 = arith.constant 0 : i32
    %lt3A_652 = arith.cmpi slt, %select_n3A_645, %lt3A_651 : i32
    %ne3A_653 = arith.xori %lt3A_650, %lt3A_652 : i1
    %and3A_654 = arith.andi %ne3A_653, %ne3A_648 : i1
    %add3A_655 = arith.addi %rem3A_646, %select_n3A_645 : i32
    %select_n3A_656 = arith.select %and3A_654, %add3A_655, %rem3A_646 : i32
    %mul3A_657 = arith.constant 256 : i32
    %mul3A_658 = arith.muli %select_n3A_656, %mul3A_657 : i32
    %dma_start3A_659 = tpu.memref_slice %arg3[%select_n3A_640, %mul3A_658] : memref<50x4096xi32, #tpu.memory_space<hbm>> -> memref<1x256xi32, #tpu.memory_space<hbm>>
    %dma_start3A_660 = tpu.memref_squeeze %dma_start3A_659 : memref<1x256xi32, #tpu.memory_space<hbm>> -> memref<256xi32, #tpu.memory_space<hbm>>
    %dma_start3A_661 = tpu.memref_slice %arg3[%select_n3A_640, %mul3A_658] : memref<50x4096xi32, #tpu.memory_space<hbm>> -> memref<1x256xi32, #tpu.memory_space<hbm>>
    %dma_start3A_662 = tpu.memref_squeeze %dma_start3A_661 : memref<1x256xi32, #tpu.memory_space<hbm>> -> memref<256xi32, #tpu.memory_space<hbm>>
    tpu.enqueue_dma source(%dma_start3A_662 : memref<256xi32, #tpu.memory_space<hbm>>) target(%arg9 : memref<256xi32, #tpu.memory_space<vmem>>) target_semaphore(%arg18 : memref<!tpu.dma_semaphore, #tpu.memory_space<semaphore_mem>>)
    %add3A_663 = arith.constant 4 : i32
    %add3A_664 = arith.addi %mul3A_2, %add3A_663 : i32
    %jit3A_665 = arith.constant 16 : i32
    %div3A_666 = arith.divsi %add3A_664, %jit3A_665 : i32
    %sign3A_667 = arith.constant 0 : i32
    %sign3A_668 = arith.cmpi sgt, %add3A_664, %sign3A_667 : i32
    %sign3A_669 = arith.extui %sign3A_668 : i1 to i32
    %sign3A_670 = arith.constant 0 : i32
    %sign3A_671 = arith.cmpi slt, %add3A_664, %sign3A_670 : i32
    %sign3A_672 = arith.extui %sign3A_671 : i1 to i32
    %sign3A_673 = arith.subi %sign3A_669, %sign3A_672 : i32
    %sign3A_674 = arith.constant 0 : i32
    %sign3A_675 = arith.cmpi sgt, %jit3A_665, %sign3A_674 : i32
    %sign3A_676 = arith.extui %sign3A_675 : i1 to i32
    %sign3A_677 = arith.constant 0 : i32
    %sign3A_678 = arith.cmpi slt, %jit3A_665, %sign3A_677 : i32
    %sign3A_679 = arith.extui %sign3A_678 : i1 to i32
    %sign3A_680 = arith.subi %sign3A_676, %sign3A_679 : i32
    %ne3A_681 = arith.cmpi ne, %sign3A_673, %sign3A_680 : i32
    %rem3A_682 = arith.remsi %add3A_664, %jit3A_665 : i32
    %ne3A_683 = arith.constant 0 : i32
    %ne3A_684 = arith.cmpi ne, %rem3A_682, %ne3A_683 : i32
    %and3A_685 = arith.andi %ne3A_681, %ne3A_684 : i1
    %sub3A_686 = arith.constant 1 : i32
    %sub3A_687 = arith.subi %div3A_666, %sub3A_686 : i32
    %select_n3A_688 = arith.select %and3A_685, %sub3A_687, %div3A_666 : i32
    %jit3A_689 = arith.constant 16 : i32
    %eq3A_690 = arith.constant 0 : i32
    %eq3A_691 = arith.cmpi eq, %jit3A_689, %eq3A_690 : i32
    %jit3A_692 = arith.constant 1 : i32
    %select_n3A_693 = arith.select %eq3A_691, %jit3A_692, %jit3A_689 : i32
    %rem3A_694 = arith.remsi %add3A_664, %select_n3A_693 : i32
    %ne3A_695 = arith.constant 0 : i32
    %ne3A_696 = arith.cmpi ne, %rem3A_694, %ne3A_695 : i32
    %lt3A_697 = arith.constant 0 : i32
    %lt3A_698 = arith.cmpi slt, %rem3A_694, %lt3A_697 : i32
    %lt3A_699 = arith.constant 0 : i32
    %lt3A_700 = arith.cmpi slt, %select_n3A_693, %lt3A_699 : i32
    %ne3A_701 = arith.xori %lt3A_698, %lt3A_700 : i1
    %and3A_702 = arith.andi %ne3A_701, %ne3A_696 : i1
    %add3A_703 = arith.addi %rem3A_694, %select_n3A_693 : i32
    %select_n3A_704 = arith.select %and3A_702, %add3A_703, %rem3A_694 : i32
    %mul3A_705 = arith.constant 256 : i32
    %mul3A_706 = arith.muli %select_n3A_704, %mul3A_705 : i32
    %dma_start3A_707 = arith.constant 0 : i32
    %dma_start3A_708 = tpu.memref_slice %arg4[%select_n3A_688, %mul3A_706, %dma_start3A_707] : memref<50x4096x128xf32, #tpu.memory_space<hbm>> -> memref<1x256x128xf32, #tpu.memory_space<hbm>>
    %dma_start3A_709 = tpu.memref_squeeze %dma_start3A_708 : memref<1x256x128xf32, #tpu.memory_space<hbm>> -> memref<256x128xf32, #tpu.memory_space<hbm>>
    %dma_start3A_710 = arith.constant 0 : i32
    %dma_start3A_711 = tpu.memref_slice %arg4[%select_n3A_688, %mul3A_706, %dma_start3A_710] : memref<50x4096x128xf32, #tpu.memory_space<hbm>> -> memref<1x256x128xf32, #tpu.memory_space<hbm>>
    %dma_start3A_712 = tpu.memref_squeeze %dma_start3A_711 : memref<1x256x128xf32, #tpu.memory_space<hbm>> -> memref<256x128xf32, #tpu.memory_space<hbm>>
    tpu.enqueue_dma source(%arg6 : memref<256x128xf32, #tpu.memory_space<vmem>>) target(%dma_start3A_712 : memref<256x128xf32, #tpu.memory_space<hbm>>) target_semaphore(%arg15 : memref<!tpu.dma_semaphore, #tpu.memory_space<semaphore_mem>>)
    %dma_wait3A_713 = arith.constant 0 : i32
    %dma_wait3A_714 = tpu.memref_slice %arg4[%select_n3A_688, %mul3A_706, %dma_wait3A_713] : memref<50x4096x128xf32, #tpu.memory_space<hbm>> -> memref<1x256x128xf32, #tpu.memory_space<hbm>>
    %dma_wait3A_715 = tpu.memref_squeeze %dma_wait3A_714 : memref<1x256x128xf32, #tpu.memory_space<hbm>> -> memref<256x128xf32, #tpu.memory_space<hbm>>
    %dma_wait3A_716 = arith.constant 0 : i32
    %dma_wait3A_717 = tpu.memref_slice %arg4[%select_n3A_688, %mul3A_706, %dma_wait3A_716] : memref<50x4096x128xf32, #tpu.memory_space<hbm>> -> memref<1x256x128xf32, #tpu.memory_space<hbm>>
    %dma_wait3A_718 = tpu.memref_squeeze %dma_wait3A_717 : memref<1x256x128xf32, #tpu.memory_space<hbm>> -> memref<256x128xf32, #tpu.memory_space<hbm>>
    tpu.wait_dma2 semaphore(%arg15 : memref<!tpu.dma_semaphore, #tpu.memory_space<semaphore_mem>>) src(%arg6 : memref<256x128xf32, #tpu.memory_space<vmem>>) dst(%dma_wait3A_718 : memref<256x128xf32, #tpu.memory_space<hbm>>)
    %dma_wait3A_719 = tpu.memref_slice %arg3[%select_n3A_640, %mul3A_658] : memref<50x4096xi32, #tpu.memory_space<hbm>> -> memref<1x256xi32, #tpu.memory_space<hbm>>
    %dma_wait3A_720 = tpu.memref_squeeze %dma_wait3A_719 : memref<1x256xi32, #tpu.memory_space<hbm>> -> memref<256xi32, #tpu.memory_space<hbm>>
    %dma_wait3A_721 = tpu.memref_slice %arg3[%select_n3A_640, %mul3A_658] : memref<50x4096xi32, #tpu.memory_space<hbm>> -> memref<1x256xi32, #tpu.memory_space<hbm>>
    %dma_wait3A_722 = tpu.memref_squeeze %dma_wait3A_721 : memref<1x256xi32, #tpu.memory_space<hbm>> -> memref<256xi32, #tpu.memory_space<hbm>>
    tpu.wait_dma2 semaphore(%arg18 : memref<!tpu.dma_semaphore, #tpu.memory_space<semaphore_mem>>) src(%dma_wait3A_722 : memref<256xi32, #tpu.memory_space<hbm>>) dst(%arg9 : memref<256xi32, #tpu.memory_space<vmem>>)
    %dma_start3A_723 = arith.constant 0 : i32
    %dma_start3A_724 = arith.constant 0 : i32
    %dma_start3A_725 = tpu.memref_slice %arg2[%dma_start3A_723, %dma_start3A_724] : memref<100000x128xf32, #tpu.memory_space<hbm>> -> memref<100000x128xf32, #tpu.memory_space<hbm>>
    tpu.enqueue_indirect_dma source(%dma_start3A_725 : memref<100000x128xf32, #tpu.memory_space<hbm>>) target(%arg6 : memref<256x128xf32, #tpu.memory_space<vmem>>) offsets(%arg9 : memref<256xi32, #tpu.memory_space<vmem>>) semaphore(%arg12 : memref<!tpu.dma_semaphore, #tpu.memory_space<semaphore_mem>>)
    %dma_wait3A_726 = arith.constant 0 : i32
    %dma_wait3A_727 = arith.constant 0 : i32
    %dma_wait3A_728 = tpu.memref_slice %arg2[%dma_wait3A_726, %dma_wait3A_727] : memref<100000x128xf32, #tpu.memory_space<hbm>> -> memref<100000x128xf32, #tpu.memory_space<hbm>>
    tpu.wait_indirect_dma semaphore(%arg13 : memref<!tpu.dma_semaphore, #tpu.memory_space<semaphore_mem>>) src(%dma_wait3A_728 : memref<100000x128xf32, #tpu.memory_space<hbm>>) dst(%arg7 : memref<256x128xf32, #tpu.memory_space<vmem>>)
    %add3A_729 = arith.constant 8 : i32
    %add3A_730 = arith.addi %mul3A_2, %add3A_729 : i32
    %jit3A_731 = arith.constant 16 : i32
    %div3A_732 = arith.divsi %add3A_730, %jit3A_731 : i32
    %sign3A_733 = arith.constant 0 : i32
    %sign3A_734 = arith.cmpi sgt, %add3A_730, %sign3A_733 : i32
    %sign3A_735 = arith.extui %sign3A_734 : i1 to i32
    %sign3A_736 = arith.constant 0 : i32
    %sign3A_737 = arith.cmpi slt, %add3A_730, %sign3A_736 : i32
    %sign3A_738 = arith.extui %sign3A_737 : i1 to i32
    %sign3A_739 = arith.subi %sign3A_735, %sign3A_738 : i32
    %sign3A_740 = arith.constant 0 : i32
    %sign3A_741 = arith.cmpi sgt, %jit3A_731, %sign3A_740 : i32
    %sign3A_742 = arith.extui %sign3A_741 : i1 to i32
    %sign3A_743 = arith.constant 0 : i32
    %sign3A_744 = arith.cmpi slt, %jit3A_731, %sign3A_743 : i32
    %sign3A_745 = arith.extui %sign3A_744 : i1 to i32
    %sign3A_746 = arith.subi %sign3A_742, %sign3A_745 : i32
    %ne3A_747 = arith.cmpi ne, %sign3A_739, %sign3A_746 : i32
    %rem3A_748 = arith.remsi %add3A_730, %jit3A_731 : i32
    %ne3A_749 = arith.constant 0 : i32
    %ne3A_750 = arith.cmpi ne, %rem3A_748, %ne3A_749 : i32
    %and3A_751 = arith.andi %ne3A_747, %ne3A_750 : i1
    %sub3A_752 = arith.constant 1 : i32
    %sub3A_753 = arith.subi %div3A_732, %sub3A_752 : i32
    %select_n3A_754 = arith.select %and3A_751, %sub3A_753, %div3A_732 : i32
    %jit3A_755 = arith.constant 16 : i32
    %eq3A_756 = arith.constant 0 : i32
    %eq3A_757 = arith.cmpi eq, %jit3A_755, %eq3A_756 : i32
    %jit3A_758 = arith.constant 1 : i32
    %select_n3A_759 = arith.select %eq3A_757, %jit3A_758, %jit3A_755 : i32
    %rem3A_760 = arith.remsi %add3A_730, %select_n3A_759 : i32
    %ne3A_761 = arith.constant 0 : i32
    %ne3A_762 = arith.cmpi ne, %rem3A_760, %ne3A_761 : i32
    %lt3A_763 = arith.constant 0 : i32
    %lt3A_764 = arith.cmpi slt, %rem3A_760, %lt3A_763 : i32
    %lt3A_765 = arith.constant 0 : i32
    %lt3A_766 = arith.cmpi slt, %select_n3A_759, %lt3A_765 : i32
    %ne3A_767 = arith.xori %lt3A_764, %lt3A_766 : i1
    %and3A_768 = arith.andi %ne3A_767, %ne3A_762 : i1
    %add3A_769 = arith.addi %rem3A_760, %select_n3A_759 : i32
    %select_n3A_770 = arith.select %and3A_768, %add3A_769, %rem3A_760 : i32
    %mul3A_771 = arith.constant 256 : i32
    %mul3A_772 = arith.muli %select_n3A_770, %mul3A_771 : i32
    %dma_start3A_773 = tpu.memref_slice %arg3[%select_n3A_754, %mul3A_772] : memref<50x4096xi32, #tpu.memory_space<hbm>> -> memref<1x256xi32, #tpu.memory_space<hbm>>
    %dma_start3A_774 = tpu.memref_squeeze %dma_start3A_773 : memref<1x256xi32, #tpu.memory_space<hbm>> -> memref<256xi32, #tpu.memory_space<hbm>>
    %dma_start3A_775 = tpu.memref_slice %arg3[%select_n3A_754, %mul3A_772] : memref<50x4096xi32, #tpu.memory_space<hbm>> -> memref<1x256xi32, #tpu.memory_space<hbm>>
    %dma_start3A_776 = tpu.memref_squeeze %dma_start3A_775 : memref<1x256xi32, #tpu.memory_space<hbm>> -> memref<256xi32, #tpu.memory_space<hbm>>
    tpu.enqueue_dma source(%dma_start3A_776 : memref<256xi32, #tpu.memory_space<hbm>>) target(%arg10 : memref<256xi32, #tpu.memory_space<vmem>>) target_semaphore(%arg19 : memref<!tpu.dma_semaphore, #tpu.memory_space<semaphore_mem>>)
    %add3A_777 = arith.constant 5 : i32
    %add3A_778 = arith.addi %mul3A_2, %add3A_777 : i32
    %jit3A_779 = arith.constant 16 : i32
    %div3A_780 = arith.divsi %add3A_778, %jit3A_779 : i32
    %sign3A_781 = arith.constant 0 : i32
    %sign3A_782 = arith.cmpi sgt, %add3A_778, %sign3A_781 : i32
    %sign3A_783 = arith.extui %sign3A_782 : i1 to i32
    %sign3A_784 = arith.constant 0 : i32
    %sign3A_785 = arith.cmpi slt, %add3A_778, %sign3A_784 : i32
    %sign3A_786 = arith.extui %sign3A_785 : i1 to i32
    %sign3A_787 = arith.subi %sign3A_783, %sign3A_786 : i32
    %sign3A_788 = arith.constant 0 : i32
    %sign3A_789 = arith.cmpi sgt, %jit3A_779, %sign3A_788 : i32
    %sign3A_790 = arith.extui %sign3A_789 : i1 to i32
    %sign3A_791 = arith.constant 0 : i32
    %sign3A_792 = arith.cmpi slt, %jit3A_779, %sign3A_791 : i32
    %sign3A_793 = arith.extui %sign3A_792 : i1 to i32
    %sign3A_794 = arith.subi %sign3A_790, %sign3A_793 : i32
    %ne3A_795 = arith.cmpi ne, %sign3A_787, %sign3A_794 : i32
    %rem3A_796 = arith.remsi %add3A_778, %jit3A_779 : i32
    %ne3A_797 = arith.constant 0 : i32
    %ne3A_798 = arith.cmpi ne, %rem3A_796, %ne3A_797 : i32
    %and3A_799 = arith.andi %ne3A_795, %ne3A_798 : i1
    %sub3A_800 = arith.constant 1 : i32
    %sub3A_801 = arith.subi %div3A_780, %sub3A_800 : i32
    %select_n3A_802 = arith.select %and3A_799, %sub3A_801, %div3A_780 : i32
    %jit3A_803 = arith.constant 16 : i32
    %eq3A_804 = arith.constant 0 : i32
    %eq3A_805 = arith.cmpi eq, %jit3A_803, %eq3A_804 : i32
    %jit3A_806 = arith.constant 1 : i32
    %select_n3A_807 = arith.select %eq3A_805, %jit3A_806, %jit3A_803 : i32
    %rem3A_808 = arith.remsi %add3A_778, %select_n3A_807 : i32
    %ne3A_809 = arith.constant 0 : i32
    %ne3A_810 = arith.cmpi ne, %rem3A_808, %ne3A_809 : i32
    %lt3A_811 = arith.constant 0 : i32
    %lt3A_812 = arith.cmpi slt, %rem3A_808, %lt3A_811 : i32
    %lt3A_813 = arith.constant 0 : i32
    %lt3A_814 = arith.cmpi slt, %select_n3A_807, %lt3A_813 : i32
    %ne3A_815 = arith.xori %lt3A_812, %lt3A_814 : i1
    %and3A_816 = arith.andi %ne3A_815, %ne3A_810 : i1
    %add3A_817 = arith.addi %rem3A_808, %select_n3A_807 : i32
    %select_n3A_818 = arith.select %and3A_816, %add3A_817, %rem3A_808 : i32
    %mul3A_819 = arith.constant 256 : i32
    %mul3A_820 = arith.muli %select_n3A_818, %mul3A_819 : i32
    %dma_start3A_821 = arith.constant 0 : i32
    %dma_start3A_822 = tpu.memref_slice %arg4[%select_n3A_802, %mul3A_820, %dma_start3A_821] : memref<50x4096x128xf32, #tpu.memory_space<hbm>> -> memref<1x256x128xf32, #tpu.memory_space<hbm>>
    %dma_start3A_823 = tpu.memref_squeeze %dma_start3A_822 : memref<1x256x128xf32, #tpu.memory_space<hbm>> -> memref<256x128xf32, #tpu.memory_space<hbm>>
    %dma_start3A_824 = arith.constant 0 : i32
    %dma_start3A_825 = tpu.memref_slice %arg4[%select_n3A_802, %mul3A_820, %dma_start3A_824] : memref<50x4096x128xf32, #tpu.memory_space<hbm>> -> memref<1x256x128xf32, #tpu.memory_space<hbm>>
    %dma_start3A_826 = tpu.memref_squeeze %dma_start3A_825 : memref<1x256x128xf32, #tpu.memory_space<hbm>> -> memref<256x128xf32, #tpu.memory_space<hbm>>
    tpu.enqueue_dma source(%arg7 : memref<256x128xf32, #tpu.memory_space<vmem>>) target(%dma_start3A_826 : memref<256x128xf32, #tpu.memory_space<hbm>>) target_semaphore(%arg16 : memref<!tpu.dma_semaphore, #tpu.memory_space<semaphore_mem>>)
    %dma_wait3A_827 = arith.constant 0 : i32
    %dma_wait3A_828 = tpu.memref_slice %arg4[%select_n3A_802, %mul3A_820, %dma_wait3A_827] : memref<50x4096x128xf32, #tpu.memory_space<hbm>> -> memref<1x256x128xf32, #tpu.memory_space<hbm>>
    %dma_wait3A_829 = tpu.memref_squeeze %dma_wait3A_828 : memref<1x256x128xf32, #tpu.memory_space<hbm>> -> memref<256x128xf32, #tpu.memory_space<hbm>>
    %dma_wait3A_830 = arith.constant 0 : i32
    %dma_wait3A_831 = tpu.memref_slice %arg4[%select_n3A_802, %mul3A_820, %dma_wait3A_830] : memref<50x4096x128xf32, #tpu.memory_space<hbm>> -> memref<1x256x128xf32, #tpu.memory_space<hbm>>
    %dma_wait3A_832 = tpu.memref_squeeze %dma_wait3A_831 : memref<1x256x128xf32, #tpu.memory_space<hbm>> -> memref<256x128xf32, #tpu.memory_space<hbm>>
    tpu.wait_dma2 semaphore(%arg16 : memref<!tpu.dma_semaphore, #tpu.memory_space<semaphore_mem>>) src(%arg7 : memref<256x128xf32, #tpu.memory_space<vmem>>) dst(%dma_wait3A_832 : memref<256x128xf32, #tpu.memory_space<hbm>>)
    %dma_wait3A_833 = tpu.memref_slice %arg3[%select_n3A_754, %mul3A_772] : memref<50x4096xi32, #tpu.memory_space<hbm>> -> memref<1x256xi32, #tpu.memory_space<hbm>>
    %dma_wait3A_834 = tpu.memref_squeeze %dma_wait3A_833 : memref<1x256xi32, #tpu.memory_space<hbm>> -> memref<256xi32, #tpu.memory_space<hbm>>
    %dma_wait3A_835 = tpu.memref_slice %arg3[%select_n3A_754, %mul3A_772] : memref<50x4096xi32, #tpu.memory_space<hbm>> -> memref<1x256xi32, #tpu.memory_space<hbm>>
    %dma_wait3A_836 = tpu.memref_squeeze %dma_wait3A_835 : memref<1x256xi32, #tpu.memory_space<hbm>> -> memref<256xi32, #tpu.memory_space<hbm>>
    tpu.wait_dma2 semaphore(%arg19 : memref<!tpu.dma_semaphore, #tpu.memory_space<semaphore_mem>>) src(%dma_wait3A_836 : memref<256xi32, #tpu.memory_space<hbm>>) dst(%arg10 : memref<256xi32, #tpu.memory_space<vmem>>)
    %dma_start3A_837 = arith.constant 0 : i32
    %dma_start3A_838 = arith.constant 0 : i32
    %dma_start3A_839 = tpu.memref_slice %arg2[%dma_start3A_837, %dma_start3A_838] : memref<100000x128xf32, #tpu.memory_space<hbm>> -> memref<100000x128xf32, #tpu.memory_space<hbm>>
    tpu.enqueue_indirect_dma source(%dma_start3A_839 : memref<100000x128xf32, #tpu.memory_space<hbm>>) target(%arg7 : memref<256x128xf32, #tpu.memory_space<vmem>>) offsets(%arg10 : memref<256xi32, #tpu.memory_space<vmem>>) semaphore(%arg13 : memref<!tpu.dma_semaphore, #tpu.memory_space<semaphore_mem>>)
    %dma_wait3A_840 = arith.constant 0 : i32
    %dma_wait3A_841 = arith.constant 0 : i32
    %dma_wait3A_842 = tpu.memref_slice %arg2[%dma_wait3A_840, %dma_wait3A_841] : memref<100000x128xf32, #tpu.memory_space<hbm>> -> memref<100000x128xf32, #tpu.memory_space<hbm>>
    tpu.wait_indirect_dma semaphore(%arg11 : memref<!tpu.dma_semaphore, #tpu.memory_space<semaphore_mem>>) src(%dma_wait3A_842 : memref<100000x128xf32, #tpu.memory_space<hbm>>) dst(%arg5 : memref<256x128xf32, #tpu.memory_space<vmem>>)
    %add3A_843 = arith.constant 9 : i32
    %add3A_844 = arith.addi %mul3A_2, %add3A_843 : i32
    %jit3A_845 = arith.constant 16 : i32
    %div3A_846 = arith.divsi %add3A_844, %jit3A_845 : i32
    %sign3A_847 = arith.constant 0 : i32
    %sign3A_848 = arith.cmpi sgt, %add3A_844, %sign3A_847 : i32
    %sign3A_849 = arith.extui %sign3A_848 : i1 to i32
    %sign3A_850 = arith.constant 0 : i32
    %sign3A_851 = arith.cmpi slt, %add3A_844, %sign3A_850 : i32
    %sign3A_852 = arith.extui %sign3A_851 : i1 to i32
    %sign3A_853 = arith.subi %sign3A_849, %sign3A_852 : i32
    %sign3A_854 = arith.constant 0 : i32
    %sign3A_855 = arith.cmpi sgt, %jit3A_845, %sign3A_854 : i32
    %sign3A_856 = arith.extui %sign3A_855 : i1 to i32
    %sign3A_857 = arith.constant 0 : i32
    %sign3A_858 = arith.cmpi slt, %jit3A_845, %sign3A_857 : i32
    %sign3A_859 = arith.extui %sign3A_858 : i1 to i32
    %sign3A_860 = arith.subi %sign3A_856, %sign3A_859 : i32
    %ne3A_861 = arith.cmpi ne, %sign3A_853, %sign3A_860 : i32
    %rem3A_862 = arith.remsi %add3A_844, %jit3A_845 : i32
    %ne3A_863 = arith.constant 0 : i32
    %ne3A_864 = arith.cmpi ne, %rem3A_862, %ne3A_863 : i32
    %and3A_865 = arith.andi %ne3A_861, %ne3A_864 : i1
    %sub3A_866 = arith.constant 1 : i32
    %sub3A_867 = arith.subi %div3A_846, %sub3A_866 : i32
    %select_n3A_868 = arith.select %and3A_865, %sub3A_867, %div3A_846 : i32
    %jit3A_869 = arith.constant 16 : i32
    %eq3A_870 = arith.constant 0 : i32
    %eq3A_871 = arith.cmpi eq, %jit3A_869, %eq3A_870 : i32
    %jit3A_872 = arith.constant 1 : i32
    %select_n3A_873 = arith.select %eq3A_871, %jit3A_872, %jit3A_869 : i32
    %rem3A_874 = arith.remsi %add3A_844, %select_n3A_873 : i32
    %ne3A_875 = arith.constant 0 : i32
    %ne3A_876 = arith.cmpi ne, %rem3A_874, %ne3A_875 : i32
    %lt3A_877 = arith.constant 0 : i32
    %lt3A_878 = arith.cmpi slt, %rem3A_874, %lt3A_877 : i32
    %lt3A_879 = arith.constant 0 : i32
    %lt3A_880 = arith.cmpi slt, %select_n3A_873, %lt3A_879 : i32
    %ne3A_881 = arith.xori %lt3A_878, %lt3A_880 : i1
    %and3A_882 = arith.andi %ne3A_881, %ne3A_876 : i1
    %add3A_883 = arith.addi %rem3A_874, %select_n3A_873 : i32
    %select_n3A_884 = arith.select %and3A_882, %add3A_883, %rem3A_874 : i32
    %mul3A_885 = arith.constant 256 : i32
    %mul3A_886 = arith.muli %select_n3A_884, %mul3A_885 : i32
    %dma_start3A_887 = tpu.memref_slice %arg3[%select_n3A_868, %mul3A_886] : memref<50x4096xi32, #tpu.memory_space<hbm>> -> memref<1x256xi32, #tpu.memory_space<hbm>>
    %dma_start3A_888 = tpu.memref_squeeze %dma_start3A_887 : memref<1x256xi32, #tpu.memory_space<hbm>> -> memref<256xi32, #tpu.memory_space<hbm>>
    %dma_start3A_889 = tpu.memref_slice %arg3[%select_n3A_868, %mul3A_886] : memref<50x4096xi32, #tpu.memory_space<hbm>> -> memref<1x256xi32, #tpu.memory_space<hbm>>
    %dma_start3A_890 = tpu.memref_squeeze %dma_start3A_889 : memref<1x256xi32, #tpu.memory_space<hbm>> -> memref<256xi32, #tpu.memory_space<hbm>>
    tpu.enqueue_dma source(%dma_start3A_890 : memref<256xi32, #tpu.memory_space<hbm>>) target(%arg8 : memref<256xi32, #tpu.memory_space<vmem>>) target_semaphore(%arg17 : memref<!tpu.dma_semaphore, #tpu.memory_space<semaphore_mem>>)
    %add3A_891 = arith.constant 6 : i32
    %add3A_892 = arith.addi %mul3A_2, %add3A_891 : i32
    %jit3A_893 = arith.constant 16 : i32
    %div3A_894 = arith.divsi %add3A_892, %jit3A_893 : i32
    %sign3A_895 = arith.constant 0 : i32
    %sign3A_896 = arith.cmpi sgt, %add3A_892, %sign3A_895 : i32
    %sign3A_897 = arith.extui %sign3A_896 : i1 to i32
    %sign3A_898 = arith.constant 0 : i32
    %sign3A_899 = arith.cmpi slt, %add3A_892, %sign3A_898 : i32
    %sign3A_900 = arith.extui %sign3A_899 : i1 to i32
    %sign3A_901 = arith.subi %sign3A_897, %sign3A_900 : i32
    %sign3A_902 = arith.constant 0 : i32
    %sign3A_903 = arith.cmpi sgt, %jit3A_893, %sign3A_902 : i32
    %sign3A_904 = arith.extui %sign3A_903 : i1 to i32
    %sign3A_905 = arith.constant 0 : i32
    %sign3A_906 = arith.cmpi slt, %jit3A_893, %sign3A_905 : i32
    %sign3A_907 = arith.extui %sign3A_906 : i1 to i32
    %sign3A_908 = arith.subi %sign3A_904, %sign3A_907 : i32
    %ne3A_909 = arith.cmpi ne, %sign3A_901, %sign3A_908 : i32
    %rem3A_910 = arith.remsi %add3A_892, %jit3A_893 : i32
    %ne3A_911 = arith.constant 0 : i32
    %ne3A_912 = arith.cmpi ne, %rem3A_910, %ne3A_911 : i32
    %and3A_913 = arith.andi %ne3A_909, %ne3A_912 : i1
    %sub3A_914 = arith.constant 1 : i32
    %sub3A_915 = arith.subi %div3A_894, %sub3A_914 : i32
    %select_n3A_916 = arith.select %and3A_913, %sub3A_915, %div3A_894 : i32
    %jit3A_917 = arith.constant 16 : i32
    %eq3A_918 = arith.constant 0 : i32
    %eq3A_919 = arith.cmpi eq, %jit3A_917, %eq3A_918 : i32
    %jit3A_920 = arith.constant 1 : i32
    %select_n3A_921 = arith.select %eq3A_919, %jit3A_920, %jit3A_917 : i32
    %rem3A_922 = arith.remsi %add3A_892, %select_n3A_921 : i32
    %ne3A_923 = arith.constant 0 : i32
    %ne3A_924 = arith.cmpi ne, %rem3A_922, %ne3A_923 : i32
    %lt3A_925 = arith.constant 0 : i32
    %lt3A_926 = arith.cmpi slt, %rem3A_922, %lt3A_925 : i32
    %lt3A_927 = arith.constant 0 : i32
    %lt3A_928 = arith.cmpi slt, %select_n3A_921, %lt3A_927 : i32
    %ne3A_929 = arith.xori %lt3A_926, %lt3A_928 : i1
    %and3A_930 = arith.andi %ne3A_929, %ne3A_924 : i1
    %add3A_931 = arith.addi %rem3A_922, %select_n3A_921 : i32
    %select_n3A_932 = arith.select %and3A_930, %add3A_931, %rem3A_922 : i32
    %mul3A_933 = arith.constant 256 : i32
    %mul3A_934 = arith.muli %select_n3A_932, %mul3A_933 : i32
    %dma_start3A_935 = arith.constant 0 : i32
    %dma_start3A_936 = tpu.memref_slice %arg4[%select_n3A_916, %mul3A_934, %dma_start3A_935] : memref<50x4096x128xf32, #tpu.memory_space<hbm>> -> memref<1x256x128xf32, #tpu.memory_space<hbm>>
    %dma_start3A_937 = tpu.memref_squeeze %dma_start3A_936 : memref<1x256x128xf32, #tpu.memory_space<hbm>> -> memref<256x128xf32, #tpu.memory_space<hbm>>
    %dma_start3A_938 = arith.constant 0 : i32
    %dma_start3A_939 = tpu.memref_slice %arg4[%select_n3A_916, %mul3A_934, %dma_start3A_938] : memref<50x4096x128xf32, #tpu.memory_space<hbm>> -> memref<1x256x128xf32, #tpu.memory_space<hbm>>
    %dma_start3A_940 = tpu.memref_squeeze %dma_start3A_939 : memref<1x256x128xf32, #tpu.memory_space<hbm>> -> memref<256x128xf32, #tpu.memory_space<hbm>>
    tpu.enqueue_dma source(%arg5 : memref<256x128xf32, #tpu.memory_space<vmem>>) target(%dma_start3A_940 : memref<256x128xf32, #tpu.memory_space<hbm>>) target_semaphore(%arg14 : memref<!tpu.dma_semaphore, #tpu.memory_space<semaphore_mem>>)
    %dma_wait3A_941 = arith.constant 0 : i32
    %dma_wait3A_942 = tpu.memref_slice %arg4[%select_n3A_916, %mul3A_934, %dma_wait3A_941] : memref<50x4096x128xf32, #tpu.memory_space<hbm>> -> memref<1x256x128xf32, #tpu.memory_space<hbm>>
    %dma_wait3A_943 = tpu.memref_squeeze %dma_wait3A_942 : memref<1x256x128xf32, #tpu.memory_space<hbm>> -> memref<256x128xf32, #tpu.memory_space<hbm>>
    %dma_wait3A_944 = arith.constant 0 : i32
    %dma_wait3A_945 = tpu.memref_slice %arg4[%select_n3A_916, %mul3A_934, %dma_wait3A_944] : memref<50x4096x128xf32, #tpu.memory_space<hbm>> -> memref<1x256x128xf32, #tpu.memory_space<hbm>>
    %dma_wait3A_946 = tpu.memref_squeeze %dma_wait3A_945 : memref<1x256x128xf32, #tpu.memory_space<hbm>> -> memref<256x128xf32, #tpu.memory_space<hbm>>
    tpu.wait_dma2 semaphore(%arg14 : memref<!tpu.dma_semaphore, #tpu.memory_space<semaphore_mem>>) src(%arg5 : memref<256x128xf32, #tpu.memory_space<vmem>>) dst(%dma_wait3A_946 : memref<256x128xf32, #tpu.memory_space<hbm>>)
    %dma_wait3A_947 = tpu.memref_slice %arg3[%select_n3A_868, %mul3A_886] : memref<50x4096xi32, #tpu.memory_space<hbm>> -> memref<1x256xi32, #tpu.memory_space<hbm>>
    %dma_wait3A_948 = tpu.memref_squeeze %dma_wait3A_947 : memref<1x256xi32, #tpu.memory_space<hbm>> -> memref<256xi32, #tpu.memory_space<hbm>>
    %dma_wait3A_949 = tpu.memref_slice %arg3[%select_n3A_868, %mul3A_886] : memref<50x4096xi32, #tpu.memory_space<hbm>> -> memref<1x256xi32, #tpu.memory_space<hbm>>
    %dma_wait3A_950 = tpu.memref_squeeze %dma_wait3A_949 : memref<1x256xi32, #tpu.memory_space<hbm>> -> memref<256xi32, #tpu.memory_space<hbm>>
    tpu.wait_dma2 semaphore(%arg17 : memref<!tpu.dma_semaphore, #tpu.memory_space<semaphore_mem>>) src(%dma_wait3A_950 : memref<256xi32, #tpu.memory_space<hbm>>) dst(%arg8 : memref<256xi32, #tpu.memory_space<vmem>>)
    %dma_start3A_951 = arith.constant 0 : i32
    %dma_start3A_952 = arith.constant 0 : i32
    %dma_start3A_953 = tpu.memref_slice %arg2[%dma_start3A_951, %dma_start3A_952] : memref<100000x128xf32, #tpu.memory_space<hbm>> -> memref<100000x128xf32, #tpu.memory_space<hbm>>
    tpu.enqueue_indirect_dma source(%dma_start3A_953 : memref<100000x128xf32, #tpu.memory_space<hbm>>) target(%arg5 : memref<256x128xf32, #tpu.memory_space<vmem>>) offsets(%arg8 : memref<256xi32, #tpu.memory_space<vmem>>) semaphore(%arg11 : memref<!tpu.dma_semaphore, #tpu.memory_space<semaphore_mem>>)
    %dma_wait3A_954 = arith.constant 0 : i32
    %dma_wait3A_955 = arith.constant 0 : i32
    %dma_wait3A_956 = tpu.memref_slice %arg2[%dma_wait3A_954, %dma_wait3A_955] : memref<100000x128xf32, #tpu.memory_space<hbm>> -> memref<100000x128xf32, #tpu.memory_space<hbm>>
    tpu.wait_indirect_dma semaphore(%arg12 : memref<!tpu.dma_semaphore, #tpu.memory_space<semaphore_mem>>) src(%dma_wait3A_956 : memref<100000x128xf32, #tpu.memory_space<hbm>>) dst(%arg6 : memref<256x128xf32, #tpu.memory_space<vmem>>)
    %add3A_957 = arith.constant 10 : i32
    %add3A_958 = arith.addi %mul3A_2, %add3A_957 : i32
    %jit3A_959 = arith.constant 16 : i32
    %div3A_960 = arith.divsi %add3A_958, %jit3A_959 : i32
    %sign3A_961 = arith.constant 0 : i32
    %sign3A_962 = arith.cmpi sgt, %add3A_958, %sign3A_961 : i32
    %sign3A_963 = arith.extui %sign3A_962 : i1 to i32
    %sign3A_964 = arith.constant 0 : i32
    %sign3A_965 = arith.cmpi slt, %add3A_958, %sign3A_964 : i32
    %sign3A_966 = arith.extui %sign3A_965 : i1 to i32
    %sign3A_967 = arith.subi %sign3A_963, %sign3A_966 : i32
    %sign3A_968 = arith.constant 0 : i32
    %sign3A_969 = arith.cmpi sgt, %jit3A_959, %sign3A_968 : i32
    %sign3A_970 = arith.extui %sign3A_969 : i1 to i32
    %sign3A_971 = arith.constant 0 : i32
    %sign3A_972 = arith.cmpi slt, %jit3A_959, %sign3A_971 : i32
    %sign3A_973 = arith.extui %sign3A_972 : i1 to i32
    %sign3A_974 = arith.subi %sign3A_970, %sign3A_973 : i32
    %ne3A_975 = arith.cmpi ne, %sign3A_967, %sign3A_974 : i32
    %rem3A_976 = arith.remsi %add3A_958, %jit3A_959 : i32
    %ne3A_977 = arith.constant 0 : i32
    %ne3A_978 = arith.cmpi ne, %rem3A_976, %ne3A_977 : i32
    %and3A_979 = arith.andi %ne3A_975, %ne3A_978 : i1
    %sub3A_980 = arith.constant 1 : i32
    %sub3A_981 = arith.subi %div3A_960, %sub3A_980 : i32
    %select_n3A_982 = arith.select %and3A_979, %sub3A_981, %div3A_960 : i32
    %jit3A_983 = arith.constant 16 : i32
    %eq3A_984 = arith.constant 0 : i32
    %eq3A_985 = arith.cmpi eq, %jit3A_983, %eq3A_984 : i32
    %jit3A_986 = arith.constant 1 : i32
    %select_n3A_987 = arith.select %eq3A_985, %jit3A_986, %jit3A_983 : i32
    %rem3A_988 = arith.remsi %add3A_958, %select_n3A_987 : i32
    %ne3A_989 = arith.constant 0 : i32
    %ne3A_990 = arith.cmpi ne, %rem3A_988, %ne3A_989 : i32
    %lt3A_991 = arith.constant 0 : i32
    %lt3A_992 = arith.cmpi slt, %rem3A_988, %lt3A_991 : i32
    %lt3A_993 = arith.constant 0 : i32
    %lt3A_994 = arith.cmpi slt, %select_n3A_987, %lt3A_993 : i32
    %ne3A_995 = arith.xori %lt3A_992, %lt3A_994 : i1
    %and3A_996 = arith.andi %ne3A_995, %ne3A_990 : i1
    %add3A_997 = arith.addi %rem3A_988, %select_n3A_987 : i32
    %select_n3A_998 = arith.select %and3A_996, %add3A_997, %rem3A_988 : i32
    %mul3A_999 = arith.constant 256 : i32
    %mul3A_1000 = arith.muli %select_n3A_998, %mul3A_999 : i32
    %dma_start3A_1001 = tpu.memref_slice %arg3[%select_n3A_982, %mul3A_1000] : memref<50x4096xi32, #tpu.memory_space<hbm>> -> memref<1x256xi32, #tpu.memory_space<hbm>>
    %dma_start3A_1002 = tpu.memref_squeeze %dma_start3A_1001 : memref<1x256xi32, #tpu.memory_space<hbm>> -> memref<256xi32, #tpu.memory_space<hbm>>
    %dma_start3A_1003 = tpu.memref_slice %arg3[%select_n3A_982, %mul3A_1000] : memref<50x4096xi32, #tpu.memory_space<hbm>> -> memref<1x256xi32, #tpu.memory_space<hbm>>
    %dma_start3A_1004 = tpu.memref_squeeze %dma_start3A_1003 : memref<1x256xi32, #tpu.memory_space<hbm>> -> memref<256xi32, #tpu.memory_space<hbm>>
    tpu.enqueue_dma source(%dma_start3A_1004 : memref<256xi32, #tpu.memory_space<hbm>>) target(%arg9 : memref<256xi32, #tpu.memory_space<vmem>>) target_semaphore(%arg18 : memref<!tpu.dma_semaphore, #tpu.memory_space<semaphore_mem>>)
    %add3A_1005 = arith.constant 7 : i32
    %add3A_1006 = arith.addi %mul3A_2, %add3A_1005 : i32
    %jit3A_1007 = arith.constant 16 : i32
    %div3A_1008 = arith.divsi %add3A_1006, %jit3A_1007 : i32
    %sign3A_1009 = arith.constant 0 : i32
    %sign3A_1010 = arith.cmpi sgt, %add3A_1006, %sign3A_1009 : i32
    %sign3A_1011 = arith.extui %sign3A_1010 : i1 to i32
    %sign3A_1012 = arith.constant 0 : i32
    %sign3A_1013 = arith.cmpi slt, %add3A_1006, %sign3A_1012 : i32
    %sign3A_1014 = arith.extui %sign3A_1013 : i1 to i32
    %sign3A_1015 = arith.subi %sign3A_1011, %sign3A_1014 : i32
    %sign3A_1016 = arith.constant 0 : i32
    %sign3A_1017 = arith.cmpi sgt, %jit3A_1007, %sign3A_1016 : i32
    %sign3A_1018 = arith.extui %sign3A_1017 : i1 to i32
    %sign3A_1019 = arith.constant 0 : i32
    %sign3A_1020 = arith.cmpi slt, %jit3A_1007, %sign3A_1019 : i32
    %sign3A_1021 = arith.extui %sign3A_1020 : i1 to i32
    %sign3A_1022 = arith.subi %sign3A_1018, %sign3A_1021 : i32
    %ne3A_1023 = arith.cmpi ne, %sign3A_1015, %sign3A_1022 : i32
    %rem3A_1024 = arith.remsi %add3A_1006, %jit3A_1007 : i32
    %ne3A_1025 = arith.constant 0 : i32
    %ne3A_1026 = arith.cmpi ne, %rem3A_1024, %ne3A_1025 : i32
    %and3A_1027 = arith.andi %ne3A_1023, %ne3A_1026 : i1
    %sub3A_1028 = arith.constant 1 : i32
    %sub3A_1029 = arith.subi %div3A_1008, %sub3A_1028 : i32
    %select_n3A_1030 = arith.select %and3A_1027, %sub3A_1029, %div3A_1008 : i32
    %jit3A_1031 = arith.constant 16 : i32
    %eq3A_1032 = arith.constant 0 : i32
    %eq3A_1033 = arith.cmpi eq, %jit3A_1031, %eq3A_1032 : i32
    %jit3A_1034 = arith.constant 1 : i32
    %select_n3A_1035 = arith.select %eq3A_1033, %jit3A_1034, %jit3A_1031 : i32
    %rem3A_1036 = arith.remsi %add3A_1006, %select_n3A_1035 : i32
    %ne3A_1037 = arith.constant 0 : i32
    %ne3A_1038 = arith.cmpi ne, %rem3A_1036, %ne3A_1037 : i32
    %lt3A_1039 = arith.constant 0 : i32
    %lt3A_1040 = arith.cmpi slt, %rem3A_1036, %lt3A_1039 : i32
    %lt3A_1041 = arith.constant 0 : i32
    %lt3A_1042 = arith.cmpi slt, %select_n3A_1035, %lt3A_1041 : i32
    %ne3A_1043 = arith.xori %lt3A_1040, %lt3A_1042 : i1
    %and3A_1044 = arith.andi %ne3A_1043, %ne3A_1038 : i1
    %add3A_1045 = arith.addi %rem3A_1036, %select_n3A_1035 : i32
    %select_n3A_1046 = arith.select %and3A_1044, %add3A_1045, %rem3A_1036 : i32
    %mul3A_1047 = arith.constant 256 : i32
    %mul3A_1048 = arith.muli %select_n3A_1046, %mul3A_1047 : i32
    %dma_start3A_1049 = arith.constant 0 : i32
    %dma_start3A_1050 = tpu.memref_slice %arg4[%select_n3A_1030, %mul3A_1048, %dma_start3A_1049] : memref<50x4096x128xf32, #tpu.memory_space<hbm>> -> memref<1x256x128xf32, #tpu.memory_space<hbm>>
    %dma_start3A_1051 = tpu.memref_squeeze %dma_start3A_1050 : memref<1x256x128xf32, #tpu.memory_space<hbm>> -> memref<256x128xf32, #tpu.memory_space<hbm>>
    %dma_start3A_1052 = arith.constant 0 : i32
    %dma_start3A_1053 = tpu.memref_slice %arg4[%select_n3A_1030, %mul3A_1048, %dma_start3A_1052] : memref<50x4096x128xf32, #tpu.memory_space<hbm>> -> memref<1x256x128xf32, #tpu.memory_space<hbm>>
    %dma_start3A_1054 = tpu.memref_squeeze %dma_start3A_1053 : memref<1x256x128xf32, #tpu.memory_space<hbm>> -> memref<256x128xf32, #tpu.memory_space<hbm>>
    tpu.enqueue_dma source(%arg6 : memref<256x128xf32, #tpu.memory_space<vmem>>) target(%dma_start3A_1054 : memref<256x128xf32, #tpu.memory_space<hbm>>) target_semaphore(%arg15 : memref<!tpu.dma_semaphore, #tpu.memory_space<semaphore_mem>>)
    %dma_wait3A_1055 = arith.constant 0 : i32
    %dma_wait3A_1056 = tpu.memref_slice %arg4[%select_n3A_1030, %mul3A_1048, %dma_wait3A_1055] : memref<50x4096x128xf32, #tpu.memory_space<hbm>> -> memref<1x256x128xf32, #tpu.memory_space<hbm>>
    %dma_wait3A_1057 = tpu.memref_squeeze %dma_wait3A_1056 : memref<1x256x128xf32, #tpu.memory_space<hbm>> -> memref<256x128xf32, #tpu.memory_space<hbm>>
    %dma_wait3A_1058 = arith.constant 0 : i32
    %dma_wait3A_1059 = tpu.memref_slice %arg4[%select_n3A_1030, %mul3A_1048, %dma_wait3A_1058] : memref<50x4096x128xf32, #tpu.memory_space<hbm>> -> memref<1x256x128xf32, #tpu.memory_space<hbm>>
    %dma_wait3A_1060 = tpu.memref_squeeze %dma_wait3A_1059 : memref<1x256x128xf32, #tpu.memory_space<hbm>> -> memref<256x128xf32, #tpu.memory_space<hbm>>
    tpu.wait_dma2 semaphore(%arg15 : memref<!tpu.dma_semaphore, #tpu.memory_space<semaphore_mem>>) src(%arg6 : memref<256x128xf32, #tpu.memory_space<vmem>>) dst(%dma_wait3A_1060 : memref<256x128xf32, #tpu.memory_space<hbm>>)
    %dma_wait3A_1061 = tpu.memref_slice %arg3[%select_n3A_982, %mul3A_1000] : memref<50x4096xi32, #tpu.memory_space<hbm>> -> memref<1x256xi32, #tpu.memory_space<hbm>>
    %dma_wait3A_1062 = tpu.memref_squeeze %dma_wait3A_1061 : memref<1x256xi32, #tpu.memory_space<hbm>> -> memref<256xi32, #tpu.memory_space<hbm>>
    %dma_wait3A_1063 = tpu.memref_slice %arg3[%select_n3A_982, %mul3A_1000] : memref<50x4096xi32, #tpu.memory_space<hbm>> -> memref<1x256xi32, #tpu.memory_space<hbm>>
    %dma_wait3A_1064 = tpu.memref_squeeze %dma_wait3A_1063 : memref<1x256xi32, #tpu.memory_space<hbm>> -> memref<256xi32, #tpu.memory_space<hbm>>
    tpu.wait_dma2 semaphore(%arg18 : memref<!tpu.dma_semaphore, #tpu.memory_space<semaphore_mem>>) src(%dma_wait3A_1064 : memref<256xi32, #tpu.memory_space<hbm>>) dst(%arg9 : memref<256xi32, #tpu.memory_space<vmem>>)
    %dma_start3A_1065 = arith.constant 0 : i32
    %dma_start3A_1066 = arith.constant 0 : i32
    %dma_start3A_1067 = tpu.memref_slice %arg2[%dma_start3A_1065, %dma_start3A_1066] : memref<100000x128xf32, #tpu.memory_space<hbm>> -> memref<100000x128xf32, #tpu.memory_space<hbm>>
    tpu.enqueue_indirect_dma source(%dma_start3A_1067 : memref<100000x128xf32, #tpu.memory_space<hbm>>) target(%arg6 : memref<256x128xf32, #tpu.memory_space<vmem>>) offsets(%arg9 : memref<256xi32, #tpu.memory_space<vmem>>) semaphore(%arg12 : memref<!tpu.dma_semaphore, #tpu.memory_space<semaphore_mem>>)
    %dma_wait3A_1068 = arith.constant 0 : i32
    %dma_wait3A_1069 = arith.constant 0 : i32
    %dma_wait3A_1070 = tpu.memref_slice %arg2[%dma_wait3A_1068, %dma_wait3A_1069] : memref<100000x128xf32, #tpu.memory_space<hbm>> -> memref<100000x128xf32, #tpu.memory_space<hbm>>
    tpu.wait_indirect_dma semaphore(%arg13 : memref<!tpu.dma_semaphore, #tpu.memory_space<semaphore_mem>>) src(%dma_wait3A_1070 : memref<100000x128xf32, #tpu.memory_space<hbm>>) dst(%arg7 : memref<256x128xf32, #tpu.memory_space<vmem>>)
    %add3A_1071 = arith.constant 11 : i32
    %add3A_1072 = arith.addi %mul3A_2, %add3A_1071 : i32
    %jit3A_1073 = arith.constant 16 : i32
    %div3A_1074 = arith.divsi %add3A_1072, %jit3A_1073 : i32
    %sign3A_1075 = arith.constant 0 : i32
    %sign3A_1076 = arith.cmpi sgt, %add3A_1072, %sign3A_1075 : i32
    %sign3A_1077 = arith.extui %sign3A_1076 : i1 to i32
    %sign3A_1078 = arith.constant 0 : i32
    %sign3A_1079 = arith.cmpi slt, %add3A_1072, %sign3A_1078 : i32
    %sign3A_1080 = arith.extui %sign3A_1079 : i1 to i32
    %sign3A_1081 = arith.subi %sign3A_1077, %sign3A_1080 : i32
    %sign3A_1082 = arith.constant 0 : i32
    %sign3A_1083 = arith.cmpi sgt, %jit3A_1073, %sign3A_1082 : i32
    %sign3A_1084 = arith.extui %sign3A_1083 : i1 to i32
    %sign3A_1085 = arith.constant 0 : i32
    %sign3A_1086 = arith.cmpi slt, %jit3A_1073, %sign3A_1085 : i32
    %sign3A_1087 = arith.extui %sign3A_1086 : i1 to i32
    %sign3A_1088 = arith.subi %sign3A_1084, %sign3A_1087 : i32
    %ne3A_1089 = arith.cmpi ne, %sign3A_1081, %sign3A_1088 : i32
    %rem3A_1090 = arith.remsi %add3A_1072, %jit3A_1073 : i32
    %ne3A_1091 = arith.constant 0 : i32
    %ne3A_1092 = arith.cmpi ne, %rem3A_1090, %ne3A_1091 : i32
    %and3A_1093 = arith.andi %ne3A_1089, %ne3A_1092 : i1
    %sub3A_1094 = arith.constant 1 : i32
    %sub3A_1095 = arith.subi %div3A_1074, %sub3A_1094 : i32
    %select_n3A_1096 = arith.select %and3A_1093, %sub3A_1095, %div3A_1074 : i32
    %jit3A_1097 = arith.constant 16 : i32
    %eq3A_1098 = arith.constant 0 : i32
    %eq3A_1099 = arith.cmpi eq, %jit3A_1097, %eq3A_1098 : i32
    %jit3A_1100 = arith.constant 1 : i32
    %select_n3A_1101 = arith.select %eq3A_1099, %jit3A_1100, %jit3A_1097 : i32
    %rem3A_1102 = arith.remsi %add3A_1072, %select_n3A_1101 : i32
    %ne3A_1103 = arith.constant 0 : i32
    %ne3A_1104 = arith.cmpi ne, %rem3A_1102, %ne3A_1103 : i32
    %lt3A_1105 = arith.constant 0 : i32
    %lt3A_1106 = arith.cmpi slt, %rem3A_1102, %lt3A_1105 : i32
    %lt3A_1107 = arith.constant 0 : i32
    %lt3A_1108 = arith.cmpi slt, %select_n3A_1101, %lt3A_1107 : i32
    %ne3A_1109 = arith.xori %lt3A_1106, %lt3A_1108 : i1
    %and3A_1110 = arith.andi %ne3A_1109, %ne3A_1104 : i1
    %add3A_1111 = arith.addi %rem3A_1102, %select_n3A_1101 : i32
    %select_n3A_1112 = arith.select %and3A_1110, %add3A_1111, %rem3A_1102 : i32
    %mul3A_1113 = arith.constant 256 : i32
    %mul3A_1114 = arith.muli %select_n3A_1112, %mul3A_1113 : i32
    %dma_start3A_1115 = tpu.memref_slice %arg3[%select_n3A_1096, %mul3A_1114] : memref<50x4096xi32, #tpu.memory_space<hbm>> -> memref<1x256xi32, #tpu.memory_space<hbm>>
    %dma_start3A_1116 = tpu.memref_squeeze %dma_start3A_1115 : memref<1x256xi32, #tpu.memory_space<hbm>> -> memref<256xi32, #tpu.memory_space<hbm>>
    %dma_start3A_1117 = tpu.memref_slice %arg3[%select_n3A_1096, %mul3A_1114] : memref<50x4096xi32, #tpu.memory_space<hbm>> -> memref<1x256xi32, #tpu.memory_space<hbm>>
    %dma_start3A_1118 = tpu.memref_squeeze %dma_start3A_1117 : memref<1x256xi32, #tpu.memory_space<hbm>> -> memref<256xi32, #tpu.memory_space<hbm>>
    tpu.enqueue_dma source(%dma_start3A_1118 : memref<256xi32, #tpu.memory_space<hbm>>) target(%arg10 : memref<256xi32, #tpu.memory_space<vmem>>) target_semaphore(%arg19 : memref<!tpu.dma_semaphore, #tpu.memory_space<semaphore_mem>>)
    %add3A_1119 = arith.constant 8 : i32
    %add3A_1120 = arith.addi %mul3A_2, %add3A_1119 : i32
    %jit3A_1121 = arith.constant 16 : i32
    %div3A_1122 = arith.divsi %add3A_1120, %jit3A_1121 : i32
    %sign3A_1123 = arith.constant 0 : i32
    %sign3A_1124 = arith.cmpi sgt, %add3A_1120, %sign3A_1123 : i32
    %sign3A_1125 = arith.extui %sign3A_1124 : i1 to i32
    %sign3A_1126 = arith.constant 0 : i32
    %sign3A_1127 = arith.cmpi slt, %add3A_1120, %sign3A_1126 : i32
    %sign3A_1128 = arith.extui %sign3A_1127 : i1 to i32
    %sign3A_1129 = arith.subi %sign3A_1125, %sign3A_1128 : i32
    %sign3A_1130 = arith.constant 0 : i32
    %sign3A_1131 = arith.cmpi sgt, %jit3A_1121, %sign3A_1130 : i32
    %sign3A_1132 = arith.extui %sign3A_1131 : i1 to i32
    %sign3A_1133 = arith.constant 0 : i32
    %sign3A_1134 = arith.cmpi slt, %jit3A_1121, %sign3A_1133 : i32
    %sign3A_1135 = arith.extui %sign3A_1134 : i1 to i32
    %sign3A_1136 = arith.subi %sign3A_1132, %sign3A_1135 : i32
    %ne3A_1137 = arith.cmpi ne, %sign3A_1129, %sign3A_1136 : i32
    %rem3A_1138 = arith.remsi %add3A_1120, %jit3A_1121 : i32
    %ne3A_1139 = arith.constant 0 : i32
    %ne3A_1140 = arith.cmpi ne, %rem3A_1138, %ne3A_1139 : i32
    %and3A_1141 = arith.andi %ne3A_1137, %ne3A_1140 : i1
    %sub3A_1142 = arith.constant 1 : i32
    %sub3A_1143 = arith.subi %div3A_1122, %sub3A_1142 : i32
    %select_n3A_1144 = arith.select %and3A_1141, %sub3A_1143, %div3A_1122 : i32
    %jit3A_1145 = arith.constant 16 : i32
    %eq3A_1146 = arith.constant 0 : i32
    %eq3A_1147 = arith.cmpi eq, %jit3A_1145, %eq3A_1146 : i32
    %jit3A_1148 = arith.constant 1 : i32
    %select_n3A_1149 = arith.select %eq3A_1147, %jit3A_1148, %jit3A_1145 : i32
    %rem3A_1150 = arith.remsi %add3A_1120, %select_n3A_1149 : i32
    %ne3A_1151 = arith.constant 0 : i32
    %ne3A_1152 = arith.cmpi ne, %rem3A_1150, %ne3A_1151 : i32
    %lt3A_1153 = arith.constant 0 : i32
    %lt3A_1154 = arith.cmpi slt, %rem3A_1150, %lt3A_1153 : i32
    %lt3A_1155 = arith.constant 0 : i32
    %lt3A_1156 = arith.cmpi slt, %select_n3A_1149, %lt3A_1155 : i32
    %ne3A_1157 = arith.xori %lt3A_1154, %lt3A_1156 : i1
    %and3A_1158 = arith.andi %ne3A_1157, %ne3A_1152 : i1
    %add3A_1159 = arith.addi %rem3A_1150, %select_n3A_1149 : i32
    %select_n3A_1160 = arith.select %and3A_1158, %add3A_1159, %rem3A_1150 : i32
    %mul3A_1161 = arith.constant 256 : i32
    %mul3A_1162 = arith.muli %select_n3A_1160, %mul3A_1161 : i32
    %dma_start3A_1163 = arith.constant 0 : i32
    %dma_start3A_1164 = tpu.memref_slice %arg4[%select_n3A_1144, %mul3A_1162, %dma_start3A_1163] : memref<50x4096x128xf32, #tpu.memory_space<hbm>> -> memref<1x256x128xf32, #tpu.memory_space<hbm>>
    %dma_start3A_1165 = tpu.memref_squeeze %dma_start3A_1164 : memref<1x256x128xf32, #tpu.memory_space<hbm>> -> memref<256x128xf32, #tpu.memory_space<hbm>>
    %dma_start3A_1166 = arith.constant 0 : i32
    %dma_start3A_1167 = tpu.memref_slice %arg4[%select_n3A_1144, %mul3A_1162, %dma_start3A_1166] : memref<50x4096x128xf32, #tpu.memory_space<hbm>> -> memref<1x256x128xf32, #tpu.memory_space<hbm>>
    %dma_start3A_1168 = tpu.memref_squeeze %dma_start3A_1167 : memref<1x256x128xf32, #tpu.memory_space<hbm>> -> memref<256x128xf32, #tpu.memory_space<hbm>>
    tpu.enqueue_dma source(%arg7 : memref<256x128xf32, #tpu.memory_space<vmem>>) target(%dma_start3A_1168 : memref<256x128xf32, #tpu.memory_space<hbm>>) target_semaphore(%arg16 : memref<!tpu.dma_semaphore, #tpu.memory_space<semaphore_mem>>)
    %dma_wait3A_1169 = arith.constant 0 : i32
    %dma_wait3A_1170 = tpu.memref_slice %arg4[%select_n3A_1144, %mul3A_1162, %dma_wait3A_1169] : memref<50x4096x128xf32, #tpu.memory_space<hbm>> -> memref<1x256x128xf32, #tpu.memory_space<hbm>>
    %dma_wait3A_1171 = tpu.memref_squeeze %dma_wait3A_1170 : memref<1x256x128xf32, #tpu.memory_space<hbm>> -> memref<256x128xf32, #tpu.memory_space<hbm>>
    %dma_wait3A_1172 = arith.constant 0 : i32
    %dma_wait3A_1173 = tpu.memref_slice %arg4[%select_n3A_1144, %mul3A_1162, %dma_wait3A_1172] : memref<50x4096x128xf32, #tpu.memory_space<hbm>> -> memref<1x256x128xf32, #tpu.memory_space<hbm>>
    %dma_wait3A_1174 = tpu.memref_squeeze %dma_wait3A_1173 : memref<1x256x128xf32, #tpu.memory_space<hbm>> -> memref<256x128xf32, #tpu.memory_space<hbm>>
    tpu.wait_dma2 semaphore(%arg16 : memref<!tpu.dma_semaphore, #tpu.memory_space<semaphore_mem>>) src(%arg7 : memref<256x128xf32, #tpu.memory_space<vmem>>) dst(%dma_wait3A_1174 : memref<256x128xf32, #tpu.memory_space<hbm>>)
    %dma_wait3A_1175 = tpu.memref_slice %arg3[%select_n3A_1096, %mul3A_1114] : memref<50x4096xi32, #tpu.memory_space<hbm>> -> memref<1x256xi32, #tpu.memory_space<hbm>>
    %dma_wait3A_1176 = tpu.memref_squeeze %dma_wait3A_1175 : memref<1x256xi32, #tpu.memory_space<hbm>> -> memref<256xi32, #tpu.memory_space<hbm>>
    %dma_wait3A_1177 = tpu.memref_slice %arg3[%select_n3A_1096, %mul3A_1114] : memref<50x4096xi32, #tpu.memory_space<hbm>> -> memref<1x256xi32, #tpu.memory_space<hbm>>
    %dma_wait3A_1178 = tpu.memref_squeeze %dma_wait3A_1177 : memref<1x256xi32, #tpu.memory_space<hbm>> -> memref<256xi32, #tpu.memory_space<hbm>>
    tpu.wait_dma2 semaphore(%arg19 : memref<!tpu.dma_semaphore, #tpu.memory_space<semaphore_mem>>) src(%dma_wait3A_1178 : memref<256xi32, #tpu.memory_space<hbm>>) dst(%arg10 : memref<256xi32, #tpu.memory_space<vmem>>)
    %dma_start3A_1179 = arith.constant 0 : i32
    %dma_start3A_1180 = arith.constant 0 : i32
    %dma_start3A_1181 = tpu.memref_slice %arg2[%dma_start3A_1179, %dma_start3A_1180] : memref<100000x128xf32, #tpu.memory_space<hbm>> -> memref<100000x128xf32, #tpu.memory_space<hbm>>
    tpu.enqueue_indirect_dma source(%dma_start3A_1181 : memref<100000x128xf32, #tpu.memory_space<hbm>>) target(%arg7 : memref<256x128xf32, #tpu.memory_space<vmem>>) offsets(%arg10 : memref<256xi32, #tpu.memory_space<vmem>>) semaphore(%arg13 : memref<!tpu.dma_semaphore, #tpu.memory_space<semaphore_mem>>)
    %dma_wait3A_1182 = arith.constant 0 : i32
    %dma_wait3A_1183 = arith.constant 0 : i32
    %dma_wait3A_1184 = tpu.memref_slice %arg2[%dma_wait3A_1182, %dma_wait3A_1183] : memref<100000x128xf32, #tpu.memory_space<hbm>> -> memref<100000x128xf32, #tpu.memory_space<hbm>>
    tpu.wait_indirect_dma semaphore(%arg11 : memref<!tpu.dma_semaphore, #tpu.memory_space<semaphore_mem>>) src(%dma_wait3A_1184 : memref<100000x128xf32, #tpu.memory_space<hbm>>) dst(%arg5 : memref<256x128xf32, #tpu.memory_space<vmem>>)
    %add3A_1185 = arith.constant 12 : i32
    %add3A_1186 = arith.addi %mul3A_2, %add3A_1185 : i32
    %jit3A_1187 = arith.constant 16 : i32
    %div3A_1188 = arith.divsi %add3A_1186, %jit3A_1187 : i32
    %sign3A_1189 = arith.constant 0 : i32
    %sign3A_1190 = arith.cmpi sgt, %add3A_1186, %sign3A_1189 : i32
    %sign3A_1191 = arith.extui %sign3A_1190 : i1 to i32
    %sign3A_1192 = arith.constant 0 : i32
    %sign3A_1193 = arith.cmpi slt, %add3A_1186, %sign3A_1192 : i32
    %sign3A_1194 = arith.extui %sign3A_1193 : i1 to i32
    %sign3A_1195 = arith.subi %sign3A_1191, %sign3A_1194 : i32
    %sign3A_1196 = arith.constant 0 : i32
    %sign3A_1197 = arith.cmpi sgt, %jit3A_1187, %sign3A_1196 : i32
    %sign3A_1198 = arith.extui %sign3A_1197 : i1 to i32
    %sign3A_1199 = arith.constant 0 : i32
    %sign3A_1200 = arith.cmpi slt, %jit3A_1187, %sign3A_1199 : i32
    %sign3A_1201 = arith.extui %sign3A_1200 : i1 to i32
    %sign3A_1202 = arith.subi %sign3A_1198, %sign3A_1201 : i32
    %ne3A_1203 = arith.cmpi ne, %sign3A_1195, %sign3A_1202 : i32
    %rem3A_1204 = arith.remsi %add3A_1186, %jit3A_1187 : i32
    %ne3A_1205 = arith.constant 0 : i32
    %ne3A_1206 = arith.cmpi ne, %rem3A_1204, %ne3A_1205 : i32
    %and3A_1207 = arith.andi %ne3A_1203, %ne3A_1206 : i1
    %sub3A_1208 = arith.constant 1 : i32
    %sub3A_1209 = arith.subi %div3A_1188, %sub3A_1208 : i32
    %select_n3A_1210 = arith.select %and3A_1207, %sub3A_1209, %div3A_1188 : i32
    %jit3A_1211 = arith.constant 16 : i32
    %eq3A_1212 = arith.constant 0 : i32
    %eq3A_1213 = arith.cmpi eq, %jit3A_1211, %eq3A_1212 : i32
    %jit3A_1214 = arith.constant 1 : i32
    %select_n3A_1215 = arith.select %eq3A_1213, %jit3A_1214, %jit3A_1211 : i32
    %rem3A_1216 = arith.remsi %add3A_1186, %select_n3A_1215 : i32
    %ne3A_1217 = arith.constant 0 : i32
    %ne3A_1218 = arith.cmpi ne, %rem3A_1216, %ne3A_1217 : i32
    %lt3A_1219 = arith.constant 0 : i32
    %lt3A_1220 = arith.cmpi slt, %rem3A_1216, %lt3A_1219 : i32
    %lt3A_1221 = arith.constant 0 : i32
    %lt3A_1222 = arith.cmpi slt, %select_n3A_1215, %lt3A_1221 : i32
    %ne3A_1223 = arith.xori %lt3A_1220, %lt3A_1222 : i1
    %and3A_1224 = arith.andi %ne3A_1223, %ne3A_1218 : i1
    %add3A_1225 = arith.addi %rem3A_1216, %select_n3A_1215 : i32
    %select_n3A_1226 = arith.select %and3A_1224, %add3A_1225, %rem3A_1216 : i32
    %mul3A_1227 = arith.constant 256 : i32
    %mul3A_1228 = arith.muli %select_n3A_1226, %mul3A_1227 : i32
    %dma_start3A_1229 = tpu.memref_slice %arg3[%select_n3A_1210, %mul3A_1228] : memref<50x4096xi32, #tpu.memory_space<hbm>> -> memref<1x256xi32, #tpu.memory_space<hbm>>
    %dma_start3A_1230 = tpu.memref_squeeze %dma_start3A_1229 : memref<1x256xi32, #tpu.memory_space<hbm>> -> memref<256xi32, #tpu.memory_space<hbm>>
    %dma_start3A_1231 = tpu.memref_slice %arg3[%select_n3A_1210, %mul3A_1228] : memref<50x4096xi32, #tpu.memory_space<hbm>> -> memref<1x256xi32, #tpu.memory_space<hbm>>
    %dma_start3A_1232 = tpu.memref_squeeze %dma_start3A_1231 : memref<1x256xi32, #tpu.memory_space<hbm>> -> memref<256xi32, #tpu.memory_space<hbm>>
    tpu.enqueue_dma source(%dma_start3A_1232 : memref<256xi32, #tpu.memory_space<hbm>>) target(%arg8 : memref<256xi32, #tpu.memory_space<vmem>>) target_semaphore(%arg17 : memref<!tpu.dma_semaphore, #tpu.memory_space<semaphore_mem>>)
    %add3A_1233 = arith.constant 9 : i32
    %add3A_1234 = arith.addi %mul3A_2, %add3A_1233 : i32
    %jit3A_1235 = arith.constant 16 : i32
    %div3A_1236 = arith.divsi %add3A_1234, %jit3A_1235 : i32
    %sign3A_1237 = arith.constant 0 : i32
    %sign3A_1238 = arith.cmpi sgt, %add3A_1234, %sign3A_1237 : i32
    %sign3A_1239 = arith.extui %sign3A_1238 : i1 to i32
    %sign3A_1240 = arith.constant 0 : i32
    %sign3A_1241 = arith.cmpi slt, %add3A_1234, %sign3A_1240 : i32
    %sign3A_1242 = arith.extui %sign3A_1241 : i1 to i32
    %sign3A_1243 = arith.subi %sign3A_1239, %sign3A_1242 : i32
    %sign3A_1244 = arith.constant 0 : i32
    %sign3A_1245 = arith.cmpi sgt, %jit3A_1235, %sign3A_1244 : i32
    %sign3A_1246 = arith.extui %sign3A_1245 : i1 to i32
    %sign3A_1247 = arith.constant 0 : i32
    %sign3A_1248 = arith.cmpi slt, %jit3A_1235, %sign3A_1247 : i32
    %sign3A_1249 = arith.extui %sign3A_1248 : i1 to i32
    %sign3A_1250 = arith.subi %sign3A_1246, %sign3A_1249 : i32
    %ne3A_1251 = arith.cmpi ne, %sign3A_1243, %sign3A_1250 : i32
    %rem3A_1252 = arith.remsi %add3A_1234, %jit3A_1235 : i32
    %ne3A_1253 = arith.constant 0 : i32
    %ne3A_1254 = arith.cmpi ne, %rem3A_1252, %ne3A_1253 : i32
    %and3A_1255 = arith.andi %ne3A_1251, %ne3A_1254 : i1
    %sub3A_1256 = arith.constant 1 : i32
    %sub3A_1257 = arith.subi %div3A_1236, %sub3A_1256 : i32
    %select_n3A_1258 = arith.select %and3A_1255, %sub3A_1257, %div3A_1236 : i32
    %jit3A_1259 = arith.constant 16 : i32
    %eq3A_1260 = arith.constant 0 : i32
    %eq3A_1261 = arith.cmpi eq, %jit3A_1259, %eq3A_1260 : i32
    %jit3A_1262 = arith.constant 1 : i32
    %select_n3A_1263 = arith.select %eq3A_1261, %jit3A_1262, %jit3A_1259 : i32
    %rem3A_1264 = arith.remsi %add3A_1234, %select_n3A_1263 : i32
    %ne3A_1265 = arith.constant 0 : i32
    %ne3A_1266 = arith.cmpi ne, %rem3A_1264, %ne3A_1265 : i32
    %lt3A_1267 = arith.constant 0 : i32
    %lt3A_1268 = arith.cmpi slt, %rem3A_1264, %lt3A_1267 : i32
    %lt3A_1269 = arith.constant 0 : i32
    %lt3A_1270 = arith.cmpi slt, %select_n3A_1263, %lt3A_1269 : i32
    %ne3A_1271 = arith.xori %lt3A_1268, %lt3A_1270 : i1
    %and3A_1272 = arith.andi %ne3A_1271, %ne3A_1266 : i1
    %add3A_1273 = arith.addi %rem3A_1264, %select_n3A_1263 : i32
    %select_n3A_1274 = arith.select %and3A_1272, %add3A_1273, %rem3A_1264 : i32
    %mul3A_1275 = arith.constant 256 : i32
    %mul3A_1276 = arith.muli %select_n3A_1274, %mul3A_1275 : i32
    %dma_start3A_1277 = arith.constant 0 : i32
    %dma_start3A_1278 = tpu.memref_slice %arg4[%select_n3A_1258, %mul3A_1276, %dma_start3A_1277] : memref<50x4096x128xf32, #tpu.memory_space<hbm>> -> memref<1x256x128xf32, #tpu.memory_space<hbm>>
    %dma_start3A_1279 = tpu.memref_squeeze %dma_start3A_1278 : memref<1x256x128xf32, #tpu.memory_space<hbm>> -> memref<256x128xf32, #tpu.memory_space<hbm>>
    %dma_start3A_1280 = arith.constant 0 : i32
    %dma_start3A_1281 = tpu.memref_slice %arg4[%select_n3A_1258, %mul3A_1276, %dma_start3A_1280] : memref<50x4096x128xf32, #tpu.memory_space<hbm>> -> memref<1x256x128xf32, #tpu.memory_space<hbm>>
    %dma_start3A_1282 = tpu.memref_squeeze %dma_start3A_1281 : memref<1x256x128xf32, #tpu.memory_space<hbm>> -> memref<256x128xf32, #tpu.memory_space<hbm>>
    tpu.enqueue_dma source(%arg5 : memref<256x128xf32, #tpu.memory_space<vmem>>) target(%dma_start3A_1282 : memref<256x128xf32, #tpu.memory_space<hbm>>) target_semaphore(%arg14 : memref<!tpu.dma_semaphore, #tpu.memory_space<semaphore_mem>>)
    %dma_wait3A_1283 = arith.constant 0 : i32
    %dma_wait3A_1284 = tpu.memref_slice %arg4[%select_n3A_1258, %mul3A_1276, %dma_wait3A_1283] : memref<50x4096x128xf32, #tpu.memory_space<hbm>> -> memref<1x256x128xf32, #tpu.memory_space<hbm>>
    %dma_wait3A_1285 = tpu.memref_squeeze %dma_wait3A_1284 : memref<1x256x128xf32, #tpu.memory_space<hbm>> -> memref<256x128xf32, #tpu.memory_space<hbm>>
    %dma_wait3A_1286 = arith.constant 0 : i32
    %dma_wait3A_1287 = tpu.memref_slice %arg4[%select_n3A_1258, %mul3A_1276, %dma_wait3A_1286] : memref<50x4096x128xf32, #tpu.memory_space<hbm>> -> memref<1x256x128xf32, #tpu.memory_space<hbm>>
    %dma_wait3A_1288 = tpu.memref_squeeze %dma_wait3A_1287 : memref<1x256x128xf32, #tpu.memory_space<hbm>> -> memref<256x128xf32, #tpu.memory_space<hbm>>
    tpu.wait_dma2 semaphore(%arg14 : memref<!tpu.dma_semaphore, #tpu.memory_space<semaphore_mem>>) src(%arg5 : memref<256x128xf32, #tpu.memory_space<vmem>>) dst(%dma_wait3A_1288 : memref<256x128xf32, #tpu.memory_space<hbm>>)
    %dma_wait3A_1289 = tpu.memref_slice %arg3[%select_n3A_1210, %mul3A_1228] : memref<50x4096xi32, #tpu.memory_space<hbm>> -> memref<1x256xi32, #tpu.memory_space<hbm>>
    %dma_wait3A_1290 = tpu.memref_squeeze %dma_wait3A_1289 : memref<1x256xi32, #tpu.memory_space<hbm>> -> memref<256xi32, #tpu.memory_space<hbm>>
    %dma_wait3A_1291 = tpu.memref_slice %arg3[%select_n3A_1210, %mul3A_1228] : memref<50x4096xi32, #tpu.memory_space<hbm>> -> memref<1x256xi32, #tpu.memory_space<hbm>>
    %dma_wait3A_1292 = tpu.memref_squeeze %dma_wait3A_1291 : memref<1x256xi32, #tpu.memory_space<hbm>> -> memref<256xi32, #tpu.memory_space<hbm>>
    tpu.wait_dma2 semaphore(%arg17 : memref<!tpu.dma_semaphore, #tpu.memory_space<semaphore_mem>>) src(%dma_wait3A_1292 : memref<256xi32, #tpu.memory_space<hbm>>) dst(%arg8 : memref<256xi32, #tpu.memory_space<vmem>>)
    %dma_start3A_1293 = arith.constant 0 : i32
    %dma_start3A_1294 = arith.constant 0 : i32
    %dma_start3A_1295 = tpu.memref_slice %arg2[%dma_start3A_1293, %dma_start3A_1294] : memref<100000x128xf32, #tpu.memory_space<hbm>> -> memref<100000x128xf32, #tpu.memory_space<hbm>>
    tpu.enqueue_indirect_dma source(%dma_start3A_1295 : memref<100000x128xf32, #tpu.memory_space<hbm>>) target(%arg5 : memref<256x128xf32, #tpu.memory_space<vmem>>) offsets(%arg8 : memref<256xi32, #tpu.memory_space<vmem>>) semaphore(%arg11 : memref<!tpu.dma_semaphore, #tpu.memory_space<semaphore_mem>>)
    %dma_wait3A_1296 = arith.constant 0 : i32
    %dma_wait3A_1297 = arith.constant 0 : i32
    %dma_wait3A_1298 = tpu.memref_slice %arg2[%dma_wait3A_1296, %dma_wait3A_1297] : memref<100000x128xf32, #tpu.memory_space<hbm>> -> memref<100000x128xf32, #tpu.memory_space<hbm>>
    tpu.wait_indirect_dma semaphore(%arg12 : memref<!tpu.dma_semaphore, #tpu.memory_space<semaphore_mem>>) src(%dma_wait3A_1298 : memref<100000x128xf32, #tpu.memory_space<hbm>>) dst(%arg6 : memref<256x128xf32, #tpu.memory_space<vmem>>)
    %add3A_1299 = arith.constant 13 : i32
    %add3A_1300 = arith.addi %mul3A_2, %add3A_1299 : i32
    %jit3A_1301 = arith.constant 16 : i32
    %div3A_1302 = arith.divsi %add3A_1300, %jit3A_1301 : i32
    %sign3A_1303 = arith.constant 0 : i32
    %sign3A_1304 = arith.cmpi sgt, %add3A_1300, %sign3A_1303 : i32
    %sign3A_1305 = arith.extui %sign3A_1304 : i1 to i32
    %sign3A_1306 = arith.constant 0 : i32
    %sign3A_1307 = arith.cmpi slt, %add3A_1300, %sign3A_1306 : i32
    %sign3A_1308 = arith.extui %sign3A_1307 : i1 to i32
    %sign3A_1309 = arith.subi %sign3A_1305, %sign3A_1308 : i32
    %sign3A_1310 = arith.constant 0 : i32
    %sign3A_1311 = arith.cmpi sgt, %jit3A_1301, %sign3A_1310 : i32
    %sign3A_1312 = arith.extui %sign3A_1311 : i1 to i32
    %sign3A_1313 = arith.constant 0 : i32
    %sign3A_1314 = arith.cmpi slt, %jit3A_1301, %sign3A_1313 : i32
    %sign3A_1315 = arith.extui %sign3A_1314 : i1 to i32
    %sign3A_1316 = arith.subi %sign3A_1312, %sign3A_1315 : i32
    %ne3A_1317 = arith.cmpi ne, %sign3A_1309, %sign3A_1316 : i32
    %rem3A_1318 = arith.remsi %add3A_1300, %jit3A_1301 : i32
    %ne3A_1319 = arith.constant 0 : i32
    %ne3A_1320 = arith.cmpi ne, %rem3A_1318, %ne3A_1319 : i32
    %and3A_1321 = arith.andi %ne3A_1317, %ne3A_1320 : i1
    %sub3A_1322 = arith.constant 1 : i32
    %sub3A_1323 = arith.subi %div3A_1302, %sub3A_1322 : i32
    %select_n3A_1324 = arith.select %and3A_1321, %sub3A_1323, %div3A_1302 : i32
    %jit3A_1325 = arith.constant 16 : i32
    %eq3A_1326 = arith.constant 0 : i32
    %eq3A_1327 = arith.cmpi eq, %jit3A_1325, %eq3A_1326 : i32
    %jit3A_1328 = arith.constant 1 : i32
    %select_n3A_1329 = arith.select %eq3A_1327, %jit3A_1328, %jit3A_1325 : i32
    %rem3A_1330 = arith.remsi %add3A_1300, %select_n3A_1329 : i32
    %ne3A_1331 = arith.constant 0 : i32
    %ne3A_1332 = arith.cmpi ne, %rem3A_1330, %ne3A_1331 : i32
    %lt3A_1333 = arith.constant 0 : i32
    %lt3A_1334 = arith.cmpi slt, %rem3A_1330, %lt3A_1333 : i32
    %lt3A_1335 = arith.constant 0 : i32
    %lt3A_1336 = arith.cmpi slt, %select_n3A_1329, %lt3A_1335 : i32
    %ne3A_1337 = arith.xori %lt3A_1334, %lt3A_1336 : i1
    %and3A_1338 = arith.andi %ne3A_1337, %ne3A_1332 : i1
    %add3A_1339 = arith.addi %rem3A_1330, %select_n3A_1329 : i32
    %select_n3A_1340 = arith.select %and3A_1338, %add3A_1339, %rem3A_1330 : i32
    %mul3A_1341 = arith.constant 256 : i32
    %mul3A_1342 = arith.muli %select_n3A_1340, %mul3A_1341 : i32
    %dma_start3A_1343 = tpu.memref_slice %arg3[%select_n3A_1324, %mul3A_1342] : memref<50x4096xi32, #tpu.memory_space<hbm>> -> memref<1x256xi32, #tpu.memory_space<hbm>>
    %dma_start3A_1344 = tpu.memref_squeeze %dma_start3A_1343 : memref<1x256xi32, #tpu.memory_space<hbm>> -> memref<256xi32, #tpu.memory_space<hbm>>
    %dma_start3A_1345 = tpu.memref_slice %arg3[%select_n3A_1324, %mul3A_1342] : memref<50x4096xi32, #tpu.memory_space<hbm>> -> memref<1x256xi32, #tpu.memory_space<hbm>>
    %dma_start3A_1346 = tpu.memref_squeeze %dma_start3A_1345 : memref<1x256xi32, #tpu.memory_space<hbm>> -> memref<256xi32, #tpu.memory_space<hbm>>
    tpu.enqueue_dma source(%dma_start3A_1346 : memref<256xi32, #tpu.memory_space<hbm>>) target(%arg9 : memref<256xi32, #tpu.memory_space<vmem>>) target_semaphore(%arg18 : memref<!tpu.dma_semaphore, #tpu.memory_space<semaphore_mem>>)
    %add3A_1347 = arith.constant 10 : i32
    %add3A_1348 = arith.addi %mul3A_2, %add3A_1347 : i32
    %jit3A_1349 = arith.constant 16 : i32
    %div3A_1350 = arith.divsi %add3A_1348, %jit3A_1349 : i32
    %sign3A_1351 = arith.constant 0 : i32
    %sign3A_1352 = arith.cmpi sgt, %add3A_1348, %sign3A_1351 : i32
    %sign3A_1353 = arith.extui %sign3A_1352 : i1 to i32
    %sign3A_1354 = arith.constant 0 : i32
    %sign3A_1355 = arith.cmpi slt, %add3A_1348, %sign3A_1354 : i32
    %sign3A_1356 = arith.extui %sign3A_1355 : i1 to i32
    %sign3A_1357 = arith.subi %sign3A_1353, %sign3A_1356 : i32
    %sign3A_1358 = arith.constant 0 : i32
    %sign3A_1359 = arith.cmpi sgt, %jit3A_1349, %sign3A_1358 : i32
    %sign3A_1360 = arith.extui %sign3A_1359 : i1 to i32
    %sign3A_1361 = arith.constant 0 : i32
    %sign3A_1362 = arith.cmpi slt, %jit3A_1349, %sign3A_1361 : i32
    %sign3A_1363 = arith.extui %sign3A_1362 : i1 to i32
    %sign3A_1364 = arith.subi %sign3A_1360, %sign3A_1363 : i32
    %ne3A_1365 = arith.cmpi ne, %sign3A_1357, %sign3A_1364 : i32
    %rem3A_1366 = arith.remsi %add3A_1348, %jit3A_1349 : i32
    %ne3A_1367 = arith.constant 0 : i32
    %ne3A_1368 = arith.cmpi ne, %rem3A_1366, %ne3A_1367 : i32
    %and3A_1369 = arith.andi %ne3A_1365, %ne3A_1368 : i1
    %sub3A_1370 = arith.constant 1 : i32
    %sub3A_1371 = arith.subi %div3A_1350, %sub3A_1370 : i32
    %select_n3A_1372 = arith.select %and3A_1369, %sub3A_1371, %div3A_1350 : i32
    %jit3A_1373 = arith.constant 16 : i32
    %eq3A_1374 = arith.constant 0 : i32
    %eq3A_1375 = arith.cmpi eq, %jit3A_1373, %eq3A_1374 : i32
    %jit3A_1376 = arith.constant 1 : i32
    %select_n3A_1377 = arith.select %eq3A_1375, %jit3A_1376, %jit3A_1373 : i32
    %rem3A_1378 = arith.remsi %add3A_1348, %select_n3A_1377 : i32
    %ne3A_1379 = arith.constant 0 : i32
    %ne3A_1380 = arith.cmpi ne, %rem3A_1378, %ne3A_1379 : i32
    %lt3A_1381 = arith.constant 0 : i32
    %lt3A_1382 = arith.cmpi slt, %rem3A_1378, %lt3A_1381 : i32
    %lt3A_1383 = arith.constant 0 : i32
    %lt3A_1384 = arith.cmpi slt, %select_n3A_1377, %lt3A_1383 : i32
    %ne3A_1385 = arith.xori %lt3A_1382, %lt3A_1384 : i1
    %and3A_1386 = arith.andi %ne3A_1385, %ne3A_1380 : i1
    %add3A_1387 = arith.addi %rem3A_1378, %select_n3A_1377 : i32
    %select_n3A_1388 = arith.select %and3A_1386, %add3A_1387, %rem3A_1378 : i32
    %mul3A_1389 = arith.constant 256 : i32
    %mul3A_1390 = arith.muli %select_n3A_1388, %mul3A_1389 : i32
    %dma_start3A_1391 = arith.constant 0 : i32
    %dma_start3A_1392 = tpu.memref_slice %arg4[%select_n3A_1372, %mul3A_1390, %dma_start3A_1391] : memref<50x4096x128xf32, #tpu.memory_space<hbm>> -> memref<1x256x128xf32, #tpu.memory_space<hbm>>
    %dma_start3A_1393 = tpu.memref_squeeze %dma_start3A_1392 : memref<1x256x128xf32, #tpu.memory_space<hbm>> -> memref<256x128xf32, #tpu.memory_space<hbm>>
    %dma_start3A_1394 = arith.constant 0 : i32
    %dma_start3A_1395 = tpu.memref_slice %arg4[%select_n3A_1372, %mul3A_1390, %dma_start3A_1394] : memref<50x4096x128xf32, #tpu.memory_space<hbm>> -> memref<1x256x128xf32, #tpu.memory_space<hbm>>
    %dma_start3A_1396 = tpu.memref_squeeze %dma_start3A_1395 : memref<1x256x128xf32, #tpu.memory_space<hbm>> -> memref<256x128xf32, #tpu.memory_space<hbm>>
    tpu.enqueue_dma source(%arg6 : memref<256x128xf32, #tpu.memory_space<vmem>>) target(%dma_start3A_1396 : memref<256x128xf32, #tpu.memory_space<hbm>>) target_semaphore(%arg15 : memref<!tpu.dma_semaphore, #tpu.memory_space<semaphore_mem>>)
    %dma_wait3A_1397 = arith.constant 0 : i32
    %dma_wait3A_1398 = tpu.memref_slice %arg4[%select_n3A_1372, %mul3A_1390, %dma_wait3A_1397] : memref<50x4096x128xf32, #tpu.memory_space<hbm>> -> memref<1x256x128xf32, #tpu.memory_space<hbm>>
    %dma_wait3A_1399 = tpu.memref_squeeze %dma_wait3A_1398 : memref<1x256x128xf32, #tpu.memory_space<hbm>> -> memref<256x128xf32, #tpu.memory_space<hbm>>
    %dma_wait3A_1400 = arith.constant 0 : i32
    %dma_wait3A_1401 = tpu.memref_slice %arg4[%select_n3A_1372, %mul3A_1390, %dma_wait3A_1400] : memref<50x4096x128xf32, #tpu.memory_space<hbm>> -> memref<1x256x128xf32, #tpu.memory_space<hbm>>
    %dma_wait3A_1402 = tpu.memref_squeeze %dma_wait3A_1401 : memref<1x256x128xf32, #tpu.memory_space<hbm>> -> memref<256x128xf32, #tpu.memory_space<hbm>>
    tpu.wait_dma2 semaphore(%arg15 : memref<!tpu.dma_semaphore, #tpu.memory_space<semaphore_mem>>) src(%arg6 : memref<256x128xf32, #tpu.memory_space<vmem>>) dst(%dma_wait3A_1402 : memref<256x128xf32, #tpu.memory_space<hbm>>)
    %dma_wait3A_1403 = tpu.memref_slice %arg3[%select_n3A_1324, %mul3A_1342] : memref<50x4096xi32, #tpu.memory_space<hbm>> -> memref<1x256xi32, #tpu.memory_space<hbm>>
    %dma_wait3A_1404 = tpu.memref_squeeze %dma_wait3A_1403 : memref<1x256xi32, #tpu.memory_space<hbm>> -> memref<256xi32, #tpu.memory_space<hbm>>
    %dma_wait3A_1405 = tpu.memref_slice %arg3[%select_n3A_1324, %mul3A_1342] : memref<50x4096xi32, #tpu.memory_space<hbm>> -> memref<1x256xi32, #tpu.memory_space<hbm>>
    %dma_wait3A_1406 = tpu.memref_squeeze %dma_wait3A_1405 : memref<1x256xi32, #tpu.memory_space<hbm>> -> memref<256xi32, #tpu.memory_space<hbm>>
    tpu.wait_dma2 semaphore(%arg18 : memref<!tpu.dma_semaphore, #tpu.memory_space<semaphore_mem>>) src(%dma_wait3A_1406 : memref<256xi32, #tpu.memory_space<hbm>>) dst(%arg9 : memref<256xi32, #tpu.memory_space<vmem>>)
    %dma_start3A_1407 = arith.constant 0 : i32
    %dma_start3A_1408 = arith.constant 0 : i32
    %dma_start3A_1409 = tpu.memref_slice %arg2[%dma_start3A_1407, %dma_start3A_1408] : memref<100000x128xf32, #tpu.memory_space<hbm>> -> memref<100000x128xf32, #tpu.memory_space<hbm>>
    tpu.enqueue_indirect_dma source(%dma_start3A_1409 : memref<100000x128xf32, #tpu.memory_space<hbm>>) target(%arg6 : memref<256x128xf32, #tpu.memory_space<vmem>>) offsets(%arg9 : memref<256xi32, #tpu.memory_space<vmem>>) semaphore(%arg12 : memref<!tpu.dma_semaphore, #tpu.memory_space<semaphore_mem>>)
    %dma_wait3A_1410 = arith.constant 0 : i32
    %dma_wait3A_1411 = arith.constant 0 : i32
    %dma_wait3A_1412 = tpu.memref_slice %arg2[%dma_wait3A_1410, %dma_wait3A_1411] : memref<100000x128xf32, #tpu.memory_space<hbm>> -> memref<100000x128xf32, #tpu.memory_space<hbm>>
    tpu.wait_indirect_dma semaphore(%arg13 : memref<!tpu.dma_semaphore, #tpu.memory_space<semaphore_mem>>) src(%dma_wait3A_1412 : memref<100000x128xf32, #tpu.memory_space<hbm>>) dst(%arg7 : memref<256x128xf32, #tpu.memory_space<vmem>>)
    %add3A_1413 = arith.constant 14 : i32
    %add3A_1414 = arith.addi %mul3A_2, %add3A_1413 : i32
    %jit3A_1415 = arith.constant 16 : i32
    %div3A_1416 = arith.divsi %add3A_1414, %jit3A_1415 : i32
    %sign3A_1417 = arith.constant 0 : i32
    %sign3A_1418 = arith.cmpi sgt, %add3A_1414, %sign3A_1417 : i32
    %sign3A_1419 = arith.extui %sign3A_1418 : i1 to i32
    %sign3A_1420 = arith.constant 0 : i32
    %sign3A_1421 = arith.cmpi slt, %add3A_1414, %sign3A_1420 : i32
    %sign3A_1422 = arith.extui %sign3A_1421 : i1 to i32
    %sign3A_1423 = arith.subi %sign3A_1419, %sign3A_1422 : i32
    %sign3A_1424 = arith.constant 0 : i32
    %sign3A_1425 = arith.cmpi sgt, %jit3A_1415, %sign3A_1424 : i32
    %sign3A_1426 = arith.extui %sign3A_1425 : i1 to i32
    %sign3A_1427 = arith.constant 0 : i32
    %sign3A_1428 = arith.cmpi slt, %jit3A_1415, %sign3A_1427 : i32
    %sign3A_1429 = arith.extui %sign3A_1428 : i1 to i32
    %sign3A_1430 = arith.subi %sign3A_1426, %sign3A_1429 : i32
    %ne3A_1431 = arith.cmpi ne, %sign3A_1423, %sign3A_1430 : i32
    %rem3A_1432 = arith.remsi %add3A_1414, %jit3A_1415 : i32
    %ne3A_1433 = arith.constant 0 : i32
    %ne3A_1434 = arith.cmpi ne, %rem3A_1432, %ne3A_1433 : i32
    %and3A_1435 = arith.andi %ne3A_1431, %ne3A_1434 : i1
    %sub3A_1436 = arith.constant 1 : i32
    %sub3A_1437 = arith.subi %div3A_1416, %sub3A_1436 : i32
    %select_n3A_1438 = arith.select %and3A_1435, %sub3A_1437, %div3A_1416 : i32
    %jit3A_1439 = arith.constant 16 : i32
    %eq3A_1440 = arith.constant 0 : i32
    %eq3A_1441 = arith.cmpi eq, %jit3A_1439, %eq3A_1440 : i32
    %jit3A_1442 = arith.constant 1 : i32
    %select_n3A_1443 = arith.select %eq3A_1441, %jit3A_1442, %jit3A_1439 : i32
    %rem3A_1444 = arith.remsi %add3A_1414, %select_n3A_1443 : i32
    %ne3A_1445 = arith.constant 0 : i32
    %ne3A_1446 = arith.cmpi ne, %rem3A_1444, %ne3A_1445 : i32
    %lt3A_1447 = arith.constant 0 : i32
    %lt3A_1448 = arith.cmpi slt, %rem3A_1444, %lt3A_1447 : i32
    %lt3A_1449 = arith.constant 0 : i32
    %lt3A_1450 = arith.cmpi slt, %select_n3A_1443, %lt3A_1449 : i32
    %ne3A_1451 = arith.xori %lt3A_1448, %lt3A_1450 : i1
    %and3A_1452 = arith.andi %ne3A_1451, %ne3A_1446 : i1
    %add3A_1453 = arith.addi %rem3A_1444, %select_n3A_1443 : i32
    %select_n3A_1454 = arith.select %and3A_1452, %add3A_1453, %rem3A_1444 : i32
    %mul3A_1455 = arith.constant 256 : i32
    %mul3A_1456 = arith.muli %select_n3A_1454, %mul3A_1455 : i32
    %dma_start3A_1457 = tpu.memref_slice %arg3[%select_n3A_1438, %mul3A_1456] : memref<50x4096xi32, #tpu.memory_space<hbm>> -> memref<1x256xi32, #tpu.memory_space<hbm>>
    %dma_start3A_1458 = tpu.memref_squeeze %dma_start3A_1457 : memref<1x256xi32, #tpu.memory_space<hbm>> -> memref<256xi32, #tpu.memory_space<hbm>>
    %dma_start3A_1459 = tpu.memref_slice %arg3[%select_n3A_1438, %mul3A_1456] : memref<50x4096xi32, #tpu.memory_space<hbm>> -> memref<1x256xi32, #tpu.memory_space<hbm>>
    %dma_start3A_1460 = tpu.memref_squeeze %dma_start3A_1459 : memref<1x256xi32, #tpu.memory_space<hbm>> -> memref<256xi32, #tpu.memory_space<hbm>>
    tpu.enqueue_dma source(%dma_start3A_1460 : memref<256xi32, #tpu.memory_space<hbm>>) target(%arg10 : memref<256xi32, #tpu.memory_space<vmem>>) target_semaphore(%arg19 : memref<!tpu.dma_semaphore, #tpu.memory_space<semaphore_mem>>)
    %add3A_1461 = arith.constant 11 : i32
    %add3A_1462 = arith.addi %mul3A_2, %add3A_1461 : i32
    %jit3A_1463 = arith.constant 16 : i32
    %div3A_1464 = arith.divsi %add3A_1462, %jit3A_1463 : i32
    %sign3A_1465 = arith.constant 0 : i32
    %sign3A_1466 = arith.cmpi sgt, %add3A_1462, %sign3A_1465 : i32
    %sign3A_1467 = arith.extui %sign3A_1466 : i1 to i32
    %sign3A_1468 = arith.constant 0 : i32
    %sign3A_1469 = arith.cmpi slt, %add3A_1462, %sign3A_1468 : i32
    %sign3A_1470 = arith.extui %sign3A_1469 : i1 to i32
    %sign3A_1471 = arith.subi %sign3A_1467, %sign3A_1470 : i32
    %sign3A_1472 = arith.constant 0 : i32
    %sign3A_1473 = arith.cmpi sgt, %jit3A_1463, %sign3A_1472 : i32
    %sign3A_1474 = arith.extui %sign3A_1473 : i1 to i32
    %sign3A_1475 = arith.constant 0 : i32
    %sign3A_1476 = arith.cmpi slt, %jit3A_1463, %sign3A_1475 : i32
    %sign3A_1477 = arith.extui %sign3A_1476 : i1 to i32
    %sign3A_1478 = arith.subi %sign3A_1474, %sign3A_1477 : i32
    %ne3A_1479 = arith.cmpi ne, %sign3A_1471, %sign3A_1478 : i32
    %rem3A_1480 = arith.remsi %add3A_1462, %jit3A_1463 : i32
    %ne3A_1481 = arith.constant 0 : i32
    %ne3A_1482 = arith.cmpi ne, %rem3A_1480, %ne3A_1481 : i32
    %and3A_1483 = arith.andi %ne3A_1479, %ne3A_1482 : i1
    %sub3A_1484 = arith.constant 1 : i32
    %sub3A_1485 = arith.subi %div3A_1464, %sub3A_1484 : i32
    %select_n3A_1486 = arith.select %and3A_1483, %sub3A_1485, %div3A_1464 : i32
    %jit3A_1487 = arith.constant 16 : i32
    %eq3A_1488 = arith.constant 0 : i32
    %eq3A_1489 = arith.cmpi eq, %jit3A_1487, %eq3A_1488 : i32
    %jit3A_1490 = arith.constant 1 : i32
    %select_n3A_1491 = arith.select %eq3A_1489, %jit3A_1490, %jit3A_1487 : i32
    %rem3A_1492 = arith.remsi %add3A_1462, %select_n3A_1491 : i32
    %ne3A_1493 = arith.constant 0 : i32
    %ne3A_1494 = arith.cmpi ne, %rem3A_1492, %ne3A_1493 : i32
    %lt3A_1495 = arith.constant 0 : i32
    %lt3A_1496 = arith.cmpi slt, %rem3A_1492, %lt3A_1495 : i32
    %lt3A_1497 = arith.constant 0 : i32
    %lt3A_1498 = arith.cmpi slt, %select_n3A_1491, %lt3A_1497 : i32
    %ne3A_1499 = arith.xori %lt3A_1496, %lt3A_1498 : i1
    %and3A_1500 = arith.andi %ne3A_1499, %ne3A_1494 : i1
    %add3A_1501 = arith.addi %rem3A_1492, %select_n3A_1491 : i32
    %select_n3A_1502 = arith.select %and3A_1500, %add3A_1501, %rem3A_1492 : i32
    %mul3A_1503 = arith.constant 256 : i32
    %mul3A_1504 = arith.muli %select_n3A_1502, %mul3A_1503 : i32
    %dma_start3A_1505 = arith.constant 0 : i32
    %dma_start3A_1506 = tpu.memref_slice %arg4[%select_n3A_1486, %mul3A_1504, %dma_start3A_1505] : memref<50x4096x128xf32, #tpu.memory_space<hbm>> -> memref<1x256x128xf32, #tpu.memory_space<hbm>>
    %dma_start3A_1507 = tpu.memref_squeeze %dma_start3A_1506 : memref<1x256x128xf32, #tpu.memory_space<hbm>> -> memref<256x128xf32, #tpu.memory_space<hbm>>
    %dma_start3A_1508 = arith.constant 0 : i32
    %dma_start3A_1509 = tpu.memref_slice %arg4[%select_n3A_1486, %mul3A_1504, %dma_start3A_1508] : memref<50x4096x128xf32, #tpu.memory_space<hbm>> -> memref<1x256x128xf32, #tpu.memory_space<hbm>>
    %dma_start3A_1510 = tpu.memref_squeeze %dma_start3A_1509 : memref<1x256x128xf32, #tpu.memory_space<hbm>> -> memref<256x128xf32, #tpu.memory_space<hbm>>
    tpu.enqueue_dma source(%arg7 : memref<256x128xf32, #tpu.memory_space<vmem>>) target(%dma_start3A_1510 : memref<256x128xf32, #tpu.memory_space<hbm>>) target_semaphore(%arg16 : memref<!tpu.dma_semaphore, #tpu.memory_space<semaphore_mem>>)
    %dma_wait3A_1511 = arith.constant 0 : i32
    %dma_wait3A_1512 = tpu.memref_slice %arg4[%select_n3A_1486, %mul3A_1504, %dma_wait3A_1511] : memref<50x4096x128xf32, #tpu.memory_space<hbm>> -> memref<1x256x128xf32, #tpu.memory_space<hbm>>
    %dma_wait3A_1513 = tpu.memref_squeeze %dma_wait3A_1512 : memref<1x256x128xf32, #tpu.memory_space<hbm>> -> memref<256x128xf32, #tpu.memory_space<hbm>>
    %dma_wait3A_1514 = arith.constant 0 : i32
    %dma_wait3A_1515 = tpu.memref_slice %arg4[%select_n3A_1486, %mul3A_1504, %dma_wait3A_1514] : memref<50x4096x128xf32, #tpu.memory_space<hbm>> -> memref<1x256x128xf32, #tpu.memory_space<hbm>>
    %dma_wait3A_1516 = tpu.memref_squeeze %dma_wait3A_1515 : memref<1x256x128xf32, #tpu.memory_space<hbm>> -> memref<256x128xf32, #tpu.memory_space<hbm>>
    tpu.wait_dma2 semaphore(%arg16 : memref<!tpu.dma_semaphore, #tpu.memory_space<semaphore_mem>>) src(%arg7 : memref<256x128xf32, #tpu.memory_space<vmem>>) dst(%dma_wait3A_1516 : memref<256x128xf32, #tpu.memory_space<hbm>>)
    %dma_wait3A_1517 = tpu.memref_slice %arg3[%select_n3A_1438, %mul3A_1456] : memref<50x4096xi32, #tpu.memory_space<hbm>> -> memref<1x256xi32, #tpu.memory_space<hbm>>
    %dma_wait3A_1518 = tpu.memref_squeeze %dma_wait3A_1517 : memref<1x256xi32, #tpu.memory_space<hbm>> -> memref<256xi32, #tpu.memory_space<hbm>>
    %dma_wait3A_1519 = tpu.memref_slice %arg3[%select_n3A_1438, %mul3A_1456] : memref<50x4096xi32, #tpu.memory_space<hbm>> -> memref<1x256xi32, #tpu.memory_space<hbm>>
    %dma_wait3A_1520 = tpu.memref_squeeze %dma_wait3A_1519 : memref<1x256xi32, #tpu.memory_space<hbm>> -> memref<256xi32, #tpu.memory_space<hbm>>
    tpu.wait_dma2 semaphore(%arg19 : memref<!tpu.dma_semaphore, #tpu.memory_space<semaphore_mem>>) src(%dma_wait3A_1520 : memref<256xi32, #tpu.memory_space<hbm>>) dst(%arg10 : memref<256xi32, #tpu.memory_space<vmem>>)
    %dma_start3A_1521 = arith.constant 0 : i32
    %dma_start3A_1522 = arith.constant 0 : i32
    %dma_start3A_1523 = tpu.memref_slice %arg2[%dma_start3A_1521, %dma_start3A_1522] : memref<100000x128xf32, #tpu.memory_space<hbm>> -> memref<100000x128xf32, #tpu.memory_space<hbm>>
    tpu.enqueue_indirect_dma source(%dma_start3A_1523 : memref<100000x128xf32, #tpu.memory_space<hbm>>) target(%arg7 : memref<256x128xf32, #tpu.memory_space<vmem>>) offsets(%arg10 : memref<256xi32, #tpu.memory_space<vmem>>) semaphore(%arg13 : memref<!tpu.dma_semaphore, #tpu.memory_space<semaphore_mem>>)
    %dma_wait3A_1524 = arith.constant 0 : i32
    %dma_wait3A_1525 = arith.constant 0 : i32
    %dma_wait3A_1526 = tpu.memref_slice %arg2[%dma_wait3A_1524, %dma_wait3A_1525] : memref<100000x128xf32, #tpu.memory_space<hbm>> -> memref<100000x128xf32, #tpu.memory_space<hbm>>
    tpu.wait_indirect_dma semaphore(%arg11 : memref<!tpu.dma_semaphore, #tpu.memory_space<semaphore_mem>>) src(%dma_wait3A_1526 : memref<100000x128xf32, #tpu.memory_space<hbm>>) dst(%arg5 : memref<256x128xf32, #tpu.memory_space<vmem>>)
    %add3A_1527 = arith.constant 15 : i32
    %add3A_1528 = arith.addi %mul3A_2, %add3A_1527 : i32
    %jit3A_1529 = arith.constant 16 : i32
    %div3A_1530 = arith.divsi %add3A_1528, %jit3A_1529 : i32
    %sign3A_1531 = arith.constant 0 : i32
    %sign3A_1532 = arith.cmpi sgt, %add3A_1528, %sign3A_1531 : i32
    %sign3A_1533 = arith.extui %sign3A_1532 : i1 to i32
    %sign3A_1534 = arith.constant 0 : i32
    %sign3A_1535 = arith.cmpi slt, %add3A_1528, %sign3A_1534 : i32
    %sign3A_1536 = arith.extui %sign3A_1535 : i1 to i32
    %sign3A_1537 = arith.subi %sign3A_1533, %sign3A_1536 : i32
    %sign3A_1538 = arith.constant 0 : i32
    %sign3A_1539 = arith.cmpi sgt, %jit3A_1529, %sign3A_1538 : i32
    %sign3A_1540 = arith.extui %sign3A_1539 : i1 to i32
    %sign3A_1541 = arith.constant 0 : i32
    %sign3A_1542 = arith.cmpi slt, %jit3A_1529, %sign3A_1541 : i32
    %sign3A_1543 = arith.extui %sign3A_1542 : i1 to i32
    %sign3A_1544 = arith.subi %sign3A_1540, %sign3A_1543 : i32
    %ne3A_1545 = arith.cmpi ne, %sign3A_1537, %sign3A_1544 : i32
    %rem3A_1546 = arith.remsi %add3A_1528, %jit3A_1529 : i32
    %ne3A_1547 = arith.constant 0 : i32
    %ne3A_1548 = arith.cmpi ne, %rem3A_1546, %ne3A_1547 : i32
    %and3A_1549 = arith.andi %ne3A_1545, %ne3A_1548 : i1
    %sub3A_1550 = arith.constant 1 : i32
    %sub3A_1551 = arith.subi %div3A_1530, %sub3A_1550 : i32
    %select_n3A_1552 = arith.select %and3A_1549, %sub3A_1551, %div3A_1530 : i32
    %jit3A_1553 = arith.constant 16 : i32
    %eq3A_1554 = arith.constant 0 : i32
    %eq3A_1555 = arith.cmpi eq, %jit3A_1553, %eq3A_1554 : i32
    %jit3A_1556 = arith.constant 1 : i32
    %select_n3A_1557 = arith.select %eq3A_1555, %jit3A_1556, %jit3A_1553 : i32
    %rem3A_1558 = arith.remsi %add3A_1528, %select_n3A_1557 : i32
    %ne3A_1559 = arith.constant 0 : i32
    %ne3A_1560 = arith.cmpi ne, %rem3A_1558, %ne3A_1559 : i32
    %lt3A_1561 = arith.constant 0 : i32
    %lt3A_1562 = arith.cmpi slt, %rem3A_1558, %lt3A_1561 : i32
    %lt3A_1563 = arith.constant 0 : i32
    %lt3A_1564 = arith.cmpi slt, %select_n3A_1557, %lt3A_1563 : i32
    %ne3A_1565 = arith.xori %lt3A_1562, %lt3A_1564 : i1
    %and3A_1566 = arith.andi %ne3A_1565, %ne3A_1560 : i1
    %add3A_1567 = arith.addi %rem3A_1558, %select_n3A_1557 : i32
    %select_n3A_1568 = arith.select %and3A_1566, %add3A_1567, %rem3A_1558 : i32
    %mul3A_1569 = arith.constant 256 : i32
    %mul3A_1570 = arith.muli %select_n3A_1568, %mul3A_1569 : i32
    %dma_start3A_1571 = tpu.memref_slice %arg3[%select_n3A_1552, %mul3A_1570] : memref<50x4096xi32, #tpu.memory_space<hbm>> -> memref<1x256xi32, #tpu.memory_space<hbm>>
    %dma_start3A_1572 = tpu.memref_squeeze %dma_start3A_1571 : memref<1x256xi32, #tpu.memory_space<hbm>> -> memref<256xi32, #tpu.memory_space<hbm>>
    %dma_start3A_1573 = tpu.memref_slice %arg3[%select_n3A_1552, %mul3A_1570] : memref<50x4096xi32, #tpu.memory_space<hbm>> -> memref<1x256xi32, #tpu.memory_space<hbm>>
    %dma_start3A_1574 = tpu.memref_squeeze %dma_start3A_1573 : memref<1x256xi32, #tpu.memory_space<hbm>> -> memref<256xi32, #tpu.memory_space<hbm>>
    tpu.enqueue_dma source(%dma_start3A_1574 : memref<256xi32, #tpu.memory_space<hbm>>) target(%arg8 : memref<256xi32, #tpu.memory_space<vmem>>) target_semaphore(%arg17 : memref<!tpu.dma_semaphore, #tpu.memory_space<semaphore_mem>>)
    %add3A_1575 = arith.constant 12 : i32
    %add3A_1576 = arith.addi %mul3A_2, %add3A_1575 : i32
    %jit3A_1577 = arith.constant 16 : i32
    %div3A_1578 = arith.divsi %add3A_1576, %jit3A_1577 : i32
    %sign3A_1579 = arith.constant 0 : i32
    %sign3A_1580 = arith.cmpi sgt, %add3A_1576, %sign3A_1579 : i32
    %sign3A_1581 = arith.extui %sign3A_1580 : i1 to i32
    %sign3A_1582 = arith.constant 0 : i32
    %sign3A_1583 = arith.cmpi slt, %add3A_1576, %sign3A_1582 : i32
    %sign3A_1584 = arith.extui %sign3A_1583 : i1 to i32
    %sign3A_1585 = arith.subi %sign3A_1581, %sign3A_1584 : i32
    %sign3A_1586 = arith.constant 0 : i32
    %sign3A_1587 = arith.cmpi sgt, %jit3A_1577, %sign3A_1586 : i32
    %sign3A_1588 = arith.extui %sign3A_1587 : i1 to i32
    %sign3A_1589 = arith.constant 0 : i32
    %sign3A_1590 = arith.cmpi slt, %jit3A_1577, %sign3A_1589 : i32
    %sign3A_1591 = arith.extui %sign3A_1590 : i1 to i32
    %sign3A_1592 = arith.subi %sign3A_1588, %sign3A_1591 : i32
    %ne3A_1593 = arith.cmpi ne, %sign3A_1585, %sign3A_1592 : i32
    %rem3A_1594 = arith.remsi %add3A_1576, %jit3A_1577 : i32
    %ne3A_1595 = arith.constant 0 : i32
    %ne3A_1596 = arith.cmpi ne, %rem3A_1594, %ne3A_1595 : i32
    %and3A_1597 = arith.andi %ne3A_1593, %ne3A_1596 : i1
    %sub3A_1598 = arith.constant 1 : i32
    %sub3A_1599 = arith.subi %div3A_1578, %sub3A_1598 : i32
    %select_n3A_1600 = arith.select %and3A_1597, %sub3A_1599, %div3A_1578 : i32
    %jit3A_1601 = arith.constant 16 : i32
    %eq3A_1602 = arith.constant 0 : i32
    %eq3A_1603 = arith.cmpi eq, %jit3A_1601, %eq3A_1602 : i32
    %jit3A_1604 = arith.constant 1 : i32
    %select_n3A_1605 = arith.select %eq3A_1603, %jit3A_1604, %jit3A_1601 : i32
    %rem3A_1606 = arith.remsi %add3A_1576, %select_n3A_1605 : i32
    %ne3A_1607 = arith.constant 0 : i32
    %ne3A_1608 = arith.cmpi ne, %rem3A_1606, %ne3A_1607 : i32
    %lt3A_1609 = arith.constant 0 : i32
    %lt3A_1610 = arith.cmpi slt, %rem3A_1606, %lt3A_1609 : i32
    %lt3A_1611 = arith.constant 0 : i32
    %lt3A_1612 = arith.cmpi slt, %select_n3A_1605, %lt3A_1611 : i32
    %ne3A_1613 = arith.xori %lt3A_1610, %lt3A_1612 : i1
    %and3A_1614 = arith.andi %ne3A_1613, %ne3A_1608 : i1
    %add3A_1615 = arith.addi %rem3A_1606, %select_n3A_1605 : i32
    %select_n3A_1616 = arith.select %and3A_1614, %add3A_1615, %rem3A_1606 : i32
    %mul3A_1617 = arith.constant 256 : i32
    %mul3A_1618 = arith.muli %select_n3A_1616, %mul3A_1617 : i32
    %dma_start3A_1619 = arith.constant 0 : i32
    %dma_start3A_1620 = tpu.memref_slice %arg4[%select_n3A_1600, %mul3A_1618, %dma_start3A_1619] : memref<50x4096x128xf32, #tpu.memory_space<hbm>> -> memref<1x256x128xf32, #tpu.memory_space<hbm>>
    %dma_start3A_1621 = tpu.memref_squeeze %dma_start3A_1620 : memref<1x256x128xf32, #tpu.memory_space<hbm>> -> memref<256x128xf32, #tpu.memory_space<hbm>>
    %dma_start3A_1622 = arith.constant 0 : i32
    %dma_start3A_1623 = tpu.memref_slice %arg4[%select_n3A_1600, %mul3A_1618, %dma_start3A_1622] : memref<50x4096x128xf32, #tpu.memory_space<hbm>> -> memref<1x256x128xf32, #tpu.memory_space<hbm>>
    %dma_start3A_1624 = tpu.memref_squeeze %dma_start3A_1623 : memref<1x256x128xf32, #tpu.memory_space<hbm>> -> memref<256x128xf32, #tpu.memory_space<hbm>>
    tpu.enqueue_dma source(%arg5 : memref<256x128xf32, #tpu.memory_space<vmem>>) target(%dma_start3A_1624 : memref<256x128xf32, #tpu.memory_space<hbm>>) target_semaphore(%arg14 : memref<!tpu.dma_semaphore, #tpu.memory_space<semaphore_mem>>)
    %dma_wait3A_1625 = arith.constant 0 : i32
    %dma_wait3A_1626 = tpu.memref_slice %arg4[%select_n3A_1600, %mul3A_1618, %dma_wait3A_1625] : memref<50x4096x128xf32, #tpu.memory_space<hbm>> -> memref<1x256x128xf32, #tpu.memory_space<hbm>>
    %dma_wait3A_1627 = tpu.memref_squeeze %dma_wait3A_1626 : memref<1x256x128xf32, #tpu.memory_space<hbm>> -> memref<256x128xf32, #tpu.memory_space<hbm>>
    %dma_wait3A_1628 = arith.constant 0 : i32
    %dma_wait3A_1629 = tpu.memref_slice %arg4[%select_n3A_1600, %mul3A_1618, %dma_wait3A_1628] : memref<50x4096x128xf32, #tpu.memory_space<hbm>> -> memref<1x256x128xf32, #tpu.memory_space<hbm>>
    %dma_wait3A_1630 = tpu.memref_squeeze %dma_wait3A_1629 : memref<1x256x128xf32, #tpu.memory_space<hbm>> -> memref<256x128xf32, #tpu.memory_space<hbm>>
    tpu.wait_dma2 semaphore(%arg14 : memref<!tpu.dma_semaphore, #tpu.memory_space<semaphore_mem>>) src(%arg5 : memref<256x128xf32, #tpu.memory_space<vmem>>) dst(%dma_wait3A_1630 : memref<256x128xf32, #tpu.memory_space<hbm>>)
    %dma_wait3A_1631 = tpu.memref_slice %arg3[%select_n3A_1552, %mul3A_1570] : memref<50x4096xi32, #tpu.memory_space<hbm>> -> memref<1x256xi32, #tpu.memory_space<hbm>>
    %dma_wait3A_1632 = tpu.memref_squeeze %dma_wait3A_1631 : memref<1x256xi32, #tpu.memory_space<hbm>> -> memref<256xi32, #tpu.memory_space<hbm>>
    %dma_wait3A_1633 = tpu.memref_slice %arg3[%select_n3A_1552, %mul3A_1570] : memref<50x4096xi32, #tpu.memory_space<hbm>> -> memref<1x256xi32, #tpu.memory_space<hbm>>
    %dma_wait3A_1634 = tpu.memref_squeeze %dma_wait3A_1633 : memref<1x256xi32, #tpu.memory_space<hbm>> -> memref<256xi32, #tpu.memory_space<hbm>>
    tpu.wait_dma2 semaphore(%arg17 : memref<!tpu.dma_semaphore, #tpu.memory_space<semaphore_mem>>) src(%dma_wait3A_1634 : memref<256xi32, #tpu.memory_space<hbm>>) dst(%arg8 : memref<256xi32, #tpu.memory_space<vmem>>)
    %dma_start3A_1635 = arith.constant 0 : i32
    %dma_start3A_1636 = arith.constant 0 : i32
    %dma_start3A_1637 = tpu.memref_slice %arg2[%dma_start3A_1635, %dma_start3A_1636] : memref<100000x128xf32, #tpu.memory_space<hbm>> -> memref<100000x128xf32, #tpu.memory_space<hbm>>
    tpu.enqueue_indirect_dma source(%dma_start3A_1637 : memref<100000x128xf32, #tpu.memory_space<hbm>>) target(%arg5 : memref<256x128xf32, #tpu.memory_space<vmem>>) offsets(%arg8 : memref<256xi32, #tpu.memory_space<vmem>>) semaphore(%arg11 : memref<!tpu.dma_semaphore, #tpu.memory_space<semaphore_mem>>)
    %dma_wait3A_1638 = arith.constant 0 : i32
    %dma_wait3A_1639 = arith.constant 0 : i32
    %dma_wait3A_1640 = tpu.memref_slice %arg2[%dma_wait3A_1638, %dma_wait3A_1639] : memref<100000x128xf32, #tpu.memory_space<hbm>> -> memref<100000x128xf32, #tpu.memory_space<hbm>>
    tpu.wait_indirect_dma semaphore(%arg12 : memref<!tpu.dma_semaphore, #tpu.memory_space<semaphore_mem>>) src(%dma_wait3A_1640 : memref<100000x128xf32, #tpu.memory_space<hbm>>) dst(%arg6 : memref<256x128xf32, #tpu.memory_space<vmem>>)
    %add3A_1641 = arith.constant 16 : i32
    %add3A_1642 = arith.addi %mul3A_2, %add3A_1641 : i32
    %jit3A_1643 = arith.constant 16 : i32
    %div3A_1644 = arith.divsi %add3A_1642, %jit3A_1643 : i32
    %sign3A_1645 = arith.constant 0 : i32
    %sign3A_1646 = arith.cmpi sgt, %add3A_1642, %sign3A_1645 : i32
    %sign3A_1647 = arith.extui %sign3A_1646 : i1 to i32
    %sign3A_1648 = arith.constant 0 : i32
    %sign3A_1649 = arith.cmpi slt, %add3A_1642, %sign3A_1648 : i32
    %sign3A_1650 = arith.extui %sign3A_1649 : i1 to i32
    %sign3A_1651 = arith.subi %sign3A_1647, %sign3A_1650 : i32
    %sign3A_1652 = arith.constant 0 : i32
    %sign3A_1653 = arith.cmpi sgt, %jit3A_1643, %sign3A_1652 : i32
    %sign3A_1654 = arith.extui %sign3A_1653 : i1 to i32
    %sign3A_1655 = arith.constant 0 : i32
    %sign3A_1656 = arith.cmpi slt, %jit3A_1643, %sign3A_1655 : i32
    %sign3A_1657 = arith.extui %sign3A_1656 : i1 to i32
    %sign3A_1658 = arith.subi %sign3A_1654, %sign3A_1657 : i32
    %ne3A_1659 = arith.cmpi ne, %sign3A_1651, %sign3A_1658 : i32
    %rem3A_1660 = arith.remsi %add3A_1642, %jit3A_1643 : i32
    %ne3A_1661 = arith.constant 0 : i32
    %ne3A_1662 = arith.cmpi ne, %rem3A_1660, %ne3A_1661 : i32
    %and3A_1663 = arith.andi %ne3A_1659, %ne3A_1662 : i1
    %sub3A_1664 = arith.constant 1 : i32
    %sub3A_1665 = arith.subi %div3A_1644, %sub3A_1664 : i32
    %select_n3A_1666 = arith.select %and3A_1663, %sub3A_1665, %div3A_1644 : i32
    %jit3A_1667 = arith.constant 16 : i32
    %eq3A_1668 = arith.constant 0 : i32
    %eq3A_1669 = arith.cmpi eq, %jit3A_1667, %eq3A_1668 : i32
    %jit3A_1670 = arith.constant 1 : i32
    %select_n3A_1671 = arith.select %eq3A_1669, %jit3A_1670, %jit3A_1667 : i32
    %rem3A_1672 = arith.remsi %add3A_1642, %select_n3A_1671 : i32
    %ne3A_1673 = arith.constant 0 : i32
    %ne3A_1674 = arith.cmpi ne, %rem3A_1672, %ne3A_1673 : i32
    %lt3A_1675 = arith.constant 0 : i32
    %lt3A_1676 = arith.cmpi slt, %rem3A_1672, %lt3A_1675 : i32
    %lt3A_1677 = arith.constant 0 : i32
    %lt3A_1678 = arith.cmpi slt, %select_n3A_1671, %lt3A_1677 : i32
    %ne3A_1679 = arith.xori %lt3A_1676, %lt3A_1678 : i1
    %and3A_1680 = arith.andi %ne3A_1679, %ne3A_1674 : i1
    %add3A_1681 = arith.addi %rem3A_1672, %select_n3A_1671 : i32
    %select_n3A_1682 = arith.select %and3A_1680, %add3A_1681, %rem3A_1672 : i32
    %mul3A_1683 = arith.constant 256 : i32
    %mul3A_1684 = arith.muli %select_n3A_1682, %mul3A_1683 : i32
    %dma_start3A_1685 = tpu.memref_slice %arg3[%select_n3A_1666, %mul3A_1684] : memref<50x4096xi32, #tpu.memory_space<hbm>> -> memref<1x256xi32, #tpu.memory_space<hbm>>
    %dma_start3A_1686 = tpu.memref_squeeze %dma_start3A_1685 : memref<1x256xi32, #tpu.memory_space<hbm>> -> memref<256xi32, #tpu.memory_space<hbm>>
    %dma_start3A_1687 = tpu.memref_slice %arg3[%select_n3A_1666, %mul3A_1684] : memref<50x4096xi32, #tpu.memory_space<hbm>> -> memref<1x256xi32, #tpu.memory_space<hbm>>
    %dma_start3A_1688 = tpu.memref_squeeze %dma_start3A_1687 : memref<1x256xi32, #tpu.memory_space<hbm>> -> memref<256xi32, #tpu.memory_space<hbm>>
    tpu.enqueue_dma source(%dma_start3A_1688 : memref<256xi32, #tpu.memory_space<hbm>>) target(%arg9 : memref<256xi32, #tpu.memory_space<vmem>>) target_semaphore(%arg18 : memref<!tpu.dma_semaphore, #tpu.memory_space<semaphore_mem>>)
    %add3A_1689 = arith.constant 13 : i32
    %add3A_1690 = arith.addi %mul3A_2, %add3A_1689 : i32
    %jit3A_1691 = arith.constant 16 : i32
    %div3A_1692 = arith.divsi %add3A_1690, %jit3A_1691 : i32
    %sign3A_1693 = arith.constant 0 : i32
    %sign3A_1694 = arith.cmpi sgt, %add3A_1690, %sign3A_1693 : i32
    %sign3A_1695 = arith.extui %sign3A_1694 : i1 to i32
    %sign3A_1696 = arith.constant 0 : i32
    %sign3A_1697 = arith.cmpi slt, %add3A_1690, %sign3A_1696 : i32
    %sign3A_1698 = arith.extui %sign3A_1697 : i1 to i32
    %sign3A_1699 = arith.subi %sign3A_1695, %sign3A_1698 : i32
    %sign3A_1700 = arith.constant 0 : i32
    %sign3A_1701 = arith.cmpi sgt, %jit3A_1691, %sign3A_1700 : i32
    %sign3A_1702 = arith.extui %sign3A_1701 : i1 to i32
    %sign3A_1703 = arith.constant 0 : i32
    %sign3A_1704 = arith.cmpi slt, %jit3A_1691, %sign3A_1703 : i32
    %sign3A_1705 = arith.extui %sign3A_1704 : i1 to i32
    %sign3A_1706 = arith.subi %sign3A_1702, %sign3A_1705 : i32
    %ne3A_1707 = arith.cmpi ne, %sign3A_1699, %sign3A_1706 : i32
    %rem3A_1708 = arith.remsi %add3A_1690, %jit3A_1691 : i32
    %ne3A_1709 = arith.constant 0 : i32
    %ne3A_1710 = arith.cmpi ne, %rem3A_1708, %ne3A_1709 : i32
    %and3A_1711 = arith.andi %ne3A_1707, %ne3A_1710 : i1
    %sub3A_1712 = arith.constant 1 : i32
    %sub3A_1713 = arith.subi %div3A_1692, %sub3A_1712 : i32
    %select_n3A_1714 = arith.select %and3A_1711, %sub3A_1713, %div3A_1692 : i32
    %jit3A_1715 = arith.constant 16 : i32
    %eq3A_1716 = arith.constant 0 : i32
    %eq3A_1717 = arith.cmpi eq, %jit3A_1715, %eq3A_1716 : i32
    %jit3A_1718 = arith.constant 1 : i32
    %select_n3A_1719 = arith.select %eq3A_1717, %jit3A_1718, %jit3A_1715 : i32
    %rem3A_1720 = arith.remsi %add3A_1690, %select_n3A_1719 : i32
    %ne3A_1721 = arith.constant 0 : i32
    %ne3A_1722 = arith.cmpi ne, %rem3A_1720, %ne3A_1721 : i32
    %lt3A_1723 = arith.constant 0 : i32
    %lt3A_1724 = arith.cmpi slt, %rem3A_1720, %lt3A_1723 : i32
    %lt3A_1725 = arith.constant 0 : i32
    %lt3A_1726 = arith.cmpi slt, %select_n3A_1719, %lt3A_1725 : i32
    %ne3A_1727 = arith.xori %lt3A_1724, %lt3A_1726 : i1
    %and3A_1728 = arith.andi %ne3A_1727, %ne3A_1722 : i1
    %add3A_1729 = arith.addi %rem3A_1720, %select_n3A_1719 : i32
    %select_n3A_1730 = arith.select %and3A_1728, %add3A_1729, %rem3A_1720 : i32
    %mul3A_1731 = arith.constant 256 : i32
    %mul3A_1732 = arith.muli %select_n3A_1730, %mul3A_1731 : i32
    %dma_start3A_1733 = arith.constant 0 : i32
    %dma_start3A_1734 = tpu.memref_slice %arg4[%select_n3A_1714, %mul3A_1732, %dma_start3A_1733] : memref<50x4096x128xf32, #tpu.memory_space<hbm>> -> memref<1x256x128xf32, #tpu.memory_space<hbm>>
    %dma_start3A_1735 = tpu.memref_squeeze %dma_start3A_1734 : memref<1x256x128xf32, #tpu.memory_space<hbm>> -> memref<256x128xf32, #tpu.memory_space<hbm>>
    %dma_start3A_1736 = arith.constant 0 : i32
    %dma_start3A_1737 = tpu.memref_slice %arg4[%select_n3A_1714, %mul3A_1732, %dma_start3A_1736] : memref<50x4096x128xf32, #tpu.memory_space<hbm>> -> memref<1x256x128xf32, #tpu.memory_space<hbm>>
    %dma_start3A_1738 = tpu.memref_squeeze %dma_start3A_1737 : memref<1x256x128xf32, #tpu.memory_space<hbm>> -> memref<256x128xf32, #tpu.memory_space<hbm>>
    tpu.enqueue_dma source(%arg6 : memref<256x128xf32, #tpu.memory_space<vmem>>) target(%dma_start3A_1738 : memref<256x128xf32, #tpu.memory_space<hbm>>) target_semaphore(%arg15 : memref<!tpu.dma_semaphore, #tpu.memory_space<semaphore_mem>>)
    %dma_wait3A_1739 = arith.constant 0 : i32
    %dma_wait3A_1740 = tpu.memref_slice %arg4[%select_n3A_1714, %mul3A_1732, %dma_wait3A_1739] : memref<50x4096x128xf32, #tpu.memory_space<hbm>> -> memref<1x256x128xf32, #tpu.memory_space<hbm>>
    %dma_wait3A_1741 = tpu.memref_squeeze %dma_wait3A_1740 : memref<1x256x128xf32, #tpu.memory_space<hbm>> -> memref<256x128xf32, #tpu.memory_space<hbm>>
    %dma_wait3A_1742 = arith.constant 0 : i32
    %dma_wait3A_1743 = tpu.memref_slice %arg4[%select_n3A_1714, %mul3A_1732, %dma_wait3A_1742] : memref<50x4096x128xf32, #tpu.memory_space<hbm>> -> memref<1x256x128xf32, #tpu.memory_space<hbm>>
    %dma_wait3A_1744 = tpu.memref_squeeze %dma_wait3A_1743 : memref<1x256x128xf32, #tpu.memory_space<hbm>> -> memref<256x128xf32, #tpu.memory_space<hbm>>
    tpu.wait_dma2 semaphore(%arg15 : memref<!tpu.dma_semaphore, #tpu.memory_space<semaphore_mem>>) src(%arg6 : memref<256x128xf32, #tpu.memory_space<vmem>>) dst(%dma_wait3A_1744 : memref<256x128xf32, #tpu.memory_space<hbm>>)
    %dma_wait3A_1745 = tpu.memref_slice %arg3[%select_n3A_1666, %mul3A_1684] : memref<50x4096xi32, #tpu.memory_space<hbm>> -> memref<1x256xi32, #tpu.memory_space<hbm>>
    %dma_wait3A_1746 = tpu.memref_squeeze %dma_wait3A_1745 : memref<1x256xi32, #tpu.memory_space<hbm>> -> memref<256xi32, #tpu.memory_space<hbm>>
    %dma_wait3A_1747 = tpu.memref_slice %arg3[%select_n3A_1666, %mul3A_1684] : memref<50x4096xi32, #tpu.memory_space<hbm>> -> memref<1x256xi32, #tpu.memory_space<hbm>>
    %dma_wait3A_1748 = tpu.memref_squeeze %dma_wait3A_1747 : memref<1x256xi32, #tpu.memory_space<hbm>> -> memref<256xi32, #tpu.memory_space<hbm>>
    tpu.wait_dma2 semaphore(%arg18 : memref<!tpu.dma_semaphore, #tpu.memory_space<semaphore_mem>>) src(%dma_wait3A_1748 : memref<256xi32, #tpu.memory_space<hbm>>) dst(%arg9 : memref<256xi32, #tpu.memory_space<vmem>>)
    %dma_start3A_1749 = arith.constant 0 : i32
    %dma_start3A_1750 = arith.constant 0 : i32
    %dma_start3A_1751 = tpu.memref_slice %arg2[%dma_start3A_1749, %dma_start3A_1750] : memref<100000x128xf32, #tpu.memory_space<hbm>> -> memref<100000x128xf32, #tpu.memory_space<hbm>>
    tpu.enqueue_indirect_dma source(%dma_start3A_1751 : memref<100000x128xf32, #tpu.memory_space<hbm>>) target(%arg6 : memref<256x128xf32, #tpu.memory_space<vmem>>) offsets(%arg9 : memref<256xi32, #tpu.memory_space<vmem>>) semaphore(%arg12 : memref<!tpu.dma_semaphore, #tpu.memory_space<semaphore_mem>>)
    %dma_wait3A_1752 = arith.constant 0 : i32
    %dma_wait3A_1753 = arith.constant 0 : i32
    %dma_wait3A_1754 = tpu.memref_slice %arg2[%dma_wait3A_1752, %dma_wait3A_1753] : memref<100000x128xf32, #tpu.memory_space<hbm>> -> memref<100000x128xf32, #tpu.memory_space<hbm>>
    tpu.wait_indirect_dma semaphore(%arg13 : memref<!tpu.dma_semaphore, #tpu.memory_space<semaphore_mem>>) src(%dma_wait3A_1754 : memref<100000x128xf32, #tpu.memory_space<hbm>>) dst(%arg7 : memref<256x128xf32, #tpu.memory_space<vmem>>)
    %add3A_1755 = arith.constant 17 : i32
    %add3A_1756 = arith.addi %mul3A_2, %add3A_1755 : i32
    %jit3A_1757 = arith.constant 16 : i32
    %div3A_1758 = arith.divsi %add3A_1756, %jit3A_1757 : i32
    %sign3A_1759 = arith.constant 0 : i32
    %sign3A_1760 = arith.cmpi sgt, %add3A_1756, %sign3A_1759 : i32
    %sign3A_1761 = arith.extui %sign3A_1760 : i1 to i32
    %sign3A_1762 = arith.constant 0 : i32
    %sign3A_1763 = arith.cmpi slt, %add3A_1756, %sign3A_1762 : i32
    %sign3A_1764 = arith.extui %sign3A_1763 : i1 to i32
    %sign3A_1765 = arith.subi %sign3A_1761, %sign3A_1764 : i32
    %sign3A_1766 = arith.constant 0 : i32
    %sign3A_1767 = arith.cmpi sgt, %jit3A_1757, %sign3A_1766 : i32
    %sign3A_1768 = arith.extui %sign3A_1767 : i1 to i32
    %sign3A_1769 = arith.constant 0 : i32
    %sign3A_1770 = arith.cmpi slt, %jit3A_1757, %sign3A_1769 : i32
    %sign3A_1771 = arith.extui %sign3A_1770 : i1 to i32
    %sign3A_1772 = arith.subi %sign3A_1768, %sign3A_1771 : i32
    %ne3A_1773 = arith.cmpi ne, %sign3A_1765, %sign3A_1772 : i32
    %rem3A_1774 = arith.remsi %add3A_1756, %jit3A_1757 : i32
    %ne3A_1775 = arith.constant 0 : i32
    %ne3A_1776 = arith.cmpi ne, %rem3A_1774, %ne3A_1775 : i32
    %and3A_1777 = arith.andi %ne3A_1773, %ne3A_1776 : i1
    %sub3A_1778 = arith.constant 1 : i32
    %sub3A_1779 = arith.subi %div3A_1758, %sub3A_1778 : i32
    %select_n3A_1780 = arith.select %and3A_1777, %sub3A_1779, %div3A_1758 : i32
    %jit3A_1781 = arith.constant 16 : i32
    %eq3A_1782 = arith.constant 0 : i32
    %eq3A_1783 = arith.cmpi eq, %jit3A_1781, %eq3A_1782 : i32
    %jit3A_1784 = arith.constant 1 : i32
    %select_n3A_1785 = arith.select %eq3A_1783, %jit3A_1784, %jit3A_1781 : i32
    %rem3A_1786 = arith.remsi %add3A_1756, %select_n3A_1785 : i32
    %ne3A_1787 = arith.constant 0 : i32
    %ne3A_1788 = arith.cmpi ne, %rem3A_1786, %ne3A_1787 : i32
    %lt3A_1789 = arith.constant 0 : i32
    %lt3A_1790 = arith.cmpi slt, %rem3A_1786, %lt3A_1789 : i32
    %lt3A_1791 = arith.constant 0 : i32
    %lt3A_1792 = arith.cmpi slt, %select_n3A_1785, %lt3A_1791 : i32
    %ne3A_1793 = arith.xori %lt3A_1790, %lt3A_1792 : i1
    %and3A_1794 = arith.andi %ne3A_1793, %ne3A_1788 : i1
    %add3A_1795 = arith.addi %rem3A_1786, %select_n3A_1785 : i32
    %select_n3A_1796 = arith.select %and3A_1794, %add3A_1795, %rem3A_1786 : i32
    %mul3A_1797 = arith.constant 256 : i32
    %mul3A_1798 = arith.muli %select_n3A_1796, %mul3A_1797 : i32
    %dma_start3A_1799 = tpu.memref_slice %arg3[%select_n3A_1780, %mul3A_1798] : memref<50x4096xi32, #tpu.memory_space<hbm>> -> memref<1x256xi32, #tpu.memory_space<hbm>>
    %dma_start3A_1800 = tpu.memref_squeeze %dma_start3A_1799 : memref<1x256xi32, #tpu.memory_space<hbm>> -> memref<256xi32, #tpu.memory_space<hbm>>
    %dma_start3A_1801 = tpu.memref_slice %arg3[%select_n3A_1780, %mul3A_1798] : memref<50x4096xi32, #tpu.memory_space<hbm>> -> memref<1x256xi32, #tpu.memory_space<hbm>>
    %dma_start3A_1802 = tpu.memref_squeeze %dma_start3A_1801 : memref<1x256xi32, #tpu.memory_space<hbm>> -> memref<256xi32, #tpu.memory_space<hbm>>
    tpu.enqueue_dma source(%dma_start3A_1802 : memref<256xi32, #tpu.memory_space<hbm>>) target(%arg10 : memref<256xi32, #tpu.memory_space<vmem>>) target_semaphore(%arg19 : memref<!tpu.dma_semaphore, #tpu.memory_space<semaphore_mem>>)
    %add3A_1803 = arith.constant 14 : i32
    %add3A_1804 = arith.addi %mul3A_2, %add3A_1803 : i32
    %jit3A_1805 = arith.constant 16 : i32
    %div3A_1806 = arith.divsi %add3A_1804, %jit3A_1805 : i32
    %sign3A_1807 = arith.constant 0 : i32
    %sign3A_1808 = arith.cmpi sgt, %add3A_1804, %sign3A_1807 : i32
    %sign3A_1809 = arith.extui %sign3A_1808 : i1 to i32
    %sign3A_1810 = arith.constant 0 : i32
    %sign3A_1811 = arith.cmpi slt, %add3A_1804, %sign3A_1810 : i32
    %sign3A_1812 = arith.extui %sign3A_1811 : i1 to i32
    %sign3A_1813 = arith.subi %sign3A_1809, %sign3A_1812 : i32
    %sign3A_1814 = arith.constant 0 : i32
    %sign3A_1815 = arith.cmpi sgt, %jit3A_1805, %sign3A_1814 : i32
    %sign3A_1816 = arith.extui %sign3A_1815 : i1 to i32
    %sign3A_1817 = arith.constant 0 : i32
    %sign3A_1818 = arith.cmpi slt, %jit3A_1805, %sign3A_1817 : i32
    %sign3A_1819 = arith.extui %sign3A_1818 : i1 to i32
    %sign3A_1820 = arith.subi %sign3A_1816, %sign3A_1819 : i32
    %ne3A_1821 = arith.cmpi ne, %sign3A_1813, %sign3A_1820 : i32
    %rem3A_1822 = arith.remsi %add3A_1804, %jit3A_1805 : i32
    %ne3A_1823 = arith.constant 0 : i32
    %ne3A_1824 = arith.cmpi ne, %rem3A_1822, %ne3A_1823 : i32
    %and3A_1825 = arith.andi %ne3A_1821, %ne3A_1824 : i1
    %sub3A_1826 = arith.constant 1 : i32
    %sub3A_1827 = arith.subi %div3A_1806, %sub3A_1826 : i32
    %select_n3A_1828 = arith.select %and3A_1825, %sub3A_1827, %div3A_1806 : i32
    %jit3A_1829 = arith.constant 16 : i32
    %eq3A_1830 = arith.constant 0 : i32
    %eq3A_1831 = arith.cmpi eq, %jit3A_1829, %eq3A_1830 : i32
    %jit3A_1832 = arith.constant 1 : i32
    %select_n3A_1833 = arith.select %eq3A_1831, %jit3A_1832, %jit3A_1829 : i32
    %rem3A_1834 = arith.remsi %add3A_1804, %select_n3A_1833 : i32
    %ne3A_1835 = arith.constant 0 : i32
    %ne3A_1836 = arith.cmpi ne, %rem3A_1834, %ne3A_1835 : i32
    %lt3A_1837 = arith.constant 0 : i32
    %lt3A_1838 = arith.cmpi slt, %rem3A_1834, %lt3A_1837 : i32
    %lt3A_1839 = arith.constant 0 : i32
    %lt3A_1840 = arith.cmpi slt, %select_n3A_1833, %lt3A_1839 : i32
    %ne3A_1841 = arith.xori %lt3A_1838, %lt3A_1840 : i1
    %and3A_1842 = arith.andi %ne3A_1841, %ne3A_1836 : i1
    %add3A_1843 = arith.addi %rem3A_1834, %select_n3A_1833 : i32
    %select_n3A_1844 = arith.select %and3A_1842, %add3A_1843, %rem3A_1834 : i32
    %mul3A_1845 = arith.constant 256 : i32
    %mul3A_1846 = arith.muli %select_n3A_1844, %mul3A_1845 : i32
    %dma_start3A_1847 = arith.constant 0 : i32
    %dma_start3A_1848 = tpu.memref_slice %arg4[%select_n3A_1828, %mul3A_1846, %dma_start3A_1847] : memref<50x4096x128xf32, #tpu.memory_space<hbm>> -> memref<1x256x128xf32, #tpu.memory_space<hbm>>
    %dma_start3A_1849 = tpu.memref_squeeze %dma_start3A_1848 : memref<1x256x128xf32, #tpu.memory_space<hbm>> -> memref<256x128xf32, #tpu.memory_space<hbm>>
    %dma_start3A_1850 = arith.constant 0 : i32
    %dma_start3A_1851 = tpu.memref_slice %arg4[%select_n3A_1828, %mul3A_1846, %dma_start3A_1850] : memref<50x4096x128xf32, #tpu.memory_space<hbm>> -> memref<1x256x128xf32, #tpu.memory_space<hbm>>
    %dma_start3A_1852 = tpu.memref_squeeze %dma_start3A_1851 : memref<1x256x128xf32, #tpu.memory_space<hbm>> -> memref<256x128xf32, #tpu.memory_space<hbm>>
    tpu.enqueue_dma source(%arg7 : memref<256x128xf32, #tpu.memory_space<vmem>>) target(%dma_start3A_1852 : memref<256x128xf32, #tpu.memory_space<hbm>>) target_semaphore(%arg16 : memref<!tpu.dma_semaphore, #tpu.memory_space<semaphore_mem>>)
    %dma_wait3A_1853 = arith.constant 0 : i32
    %dma_wait3A_1854 = tpu.memref_slice %arg4[%select_n3A_1828, %mul3A_1846, %dma_wait3A_1853] : memref<50x4096x128xf32, #tpu.memory_space<hbm>> -> memref<1x256x128xf32, #tpu.memory_space<hbm>>
    %dma_wait3A_1855 = tpu.memref_squeeze %dma_wait3A_1854 : memref<1x256x128xf32, #tpu.memory_space<hbm>> -> memref<256x128xf32, #tpu.memory_space<hbm>>
    %dma_wait3A_1856 = arith.constant 0 : i32
    %dma_wait3A_1857 = tpu.memref_slice %arg4[%select_n3A_1828, %mul3A_1846, %dma_wait3A_1856] : memref<50x4096x128xf32, #tpu.memory_space<hbm>> -> memref<1x256x128xf32, #tpu.memory_space<hbm>>
    %dma_wait3A_1858 = tpu.memref_squeeze %dma_wait3A_1857 : memref<1x256x128xf32, #tpu.memory_space<hbm>> -> memref<256x128xf32, #tpu.memory_space<hbm>>
    tpu.wait_dma2 semaphore(%arg16 : memref<!tpu.dma_semaphore, #tpu.memory_space<semaphore_mem>>) src(%arg7 : memref<256x128xf32, #tpu.memory_space<vmem>>) dst(%dma_wait3A_1858 : memref<256x128xf32, #tpu.memory_space<hbm>>)
    %dma_wait3A_1859 = tpu.memref_slice %arg3[%select_n3A_1780, %mul3A_1798] : memref<50x4096xi32, #tpu.memory_space<hbm>> -> memref<1x256xi32, #tpu.memory_space<hbm>>
    %dma_wait3A_1860 = tpu.memref_squeeze %dma_wait3A_1859 : memref<1x256xi32, #tpu.memory_space<hbm>> -> memref<256xi32, #tpu.memory_space<hbm>>
    %dma_wait3A_1861 = tpu.memref_slice %arg3[%select_n3A_1780, %mul3A_1798] : memref<50x4096xi32, #tpu.memory_space<hbm>> -> memref<1x256xi32, #tpu.memory_space<hbm>>
    %dma_wait3A_1862 = tpu.memref_squeeze %dma_wait3A_1861 : memref<1x256xi32, #tpu.memory_space<hbm>> -> memref<256xi32, #tpu.memory_space<hbm>>
    tpu.wait_dma2 semaphore(%arg19 : memref<!tpu.dma_semaphore, #tpu.memory_space<semaphore_mem>>) src(%dma_wait3A_1862 : memref<256xi32, #tpu.memory_space<hbm>>) dst(%arg10 : memref<256xi32, #tpu.memory_space<vmem>>)
    %dma_start3A_1863 = arith.constant 0 : i32
    %dma_start3A_1864 = arith.constant 0 : i32
    %dma_start3A_1865 = tpu.memref_slice %arg2[%dma_start3A_1863, %dma_start3A_1864] : memref<100000x128xf32, #tpu.memory_space<hbm>> -> memref<100000x128xf32, #tpu.memory_space<hbm>>
    tpu.enqueue_indirect_dma source(%dma_start3A_1865 : memref<100000x128xf32, #tpu.memory_space<hbm>>) target(%arg7 : memref<256x128xf32, #tpu.memory_space<vmem>>) offsets(%arg10 : memref<256xi32, #tpu.memory_space<vmem>>) semaphore(%arg13 : memref<!tpu.dma_semaphore, #tpu.memory_space<semaphore_mem>>)
    %dma_wait3A_1866 = arith.constant 0 : i32
    %dma_wait3A_1867 = arith.constant 0 : i32
    %dma_wait3A_1868 = tpu.memref_slice %arg2[%dma_wait3A_1866, %dma_wait3A_1867] : memref<100000x128xf32, #tpu.memory_space<hbm>> -> memref<100000x128xf32, #tpu.memory_space<hbm>>
    tpu.wait_indirect_dma semaphore(%arg11 : memref<!tpu.dma_semaphore, #tpu.memory_space<semaphore_mem>>) src(%dma_wait3A_1868 : memref<100000x128xf32, #tpu.memory_space<hbm>>) dst(%arg5 : memref<256x128xf32, #tpu.memory_space<vmem>>)
    %add3A_1869 = arith.constant 18 : i32
    %add3A_1870 = arith.addi %mul3A_2, %add3A_1869 : i32
    %jit3A_1871 = arith.constant 16 : i32
    %div3A_1872 = arith.divsi %add3A_1870, %jit3A_1871 : i32
    %sign3A_1873 = arith.constant 0 : i32
    %sign3A_1874 = arith.cmpi sgt, %add3A_1870, %sign3A_1873 : i32
    %sign3A_1875 = arith.extui %sign3A_1874 : i1 to i32
    %sign3A_1876 = arith.constant 0 : i32
    %sign3A_1877 = arith.cmpi slt, %add3A_1870, %sign3A_1876 : i32
    %sign3A_1878 = arith.extui %sign3A_1877 : i1 to i32
    %sign3A_1879 = arith.subi %sign3A_1875, %sign3A_1878 : i32
    %sign3A_1880 = arith.constant 0 : i32
    %sign3A_1881 = arith.cmpi sgt, %jit3A_1871, %sign3A_1880 : i32
    %sign3A_1882 = arith.extui %sign3A_1881 : i1 to i32
    %sign3A_1883 = arith.constant 0 : i32
    %sign3A_1884 = arith.cmpi slt, %jit3A_1871, %sign3A_1883 : i32
    %sign3A_1885 = arith.extui %sign3A_1884 : i1 to i32
    %sign3A_1886 = arith.subi %sign3A_1882, %sign3A_1885 : i32
    %ne3A_1887 = arith.cmpi ne, %sign3A_1879, %sign3A_1886 : i32
    %rem3A_1888 = arith.remsi %add3A_1870, %jit3A_1871 : i32
    %ne3A_1889 = arith.constant 0 : i32
    %ne3A_1890 = arith.cmpi ne, %rem3A_1888, %ne3A_1889 : i32
    %and3A_1891 = arith.andi %ne3A_1887, %ne3A_1890 : i1
    %sub3A_1892 = arith.constant 1 : i32
    %sub3A_1893 = arith.subi %div3A_1872, %sub3A_1892 : i32
    %select_n3A_1894 = arith.select %and3A_1891, %sub3A_1893, %div3A_1872 : i32
    %jit3A_1895 = arith.constant 16 : i32
    %eq3A_1896 = arith.constant 0 : i32
    %eq3A_1897 = arith.cmpi eq, %jit3A_1895, %eq3A_1896 : i32
    %jit3A_1898 = arith.constant 1 : i32
    %select_n3A_1899 = arith.select %eq3A_1897, %jit3A_1898, %jit3A_1895 : i32
    %rem3A_1900 = arith.remsi %add3A_1870, %select_n3A_1899 : i32
    %ne3A_1901 = arith.constant 0 : i32
    %ne3A_1902 = arith.cmpi ne, %rem3A_1900, %ne3A_1901 : i32
    %lt3A_1903 = arith.constant 0 : i32
    %lt3A_1904 = arith.cmpi slt, %rem3A_1900, %lt3A_1903 : i32
    %lt3A_1905 = arith.constant 0 : i32
    %lt3A_1906 = arith.cmpi slt, %select_n3A_1899, %lt3A_1905 : i32
    %ne3A_1907 = arith.xori %lt3A_1904, %lt3A_1906 : i1
    %and3A_1908 = arith.andi %ne3A_1907, %ne3A_1902 : i1
    %add3A_1909 = arith.addi %rem3A_1900, %select_n3A_1899 : i32
    %select_n3A_1910 = arith.select %and3A_1908, %add3A_1909, %rem3A_1900 : i32
    %mul3A_1911 = arith.constant 256 : i32
    %mul3A_1912 = arith.muli %select_n3A_1910, %mul3A_1911 : i32
    %dma_start3A_1913 = tpu.memref_slice %arg3[%select_n3A_1894, %mul3A_1912] : memref<50x4096xi32, #tpu.memory_space<hbm>> -> memref<1x256xi32, #tpu.memory_space<hbm>>
    %dma_start3A_1914 = tpu.memref_squeeze %dma_start3A_1913 : memref<1x256xi32, #tpu.memory_space<hbm>> -> memref<256xi32, #tpu.memory_space<hbm>>
    %dma_start3A_1915 = tpu.memref_slice %arg3[%select_n3A_1894, %mul3A_1912] : memref<50x4096xi32, #tpu.memory_space<hbm>> -> memref<1x256xi32, #tpu.memory_space<hbm>>
    %dma_start3A_1916 = tpu.memref_squeeze %dma_start3A_1915 : memref<1x256xi32, #tpu.memory_space<hbm>> -> memref<256xi32, #tpu.memory_space<hbm>>
    tpu.enqueue_dma source(%dma_start3A_1916 : memref<256xi32, #tpu.memory_space<hbm>>) target(%arg8 : memref<256xi32, #tpu.memory_space<vmem>>) target_semaphore(%arg17 : memref<!tpu.dma_semaphore, #tpu.memory_space<semaphore_mem>>)
    %add3A_1917 = arith.constant 15 : i32
    %add3A_1918 = arith.addi %mul3A_2, %add3A_1917 : i32
    %jit3A_1919 = arith.constant 16 : i32
    %div3A_1920 = arith.divsi %add3A_1918, %jit3A_1919 : i32
    %sign3A_1921 = arith.constant 0 : i32
    %sign3A_1922 = arith.cmpi sgt, %add3A_1918, %sign3A_1921 : i32
    %sign3A_1923 = arith.extui %sign3A_1922 : i1 to i32
    %sign3A_1924 = arith.constant 0 : i32
    %sign3A_1925 = arith.cmpi slt, %add3A_1918, %sign3A_1924 : i32
    %sign3A_1926 = arith.extui %sign3A_1925 : i1 to i32
    %sign3A_1927 = arith.subi %sign3A_1923, %sign3A_1926 : i32
    %sign3A_1928 = arith.constant 0 : i32
    %sign3A_1929 = arith.cmpi sgt, %jit3A_1919, %sign3A_1928 : i32
    %sign3A_1930 = arith.extui %sign3A_1929 : i1 to i32
    %sign3A_1931 = arith.constant 0 : i32
    %sign3A_1932 = arith.cmpi slt, %jit3A_1919, %sign3A_1931 : i32
    %sign3A_1933 = arith.extui %sign3A_1932 : i1 to i32
    %sign3A_1934 = arith.subi %sign3A_1930, %sign3A_1933 : i32
    %ne3A_1935 = arith.cmpi ne, %sign3A_1927, %sign3A_1934 : i32
    %rem3A_1936 = arith.remsi %add3A_1918, %jit3A_1919 : i32
    %ne3A_1937 = arith.constant 0 : i32
    %ne3A_1938 = arith.cmpi ne, %rem3A_1936, %ne3A_1937 : i32
    %and3A_1939 = arith.andi %ne3A_1935, %ne3A_1938 : i1
    %sub3A_1940 = arith.constant 1 : i32
    %sub3A_1941 = arith.subi %div3A_1920, %sub3A_1940 : i32
    %select_n3A_1942 = arith.select %and3A_1939, %sub3A_1941, %div3A_1920 : i32
    %jit3A_1943 = arith.constant 16 : i32
    %eq3A_1944 = arith.constant 0 : i32
    %eq3A_1945 = arith.cmpi eq, %jit3A_1943, %eq3A_1944 : i32
    %jit3A_1946 = arith.constant 1 : i32
    %select_n3A_1947 = arith.select %eq3A_1945, %jit3A_1946, %jit3A_1943 : i32
    %rem3A_1948 = arith.remsi %add3A_1918, %select_n3A_1947 : i32
    %ne3A_1949 = arith.constant 0 : i32
    %ne3A_1950 = arith.cmpi ne, %rem3A_1948, %ne3A_1949 : i32
    %lt3A_1951 = arith.constant 0 : i32
    %lt3A_1952 = arith.cmpi slt, %rem3A_1948, %lt3A_1951 : i32
    %lt3A_1953 = arith.constant 0 : i32
    %lt3A_1954 = arith.cmpi slt, %select_n3A_1947, %lt3A_1953 : i32
    %ne3A_1955 = arith.xori %lt3A_1952, %lt3A_1954 : i1
    %and3A_1956 = arith.andi %ne3A_1955, %ne3A_1950 : i1
    %add3A_1957 = arith.addi %rem3A_1948, %select_n3A_1947 : i32
    %select_n3A_1958 = arith.select %and3A_1956, %add3A_1957, %rem3A_1948 : i32
    %mul3A_1959 = arith.constant 256 : i32
    %mul3A_1960 = arith.muli %select_n3A_1958, %mul3A_1959 : i32
    %dma_start3A_1961 = arith.constant 0 : i32
    %dma_start3A_1962 = tpu.memref_slice %arg4[%select_n3A_1942, %mul3A_1960, %dma_start3A_1961] : memref<50x4096x128xf32, #tpu.memory_space<hbm>> -> memref<1x256x128xf32, #tpu.memory_space<hbm>>
    %dma_start3A_1963 = tpu.memref_squeeze %dma_start3A_1962 : memref<1x256x128xf32, #tpu.memory_space<hbm>> -> memref<256x128xf32, #tpu.memory_space<hbm>>
    %dma_start3A_1964 = arith.constant 0 : i32
    %dma_start3A_1965 = tpu.memref_slice %arg4[%select_n3A_1942, %mul3A_1960, %dma_start3A_1964] : memref<50x4096x128xf32, #tpu.memory_space<hbm>> -> memref<1x256x128xf32, #tpu.memory_space<hbm>>
    %dma_start3A_1966 = tpu.memref_squeeze %dma_start3A_1965 : memref<1x256x128xf32, #tpu.memory_space<hbm>> -> memref<256x128xf32, #tpu.memory_space<hbm>>
    tpu.enqueue_dma source(%arg5 : memref<256x128xf32, #tpu.memory_space<vmem>>) target(%dma_start3A_1966 : memref<256x128xf32, #tpu.memory_space<hbm>>) target_semaphore(%arg14 : memref<!tpu.dma_semaphore, #tpu.memory_space<semaphore_mem>>)
    %dma_wait3A_1967 = arith.constant 0 : i32
    %dma_wait3A_1968 = tpu.memref_slice %arg4[%select_n3A_1942, %mul3A_1960, %dma_wait3A_1967] : memref<50x4096x128xf32, #tpu.memory_space<hbm>> -> memref<1x256x128xf32, #tpu.memory_space<hbm>>
    %dma_wait3A_1969 = tpu.memref_squeeze %dma_wait3A_1968 : memref<1x256x128xf32, #tpu.memory_space<hbm>> -> memref<256x128xf32, #tpu.memory_space<hbm>>
    %dma_wait3A_1970 = arith.constant 0 : i32
    %dma_wait3A_1971 = tpu.memref_slice %arg4[%select_n3A_1942, %mul3A_1960, %dma_wait3A_1970] : memref<50x4096x128xf32, #tpu.memory_space<hbm>> -> memref<1x256x128xf32, #tpu.memory_space<hbm>>
    %dma_wait3A_1972 = tpu.memref_squeeze %dma_wait3A_1971 : memref<1x256x128xf32, #tpu.memory_space<hbm>> -> memref<256x128xf32, #tpu.memory_space<hbm>>
    tpu.wait_dma2 semaphore(%arg14 : memref<!tpu.dma_semaphore, #tpu.memory_space<semaphore_mem>>) src(%arg5 : memref<256x128xf32, #tpu.memory_space<vmem>>) dst(%dma_wait3A_1972 : memref<256x128xf32, #tpu.memory_space<hbm>>)
    %dma_wait3A_1973 = tpu.memref_slice %arg3[%select_n3A_1894, %mul3A_1912] : memref<50x4096xi32, #tpu.memory_space<hbm>> -> memref<1x256xi32, #tpu.memory_space<hbm>>
    %dma_wait3A_1974 = tpu.memref_squeeze %dma_wait3A_1973 : memref<1x256xi32, #tpu.memory_space<hbm>> -> memref<256xi32, #tpu.memory_space<hbm>>
    %dma_wait3A_1975 = tpu.memref_slice %arg3[%select_n3A_1894, %mul3A_1912] : memref<50x4096xi32, #tpu.memory_space<hbm>> -> memref<1x256xi32, #tpu.memory_space<hbm>>
    %dma_wait3A_1976 = tpu.memref_squeeze %dma_wait3A_1975 : memref<1x256xi32, #tpu.memory_space<hbm>> -> memref<256xi32, #tpu.memory_space<hbm>>
    tpu.wait_dma2 semaphore(%arg17 : memref<!tpu.dma_semaphore, #tpu.memory_space<semaphore_mem>>) src(%dma_wait3A_1976 : memref<256xi32, #tpu.memory_space<hbm>>) dst(%arg8 : memref<256xi32, #tpu.memory_space<vmem>>)
    %dma_start3A_1977 = arith.constant 0 : i32
    %dma_start3A_1978 = arith.constant 0 : i32
    %dma_start3A_1979 = tpu.memref_slice %arg2[%dma_start3A_1977, %dma_start3A_1978] : memref<100000x128xf32, #tpu.memory_space<hbm>> -> memref<100000x128xf32, #tpu.memory_space<hbm>>
    tpu.enqueue_indirect_dma source(%dma_start3A_1979 : memref<100000x128xf32, #tpu.memory_space<hbm>>) target(%arg5 : memref<256x128xf32, #tpu.memory_space<vmem>>) offsets(%arg8 : memref<256xi32, #tpu.memory_space<vmem>>) semaphore(%arg11 : memref<!tpu.dma_semaphore, #tpu.memory_space<semaphore_mem>>)
    %dma_wait3A_1980 = arith.constant 0 : i32
    %dma_wait3A_1981 = arith.constant 0 : i32
    %dma_wait3A_1982 = tpu.memref_slice %arg2[%dma_wait3A_1980, %dma_wait3A_1981] : memref<100000x128xf32, #tpu.memory_space<hbm>> -> memref<100000x128xf32, #tpu.memory_space<hbm>>
    tpu.wait_indirect_dma semaphore(%arg12 : memref<!tpu.dma_semaphore, #tpu.memory_space<semaphore_mem>>) src(%dma_wait3A_1982 : memref<100000x128xf32, #tpu.memory_space<hbm>>) dst(%arg6 : memref<256x128xf32, #tpu.memory_space<vmem>>)
    %add3A_1983 = arith.constant 19 : i32
    %add3A_1984 = arith.addi %mul3A_2, %add3A_1983 : i32
    %jit3A_1985 = arith.constant 16 : i32
    %div3A_1986 = arith.divsi %add3A_1984, %jit3A_1985 : i32
    %sign3A_1987 = arith.constant 0 : i32
    %sign3A_1988 = arith.cmpi sgt, %add3A_1984, %sign3A_1987 : i32
    %sign3A_1989 = arith.extui %sign3A_1988 : i1 to i32
    %sign3A_1990 = arith.constant 0 : i32
    %sign3A_1991 = arith.cmpi slt, %add3A_1984, %sign3A_1990 : i32
    %sign3A_1992 = arith.extui %sign3A_1991 : i1 to i32
    %sign3A_1993 = arith.subi %sign3A_1989, %sign3A_1992 : i32
    %sign3A_1994 = arith.constant 0 : i32
    %sign3A_1995 = arith.cmpi sgt, %jit3A_1985, %sign3A_1994 : i32
    %sign3A_1996 = arith.extui %sign3A_1995 : i1 to i32
    %sign3A_1997 = arith.constant 0 : i32
    %sign3A_1998 = arith.cmpi slt, %jit3A_1985, %sign3A_1997 : i32
    %sign3A_1999 = arith.extui %sign3A_1998 : i1 to i32
    %sign3A_2000 = arith.subi %sign3A_1996, %sign3A_1999 : i32
    %ne3A_2001 = arith.cmpi ne, %sign3A_1993, %sign3A_2000 : i32
    %rem3A_2002 = arith.remsi %add3A_1984, %jit3A_1985 : i32
    %ne3A_2003 = arith.constant 0 : i32
    %ne3A_2004 = arith.cmpi ne, %rem3A_2002, %ne3A_2003 : i32
    %and3A_2005 = arith.andi %ne3A_2001, %ne3A_2004 : i1
    %sub3A_2006 = arith.constant 1 : i32
    %sub3A_2007 = arith.subi %div3A_1986, %sub3A_2006 : i32
    %select_n3A_2008 = arith.select %and3A_2005, %sub3A_2007, %div3A_1986 : i32
    %jit3A_2009 = arith.constant 16 : i32
    %eq3A_2010 = arith.constant 0 : i32
    %eq3A_2011 = arith.cmpi eq, %jit3A_2009, %eq3A_2010 : i32
    %jit3A_2012 = arith.constant 1 : i32
    %select_n3A_2013 = arith.select %eq3A_2011, %jit3A_2012, %jit3A_2009 : i32
    %rem3A_2014 = arith.remsi %add3A_1984, %select_n3A_2013 : i32
    %ne3A_2015 = arith.constant 0 : i32
    %ne3A_2016 = arith.cmpi ne, %rem3A_2014, %ne3A_2015 : i32
    %lt3A_2017 = arith.constant 0 : i32
    %lt3A_2018 = arith.cmpi slt, %rem3A_2014, %lt3A_2017 : i32
    %lt3A_2019 = arith.constant 0 : i32
    %lt3A_2020 = arith.cmpi slt, %select_n3A_2013, %lt3A_2019 : i32
    %ne3A_2021 = arith.xori %lt3A_2018, %lt3A_2020 : i1
    %and3A_2022 = arith.andi %ne3A_2021, %ne3A_2016 : i1
    %add3A_2023 = arith.addi %rem3A_2014, %select_n3A_2013 : i32
    %select_n3A_2024 = arith.select %and3A_2022, %add3A_2023, %rem3A_2014 : i32
    %mul3A_2025 = arith.constant 256 : i32
    %mul3A_2026 = arith.muli %select_n3A_2024, %mul3A_2025 : i32
    %dma_start3A_2027 = tpu.memref_slice %arg3[%select_n3A_2008, %mul3A_2026] : memref<50x4096xi32, #tpu.memory_space<hbm>> -> memref<1x256xi32, #tpu.memory_space<hbm>>
    %dma_start3A_2028 = tpu.memref_squeeze %dma_start3A_2027 : memref<1x256xi32, #tpu.memory_space<hbm>> -> memref<256xi32, #tpu.memory_space<hbm>>
    %dma_start3A_2029 = tpu.memref_slice %arg3[%select_n3A_2008, %mul3A_2026] : memref<50x4096xi32, #tpu.memory_space<hbm>> -> memref<1x256xi32, #tpu.memory_space<hbm>>
    %dma_start3A_2030 = tpu.memref_squeeze %dma_start3A_2029 : memref<1x256xi32, #tpu.memory_space<hbm>> -> memref<256xi32, #tpu.memory_space<hbm>>
    tpu.enqueue_dma source(%dma_start3A_2030 : memref<256xi32, #tpu.memory_space<hbm>>) target(%arg9 : memref<256xi32, #tpu.memory_space<vmem>>) target_semaphore(%arg18 : memref<!tpu.dma_semaphore, #tpu.memory_space<semaphore_mem>>)
    %add3A_2031 = arith.constant 16 : i32
    %add3A_2032 = arith.addi %mul3A_2, %add3A_2031 : i32
    %jit3A_2033 = arith.constant 16 : i32
    %div3A_2034 = arith.divsi %add3A_2032, %jit3A_2033 : i32
    %sign3A_2035 = arith.constant 0 : i32
    %sign3A_2036 = arith.cmpi sgt, %add3A_2032, %sign3A_2035 : i32
    %sign3A_2037 = arith.extui %sign3A_2036 : i1 to i32
    %sign3A_2038 = arith.constant 0 : i32
    %sign3A_2039 = arith.cmpi slt, %add3A_2032, %sign3A_2038 : i32
    %sign3A_2040 = arith.extui %sign3A_2039 : i1 to i32
    %sign3A_2041 = arith.subi %sign3A_2037, %sign3A_2040 : i32
    %sign3A_2042 = arith.constant 0 : i32
    %sign3A_2043 = arith.cmpi sgt, %jit3A_2033, %sign3A_2042 : i32
    %sign3A_2044 = arith.extui %sign3A_2043 : i1 to i32
    %sign3A_2045 = arith.constant 0 : i32
    %sign3A_2046 = arith.cmpi slt, %jit3A_2033, %sign3A_2045 : i32
    %sign3A_2047 = arith.extui %sign3A_2046 : i1 to i32
    %sign3A_2048 = arith.subi %sign3A_2044, %sign3A_2047 : i32
    %ne3A_2049 = arith.cmpi ne, %sign3A_2041, %sign3A_2048 : i32
    %rem3A_2050 = arith.remsi %add3A_2032, %jit3A_2033 : i32
    %ne3A_2051 = arith.constant 0 : i32
    %ne3A_2052 = arith.cmpi ne, %rem3A_2050, %ne3A_2051 : i32
    %and3A_2053 = arith.andi %ne3A_2049, %ne3A_2052 : i1
    %sub3A_2054 = arith.constant 1 : i32
    %sub3A_2055 = arith.subi %div3A_2034, %sub3A_2054 : i32
    %select_n3A_2056 = arith.select %and3A_2053, %sub3A_2055, %div3A_2034 : i32
    %jit3A_2057 = arith.constant 16 : i32
    %eq3A_2058 = arith.constant 0 : i32
    %eq3A_2059 = arith.cmpi eq, %jit3A_2057, %eq3A_2058 : i32
    %jit3A_2060 = arith.constant 1 : i32
    %select_n3A_2061 = arith.select %eq3A_2059, %jit3A_2060, %jit3A_2057 : i32
    %rem3A_2062 = arith.remsi %add3A_2032, %select_n3A_2061 : i32
    %ne3A_2063 = arith.constant 0 : i32
    %ne3A_2064 = arith.cmpi ne, %rem3A_2062, %ne3A_2063 : i32
    %lt3A_2065 = arith.constant 0 : i32
    %lt3A_2066 = arith.cmpi slt, %rem3A_2062, %lt3A_2065 : i32
    %lt3A_2067 = arith.constant 0 : i32
    %lt3A_2068 = arith.cmpi slt, %select_n3A_2061, %lt3A_2067 : i32
    %ne3A_2069 = arith.xori %lt3A_2066, %lt3A_2068 : i1
    %and3A_2070 = arith.andi %ne3A_2069, %ne3A_2064 : i1
    %add3A_2071 = arith.addi %rem3A_2062, %select_n3A_2061 : i32
    %select_n3A_2072 = arith.select %and3A_2070, %add3A_2071, %rem3A_2062 : i32
    %mul3A_2073 = arith.constant 256 : i32
    %mul3A_2074 = arith.muli %select_n3A_2072, %mul3A_2073 : i32
    %dma_start3A_2075 = arith.constant 0 : i32
    %dma_start3A_2076 = tpu.memref_slice %arg4[%select_n3A_2056, %mul3A_2074, %dma_start3A_2075] : memref<50x4096x128xf32, #tpu.memory_space<hbm>> -> memref<1x256x128xf32, #tpu.memory_space<hbm>>
    %dma_start3A_2077 = tpu.memref_squeeze %dma_start3A_2076 : memref<1x256x128xf32, #tpu.memory_space<hbm>> -> memref<256x128xf32, #tpu.memory_space<hbm>>
    %dma_start3A_2078 = arith.constant 0 : i32
    %dma_start3A_2079 = tpu.memref_slice %arg4[%select_n3A_2056, %mul3A_2074, %dma_start3A_2078] : memref<50x4096x128xf32, #tpu.memory_space<hbm>> -> memref<1x256x128xf32, #tpu.memory_space<hbm>>
    %dma_start3A_2080 = tpu.memref_squeeze %dma_start3A_2079 : memref<1x256x128xf32, #tpu.memory_space<hbm>> -> memref<256x128xf32, #tpu.memory_space<hbm>>
    tpu.enqueue_dma source(%arg6 : memref<256x128xf32, #tpu.memory_space<vmem>>) target(%dma_start3A_2080 : memref<256x128xf32, #tpu.memory_space<hbm>>) target_semaphore(%arg15 : memref<!tpu.dma_semaphore, #tpu.memory_space<semaphore_mem>>)
    %dma_wait3A_2081 = arith.constant 0 : i32
    %dma_wait3A_2082 = tpu.memref_slice %arg4[%select_n3A_2056, %mul3A_2074, %dma_wait3A_2081] : memref<50x4096x128xf32, #tpu.memory_space<hbm>> -> memref<1x256x128xf32, #tpu.memory_space<hbm>>
    %dma_wait3A_2083 = tpu.memref_squeeze %dma_wait3A_2082 : memref<1x256x128xf32, #tpu.memory_space<hbm>> -> memref<256x128xf32, #tpu.memory_space<hbm>>
    %dma_wait3A_2084 = arith.constant 0 : i32
    %dma_wait3A_2085 = tpu.memref_slice %arg4[%select_n3A_2056, %mul3A_2074, %dma_wait3A_2084] : memref<50x4096x128xf32, #tpu.memory_space<hbm>> -> memref<1x256x128xf32, #tpu.memory_space<hbm>>
    %dma_wait3A_2086 = tpu.memref_squeeze %dma_wait3A_2085 : memref<1x256x128xf32, #tpu.memory_space<hbm>> -> memref<256x128xf32, #tpu.memory_space<hbm>>
    tpu.wait_dma2 semaphore(%arg15 : memref<!tpu.dma_semaphore, #tpu.memory_space<semaphore_mem>>) src(%arg6 : memref<256x128xf32, #tpu.memory_space<vmem>>) dst(%dma_wait3A_2086 : memref<256x128xf32, #tpu.memory_space<hbm>>)
    %dma_wait3A_2087 = tpu.memref_slice %arg3[%select_n3A_2008, %mul3A_2026] : memref<50x4096xi32, #tpu.memory_space<hbm>> -> memref<1x256xi32, #tpu.memory_space<hbm>>
    %dma_wait3A_2088 = tpu.memref_squeeze %dma_wait3A_2087 : memref<1x256xi32, #tpu.memory_space<hbm>> -> memref<256xi32, #tpu.memory_space<hbm>>
    %dma_wait3A_2089 = tpu.memref_slice %arg3[%select_n3A_2008, %mul3A_2026] : memref<50x4096xi32, #tpu.memory_space<hbm>> -> memref<1x256xi32, #tpu.memory_space<hbm>>
    %dma_wait3A_2090 = tpu.memref_squeeze %dma_wait3A_2089 : memref<1x256xi32, #tpu.memory_space<hbm>> -> memref<256xi32, #tpu.memory_space<hbm>>
    tpu.wait_dma2 semaphore(%arg18 : memref<!tpu.dma_semaphore, #tpu.memory_space<semaphore_mem>>) src(%dma_wait3A_2090 : memref<256xi32, #tpu.memory_space<hbm>>) dst(%arg9 : memref<256xi32, #tpu.memory_space<vmem>>)
    %dma_start3A_2091 = arith.constant 0 : i32
    %dma_start3A_2092 = arith.constant 0 : i32
    %dma_start3A_2093 = tpu.memref_slice %arg2[%dma_start3A_2091, %dma_start3A_2092] : memref<100000x128xf32, #tpu.memory_space<hbm>> -> memref<100000x128xf32, #tpu.memory_space<hbm>>
    tpu.enqueue_indirect_dma source(%dma_start3A_2093 : memref<100000x128xf32, #tpu.memory_space<hbm>>) target(%arg6 : memref<256x128xf32, #tpu.memory_space<vmem>>) offsets(%arg9 : memref<256xi32, #tpu.memory_space<vmem>>) semaphore(%arg12 : memref<!tpu.dma_semaphore, #tpu.memory_space<semaphore_mem>>)
    %dma_wait3A_2094 = arith.constant 0 : i32
    %dma_wait3A_2095 = arith.constant 0 : i32
    %dma_wait3A_2096 = tpu.memref_slice %arg2[%dma_wait3A_2094, %dma_wait3A_2095] : memref<100000x128xf32, #tpu.memory_space<hbm>> -> memref<100000x128xf32, #tpu.memory_space<hbm>>
    tpu.wait_indirect_dma semaphore(%arg13 : memref<!tpu.dma_semaphore, #tpu.memory_space<semaphore_mem>>) src(%dma_wait3A_2096 : memref<100000x128xf32, #tpu.memory_space<hbm>>) dst(%arg7 : memref<256x128xf32, #tpu.memory_space<vmem>>)
    %add3A_2097 = arith.constant 20 : i32
    %add3A_2098 = arith.addi %mul3A_2, %add3A_2097 : i32
    %jit3A_2099 = arith.constant 16 : i32
    %div3A_2100 = arith.divsi %add3A_2098, %jit3A_2099 : i32
    %sign3A_2101 = arith.constant 0 : i32
    %sign3A_2102 = arith.cmpi sgt, %add3A_2098, %sign3A_2101 : i32
    %sign3A_2103 = arith.extui %sign3A_2102 : i1 to i32
    %sign3A_2104 = arith.constant 0 : i32
    %sign3A_2105 = arith.cmpi slt, %add3A_2098, %sign3A_2104 : i32
    %sign3A_2106 = arith.extui %sign3A_2105 : i1 to i32
    %sign3A_2107 = arith.subi %sign3A_2103, %sign3A_2106 : i32
    %sign3A_2108 = arith.constant 0 : i32
    %sign3A_2109 = arith.cmpi sgt, %jit3A_2099, %sign3A_2108 : i32
    %sign3A_2110 = arith.extui %sign3A_2109 : i1 to i32
    %sign3A_2111 = arith.constant 0 : i32
    %sign3A_2112 = arith.cmpi slt, %jit3A_2099, %sign3A_2111 : i32
    %sign3A_2113 = arith.extui %sign3A_2112 : i1 to i32
    %sign3A_2114 = arith.subi %sign3A_2110, %sign3A_2113 : i32
    %ne3A_2115 = arith.cmpi ne, %sign3A_2107, %sign3A_2114 : i32
    %rem3A_2116 = arith.remsi %add3A_2098, %jit3A_2099 : i32
    %ne3A_2117 = arith.constant 0 : i32
    %ne3A_2118 = arith.cmpi ne, %rem3A_2116, %ne3A_2117 : i32
    %and3A_2119 = arith.andi %ne3A_2115, %ne3A_2118 : i1
    %sub3A_2120 = arith.constant 1 : i32
    %sub3A_2121 = arith.subi %div3A_2100, %sub3A_2120 : i32
    %select_n3A_2122 = arith.select %and3A_2119, %sub3A_2121, %div3A_2100 : i32
    %jit3A_2123 = arith.constant 16 : i32
    %eq3A_2124 = arith.constant 0 : i32
    %eq3A_2125 = arith.cmpi eq, %jit3A_2123, %eq3A_2124 : i32
    %jit3A_2126 = arith.constant 1 : i32
    %select_n3A_2127 = arith.select %eq3A_2125, %jit3A_2126, %jit3A_2123 : i32
    %rem3A_2128 = arith.remsi %add3A_2098, %select_n3A_2127 : i32
    %ne3A_2129 = arith.constant 0 : i32
    %ne3A_2130 = arith.cmpi ne, %rem3A_2128, %ne3A_2129 : i32
    %lt3A_2131 = arith.constant 0 : i32
    %lt3A_2132 = arith.cmpi slt, %rem3A_2128, %lt3A_2131 : i32
    %lt3A_2133 = arith.constant 0 : i32
    %lt3A_2134 = arith.cmpi slt, %select_n3A_2127, %lt3A_2133 : i32
    %ne3A_2135 = arith.xori %lt3A_2132, %lt3A_2134 : i1
    %and3A_2136 = arith.andi %ne3A_2135, %ne3A_2130 : i1
    %add3A_2137 = arith.addi %rem3A_2128, %select_n3A_2127 : i32
    %select_n3A_2138 = arith.select %and3A_2136, %add3A_2137, %rem3A_2128 : i32
    %mul3A_2139 = arith.constant 256 : i32
    %mul3A_2140 = arith.muli %select_n3A_2138, %mul3A_2139 : i32
    %dma_start3A_2141 = tpu.memref_slice %arg3[%select_n3A_2122, %mul3A_2140] : memref<50x4096xi32, #tpu.memory_space<hbm>> -> memref<1x256xi32, #tpu.memory_space<hbm>>
    %dma_start3A_2142 = tpu.memref_squeeze %dma_start3A_2141 : memref<1x256xi32, #tpu.memory_space<hbm>> -> memref<256xi32, #tpu.memory_space<hbm>>
    %dma_start3A_2143 = tpu.memref_slice %arg3[%select_n3A_2122, %mul3A_2140] : memref<50x4096xi32, #tpu.memory_space<hbm>> -> memref<1x256xi32, #tpu.memory_space<hbm>>
    %dma_start3A_2144 = tpu.memref_squeeze %dma_start3A_2143 : memref<1x256xi32, #tpu.memory_space<hbm>> -> memref<256xi32, #tpu.memory_space<hbm>>
    tpu.enqueue_dma source(%dma_start3A_2144 : memref<256xi32, #tpu.memory_space<hbm>>) target(%arg10 : memref<256xi32, #tpu.memory_space<vmem>>) target_semaphore(%arg19 : memref<!tpu.dma_semaphore, #tpu.memory_space<semaphore_mem>>)
    %add3A_2145 = arith.constant 17 : i32
    %add3A_2146 = arith.addi %mul3A_2, %add3A_2145 : i32
    %jit3A_2147 = arith.constant 16 : i32
    %div3A_2148 = arith.divsi %add3A_2146, %jit3A_2147 : i32
    %sign3A_2149 = arith.constant 0 : i32
    %sign3A_2150 = arith.cmpi sgt, %add3A_2146, %sign3A_2149 : i32
    %sign3A_2151 = arith.extui %sign3A_2150 : i1 to i32
    %sign3A_2152 = arith.constant 0 : i32
    %sign3A_2153 = arith.cmpi slt, %add3A_2146, %sign3A_2152 : i32
    %sign3A_2154 = arith.extui %sign3A_2153 : i1 to i32
    %sign3A_2155 = arith.subi %sign3A_2151, %sign3A_2154 : i32
    %sign3A_2156 = arith.constant 0 : i32
    %sign3A_2157 = arith.cmpi sgt, %jit3A_2147, %sign3A_2156 : i32
    %sign3A_2158 = arith.extui %sign3A_2157 : i1 to i32
    %sign3A_2159 = arith.constant 0 : i32
    %sign3A_2160 = arith.cmpi slt, %jit3A_2147, %sign3A_2159 : i32
    %sign3A_2161 = arith.extui %sign3A_2160 : i1 to i32
    %sign3A_2162 = arith.subi %sign3A_2158, %sign3A_2161 : i32
    %ne3A_2163 = arith.cmpi ne, %sign3A_2155, %sign3A_2162 : i32
    %rem3A_2164 = arith.remsi %add3A_2146, %jit3A_2147 : i32
    %ne3A_2165 = arith.constant 0 : i32
    %ne3A_2166 = arith.cmpi ne, %rem3A_2164, %ne3A_2165 : i32
    %and3A_2167 = arith.andi %ne3A_2163, %ne3A_2166 : i1
    %sub3A_2168 = arith.constant 1 : i32
    %sub3A_2169 = arith.subi %div3A_2148, %sub3A_2168 : i32
    %select_n3A_2170 = arith.select %and3A_2167, %sub3A_2169, %div3A_2148 : i32
    %jit3A_2171 = arith.constant 16 : i32
    %eq3A_2172 = arith.constant 0 : i32
    %eq3A_2173 = arith.cmpi eq, %jit3A_2171, %eq3A_2172 : i32
    %jit3A_2174 = arith.constant 1 : i32
    %select_n3A_2175 = arith.select %eq3A_2173, %jit3A_2174, %jit3A_2171 : i32
    %rem3A_2176 = arith.remsi %add3A_2146, %select_n3A_2175 : i32
    %ne3A_2177 = arith.constant 0 : i32
    %ne3A_2178 = arith.cmpi ne, %rem3A_2176, %ne3A_2177 : i32
    %lt3A_2179 = arith.constant 0 : i32
    %lt3A_2180 = arith.cmpi slt, %rem3A_2176, %lt3A_2179 : i32
    %lt3A_2181 = arith.constant 0 : i32
    %lt3A_2182 = arith.cmpi slt, %select_n3A_2175, %lt3A_2181 : i32
    %ne3A_2183 = arith.xori %lt3A_2180, %lt3A_2182 : i1
    %and3A_2184 = arith.andi %ne3A_2183, %ne3A_2178 : i1
    %add3A_2185 = arith.addi %rem3A_2176, %select_n3A_2175 : i32
    %select_n3A_2186 = arith.select %and3A_2184, %add3A_2185, %rem3A_2176 : i32
    %mul3A_2187 = arith.constant 256 : i32
    %mul3A_2188 = arith.muli %select_n3A_2186, %mul3A_2187 : i32
    %dma_start3A_2189 = arith.constant 0 : i32
    %dma_start3A_2190 = tpu.memref_slice %arg4[%select_n3A_2170, %mul3A_2188, %dma_start3A_2189] : memref<50x4096x128xf32, #tpu.memory_space<hbm>> -> memref<1x256x128xf32, #tpu.memory_space<hbm>>
    %dma_start3A_2191 = tpu.memref_squeeze %dma_start3A_2190 : memref<1x256x128xf32, #tpu.memory_space<hbm>> -> memref<256x128xf32, #tpu.memory_space<hbm>>
    %dma_start3A_2192 = arith.constant 0 : i32
    %dma_start3A_2193 = tpu.memref_slice %arg4[%select_n3A_2170, %mul3A_2188, %dma_start3A_2192] : memref<50x4096x128xf32, #tpu.memory_space<hbm>> -> memref<1x256x128xf32, #tpu.memory_space<hbm>>
    %dma_start3A_2194 = tpu.memref_squeeze %dma_start3A_2193 : memref<1x256x128xf32, #tpu.memory_space<hbm>> -> memref<256x128xf32, #tpu.memory_space<hbm>>
    tpu.enqueue_dma source(%arg7 : memref<256x128xf32, #tpu.memory_space<vmem>>) target(%dma_start3A_2194 : memref<256x128xf32, #tpu.memory_space<hbm>>) target_semaphore(%arg16 : memref<!tpu.dma_semaphore, #tpu.memory_space<semaphore_mem>>)
    %dma_wait3A_2195 = arith.constant 0 : i32
    %dma_wait3A_2196 = tpu.memref_slice %arg4[%select_n3A_2170, %mul3A_2188, %dma_wait3A_2195] : memref<50x4096x128xf32, #tpu.memory_space<hbm>> -> memref<1x256x128xf32, #tpu.memory_space<hbm>>
    %dma_wait3A_2197 = tpu.memref_squeeze %dma_wait3A_2196 : memref<1x256x128xf32, #tpu.memory_space<hbm>> -> memref<256x128xf32, #tpu.memory_space<hbm>>
    %dma_wait3A_2198 = arith.constant 0 : i32
    %dma_wait3A_2199 = tpu.memref_slice %arg4[%select_n3A_2170, %mul3A_2188, %dma_wait3A_2198] : memref<50x4096x128xf32, #tpu.memory_space<hbm>> -> memref<1x256x128xf32, #tpu.memory_space<hbm>>
    %dma_wait3A_2200 = tpu.memref_squeeze %dma_wait3A_2199 : memref<1x256x128xf32, #tpu.memory_space<hbm>> -> memref<256x128xf32, #tpu.memory_space<hbm>>
    tpu.wait_dma2 semaphore(%arg16 : memref<!tpu.dma_semaphore, #tpu.memory_space<semaphore_mem>>) src(%arg7 : memref<256x128xf32, #tpu.memory_space<vmem>>) dst(%dma_wait3A_2200 : memref<256x128xf32, #tpu.memory_space<hbm>>)
    %dma_wait3A_2201 = tpu.memref_slice %arg3[%select_n3A_2122, %mul3A_2140] : memref<50x4096xi32, #tpu.memory_space<hbm>> -> memref<1x256xi32, #tpu.memory_space<hbm>>
    %dma_wait3A_2202 = tpu.memref_squeeze %dma_wait3A_2201 : memref<1x256xi32, #tpu.memory_space<hbm>> -> memref<256xi32, #tpu.memory_space<hbm>>
    %dma_wait3A_2203 = tpu.memref_slice %arg3[%select_n3A_2122, %mul3A_2140] : memref<50x4096xi32, #tpu.memory_space<hbm>> -> memref<1x256xi32, #tpu.memory_space<hbm>>
    %dma_wait3A_2204 = tpu.memref_squeeze %dma_wait3A_2203 : memref<1x256xi32, #tpu.memory_space<hbm>> -> memref<256xi32, #tpu.memory_space<hbm>>
    tpu.wait_dma2 semaphore(%arg19 : memref<!tpu.dma_semaphore, #tpu.memory_space<semaphore_mem>>) src(%dma_wait3A_2204 : memref<256xi32, #tpu.memory_space<hbm>>) dst(%arg10 : memref<256xi32, #tpu.memory_space<vmem>>)
    %dma_start3A_2205 = arith.constant 0 : i32
    %dma_start3A_2206 = arith.constant 0 : i32
    %dma_start3A_2207 = tpu.memref_slice %arg2[%dma_start3A_2205, %dma_start3A_2206] : memref<100000x128xf32, #tpu.memory_space<hbm>> -> memref<100000x128xf32, #tpu.memory_space<hbm>>
    tpu.enqueue_indirect_dma source(%dma_start3A_2207 : memref<100000x128xf32, #tpu.memory_space<hbm>>) target(%arg7 : memref<256x128xf32, #tpu.memory_space<vmem>>) offsets(%arg10 : memref<256xi32, #tpu.memory_space<vmem>>) semaphore(%arg13 : memref<!tpu.dma_semaphore, #tpu.memory_space<semaphore_mem>>)
    %dma_wait3A_2208 = arith.constant 0 : i32
    %dma_wait3A_2209 = arith.constant 0 : i32
    %dma_wait3A_2210 = tpu.memref_slice %arg2[%dma_wait3A_2208, %dma_wait3A_2209] : memref<100000x128xf32, #tpu.memory_space<hbm>> -> memref<100000x128xf32, #tpu.memory_space<hbm>>
    tpu.wait_indirect_dma semaphore(%arg11 : memref<!tpu.dma_semaphore, #tpu.memory_space<semaphore_mem>>) src(%dma_wait3A_2210 : memref<100000x128xf32, #tpu.memory_space<hbm>>) dst(%arg5 : memref<256x128xf32, #tpu.memory_space<vmem>>)
    %add3A_2211 = arith.constant 21 : i32
    %add3A_2212 = arith.addi %mul3A_2, %add3A_2211 : i32
    %jit3A_2213 = arith.constant 16 : i32
    %div3A_2214 = arith.divsi %add3A_2212, %jit3A_2213 : i32
    %sign3A_2215 = arith.constant 0 : i32
    %sign3A_2216 = arith.cmpi sgt, %add3A_2212, %sign3A_2215 : i32
    %sign3A_2217 = arith.extui %sign3A_2216 : i1 to i32
    %sign3A_2218 = arith.constant 0 : i32
    %sign3A_2219 = arith.cmpi slt, %add3A_2212, %sign3A_2218 : i32
    %sign3A_2220 = arith.extui %sign3A_2219 : i1 to i32
    %sign3A_2221 = arith.subi %sign3A_2217, %sign3A_2220 : i32
    %sign3A_2222 = arith.constant 0 : i32
    %sign3A_2223 = arith.cmpi sgt, %jit3A_2213, %sign3A_2222 : i32
    %sign3A_2224 = arith.extui %sign3A_2223 : i1 to i32
    %sign3A_2225 = arith.constant 0 : i32
    %sign3A_2226 = arith.cmpi slt, %jit3A_2213, %sign3A_2225 : i32
    %sign3A_2227 = arith.extui %sign3A_2226 : i1 to i32
    %sign3A_2228 = arith.subi %sign3A_2224, %sign3A_2227 : i32
    %ne3A_2229 = arith.cmpi ne, %sign3A_2221, %sign3A_2228 : i32
    %rem3A_2230 = arith.remsi %add3A_2212, %jit3A_2213 : i32
    %ne3A_2231 = arith.constant 0 : i32
    %ne3A_2232 = arith.cmpi ne, %rem3A_2230, %ne3A_2231 : i32
    %and3A_2233 = arith.andi %ne3A_2229, %ne3A_2232 : i1
    %sub3A_2234 = arith.constant 1 : i32
    %sub3A_2235 = arith.subi %div3A_2214, %sub3A_2234 : i32
    %select_n3A_2236 = arith.select %and3A_2233, %sub3A_2235, %div3A_2214 : i32
    %jit3A_2237 = arith.constant 16 : i32
    %eq3A_2238 = arith.constant 0 : i32
    %eq3A_2239 = arith.cmpi eq, %jit3A_2237, %eq3A_2238 : i32
    %jit3A_2240 = arith.constant 1 : i32
    %select_n3A_2241 = arith.select %eq3A_2239, %jit3A_2240, %jit3A_2237 : i32
    %rem3A_2242 = arith.remsi %add3A_2212, %select_n3A_2241 : i32
    %ne3A_2243 = arith.constant 0 : i32
    %ne3A_2244 = arith.cmpi ne, %rem3A_2242, %ne3A_2243 : i32
    %lt3A_2245 = arith.constant 0 : i32
    %lt3A_2246 = arith.cmpi slt, %rem3A_2242, %lt3A_2245 : i32
    %lt3A_2247 = arith.constant 0 : i32
    %lt3A_2248 = arith.cmpi slt, %select_n3A_2241, %lt3A_2247 : i32
    %ne3A_2249 = arith.xori %lt3A_2246, %lt3A_2248 : i1
    %and3A_2250 = arith.andi %ne3A_2249, %ne3A_2244 : i1
    %add3A_2251 = arith.addi %rem3A_2242, %select_n3A_2241 : i32
    %select_n3A_2252 = arith.select %and3A_2250, %add3A_2251, %rem3A_2242 : i32
    %mul3A_2253 = arith.constant 256 : i32
    %mul3A_2254 = arith.muli %select_n3A_2252, %mul3A_2253 : i32
    %dma_start3A_2255 = tpu.memref_slice %arg3[%select_n3A_2236, %mul3A_2254] : memref<50x4096xi32, #tpu.memory_space<hbm>> -> memref<1x256xi32, #tpu.memory_space<hbm>>
    %dma_start3A_2256 = tpu.memref_squeeze %dma_start3A_2255 : memref<1x256xi32, #tpu.memory_space<hbm>> -> memref<256xi32, #tpu.memory_space<hbm>>
    %dma_start3A_2257 = tpu.memref_slice %arg3[%select_n3A_2236, %mul3A_2254] : memref<50x4096xi32, #tpu.memory_space<hbm>> -> memref<1x256xi32, #tpu.memory_space<hbm>>
    %dma_start3A_2258 = tpu.memref_squeeze %dma_start3A_2257 : memref<1x256xi32, #tpu.memory_space<hbm>> -> memref<256xi32, #tpu.memory_space<hbm>>
    tpu.enqueue_dma source(%dma_start3A_2258 : memref<256xi32, #tpu.memory_space<hbm>>) target(%arg8 : memref<256xi32, #tpu.memory_space<vmem>>) target_semaphore(%arg17 : memref<!tpu.dma_semaphore, #tpu.memory_space<semaphore_mem>>)
    %add3A_2259 = arith.constant 18 : i32
    %add3A_2260 = arith.addi %mul3A_2, %add3A_2259 : i32
    %jit3A_2261 = arith.constant 16 : i32
    %div3A_2262 = arith.divsi %add3A_2260, %jit3A_2261 : i32
    %sign3A_2263 = arith.constant 0 : i32
    %sign3A_2264 = arith.cmpi sgt, %add3A_2260, %sign3A_2263 : i32
    %sign3A_2265 = arith.extui %sign3A_2264 : i1 to i32
    %sign3A_2266 = arith.constant 0 : i32
    %sign3A_2267 = arith.cmpi slt, %add3A_2260, %sign3A_2266 : i32
    %sign3A_2268 = arith.extui %sign3A_2267 : i1 to i32
    %sign3A_2269 = arith.subi %sign3A_2265, %sign3A_2268 : i32
    %sign3A_2270 = arith.constant 0 : i32
    %sign3A_2271 = arith.cmpi sgt, %jit3A_2261, %sign3A_2270 : i32
    %sign3A_2272 = arith.extui %sign3A_2271 : i1 to i32
    %sign3A_2273 = arith.constant 0 : i32
    %sign3A_2274 = arith.cmpi slt, %jit3A_2261, %sign3A_2273 : i32
    %sign3A_2275 = arith.extui %sign3A_2274 : i1 to i32
    %sign3A_2276 = arith.subi %sign3A_2272, %sign3A_2275 : i32
    %ne3A_2277 = arith.cmpi ne, %sign3A_2269, %sign3A_2276 : i32
    %rem3A_2278 = arith.remsi %add3A_2260, %jit3A_2261 : i32
    %ne3A_2279 = arith.constant 0 : i32
    %ne3A_2280 = arith.cmpi ne, %rem3A_2278, %ne3A_2279 : i32
    %and3A_2281 = arith.andi %ne3A_2277, %ne3A_2280 : i1
    %sub3A_2282 = arith.constant 1 : i32
    %sub3A_2283 = arith.subi %div3A_2262, %sub3A_2282 : i32
    %select_n3A_2284 = arith.select %and3A_2281, %sub3A_2283, %div3A_2262 : i32
    %jit3A_2285 = arith.constant 16 : i32
    %eq3A_2286 = arith.constant 0 : i32
    %eq3A_2287 = arith.cmpi eq, %jit3A_2285, %eq3A_2286 : i32
    %jit3A_2288 = arith.constant 1 : i32
    %select_n3A_2289 = arith.select %eq3A_2287, %jit3A_2288, %jit3A_2285 : i32
    %rem3A_2290 = arith.remsi %add3A_2260, %select_n3A_2289 : i32
    %ne3A_2291 = arith.constant 0 : i32
    %ne3A_2292 = arith.cmpi ne, %rem3A_2290, %ne3A_2291 : i32
    %lt3A_2293 = arith.constant 0 : i32
    %lt3A_2294 = arith.cmpi slt, %rem3A_2290, %lt3A_2293 : i32
    %lt3A_2295 = arith.constant 0 : i32
    %lt3A_2296 = arith.cmpi slt, %select_n3A_2289, %lt3A_2295 : i32
    %ne3A_2297 = arith.xori %lt3A_2294, %lt3A_2296 : i1
    %and3A_2298 = arith.andi %ne3A_2297, %ne3A_2292 : i1
    %add3A_2299 = arith.addi %rem3A_2290, %select_n3A_2289 : i32
    %select_n3A_2300 = arith.select %and3A_2298, %add3A_2299, %rem3A_2290 : i32
    %mul3A_2301 = arith.constant 256 : i32
    %mul3A_2302 = arith.muli %select_n3A_2300, %mul3A_2301 : i32
    %dma_start3A_2303 = arith.constant 0 : i32
    %dma_start3A_2304 = tpu.memref_slice %arg4[%select_n3A_2284, %mul3A_2302, %dma_start3A_2303] : memref<50x4096x128xf32, #tpu.memory_space<hbm>> -> memref<1x256x128xf32, #tpu.memory_space<hbm>>
    %dma_start3A_2305 = tpu.memref_squeeze %dma_start3A_2304 : memref<1x256x128xf32, #tpu.memory_space<hbm>> -> memref<256x128xf32, #tpu.memory_space<hbm>>
    %dma_start3A_2306 = arith.constant 0 : i32
    %dma_start3A_2307 = tpu.memref_slice %arg4[%select_n3A_2284, %mul3A_2302, %dma_start3A_2306] : memref<50x4096x128xf32, #tpu.memory_space<hbm>> -> memref<1x256x128xf32, #tpu.memory_space<hbm>>
    %dma_start3A_2308 = tpu.memref_squeeze %dma_start3A_2307 : memref<1x256x128xf32, #tpu.memory_space<hbm>> -> memref<256x128xf32, #tpu.memory_space<hbm>>
    tpu.enqueue_dma source(%arg5 : memref<256x128xf32, #tpu.memory_space<vmem>>) target(%dma_start3A_2308 : memref<256x128xf32, #tpu.memory_space<hbm>>) target_semaphore(%arg14 : memref<!tpu.dma_semaphore, #tpu.memory_space<semaphore_mem>>)
    %dma_wait3A_2309 = arith.constant 0 : i32
    %dma_wait3A_2310 = tpu.memref_slice %arg4[%select_n3A_2284, %mul3A_2302, %dma_wait3A_2309] : memref<50x4096x128xf32, #tpu.memory_space<hbm>> -> memref<1x256x128xf32, #tpu.memory_space<hbm>>
    %dma_wait3A_2311 = tpu.memref_squeeze %dma_wait3A_2310 : memref<1x256x128xf32, #tpu.memory_space<hbm>> -> memref<256x128xf32, #tpu.memory_space<hbm>>
    %dma_wait3A_2312 = arith.constant 0 : i32
    %dma_wait3A_2313 = tpu.memref_slice %arg4[%select_n3A_2284, %mul3A_2302, %dma_wait3A_2312] : memref<50x4096x128xf32, #tpu.memory_space<hbm>> -> memref<1x256x128xf32, #tpu.memory_space<hbm>>
    %dma_wait3A_2314 = tpu.memref_squeeze %dma_wait3A_2313 : memref<1x256x128xf32, #tpu.memory_space<hbm>> -> memref<256x128xf32, #tpu.memory_space<hbm>>
    tpu.wait_dma2 semaphore(%arg14 : memref<!tpu.dma_semaphore, #tpu.memory_space<semaphore_mem>>) src(%arg5 : memref<256x128xf32, #tpu.memory_space<vmem>>) dst(%dma_wait3A_2314 : memref<256x128xf32, #tpu.memory_space<hbm>>)
    %dma_wait3A_2315 = tpu.memref_slice %arg3[%select_n3A_2236, %mul3A_2254] : memref<50x4096xi32, #tpu.memory_space<hbm>> -> memref<1x256xi32, #tpu.memory_space<hbm>>
    %dma_wait3A_2316 = tpu.memref_squeeze %dma_wait3A_2315 : memref<1x256xi32, #tpu.memory_space<hbm>> -> memref<256xi32, #tpu.memory_space<hbm>>
    %dma_wait3A_2317 = tpu.memref_slice %arg3[%select_n3A_2236, %mul3A_2254] : memref<50x4096xi32, #tpu.memory_space<hbm>> -> memref<1x256xi32, #tpu.memory_space<hbm>>
    %dma_wait3A_2318 = tpu.memref_squeeze %dma_wait3A_2317 : memref<1x256xi32, #tpu.memory_space<hbm>> -> memref<256xi32, #tpu.memory_space<hbm>>
    tpu.wait_dma2 semaphore(%arg17 : memref<!tpu.dma_semaphore, #tpu.memory_space<semaphore_mem>>) src(%dma_wait3A_2318 : memref<256xi32, #tpu.memory_space<hbm>>) dst(%arg8 : memref<256xi32, #tpu.memory_space<vmem>>)
    %dma_start3A_2319 = arith.constant 0 : i32
    %dma_start3A_2320 = arith.constant 0 : i32
    %dma_start3A_2321 = tpu.memref_slice %arg2[%dma_start3A_2319, %dma_start3A_2320] : memref<100000x128xf32, #tpu.memory_space<hbm>> -> memref<100000x128xf32, #tpu.memory_space<hbm>>
    tpu.enqueue_indirect_dma source(%dma_start3A_2321 : memref<100000x128xf32, #tpu.memory_space<hbm>>) target(%arg5 : memref<256x128xf32, #tpu.memory_space<vmem>>) offsets(%arg8 : memref<256xi32, #tpu.memory_space<vmem>>) semaphore(%arg11 : memref<!tpu.dma_semaphore, #tpu.memory_space<semaphore_mem>>)
    %dma_wait3A_2322 = arith.constant 0 : i32
    %dma_wait3A_2323 = arith.constant 0 : i32
    %dma_wait3A_2324 = tpu.memref_slice %arg2[%dma_wait3A_2322, %dma_wait3A_2323] : memref<100000x128xf32, #tpu.memory_space<hbm>> -> memref<100000x128xf32, #tpu.memory_space<hbm>>
    tpu.wait_indirect_dma semaphore(%arg12 : memref<!tpu.dma_semaphore, #tpu.memory_space<semaphore_mem>>) src(%dma_wait3A_2324 : memref<100000x128xf32, #tpu.memory_space<hbm>>) dst(%arg6 : memref<256x128xf32, #tpu.memory_space<vmem>>)
    %add3A_2325 = arith.constant 22 : i32
    %add3A_2326 = arith.addi %mul3A_2, %add3A_2325 : i32
    %jit3A_2327 = arith.constant 16 : i32
    %div3A_2328 = arith.divsi %add3A_2326, %jit3A_2327 : i32
    %sign3A_2329 = arith.constant 0 : i32
    %sign3A_2330 = arith.cmpi sgt, %add3A_2326, %sign3A_2329 : i32
    %sign3A_2331 = arith.extui %sign3A_2330 : i1 to i32
    %sign3A_2332 = arith.constant 0 : i32
    %sign3A_2333 = arith.cmpi slt, %add3A_2326, %sign3A_2332 : i32
    %sign3A_2334 = arith.extui %sign3A_2333 : i1 to i32
    %sign3A_2335 = arith.subi %sign3A_2331, %sign3A_2334 : i32
    %sign3A_2336 = arith.constant 0 : i32
    %sign3A_2337 = arith.cmpi sgt, %jit3A_2327, %sign3A_2336 : i32
    %sign3A_2338 = arith.extui %sign3A_2337 : i1 to i32
    %sign3A_2339 = arith.constant 0 : i32
    %sign3A_2340 = arith.cmpi slt, %jit3A_2327, %sign3A_2339 : i32
    %sign3A_2341 = arith.extui %sign3A_2340 : i1 to i32
    %sign3A_2342 = arith.subi %sign3A_2338, %sign3A_2341 : i32
    %ne3A_2343 = arith.cmpi ne, %sign3A_2335, %sign3A_2342 : i32
    %rem3A_2344 = arith.remsi %add3A_2326, %jit3A_2327 : i32
    %ne3A_2345 = arith.constant 0 : i32
    %ne3A_2346 = arith.cmpi ne, %rem3A_2344, %ne3A_2345 : i32
    %and3A_2347 = arith.andi %ne3A_2343, %ne3A_2346 : i1
    %sub3A_2348 = arith.constant 1 : i32
    %sub3A_2349 = arith.subi %div3A_2328, %sub3A_2348 : i32
    %select_n3A_2350 = arith.select %and3A_2347, %sub3A_2349, %div3A_2328 : i32
    %jit3A_2351 = arith.constant 16 : i32
    %eq3A_2352 = arith.constant 0 : i32
    %eq3A_2353 = arith.cmpi eq, %jit3A_2351, %eq3A_2352 : i32
    %jit3A_2354 = arith.constant 1 : i32
    %select_n3A_2355 = arith.select %eq3A_2353, %jit3A_2354, %jit3A_2351 : i32
    %rem3A_2356 = arith.remsi %add3A_2326, %select_n3A_2355 : i32
    %ne3A_2357 = arith.constant 0 : i32
    %ne3A_2358 = arith.cmpi ne, %rem3A_2356, %ne3A_2357 : i32
    %lt3A_2359 = arith.constant 0 : i32
    %lt3A_2360 = arith.cmpi slt, %rem3A_2356, %lt3A_2359 : i32
    %lt3A_2361 = arith.constant 0 : i32
    %lt3A_2362 = arith.cmpi slt, %select_n3A_2355, %lt3A_2361 : i32
    %ne3A_2363 = arith.xori %lt3A_2360, %lt3A_2362 : i1
    %and3A_2364 = arith.andi %ne3A_2363, %ne3A_2358 : i1
    %add3A_2365 = arith.addi %rem3A_2356, %select_n3A_2355 : i32
    %select_n3A_2366 = arith.select %and3A_2364, %add3A_2365, %rem3A_2356 : i32
    %mul3A_2367 = arith.constant 256 : i32
    %mul3A_2368 = arith.muli %select_n3A_2366, %mul3A_2367 : i32
    %dma_start3A_2369 = tpu.memref_slice %arg3[%select_n3A_2350, %mul3A_2368] : memref<50x4096xi32, #tpu.memory_space<hbm>> -> memref<1x256xi32, #tpu.memory_space<hbm>>
    %dma_start3A_2370 = tpu.memref_squeeze %dma_start3A_2369 : memref<1x256xi32, #tpu.memory_space<hbm>> -> memref<256xi32, #tpu.memory_space<hbm>>
    %dma_start3A_2371 = tpu.memref_slice %arg3[%select_n3A_2350, %mul3A_2368] : memref<50x4096xi32, #tpu.memory_space<hbm>> -> memref<1x256xi32, #tpu.memory_space<hbm>>
    %dma_start3A_2372 = tpu.memref_squeeze %dma_start3A_2371 : memref<1x256xi32, #tpu.memory_space<hbm>> -> memref<256xi32, #tpu.memory_space<hbm>>
    tpu.enqueue_dma source(%dma_start3A_2372 : memref<256xi32, #tpu.memory_space<hbm>>) target(%arg9 : memref<256xi32, #tpu.memory_space<vmem>>) target_semaphore(%arg18 : memref<!tpu.dma_semaphore, #tpu.memory_space<semaphore_mem>>)
    %add3A_2373 = arith.constant 19 : i32
    %add3A_2374 = arith.addi %mul3A_2, %add3A_2373 : i32
    %jit3A_2375 = arith.constant 16 : i32
    %div3A_2376 = arith.divsi %add3A_2374, %jit3A_2375 : i32
    %sign3A_2377 = arith.constant 0 : i32
    %sign3A_2378 = arith.cmpi sgt, %add3A_2374, %sign3A_2377 : i32
    %sign3A_2379 = arith.extui %sign3A_2378 : i1 to i32
    %sign3A_2380 = arith.constant 0 : i32
    %sign3A_2381 = arith.cmpi slt, %add3A_2374, %sign3A_2380 : i32
    %sign3A_2382 = arith.extui %sign3A_2381 : i1 to i32
    %sign3A_2383 = arith.subi %sign3A_2379, %sign3A_2382 : i32
    %sign3A_2384 = arith.constant 0 : i32
    %sign3A_2385 = arith.cmpi sgt, %jit3A_2375, %sign3A_2384 : i32
    %sign3A_2386 = arith.extui %sign3A_2385 : i1 to i32
    %sign3A_2387 = arith.constant 0 : i32
    %sign3A_2388 = arith.cmpi slt, %jit3A_2375, %sign3A_2387 : i32
    %sign3A_2389 = arith.extui %sign3A_2388 : i1 to i32
    %sign3A_2390 = arith.subi %sign3A_2386, %sign3A_2389 : i32
    %ne3A_2391 = arith.cmpi ne, %sign3A_2383, %sign3A_2390 : i32
    %rem3A_2392 = arith.remsi %add3A_2374, %jit3A_2375 : i32
    %ne3A_2393 = arith.constant 0 : i32
    %ne3A_2394 = arith.cmpi ne, %rem3A_2392, %ne3A_2393 : i32
    %and3A_2395 = arith.andi %ne3A_2391, %ne3A_2394 : i1
    %sub3A_2396 = arith.constant 1 : i32
    %sub3A_2397 = arith.subi %div3A_2376, %sub3A_2396 : i32
    %select_n3A_2398 = arith.select %and3A_2395, %sub3A_2397, %div3A_2376 : i32
    %jit3A_2399 = arith.constant 16 : i32
    %eq3A_2400 = arith.constant 0 : i32
    %eq3A_2401 = arith.cmpi eq, %jit3A_2399, %eq3A_2400 : i32
    %jit3A_2402 = arith.constant 1 : i32
    %select_n3A_2403 = arith.select %eq3A_2401, %jit3A_2402, %jit3A_2399 : i32
    %rem3A_2404 = arith.remsi %add3A_2374, %select_n3A_2403 : i32
    %ne3A_2405 = arith.constant 0 : i32
    %ne3A_2406 = arith.cmpi ne, %rem3A_2404, %ne3A_2405 : i32
    %lt3A_2407 = arith.constant 0 : i32
    %lt3A_2408 = arith.cmpi slt, %rem3A_2404, %lt3A_2407 : i32
    %lt3A_2409 = arith.constant 0 : i32
    %lt3A_2410 = arith.cmpi slt, %select_n3A_2403, %lt3A_2409 : i32
    %ne3A_2411 = arith.xori %lt3A_2408, %lt3A_2410 : i1
    %and3A_2412 = arith.andi %ne3A_2411, %ne3A_2406 : i1
    %add3A_2413 = arith.addi %rem3A_2404, %select_n3A_2403 : i32
    %select_n3A_2414 = arith.select %and3A_2412, %add3A_2413, %rem3A_2404 : i32
    %mul3A_2415 = arith.constant 256 : i32
    %mul3A_2416 = arith.muli %select_n3A_2414, %mul3A_2415 : i32
    %dma_start3A_2417 = arith.constant 0 : i32
    %dma_start3A_2418 = tpu.memref_slice %arg4[%select_n3A_2398, %mul3A_2416, %dma_start3A_2417] : memref<50x4096x128xf32, #tpu.memory_space<hbm>> -> memref<1x256x128xf32, #tpu.memory_space<hbm>>
    %dma_start3A_2419 = tpu.memref_squeeze %dma_start3A_2418 : memref<1x256x128xf32, #tpu.memory_space<hbm>> -> memref<256x128xf32, #tpu.memory_space<hbm>>
    %dma_start3A_2420 = arith.constant 0 : i32
    %dma_start3A_2421 = tpu.memref_slice %arg4[%select_n3A_2398, %mul3A_2416, %dma_start3A_2420] : memref<50x4096x128xf32, #tpu.memory_space<hbm>> -> memref<1x256x128xf32, #tpu.memory_space<hbm>>
    %dma_start3A_2422 = tpu.memref_squeeze %dma_start3A_2421 : memref<1x256x128xf32, #tpu.memory_space<hbm>> -> memref<256x128xf32, #tpu.memory_space<hbm>>
    tpu.enqueue_dma source(%arg6 : memref<256x128xf32, #tpu.memory_space<vmem>>) target(%dma_start3A_2422 : memref<256x128xf32, #tpu.memory_space<hbm>>) target_semaphore(%arg15 : memref<!tpu.dma_semaphore, #tpu.memory_space<semaphore_mem>>)
    %dma_wait3A_2423 = arith.constant 0 : i32
    %dma_wait3A_2424 = tpu.memref_slice %arg4[%select_n3A_2398, %mul3A_2416, %dma_wait3A_2423] : memref<50x4096x128xf32, #tpu.memory_space<hbm>> -> memref<1x256x128xf32, #tpu.memory_space<hbm>>
    %dma_wait3A_2425 = tpu.memref_squeeze %dma_wait3A_2424 : memref<1x256x128xf32, #tpu.memory_space<hbm>> -> memref<256x128xf32, #tpu.memory_space<hbm>>
    %dma_wait3A_2426 = arith.constant 0 : i32
    %dma_wait3A_2427 = tpu.memref_slice %arg4[%select_n3A_2398, %mul3A_2416, %dma_wait3A_2426] : memref<50x4096x128xf32, #tpu.memory_space<hbm>> -> memref<1x256x128xf32, #tpu.memory_space<hbm>>
    %dma_wait3A_2428 = tpu.memref_squeeze %dma_wait3A_2427 : memref<1x256x128xf32, #tpu.memory_space<hbm>> -> memref<256x128xf32, #tpu.memory_space<hbm>>
    tpu.wait_dma2 semaphore(%arg15 : memref<!tpu.dma_semaphore, #tpu.memory_space<semaphore_mem>>) src(%arg6 : memref<256x128xf32, #tpu.memory_space<vmem>>) dst(%dma_wait3A_2428 : memref<256x128xf32, #tpu.memory_space<hbm>>)
    %dma_wait3A_2429 = tpu.memref_slice %arg3[%select_n3A_2350, %mul3A_2368] : memref<50x4096xi32, #tpu.memory_space<hbm>> -> memref<1x256xi32, #tpu.memory_space<hbm>>
    %dma_wait3A_2430 = tpu.memref_squeeze %dma_wait3A_2429 : memref<1x256xi32, #tpu.memory_space<hbm>> -> memref<256xi32, #tpu.memory_space<hbm>>
    %dma_wait3A_2431 = tpu.memref_slice %arg3[%select_n3A_2350, %mul3A_2368] : memref<50x4096xi32, #tpu.memory_space<hbm>> -> memref<1x256xi32, #tpu.memory_space<hbm>>
    %dma_wait3A_2432 = tpu.memref_squeeze %dma_wait3A_2431 : memref<1x256xi32, #tpu.memory_space<hbm>> -> memref<256xi32, #tpu.memory_space<hbm>>
    tpu.wait_dma2 semaphore(%arg18 : memref<!tpu.dma_semaphore, #tpu.memory_space<semaphore_mem>>) src(%dma_wait3A_2432 : memref<256xi32, #tpu.memory_space<hbm>>) dst(%arg9 : memref<256xi32, #tpu.memory_space<vmem>>)
    %dma_start3A_2433 = arith.constant 0 : i32
    %dma_start3A_2434 = arith.constant 0 : i32
    %dma_start3A_2435 = tpu.memref_slice %arg2[%dma_start3A_2433, %dma_start3A_2434] : memref<100000x128xf32, #tpu.memory_space<hbm>> -> memref<100000x128xf32, #tpu.memory_space<hbm>>
    tpu.enqueue_indirect_dma source(%dma_start3A_2435 : memref<100000x128xf32, #tpu.memory_space<hbm>>) target(%arg6 : memref<256x128xf32, #tpu.memory_space<vmem>>) offsets(%arg9 : memref<256xi32, #tpu.memory_space<vmem>>) semaphore(%arg12 : memref<!tpu.dma_semaphore, #tpu.memory_space<semaphore_mem>>)
    %dma_wait3A_2436 = arith.constant 0 : i32
    %dma_wait3A_2437 = arith.constant 0 : i32
    %dma_wait3A_2438 = tpu.memref_slice %arg2[%dma_wait3A_2436, %dma_wait3A_2437] : memref<100000x128xf32, #tpu.memory_space<hbm>> -> memref<100000x128xf32, #tpu.memory_space<hbm>>
    tpu.wait_indirect_dma semaphore(%arg13 : memref<!tpu.dma_semaphore, #tpu.memory_space<semaphore_mem>>) src(%dma_wait3A_2438 : memref<100000x128xf32, #tpu.memory_space<hbm>>) dst(%arg7 : memref<256x128xf32, #tpu.memory_space<vmem>>)
    %add3A_2439 = arith.constant 23 : i32
    %add3A_2440 = arith.addi %mul3A_2, %add3A_2439 : i32
    %jit3A_2441 = arith.constant 16 : i32
    %div3A_2442 = arith.divsi %add3A_2440, %jit3A_2441 : i32
    %sign3A_2443 = arith.constant 0 : i32
    %sign3A_2444 = arith.cmpi sgt, %add3A_2440, %sign3A_2443 : i32
    %sign3A_2445 = arith.extui %sign3A_2444 : i1 to i32
    %sign3A_2446 = arith.constant 0 : i32
    %sign3A_2447 = arith.cmpi slt, %add3A_2440, %sign3A_2446 : i32
    %sign3A_2448 = arith.extui %sign3A_2447 : i1 to i32
    %sign3A_2449 = arith.subi %sign3A_2445, %sign3A_2448 : i32
    %sign3A_2450 = arith.constant 0 : i32
    %sign3A_2451 = arith.cmpi sgt, %jit3A_2441, %sign3A_2450 : i32
    %sign3A_2452 = arith.extui %sign3A_2451 : i1 to i32
    %sign3A_2453 = arith.constant 0 : i32
    %sign3A_2454 = arith.cmpi slt, %jit3A_2441, %sign3A_2453 : i32
    %sign3A_2455 = arith.extui %sign3A_2454 : i1 to i32
    %sign3A_2456 = arith.subi %sign3A_2452, %sign3A_2455 : i32
    %ne3A_2457 = arith.cmpi ne, %sign3A_2449, %sign3A_2456 : i32
    %rem3A_2458 = arith.remsi %add3A_2440, %jit3A_2441 : i32
    %ne3A_2459 = arith.constant 0 : i32
    %ne3A_2460 = arith.cmpi ne, %rem3A_2458, %ne3A_2459 : i32
    %and3A_2461 = arith.andi %ne3A_2457, %ne3A_2460 : i1
    %sub3A_2462 = arith.constant 1 : i32
    %sub3A_2463 = arith.subi %div3A_2442, %sub3A_2462 : i32
    %select_n3A_2464 = arith.select %and3A_2461, %sub3A_2463, %div3A_2442 : i32
    %jit3A_2465 = arith.constant 16 : i32
    %eq3A_2466 = arith.constant 0 : i32
    %eq3A_2467 = arith.cmpi eq, %jit3A_2465, %eq3A_2466 : i32
    %jit3A_2468 = arith.constant 1 : i32
    %select_n3A_2469 = arith.select %eq3A_2467, %jit3A_2468, %jit3A_2465 : i32
    %rem3A_2470 = arith.remsi %add3A_2440, %select_n3A_2469 : i32
    %ne3A_2471 = arith.constant 0 : i32
    %ne3A_2472 = arith.cmpi ne, %rem3A_2470, %ne3A_2471 : i32
    %lt3A_2473 = arith.constant 0 : i32
    %lt3A_2474 = arith.cmpi slt, %rem3A_2470, %lt3A_2473 : i32
    %lt3A_2475 = arith.constant 0 : i32
    %lt3A_2476 = arith.cmpi slt, %select_n3A_2469, %lt3A_2475 : i32
    %ne3A_2477 = arith.xori %lt3A_2474, %lt3A_2476 : i1
    %and3A_2478 = arith.andi %ne3A_2477, %ne3A_2472 : i1
    %add3A_2479 = arith.addi %rem3A_2470, %select_n3A_2469 : i32
    %select_n3A_2480 = arith.select %and3A_2478, %add3A_2479, %rem3A_2470 : i32
    %mul3A_2481 = arith.constant 256 : i32
    %mul3A_2482 = arith.muli %select_n3A_2480, %mul3A_2481 : i32
    %dma_start3A_2483 = tpu.memref_slice %arg3[%select_n3A_2464, %mul3A_2482] : memref<50x4096xi32, #tpu.memory_space<hbm>> -> memref<1x256xi32, #tpu.memory_space<hbm>>
    %dma_start3A_2484 = tpu.memref_squeeze %dma_start3A_2483 : memref<1x256xi32, #tpu.memory_space<hbm>> -> memref<256xi32, #tpu.memory_space<hbm>>
    %dma_start3A_2485 = tpu.memref_slice %arg3[%select_n3A_2464, %mul3A_2482] : memref<50x4096xi32, #tpu.memory_space<hbm>> -> memref<1x256xi32, #tpu.memory_space<hbm>>
    %dma_start3A_2486 = tpu.memref_squeeze %dma_start3A_2485 : memref<1x256xi32, #tpu.memory_space<hbm>> -> memref<256xi32, #tpu.memory_space<hbm>>
    tpu.enqueue_dma source(%dma_start3A_2486 : memref<256xi32, #tpu.memory_space<hbm>>) target(%arg10 : memref<256xi32, #tpu.memory_space<vmem>>) target_semaphore(%arg19 : memref<!tpu.dma_semaphore, #tpu.memory_space<semaphore_mem>>)
    %add3A_2487 = arith.constant 20 : i32
    %add3A_2488 = arith.addi %mul3A_2, %add3A_2487 : i32
    %jit3A_2489 = arith.constant 16 : i32
    %div3A_2490 = arith.divsi %add3A_2488, %jit3A_2489 : i32
    %sign3A_2491 = arith.constant 0 : i32
    %sign3A_2492 = arith.cmpi sgt, %add3A_2488, %sign3A_2491 : i32
    %sign3A_2493 = arith.extui %sign3A_2492 : i1 to i32
    %sign3A_2494 = arith.constant 0 : i32
    %sign3A_2495 = arith.cmpi slt, %add3A_2488, %sign3A_2494 : i32
    %sign3A_2496 = arith.extui %sign3A_2495 : i1 to i32
    %sign3A_2497 = arith.subi %sign3A_2493, %sign3A_2496 : i32
    %sign3A_2498 = arith.constant 0 : i32
    %sign3A_2499 = arith.cmpi sgt, %jit3A_2489, %sign3A_2498 : i32
    %sign3A_2500 = arith.extui %sign3A_2499 : i1 to i32
    %sign3A_2501 = arith.constant 0 : i32
    %sign3A_2502 = arith.cmpi slt, %jit3A_2489, %sign3A_2501 : i32
    %sign3A_2503 = arith.extui %sign3A_2502 : i1 to i32
    %sign3A_2504 = arith.subi %sign3A_2500, %sign3A_2503 : i32
    %ne3A_2505 = arith.cmpi ne, %sign3A_2497, %sign3A_2504 : i32
    %rem3A_2506 = arith.remsi %add3A_2488, %jit3A_2489 : i32
    %ne3A_2507 = arith.constant 0 : i32
    %ne3A_2508 = arith.cmpi ne, %rem3A_2506, %ne3A_2507 : i32
    %and3A_2509 = arith.andi %ne3A_2505, %ne3A_2508 : i1
    %sub3A_2510 = arith.constant 1 : i32
    %sub3A_2511 = arith.subi %div3A_2490, %sub3A_2510 : i32
    %select_n3A_2512 = arith.select %and3A_2509, %sub3A_2511, %div3A_2490 : i32
    %jit3A_2513 = arith.constant 16 : i32
    %eq3A_2514 = arith.constant 0 : i32
    %eq3A_2515 = arith.cmpi eq, %jit3A_2513, %eq3A_2514 : i32
    %jit3A_2516 = arith.constant 1 : i32
    %select_n3A_2517 = arith.select %eq3A_2515, %jit3A_2516, %jit3A_2513 : i32
    %rem3A_2518 = arith.remsi %add3A_2488, %select_n3A_2517 : i32
    %ne3A_2519 = arith.constant 0 : i32
    %ne3A_2520 = arith.cmpi ne, %rem3A_2518, %ne3A_2519 : i32
    %lt3A_2521 = arith.constant 0 : i32
    %lt3A_2522 = arith.cmpi slt, %rem3A_2518, %lt3A_2521 : i32
    %lt3A_2523 = arith.constant 0 : i32
    %lt3A_2524 = arith.cmpi slt, %select_n3A_2517, %lt3A_2523 : i32
    %ne3A_2525 = arith.xori %lt3A_2522, %lt3A_2524 : i1
    %and3A_2526 = arith.andi %ne3A_2525, %ne3A_2520 : i1
    %add3A_2527 = arith.addi %rem3A_2518, %select_n3A_2517 : i32
    %select_n3A_2528 = arith.select %and3A_2526, %add3A_2527, %rem3A_2518 : i32
    %mul3A_2529 = arith.constant 256 : i32
    %mul3A_2530 = arith.muli %select_n3A_2528, %mul3A_2529 : i32
    %dma_start3A_2531 = arith.constant 0 : i32
    %dma_start3A_2532 = tpu.memref_slice %arg4[%select_n3A_2512, %mul3A_2530, %dma_start3A_2531] : memref<50x4096x128xf32, #tpu.memory_space<hbm>> -> memref<1x256x128xf32, #tpu.memory_space<hbm>>
    %dma_start3A_2533 = tpu.memref_squeeze %dma_start3A_2532 : memref<1x256x128xf32, #tpu.memory_space<hbm>> -> memref<256x128xf32, #tpu.memory_space<hbm>>
    %dma_start3A_2534 = arith.constant 0 : i32
    %dma_start3A_2535 = tpu.memref_slice %arg4[%select_n3A_2512, %mul3A_2530, %dma_start3A_2534] : memref<50x4096x128xf32, #tpu.memory_space<hbm>> -> memref<1x256x128xf32, #tpu.memory_space<hbm>>
    %dma_start3A_2536 = tpu.memref_squeeze %dma_start3A_2535 : memref<1x256x128xf32, #tpu.memory_space<hbm>> -> memref<256x128xf32, #tpu.memory_space<hbm>>
    tpu.enqueue_dma source(%arg7 : memref<256x128xf32, #tpu.memory_space<vmem>>) target(%dma_start3A_2536 : memref<256x128xf32, #tpu.memory_space<hbm>>) target_semaphore(%arg16 : memref<!tpu.dma_semaphore, #tpu.memory_space<semaphore_mem>>)
    %dma_wait3A_2537 = arith.constant 0 : i32
    %dma_wait3A_2538 = tpu.memref_slice %arg4[%select_n3A_2512, %mul3A_2530, %dma_wait3A_2537] : memref<50x4096x128xf32, #tpu.memory_space<hbm>> -> memref<1x256x128xf32, #tpu.memory_space<hbm>>
    %dma_wait3A_2539 = tpu.memref_squeeze %dma_wait3A_2538 : memref<1x256x128xf32, #tpu.memory_space<hbm>> -> memref<256x128xf32, #tpu.memory_space<hbm>>
    %dma_wait3A_2540 = arith.constant 0 : i32
    %dma_wait3A_2541 = tpu.memref_slice %arg4[%select_n3A_2512, %mul3A_2530, %dma_wait3A_2540] : memref<50x4096x128xf32, #tpu.memory_space<hbm>> -> memref<1x256x128xf32, #tpu.memory_space<hbm>>
    %dma_wait3A_2542 = tpu.memref_squeeze %dma_wait3A_2541 : memref<1x256x128xf32, #tpu.memory_space<hbm>> -> memref<256x128xf32, #tpu.memory_space<hbm>>
    tpu.wait_dma2 semaphore(%arg16 : memref<!tpu.dma_semaphore, #tpu.memory_space<semaphore_mem>>) src(%arg7 : memref<256x128xf32, #tpu.memory_space<vmem>>) dst(%dma_wait3A_2542 : memref<256x128xf32, #tpu.memory_space<hbm>>)
    %dma_wait3A_2543 = tpu.memref_slice %arg3[%select_n3A_2464, %mul3A_2482] : memref<50x4096xi32, #tpu.memory_space<hbm>> -> memref<1x256xi32, #tpu.memory_space<hbm>>
    %dma_wait3A_2544 = tpu.memref_squeeze %dma_wait3A_2543 : memref<1x256xi32, #tpu.memory_space<hbm>> -> memref<256xi32, #tpu.memory_space<hbm>>
    %dma_wait3A_2545 = tpu.memref_slice %arg3[%select_n3A_2464, %mul3A_2482] : memref<50x4096xi32, #tpu.memory_space<hbm>> -> memref<1x256xi32, #tpu.memory_space<hbm>>
    %dma_wait3A_2546 = tpu.memref_squeeze %dma_wait3A_2545 : memref<1x256xi32, #tpu.memory_space<hbm>> -> memref<256xi32, #tpu.memory_space<hbm>>
    tpu.wait_dma2 semaphore(%arg19 : memref<!tpu.dma_semaphore, #tpu.memory_space<semaphore_mem>>) src(%dma_wait3A_2546 : memref<256xi32, #tpu.memory_space<hbm>>) dst(%arg10 : memref<256xi32, #tpu.memory_space<vmem>>)
    %dma_start3A_2547 = arith.constant 0 : i32
    %dma_start3A_2548 = arith.constant 0 : i32
    %dma_start3A_2549 = tpu.memref_slice %arg2[%dma_start3A_2547, %dma_start3A_2548] : memref<100000x128xf32, #tpu.memory_space<hbm>> -> memref<100000x128xf32, #tpu.memory_space<hbm>>
    tpu.enqueue_indirect_dma source(%dma_start3A_2549 : memref<100000x128xf32, #tpu.memory_space<hbm>>) target(%arg7 : memref<256x128xf32, #tpu.memory_space<vmem>>) offsets(%arg10 : memref<256xi32, #tpu.memory_space<vmem>>) semaphore(%arg13 : memref<!tpu.dma_semaphore, #tpu.memory_space<semaphore_mem>>)
    %dma_wait3A_2550 = arith.constant 0 : i32
    %dma_wait3A_2551 = arith.constant 0 : i32
    %dma_wait3A_2552 = tpu.memref_slice %arg2[%dma_wait3A_2550, %dma_wait3A_2551] : memref<100000x128xf32, #tpu.memory_space<hbm>> -> memref<100000x128xf32, #tpu.memory_space<hbm>>
    tpu.wait_indirect_dma semaphore(%arg11 : memref<!tpu.dma_semaphore, #tpu.memory_space<semaphore_mem>>) src(%dma_wait3A_2552 : memref<100000x128xf32, #tpu.memory_space<hbm>>) dst(%arg5 : memref<256x128xf32, #tpu.memory_space<vmem>>)
    %add3A_2553 = arith.constant 24 : i32
    %add3A_2554 = arith.addi %mul3A_2, %add3A_2553 : i32
    %jit3A_2555 = arith.constant 16 : i32
    %div3A_2556 = arith.divsi %add3A_2554, %jit3A_2555 : i32
    %sign3A_2557 = arith.constant 0 : i32
    %sign3A_2558 = arith.cmpi sgt, %add3A_2554, %sign3A_2557 : i32
    %sign3A_2559 = arith.extui %sign3A_2558 : i1 to i32
    %sign3A_2560 = arith.constant 0 : i32
    %sign3A_2561 = arith.cmpi slt, %add3A_2554, %sign3A_2560 : i32
    %sign3A_2562 = arith.extui %sign3A_2561 : i1 to i32
    %sign3A_2563 = arith.subi %sign3A_2559, %sign3A_2562 : i32
    %sign3A_2564 = arith.constant 0 : i32
    %sign3A_2565 = arith.cmpi sgt, %jit3A_2555, %sign3A_2564 : i32
    %sign3A_2566 = arith.extui %sign3A_2565 : i1 to i32
    %sign3A_2567 = arith.constant 0 : i32
    %sign3A_2568 = arith.cmpi slt, %jit3A_2555, %sign3A_2567 : i32
    %sign3A_2569 = arith.extui %sign3A_2568 : i1 to i32
    %sign3A_2570 = arith.subi %sign3A_2566, %sign3A_2569 : i32
    %ne3A_2571 = arith.cmpi ne, %sign3A_2563, %sign3A_2570 : i32
    %rem3A_2572 = arith.remsi %add3A_2554, %jit3A_2555 : i32
    %ne3A_2573 = arith.constant 0 : i32
    %ne3A_2574 = arith.cmpi ne, %rem3A_2572, %ne3A_2573 : i32
    %and3A_2575 = arith.andi %ne3A_2571, %ne3A_2574 : i1
    %sub3A_2576 = arith.constant 1 : i32
    %sub3A_2577 = arith.subi %div3A_2556, %sub3A_2576 : i32
    %select_n3A_2578 = arith.select %and3A_2575, %sub3A_2577, %div3A_2556 : i32
    %jit3A_2579 = arith.constant 16 : i32
    %eq3A_2580 = arith.constant 0 : i32
    %eq3A_2581 = arith.cmpi eq, %jit3A_2579, %eq3A_2580 : i32
    %jit3A_2582 = arith.constant 1 : i32
    %select_n3A_2583 = arith.select %eq3A_2581, %jit3A_2582, %jit3A_2579 : i32
    %rem3A_2584 = arith.remsi %add3A_2554, %select_n3A_2583 : i32
    %ne3A_2585 = arith.constant 0 : i32
    %ne3A_2586 = arith.cmpi ne, %rem3A_2584, %ne3A_2585 : i32
    %lt3A_2587 = arith.constant 0 : i32
    %lt3A_2588 = arith.cmpi slt, %rem3A_2584, %lt3A_2587 : i32
    %lt3A_2589 = arith.constant 0 : i32
    %lt3A_2590 = arith.cmpi slt, %select_n3A_2583, %lt3A_2589 : i32
    %ne3A_2591 = arith.xori %lt3A_2588, %lt3A_2590 : i1
    %and3A_2592 = arith.andi %ne3A_2591, %ne3A_2586 : i1
    %add3A_2593 = arith.addi %rem3A_2584, %select_n3A_2583 : i32
    %select_n3A_2594 = arith.select %and3A_2592, %add3A_2593, %rem3A_2584 : i32
    %mul3A_2595 = arith.constant 256 : i32
    %mul3A_2596 = arith.muli %select_n3A_2594, %mul3A_2595 : i32
    %dma_start3A_2597 = tpu.memref_slice %arg3[%select_n3A_2578, %mul3A_2596] : memref<50x4096xi32, #tpu.memory_space<hbm>> -> memref<1x256xi32, #tpu.memory_space<hbm>>
    %dma_start3A_2598 = tpu.memref_squeeze %dma_start3A_2597 : memref<1x256xi32, #tpu.memory_space<hbm>> -> memref<256xi32, #tpu.memory_space<hbm>>
    %dma_start3A_2599 = tpu.memref_slice %arg3[%select_n3A_2578, %mul3A_2596] : memref<50x4096xi32, #tpu.memory_space<hbm>> -> memref<1x256xi32, #tpu.memory_space<hbm>>
    %dma_start3A_2600 = tpu.memref_squeeze %dma_start3A_2599 : memref<1x256xi32, #tpu.memory_space<hbm>> -> memref<256xi32, #tpu.memory_space<hbm>>
    tpu.enqueue_dma source(%dma_start3A_2600 : memref<256xi32, #tpu.memory_space<hbm>>) target(%arg8 : memref<256xi32, #tpu.memory_space<vmem>>) target_semaphore(%arg17 : memref<!tpu.dma_semaphore, #tpu.memory_space<semaphore_mem>>)
    %add3A_2601 = arith.constant 21 : i32
    %add3A_2602 = arith.addi %mul3A_2, %add3A_2601 : i32
    %jit3A_2603 = arith.constant 16 : i32
    %div3A_2604 = arith.divsi %add3A_2602, %jit3A_2603 : i32
    %sign3A_2605 = arith.constant 0 : i32
    %sign3A_2606 = arith.cmpi sgt, %add3A_2602, %sign3A_2605 : i32
    %sign3A_2607 = arith.extui %sign3A_2606 : i1 to i32
    %sign3A_2608 = arith.constant 0 : i32
    %sign3A_2609 = arith.cmpi slt, %add3A_2602, %sign3A_2608 : i32
    %sign3A_2610 = arith.extui %sign3A_2609 : i1 to i32
    %sign3A_2611 = arith.subi %sign3A_2607, %sign3A_2610 : i32
    %sign3A_2612 = arith.constant 0 : i32
    %sign3A_2613 = arith.cmpi sgt, %jit3A_2603, %sign3A_2612 : i32
    %sign3A_2614 = arith.extui %sign3A_2613 : i1 to i32
    %sign3A_2615 = arith.constant 0 : i32
    %sign3A_2616 = arith.cmpi slt, %jit3A_2603, %sign3A_2615 : i32
    %sign3A_2617 = arith.extui %sign3A_2616 : i1 to i32
    %sign3A_2618 = arith.subi %sign3A_2614, %sign3A_2617 : i32
    %ne3A_2619 = arith.cmpi ne, %sign3A_2611, %sign3A_2618 : i32
    %rem3A_2620 = arith.remsi %add3A_2602, %jit3A_2603 : i32
    %ne3A_2621 = arith.constant 0 : i32
    %ne3A_2622 = arith.cmpi ne, %rem3A_2620, %ne3A_2621 : i32
    %and3A_2623 = arith.andi %ne3A_2619, %ne3A_2622 : i1
    %sub3A_2624 = arith.constant 1 : i32
    %sub3A_2625 = arith.subi %div3A_2604, %sub3A_2624 : i32
    %select_n3A_2626 = arith.select %and3A_2623, %sub3A_2625, %div3A_2604 : i32
    %jit3A_2627 = arith.constant 16 : i32
    %eq3A_2628 = arith.constant 0 : i32
    %eq3A_2629 = arith.cmpi eq, %jit3A_2627, %eq3A_2628 : i32
    %jit3A_2630 = arith.constant 1 : i32
    %select_n3A_2631 = arith.select %eq3A_2629, %jit3A_2630, %jit3A_2627 : i32
    %rem3A_2632 = arith.remsi %add3A_2602, %select_n3A_2631 : i32
    %ne3A_2633 = arith.constant 0 : i32
    %ne3A_2634 = arith.cmpi ne, %rem3A_2632, %ne3A_2633 : i32
    %lt3A_2635 = arith.constant 0 : i32
    %lt3A_2636 = arith.cmpi slt, %rem3A_2632, %lt3A_2635 : i32
    %lt3A_2637 = arith.constant 0 : i32
    %lt3A_2638 = arith.cmpi slt, %select_n3A_2631, %lt3A_2637 : i32
    %ne3A_2639 = arith.xori %lt3A_2636, %lt3A_2638 : i1
    %and3A_2640 = arith.andi %ne3A_2639, %ne3A_2634 : i1
    %add3A_2641 = arith.addi %rem3A_2632, %select_n3A_2631 : i32
    %select_n3A_2642 = arith.select %and3A_2640, %add3A_2641, %rem3A_2632 : i32
    %mul3A_2643 = arith.constant 256 : i32
    %mul3A_2644 = arith.muli %select_n3A_2642, %mul3A_2643 : i32
    %dma_start3A_2645 = arith.constant 0 : i32
    %dma_start3A_2646 = tpu.memref_slice %arg4[%select_n3A_2626, %mul3A_2644, %dma_start3A_2645] : memref<50x4096x128xf32, #tpu.memory_space<hbm>> -> memref<1x256x128xf32, #tpu.memory_space<hbm>>
    %dma_start3A_2647 = tpu.memref_squeeze %dma_start3A_2646 : memref<1x256x128xf32, #tpu.memory_space<hbm>> -> memref<256x128xf32, #tpu.memory_space<hbm>>
    %dma_start3A_2648 = arith.constant 0 : i32
    %dma_start3A_2649 = tpu.memref_slice %arg4[%select_n3A_2626, %mul3A_2644, %dma_start3A_2648] : memref<50x4096x128xf32, #tpu.memory_space<hbm>> -> memref<1x256x128xf32, #tpu.memory_space<hbm>>
    %dma_start3A_2650 = tpu.memref_squeeze %dma_start3A_2649 : memref<1x256x128xf32, #tpu.memory_space<hbm>> -> memref<256x128xf32, #tpu.memory_space<hbm>>
    tpu.enqueue_dma source(%arg5 : memref<256x128xf32, #tpu.memory_space<vmem>>) target(%dma_start3A_2650 : memref<256x128xf32, #tpu.memory_space<hbm>>) target_semaphore(%arg14 : memref<!tpu.dma_semaphore, #tpu.memory_space<semaphore_mem>>)
    %dma_wait3A_2651 = arith.constant 0 : i32
    %dma_wait3A_2652 = tpu.memref_slice %arg4[%select_n3A_2626, %mul3A_2644, %dma_wait3A_2651] : memref<50x4096x128xf32, #tpu.memory_space<hbm>> -> memref<1x256x128xf32, #tpu.memory_space<hbm>>
    %dma_wait3A_2653 = tpu.memref_squeeze %dma_wait3A_2652 : memref<1x256x128xf32, #tpu.memory_space<hbm>> -> memref<256x128xf32, #tpu.memory_space<hbm>>
    %dma_wait3A_2654 = arith.constant 0 : i32
    %dma_wait3A_2655 = tpu.memref_slice %arg4[%select_n3A_2626, %mul3A_2644, %dma_wait3A_2654] : memref<50x4096x128xf32, #tpu.memory_space<hbm>> -> memref<1x256x128xf32, #tpu.memory_space<hbm>>
    %dma_wait3A_2656 = tpu.memref_squeeze %dma_wait3A_2655 : memref<1x256x128xf32, #tpu.memory_space<hbm>> -> memref<256x128xf32, #tpu.memory_space<hbm>>
    tpu.wait_dma2 semaphore(%arg14 : memref<!tpu.dma_semaphore, #tpu.memory_space<semaphore_mem>>) src(%arg5 : memref<256x128xf32, #tpu.memory_space<vmem>>) dst(%dma_wait3A_2656 : memref<256x128xf32, #tpu.memory_space<hbm>>)
    %dma_wait3A_2657 = tpu.memref_slice %arg3[%select_n3A_2578, %mul3A_2596] : memref<50x4096xi32, #tpu.memory_space<hbm>> -> memref<1x256xi32, #tpu.memory_space<hbm>>
    %dma_wait3A_2658 = tpu.memref_squeeze %dma_wait3A_2657 : memref<1x256xi32, #tpu.memory_space<hbm>> -> memref<256xi32, #tpu.memory_space<hbm>>
    %dma_wait3A_2659 = tpu.memref_slice %arg3[%select_n3A_2578, %mul3A_2596] : memref<50x4096xi32, #tpu.memory_space<hbm>> -> memref<1x256xi32, #tpu.memory_space<hbm>>
    %dma_wait3A_2660 = tpu.memref_squeeze %dma_wait3A_2659 : memref<1x256xi32, #tpu.memory_space<hbm>> -> memref<256xi32, #tpu.memory_space<hbm>>
    tpu.wait_dma2 semaphore(%arg17 : memref<!tpu.dma_semaphore, #tpu.memory_space<semaphore_mem>>) src(%dma_wait3A_2660 : memref<256xi32, #tpu.memory_space<hbm>>) dst(%arg8 : memref<256xi32, #tpu.memory_space<vmem>>)
    %dma_start3A_2661 = arith.constant 0 : i32
    %dma_start3A_2662 = arith.constant 0 : i32
    %dma_start3A_2663 = tpu.memref_slice %arg2[%dma_start3A_2661, %dma_start3A_2662] : memref<100000x128xf32, #tpu.memory_space<hbm>> -> memref<100000x128xf32, #tpu.memory_space<hbm>>
    tpu.enqueue_indirect_dma source(%dma_start3A_2663 : memref<100000x128xf32, #tpu.memory_space<hbm>>) target(%arg5 : memref<256x128xf32, #tpu.memory_space<vmem>>) offsets(%arg8 : memref<256xi32, #tpu.memory_space<vmem>>) semaphore(%arg11 : memref<!tpu.dma_semaphore, #tpu.memory_space<semaphore_mem>>)
    %dma_wait3A_2664 = arith.constant 0 : i32
    %dma_wait3A_2665 = arith.constant 0 : i32
    %dma_wait3A_2666 = tpu.memref_slice %arg2[%dma_wait3A_2664, %dma_wait3A_2665] : memref<100000x128xf32, #tpu.memory_space<hbm>> -> memref<100000x128xf32, #tpu.memory_space<hbm>>
    tpu.wait_indirect_dma semaphore(%arg12 : memref<!tpu.dma_semaphore, #tpu.memory_space<semaphore_mem>>) src(%dma_wait3A_2666 : memref<100000x128xf32, #tpu.memory_space<hbm>>) dst(%arg6 : memref<256x128xf32, #tpu.memory_space<vmem>>)
    %add3A_2667 = arith.constant 22 : i32
    %add3A_2668 = arith.addi %mul3A_2, %add3A_2667 : i32
    %jit3A_2669 = arith.constant 16 : i32
    %div3A_2670 = arith.divsi %add3A_2668, %jit3A_2669 : i32
    %sign3A_2671 = arith.constant 0 : i32
    %sign3A_2672 = arith.cmpi sgt, %add3A_2668, %sign3A_2671 : i32
    %sign3A_2673 = arith.extui %sign3A_2672 : i1 to i32
    %sign3A_2674 = arith.constant 0 : i32
    %sign3A_2675 = arith.cmpi slt, %add3A_2668, %sign3A_2674 : i32
    %sign3A_2676 = arith.extui %sign3A_2675 : i1 to i32
    %sign3A_2677 = arith.subi %sign3A_2673, %sign3A_2676 : i32
    %sign3A_2678 = arith.constant 0 : i32
    %sign3A_2679 = arith.cmpi sgt, %jit3A_2669, %sign3A_2678 : i32
    %sign3A_2680 = arith.extui %sign3A_2679 : i1 to i32
    %sign3A_2681 = arith.constant 0 : i32
    %sign3A_2682 = arith.cmpi slt, %jit3A_2669, %sign3A_2681 : i32
    %sign3A_2683 = arith.extui %sign3A_2682 : i1 to i32
    %sign3A_2684 = arith.subi %sign3A_2680, %sign3A_2683 : i32
    %ne3A_2685 = arith.cmpi ne, %sign3A_2677, %sign3A_2684 : i32
    %rem3A_2686 = arith.remsi %add3A_2668, %jit3A_2669 : i32
    %ne3A_2687 = arith.constant 0 : i32
    %ne3A_2688 = arith.cmpi ne, %rem3A_2686, %ne3A_2687 : i32
    %and3A_2689 = arith.andi %ne3A_2685, %ne3A_2688 : i1
    %sub3A_2690 = arith.constant 1 : i32
    %sub3A_2691 = arith.subi %div3A_2670, %sub3A_2690 : i32
    %select_n3A_2692 = arith.select %and3A_2689, %sub3A_2691, %div3A_2670 : i32
    %jit3A_2693 = arith.constant 16 : i32
    %eq3A_2694 = arith.constant 0 : i32
    %eq3A_2695 = arith.cmpi eq, %jit3A_2693, %eq3A_2694 : i32
    %jit3A_2696 = arith.constant 1 : i32
    %select_n3A_2697 = arith.select %eq3A_2695, %jit3A_2696, %jit3A_2693 : i32
    %rem3A_2698 = arith.remsi %add3A_2668, %select_n3A_2697 : i32
    %ne3A_2699 = arith.constant 0 : i32
    %ne3A_2700 = arith.cmpi ne, %rem3A_2698, %ne3A_2699 : i32
    %lt3A_2701 = arith.constant 0 : i32
    %lt3A_2702 = arith.cmpi slt, %rem3A_2698, %lt3A_2701 : i32
    %lt3A_2703 = arith.constant 0 : i32
    %lt3A_2704 = arith.cmpi slt, %select_n3A_2697, %lt3A_2703 : i32
    %ne3A_2705 = arith.xori %lt3A_2702, %lt3A_2704 : i1
    %and3A_2706 = arith.andi %ne3A_2705, %ne3A_2700 : i1
    %add3A_2707 = arith.addi %rem3A_2698, %select_n3A_2697 : i32
    %select_n3A_2708 = arith.select %and3A_2706, %add3A_2707, %rem3A_2698 : i32
    %mul3A_2709 = arith.constant 256 : i32
    %mul3A_2710 = arith.muli %select_n3A_2708, %mul3A_2709 : i32
    %dma_start3A_2711 = arith.constant 0 : i32
    %dma_start3A_2712 = tpu.memref_slice %arg4[%select_n3A_2692, %mul3A_2710, %dma_start3A_2711] : memref<50x4096x128xf32, #tpu.memory_space<hbm>> -> memref<1x256x128xf32, #tpu.memory_space<hbm>>
    %dma_start3A_2713 = tpu.memref_squeeze %dma_start3A_2712 : memref<1x256x128xf32, #tpu.memory_space<hbm>> -> memref<256x128xf32, #tpu.memory_space<hbm>>
    %dma_start3A_2714 = arith.constant 0 : i32
    %dma_start3A_2715 = tpu.memref_slice %arg4[%select_n3A_2692, %mul3A_2710, %dma_start3A_2714] : memref<50x4096x128xf32, #tpu.memory_space<hbm>> -> memref<1x256x128xf32, #tpu.memory_space<hbm>>
    %dma_start3A_2716 = tpu.memref_squeeze %dma_start3A_2715 : memref<1x256x128xf32, #tpu.memory_space<hbm>> -> memref<256x128xf32, #tpu.memory_space<hbm>>
    tpu.enqueue_dma source(%arg6 : memref<256x128xf32, #tpu.memory_space<vmem>>) target(%dma_start3A_2716 : memref<256x128xf32, #tpu.memory_space<hbm>>) target_semaphore(%arg15 : memref<!tpu.dma_semaphore, #tpu.memory_space<semaphore_mem>>)
    %dma_wait3A_2717 = arith.constant 0 : i32
    %dma_wait3A_2718 = arith.constant 0 : i32
    %dma_wait3A_2719 = tpu.memref_slice %arg2[%dma_wait3A_2717, %dma_wait3A_2718] : memref<100000x128xf32, #tpu.memory_space<hbm>> -> memref<100000x128xf32, #tpu.memory_space<hbm>>
    tpu.wait_indirect_dma semaphore(%arg13 : memref<!tpu.dma_semaphore, #tpu.memory_space<semaphore_mem>>) src(%dma_wait3A_2719 : memref<100000x128xf32, #tpu.memory_space<hbm>>) dst(%arg7 : memref<256x128xf32, #tpu.memory_space<vmem>>)
    %add3A_2720 = arith.constant 23 : i32
    %add3A_2721 = arith.addi %mul3A_2, %add3A_2720 : i32
    %jit3A_2722 = arith.constant 16 : i32
    %div3A_2723 = arith.divsi %add3A_2721, %jit3A_2722 : i32
    %sign3A_2724 = arith.constant 0 : i32
    %sign3A_2725 = arith.cmpi sgt, %add3A_2721, %sign3A_2724 : i32
    %sign3A_2726 = arith.extui %sign3A_2725 : i1 to i32
    %sign3A_2727 = arith.constant 0 : i32
    %sign3A_2728 = arith.cmpi slt, %add3A_2721, %sign3A_2727 : i32
    %sign3A_2729 = arith.extui %sign3A_2728 : i1 to i32
    %sign3A_2730 = arith.subi %sign3A_2726, %sign3A_2729 : i32
    %sign3A_2731 = arith.constant 0 : i32
    %sign3A_2732 = arith.cmpi sgt, %jit3A_2722, %sign3A_2731 : i32
    %sign3A_2733 = arith.extui %sign3A_2732 : i1 to i32
    %sign3A_2734 = arith.constant 0 : i32
    %sign3A_2735 = arith.cmpi slt, %jit3A_2722, %sign3A_2734 : i32
    %sign3A_2736 = arith.extui %sign3A_2735 : i1 to i32
    %sign3A_2737 = arith.subi %sign3A_2733, %sign3A_2736 : i32
    %ne3A_2738 = arith.cmpi ne, %sign3A_2730, %sign3A_2737 : i32
    %rem3A_2739 = arith.remsi %add3A_2721, %jit3A_2722 : i32
    %ne3A_2740 = arith.constant 0 : i32
    %ne3A_2741 = arith.cmpi ne, %rem3A_2739, %ne3A_2740 : i32
    %and3A_2742 = arith.andi %ne3A_2738, %ne3A_2741 : i1
    %sub3A_2743 = arith.constant 1 : i32
    %sub3A_2744 = arith.subi %div3A_2723, %sub3A_2743 : i32
    %select_n3A_2745 = arith.select %and3A_2742, %sub3A_2744, %div3A_2723 : i32
    %jit3A_2746 = arith.constant 16 : i32
    %eq3A_2747 = arith.constant 0 : i32
    %eq3A_2748 = arith.cmpi eq, %jit3A_2746, %eq3A_2747 : i32
    %jit3A_2749 = arith.constant 1 : i32
    %select_n3A_2750 = arith.select %eq3A_2748, %jit3A_2749, %jit3A_2746 : i32
    %rem3A_2751 = arith.remsi %add3A_2721, %select_n3A_2750 : i32
    %ne3A_2752 = arith.constant 0 : i32
    %ne3A_2753 = arith.cmpi ne, %rem3A_2751, %ne3A_2752 : i32
    %lt3A_2754 = arith.constant 0 : i32
    %lt3A_2755 = arith.cmpi slt, %rem3A_2751, %lt3A_2754 : i32
    %lt3A_2756 = arith.constant 0 : i32
    %lt3A_2757 = arith.cmpi slt, %select_n3A_2750, %lt3A_2756 : i32
    %ne3A_2758 = arith.xori %lt3A_2755, %lt3A_2757 : i1
    %and3A_2759 = arith.andi %ne3A_2758, %ne3A_2753 : i1
    %add3A_2760 = arith.addi %rem3A_2751, %select_n3A_2750 : i32
    %select_n3A_2761 = arith.select %and3A_2759, %add3A_2760, %rem3A_2751 : i32
    %mul3A_2762 = arith.constant 256 : i32
    %mul3A_2763 = arith.muli %select_n3A_2761, %mul3A_2762 : i32
    %dma_start3A_2764 = arith.constant 0 : i32
    %dma_start3A_2765 = tpu.memref_slice %arg4[%select_n3A_2745, %mul3A_2763, %dma_start3A_2764] : memref<50x4096x128xf32, #tpu.memory_space<hbm>> -> memref<1x256x128xf32, #tpu.memory_space<hbm>>
    %dma_start3A_2766 = tpu.memref_squeeze %dma_start3A_2765 : memref<1x256x128xf32, #tpu.memory_space<hbm>> -> memref<256x128xf32, #tpu.memory_space<hbm>>
    %dma_start3A_2767 = arith.constant 0 : i32
    %dma_start3A_2768 = tpu.memref_slice %arg4[%select_n3A_2745, %mul3A_2763, %dma_start3A_2767] : memref<50x4096x128xf32, #tpu.memory_space<hbm>> -> memref<1x256x128xf32, #tpu.memory_space<hbm>>
    %dma_start3A_2769 = tpu.memref_squeeze %dma_start3A_2768 : memref<1x256x128xf32, #tpu.memory_space<hbm>> -> memref<256x128xf32, #tpu.memory_space<hbm>>
    tpu.enqueue_dma source(%arg7 : memref<256x128xf32, #tpu.memory_space<vmem>>) target(%dma_start3A_2769 : memref<256x128xf32, #tpu.memory_space<hbm>>) target_semaphore(%arg16 : memref<!tpu.dma_semaphore, #tpu.memory_space<semaphore_mem>>)
    %dma_wait3A_2770 = arith.constant 0 : i32
    %dma_wait3A_2771 = arith.constant 0 : i32
    %dma_wait3A_2772 = tpu.memref_slice %arg2[%dma_wait3A_2770, %dma_wait3A_2771] : memref<100000x128xf32, #tpu.memory_space<hbm>> -> memref<100000x128xf32, #tpu.memory_space<hbm>>
    tpu.wait_indirect_dma semaphore(%arg11 : memref<!tpu.dma_semaphore, #tpu.memory_space<semaphore_mem>>) src(%dma_wait3A_2772 : memref<100000x128xf32, #tpu.memory_space<hbm>>) dst(%arg5 : memref<256x128xf32, #tpu.memory_space<vmem>>)
    %add3A_2773 = arith.constant 24 : i32
    %add3A_2774 = arith.addi %mul3A_2, %add3A_2773 : i32
    %jit3A_2775 = arith.constant 16 : i32
    %div3A_2776 = arith.divsi %add3A_2774, %jit3A_2775 : i32
    %sign3A_2777 = arith.constant 0 : i32
    %sign3A_2778 = arith.cmpi sgt, %add3A_2774, %sign3A_2777 : i32
    %sign3A_2779 = arith.extui %sign3A_2778 : i1 to i32
    %sign3A_2780 = arith.constant 0 : i32
    %sign3A_2781 = arith.cmpi slt, %add3A_2774, %sign3A_2780 : i32
    %sign3A_2782 = arith.extui %sign3A_2781 : i1 to i32
    %sign3A_2783 = arith.subi %sign3A_2779, %sign3A_2782 : i32
    %sign3A_2784 = arith.constant 0 : i32
    %sign3A_2785 = arith.cmpi sgt, %jit3A_2775, %sign3A_2784 : i32
    %sign3A_2786 = arith.extui %sign3A_2785 : i1 to i32
    %sign3A_2787 = arith.constant 0 : i32
    %sign3A_2788 = arith.cmpi slt, %jit3A_2775, %sign3A_2787 : i32
    %sign3A_2789 = arith.extui %sign3A_2788 : i1 to i32
    %sign3A_2790 = arith.subi %sign3A_2786, %sign3A_2789 : i32
    %ne3A_2791 = arith.cmpi ne, %sign3A_2783, %sign3A_2790 : i32
    %rem3A_2792 = arith.remsi %add3A_2774, %jit3A_2775 : i32
    %ne3A_2793 = arith.constant 0 : i32
    %ne3A_2794 = arith.cmpi ne, %rem3A_2792, %ne3A_2793 : i32
    %and3A_2795 = arith.andi %ne3A_2791, %ne3A_2794 : i1
    %sub3A_2796 = arith.constant 1 : i32
    %sub3A_2797 = arith.subi %div3A_2776, %sub3A_2796 : i32
    %select_n3A_2798 = arith.select %and3A_2795, %sub3A_2797, %div3A_2776 : i32
    %jit3A_2799 = arith.constant 16 : i32
    %eq3A_2800 = arith.constant 0 : i32
    %eq3A_2801 = arith.cmpi eq, %jit3A_2799, %eq3A_2800 : i32
    %jit3A_2802 = arith.constant 1 : i32
    %select_n3A_2803 = arith.select %eq3A_2801, %jit3A_2802, %jit3A_2799 : i32
    %rem3A_2804 = arith.remsi %add3A_2774, %select_n3A_2803 : i32
    %ne3A_2805 = arith.constant 0 : i32
    %ne3A_2806 = arith.cmpi ne, %rem3A_2804, %ne3A_2805 : i32
    %lt3A_2807 = arith.constant 0 : i32
    %lt3A_2808 = arith.cmpi slt, %rem3A_2804, %lt3A_2807 : i32
    %lt3A_2809 = arith.constant 0 : i32
    %lt3A_2810 = arith.cmpi slt, %select_n3A_2803, %lt3A_2809 : i32
    %ne3A_2811 = arith.xori %lt3A_2808, %lt3A_2810 : i1
    %and3A_2812 = arith.andi %ne3A_2811, %ne3A_2806 : i1
    %add3A_2813 = arith.addi %rem3A_2804, %select_n3A_2803 : i32
    %select_n3A_2814 = arith.select %and3A_2812, %add3A_2813, %rem3A_2804 : i32
    %mul3A_2815 = arith.constant 256 : i32
    %mul3A_2816 = arith.muli %select_n3A_2814, %mul3A_2815 : i32
    %dma_start3A_2817 = arith.constant 0 : i32
    %dma_start3A_2818 = tpu.memref_slice %arg4[%select_n3A_2798, %mul3A_2816, %dma_start3A_2817] : memref<50x4096x128xf32, #tpu.memory_space<hbm>> -> memref<1x256x128xf32, #tpu.memory_space<hbm>>
    %dma_start3A_2819 = tpu.memref_squeeze %dma_start3A_2818 : memref<1x256x128xf32, #tpu.memory_space<hbm>> -> memref<256x128xf32, #tpu.memory_space<hbm>>
    %dma_start3A_2820 = arith.constant 0 : i32
    %dma_start3A_2821 = tpu.memref_slice %arg4[%select_n3A_2798, %mul3A_2816, %dma_start3A_2820] : memref<50x4096x128xf32, #tpu.memory_space<hbm>> -> memref<1x256x128xf32, #tpu.memory_space<hbm>>
    %dma_start3A_2822 = tpu.memref_squeeze %dma_start3A_2821 : memref<1x256x128xf32, #tpu.memory_space<hbm>> -> memref<256x128xf32, #tpu.memory_space<hbm>>
    tpu.enqueue_dma source(%arg5 : memref<256x128xf32, #tpu.memory_space<vmem>>) target(%dma_start3A_2822 : memref<256x128xf32, #tpu.memory_space<hbm>>) target_semaphore(%arg14 : memref<!tpu.dma_semaphore, #tpu.memory_space<semaphore_mem>>)
    %dma_wait3A_2823 = arith.constant 0 : i32
    %dma_wait3A_2824 = tpu.memref_slice %arg4[%select_n3A_2798, %mul3A_2816, %dma_wait3A_2823] : memref<50x4096x128xf32, #tpu.memory_space<hbm>> -> memref<1x256x128xf32, #tpu.memory_space<hbm>>
    %dma_wait3A_2825 = tpu.memref_squeeze %dma_wait3A_2824 : memref<1x256x128xf32, #tpu.memory_space<hbm>> -> memref<256x128xf32, #tpu.memory_space<hbm>>
    %dma_wait3A_2826 = arith.constant 0 : i32
    %dma_wait3A_2827 = tpu.memref_slice %arg4[%select_n3A_2798, %mul3A_2816, %dma_wait3A_2826] : memref<50x4096x128xf32, #tpu.memory_space<hbm>> -> memref<1x256x128xf32, #tpu.memory_space<hbm>>
    %dma_wait3A_2828 = tpu.memref_squeeze %dma_wait3A_2827 : memref<1x256x128xf32, #tpu.memory_space<hbm>> -> memref<256x128xf32, #tpu.memory_space<hbm>>
    tpu.wait_dma2 semaphore(%arg14 : memref<!tpu.dma_semaphore, #tpu.memory_space<semaphore_mem>>) src(%arg5 : memref<256x128xf32, #tpu.memory_space<vmem>>) dst(%dma_wait3A_2828 : memref<256x128xf32, #tpu.memory_space<hbm>>)
    %dma_wait3A_2829 = arith.constant 0 : i32
    %dma_wait3A_2830 = tpu.memref_slice %arg4[%select_n3A_2692, %mul3A_2710, %dma_wait3A_2829] : memref<50x4096x128xf32, #tpu.memory_space<hbm>> -> memref<1x256x128xf32, #tpu.memory_space<hbm>>
    %dma_wait3A_2831 = tpu.memref_squeeze %dma_wait3A_2830 : memref<1x256x128xf32, #tpu.memory_space<hbm>> -> memref<256x128xf32, #tpu.memory_space<hbm>>
    %dma_wait3A_2832 = arith.constant 0 : i32
    %dma_wait3A_2833 = tpu.memref_slice %arg4[%select_n3A_2692, %mul3A_2710, %dma_wait3A_2832] : memref<50x4096x128xf32, #tpu.memory_space<hbm>> -> memref<1x256x128xf32, #tpu.memory_space<hbm>>
    %dma_wait3A_2834 = tpu.memref_squeeze %dma_wait3A_2833 : memref<1x256x128xf32, #tpu.memory_space<hbm>> -> memref<256x128xf32, #tpu.memory_space<hbm>>
    tpu.wait_dma2 semaphore(%arg15 : memref<!tpu.dma_semaphore, #tpu.memory_space<semaphore_mem>>) src(%arg6 : memref<256x128xf32, #tpu.memory_space<vmem>>) dst(%dma_wait3A_2834 : memref<256x128xf32, #tpu.memory_space<hbm>>)
    %dma_wait3A_2835 = arith.constant 0 : i32
    %dma_wait3A_2836 = tpu.memref_slice %arg4[%select_n3A_2745, %mul3A_2763, %dma_wait3A_2835] : memref<50x4096x128xf32, #tpu.memory_space<hbm>> -> memref<1x256x128xf32, #tpu.memory_space<hbm>>
    %dma_wait3A_2837 = tpu.memref_squeeze %dma_wait3A_2836 : memref<1x256x128xf32, #tpu.memory_space<hbm>> -> memref<256x128xf32, #tpu.memory_space<hbm>>
    %dma_wait3A_2838 = arith.constant 0 : i32
    %dma_wait3A_2839 = tpu.memref_slice %arg4[%select_n3A_2745, %mul3A_2763, %dma_wait3A_2838] : memref<50x4096x128xf32, #tpu.memory_space<hbm>> -> memref<1x256x128xf32, #tpu.memory_space<hbm>>
    %dma_wait3A_2840 = tpu.memref_squeeze %dma_wait3A_2839 : memref<1x256x128xf32, #tpu.memory_space<hbm>> -> memref<256x128xf32, #tpu.memory_space<hbm>>
    tpu.wait_dma2 semaphore(%arg16 : memref<!tpu.dma_semaphore, #tpu.memory_space<semaphore_mem>>) src(%arg7 : memref<256x128xf32, #tpu.memory_space<vmem>>) dst(%dma_wait3A_2840 : memref<256x128xf32, #tpu.memory_space<hbm>>)
    return
  }
}

</mosaic_0001>

<sc_bundles>
// kernel: kernel.3.cloned.1.call-start
scs
__scs_entry_jumppad:
0x0: {  	(pc) =	sbr.rel $0x88, $3  }
0x1: {  	(tag) =	ssettag $0x0;
	lr =	simm.s32 $0x1  }
0x2: {  	[smem:$0x3F9F] =	sst lr;
	_ =	strace $0xD0000000  }
0x3: {  	_ = 	snop  }
0x4: {  	_ = 	snop  }
0x5: {  	_ = 	snop  }
0x6: {  	_ = 	snop  }
0x7: {  	_ = 	snop  }
__scs_overlays_trampoline_lowered:
0x8: {  	[smem:$0x3FAE] =	sst s0  }
0x9: {  	[smem:$0x3FAF] =	sst s1  }
0xa: {  	[smem:$0x3FB0] =	sst s2  }
0xb: {  	[smem:$0x3FB1] =	sst s3  }
0xc: {  	[smem:$0x3FB2] =	sst s4  }
0xd: {  	[smem:$0x3FB3] =	sst s5  }
0xe: {  	[smem:$0x3FB4] =	sst s6  }
0xf: {  	[smem:$0x3FB5] =	sst s7  }
0x10: {  	[smem:$0x3FB6] =	sst s8  }
0x11: {  	[smem:$0x3FB7] =	sst s9;
	s0 =	simm.s32 @!p0 $0x0  }
0x12: {  	s1 =	sld [smem:$0x3F9D];
	s0 =	simm.s32 @p0 $0x1  }
0x13: {  	[smem:$0x3FB8] =	sst s0;
	s0 =	simm.s32 @!p1 $0x0  }
0x14: {  	s2 =	sld [smem:$0x3F9C];
	s0 =	simm.s32 @p1 $0x1  }
0x15: {  	[smem:$0x3FB9] =	sst s0;
	s0 =	simm.s32 @!p2 $0x0  }
0x16: {  	s3 =	sld [smem:$0x3FDB];
	s0 =	simm.s32 @p2 $0x1  }
0x17: {  	s4 =	simm.s32 $0x1BF5;
	[smem:$0x3FBB] =	sst s0  }
0x18: {  	s0 =	sld [smem:$0x3F9E];
	_ =	swait.ge [sflag:s4], $0x0  }
0x19: {  	s7 =	sld [smem:$0x3F9F]  }
0x1a: {  	s8 =	sadd.s32 $0xFFFFE003, lr  }
0x1b: {  	s9 =	sadd.s32 $0xFFFFFEF7, lr;
	s5 =	simm.s32 $0xFFFFFFFF;
	p2 =	slt.u32 s8, $0xFFFFF086  }
0x1c: {  	p1 =	slt.u32 s9, $0xF7A;
	s5 =	simm.s32 @!p2 $0x0  }
0x1d: {  	s5 =	simm.s32 @p1 $0x1;
	p0 =	seq.s32 s7, s2  }
0x1e: {  	s7 =	smul.u32 @!p0 $0xF7A, s2;
	p2 =	seq.s32 @!p0 s5, $0x0  }
0x1f: {  	s9 =	smul.u32 $0xF7A, s1;
	s8 =	simm.s32 @!p0 $0x1BF5;
	p2 =	por !p2, p0  }
0x20: {  	[sflag:s8] =	ssyncset.s32 @!p0 $0xFFFFF086;
	s6 =	sadd.s32 @!p0 s3, s7;
	s7 =	simm.s32 @!p0 $0x108  }
0x21: {  	s3 =	sadd.s32 s3, s9;
	s6 =	sadd.s32 @!p0 $0x88, s6;
	s7 =	simm.s32 @p2 $0x1082  }
0x22: {  	[simem:s7], [sflag:s8] =	dma.local @!p0 [hbm:s6], $0xF7A  }
0x23: {  	s9 =	sor.u32 $0xD0000000, s2;
	s6 =	simm.s32 $0x108;
	_ =	swait.ge @!p0 [sflag:s8], $0x0  }
0x24: {  	s3 =	sadd.s32 $0x88, s3;
	s6 =	simm.s32 @!p1 $0x1082;
	[sflag:s4] =	ssyncset.s32 $0xFFFFF086  }
0x25: {  	[simem:s6], [sflag:s4] =	dma.local [hbm:s3], $0xF7A  }
0x26: {  	[smem:$0x3F9F] =	sst s1;
	(tag) =	ssettag s2;
	_ =	strace s9  }
0x27: {  	s1 =	sld [smem:$0x3FAF]  }
0x28: {  	s2 =	sld [smem:$0x3FB0]  }
0x29: {  	s4 =	sld [smem:$0x3FB2]  }
0x2a: {  	p0 =	seq.s32 s5, $0x0;
	s5 =	sld [smem:$0x3FB3]  }
0x2b: {  	s6 =	sld [smem:$0x3FB4]  }
0x2c: {  	s7 =	sld [smem:$0x3FB5]  }
0x2d: {  	s3 =	simm.s32 $0x108;
	s8 =	sld [smem:$0x3FB6]  }
0x2e: {  	s3 =	simm.s32 @!p0 $0x1082;
	s9 =	sld [smem:$0x3FB7]  }
0x2f: {  	lr =	sadd.s32 s0, s3;
	s0 =	sld [smem:$0x3FAE]  }
0x30: {  	s3 =	sld [smem:$0x3FB1]  }
0x31: {  	[smem:$0x3FBA] =	sst s10  }
0x32: {  	s10 =	sld [smem:$0x3FB8];
	_ =	sdelay $0x3  }
0x33: {  	p0 =	seq.s32 s10, $0x1;
	s10 =	sld [smem:$0x3FBA];
	_ =	sdelay $0x3  }
0x34: {  	[smem:$0x3FBA] =	sst s10  }
0x35: {  	s10 =	sld [smem:$0x3FB9];
	_ =	sdelay $0x3  }
0x36: {  	p1 =	seq.s32 s10, $0x1;
	s10 =	sld [smem:$0x3FBA];
	_ =	sdelay $0x3  }
0x37: {  	[smem:$0x3FBA] =	sst s10  }
0x38: {  	s10 =	sld [smem:$0x3FBB]  }
0x39: {  	_ = 	snop;
	(pc) =	sbr.ind lr, $3  }
0x3a: {  	_ = 	snop  }
0x3b: {  	_ = 	snop  }
0x3c: {  	p2 =	seq.s32 s10, $0x1;
	s10 =	sld [smem:$0x3FBA]  }
0x3d: {  	_ =	shalt  }
0x3e: {  	_ =	shalt  }
0x3f: {  	_ =	shalt  }
0x40: {  	_ =	shalt  }
0x41: {  	_ =	shalt  }
0x42: {  	_ =	shalt  }
0x43: {  	_ =	shalt  }
0x44: {  	_ =	shalt  }
0x45: {  	_ =	shalt  }
0x46: {  	_ =	shalt  }
0x47: {  	_ =	shalt  }
0x48: {  	_ =	shalt  }
0x49: {  	_ =	shalt  }
0x4a: {  	_ =	shalt  }
0x4b: {  	_ =	shalt  }
0x4c: {  	_ =	shalt  }
0x4d: {  	_ =	shalt  }
0x4e: {  	_ =	shalt  }
0x4f: {  	_ =	shalt  }
0x50: {  	_ =	shalt  }
0x51: {  	_ =	shalt  }
0x52: {  	_ =	shalt  }
0x53: {  	_ =	shalt  }
0x54: {  	_ =	shalt  }
0x55: {  	_ =	shalt  }
0x56: {  	_ =	shalt  }
0x57: {  	_ =	shalt  }
0x58: {  	_ =	shalt  }
0x59: {  	_ =	shalt  }
0x5a: {  	_ =	shalt  }
0x5b: {  	_ =	shalt  }
0x5c: {  	_ =	shalt  }
0x5d: {  	_ =	shalt  }
0x5e: {  	_ =	shalt  }
0x5f: {  	_ =	shalt  }
0x60: {  	_ =	shalt  }
0x61: {  	_ =	shalt  }
0x62: {  	_ =	shalt  }
0x63: {  	_ =	shalt  }
0x64: {  	_ =	shalt  }
0x65: {  	_ =	shalt  }
0x66: {  	_ =	shalt  }
0x67: {  	_ =	shalt  }
0x68: {  	_ =	shalt  }
0x69: {  	_ =	shalt  }
0x6a: {  	_ =	shalt  }
0x6b: {  	_ =	shalt  }
0x6c: {  	_ =	shalt  }
0x6d: {  	_ =	shalt  }
0x6e: {  	_ =	shalt  }
0x6f: {  	_ =	shalt  }
0x70: {  	_ =	shalt  }
0x71: {  	_ =	shalt  }
0x72: {  	_ =	shalt  }
0x73: {  	_ =	shalt  }
0x74: {  	_ =	shalt  }
0x75: {  	_ =	shalt  }
0x76: {  	_ =	shalt  }
0x77: {  	_ =	shalt  }
0x78: {  	_ =	shalt  }
0x79: {  	_ =	shalt  }
0x7a: {  	_ =	shalt  }
0x7b: {  	_ =	shalt  }
0x7c: {  	_ =	shalt  }
0x7d: {  	_ =	shalt  }
0x7e: {  	_ =	shalt  }
0x7f: {  	_ =	shalt  }
0x80: {  	_ =	shalt  }
0x81: {  	_ =	shalt  }
0x82: {  	_ =	shalt  }
0x83: {  	_ =	shalt  }
0x84: {  	_ =	shalt  }
0x85: {  	_ =	shalt  }
0x86: {  	_ =	shalt  }
0x87: {  	_ =	shalt  }
.Lfunc_end0:
.L_simem_size_0:
called_computation_lowered:
.L_overlay_start_0:
0x88: {  	s2 =	sld [smem:$0x3FD9]  }
0x89: {  	s3 =	sld [smem:$0x3FFE];
	_ =	sdelay $0x1  }
0x8a: {  	s1 =	srdreg.scid  }
0x8b: {  	s0 =	sand.u32 $0x1, s1  }
0x8c: {  	s18 =	sshll.u32 s0, $0xA;
	s2 =	sadd.s32 s3, s2  }
0x8d: {  	s2 =	sadd.s32 s2, s18  }
0x8e: {  	[smem:$0x3FC6] =	sst s2  }
0x8f: {  	_ = 	snop  }
0x90: {  	s2 =	sld [smem:$0x3FC9]  }
0x91: {  	s19 =	sld [smem:$0x3FC8]  }
0x92: {  	s4 =	sld [smem:$0x3FD0];
	(tm) =	ssettm $0x1  }
0x93: {  	s5 =	sld [smem:$0x3FFB];
	_ =	sdelay $0x3  }
0x94: {  	_ =	strace s5  }
0x95: {  	s5 =	sld [smem:$0x3FFC];
	_ =	sdelay $0x3  }
0x96: {  	_ =	strace s5  }
0x97: {  	s5 =	sld [smem:$0x3FFD];
	_ =	sdelay $0x3  }
0x98: {  	_ =	strace s5  }
0x99: {  	_ =	strace $0x8FFFFFFF  }
0x9a: {  	s20 =	sld [smem:$0x3FDB];
	_ =	sdelay $0x1  }
0x9b: {  	s6 =	simm.s32 $_scs_section_size  }
0x9c: {  	s7 =	simm.s32 $_size__tile_overlayer_lowered;
	s8 =	simm.s32 $_tile_overlayer_lowered  }
0x9d: {  	s23 =	simm.s32 $0x1BFF;
	s22 =	sshll.u32 s8, $0x1;
	s5 =	sadd.s32 s6, s20  }
0x9e: {  	s9 =	simm.s32 $0x0;
	s21 =	sshll.u32 s7, $0x1;
	s7 =	sadd.s32 s22, s5  }
0x9f: {  	[timem:s9], [sflag:s23] =	dma.local [hbm:s7], s21  }
0xa0: {  	_ =	swait.ge [sflag:s23], s21  }
0xa1: {  	s6 =	ssub.s32 $0x0, s21;
	[sflag:s23] =	ssyncset.done $0x0  }
0xa2: {  	[sflag:s23] =	ssyncadd.s32 s6;
	_ =	sdelay $0x1  }
0xa3: {  	s24 =	simm.s32 $0x1B8B  }
0xa4: {  	_ =	swait.ge [sflag:s24], $0x1  }
0xa5: {  	[sflag:s24] =	ssyncset.done $0x0  }
0xa6: {  	s25 =	simm.s32 $0x1B8E;
	[sflag:s24] =	ssyncadd.s32 $0xFFFFFFFF  }
0xa7: {  	s26 =	simm.s32 $execute0_lowered;
	[smem:$0x3FD2] =	sst s25  }
0xa8: {  	s6 =	sshll.u32 s26, $0x1;
	_ =	strace $0x80000046;
	[dreg:$0x1] =	wrdreg $0xFFFFFFFF  }
0xa9: {  	s28 =	simm.s32 $_size_execute0_lowered;
	s5 =	sadd.s32 s5, s6;
	[dreg:$0x0] =	wrdreg $0x0  }
0xaa: {  	s6 =	sshll.u32 s28, $0x1;
	[dreg:$0x2] =	wrdreg s5  }
0xab: {  	[dreg:$0x3] =	wrdreg s6  }
0xac: {  	[dreg:$0x4] =	wrdreg $0xC0  }
0xad: {  	_ =	task [dreg:s9], $0x5FFFF  }
0xae: {  	[dreg:$0x1] =	wrdreg $0xFFFFFFFF  }
0xaf: {  	[dreg:$0x0] =	wrdreg $0x60  }
0xb0: {  	[dreg:$0x2] =	wrdreg s19  }
0xb1: {  	[dreg:$0x3] =	wrdreg s2  }
0xb2: {  	[dreg:$0x4] =	wrdreg s4  }
0xb3: {  	[dreg:$0x5] =	wrdreg $0x9  }
0xb4: {  	_ =	task.clear_ibuf [dreg:s9], $0x6FFFF;
	_ =	strace $0x90000046  }
0xb5: {  	s29 =	simm.s32 $0x9;
	_ =	strace $0x80000048  }
0xb6: {  	_ =	swait.ge [sflag:s29], $0x1  }
0xb7: {  	[sflag:s29] =	ssyncadd.s32 $0xFFFFFFFF  }
0xb8: {  	_ =	strace $0x90000048  }
0xb9: {  	_ =	sfence  }
0xba: {  	s30 =	sld [smem:$0x0];
	_ =	sdelay $0x2  }
0xbb: {  	s31 =	sshll.u32 s1, $0xD;
	s1 =	sshrl.u32 s1, $0x2  }
0xbc: {  	s3 =	sand.u32 $0x4000, s31;
	s1 =	sadd.s32 s1, s30  }
0xbd: {  	s0 =	sor.u32 s3, s0;
	s1 =	sshll.u32 s1, $0x11  }
0xbe: {  	s0 =	sor.u32 s1, s0  }
0xbf: {  	s0 =	sadd.s32 $0x8F2B, s0  }
0xc0: {  	[sflag:s0] =	ssyncadd.remote.s32 $0x1  }
0xc1: {  	_ =	sfence.sel $0xFFFF  }
0xc2: {  	[dreg:$0x0] =	wrdreg $0xFFFFFFFF;
	(pc) =	sbr.abs _section_cstart, $3  }
0xc3: {  	[dreg:$0x1] =	wrdreg $0xFFFFFFFF  }
0xc4: {  	_ =	task.clear_ibuf [dreg:s9], $0x2FFFF;
	_ =	strace $0x9FFFFFFF  }
0xc5: {  	(tm) =	ssettm $0x7FFFFFFF  }
tec
execute0_lowered:
.L_overlay_start_1:
0x0: {  	(tag) =	ssettag $0x1  }
0x1: {  	s0 =	srdreg.scid;
	s3 =	rddreg [dreg:$0x0]  }
0x2: {  	s1 =	stileid.u32;
	s5 =	rddreg [dreg:$0x1];
	s2 =	simm.s32 $0x0  }
0x3: {  	s30 =	simm.s32 $0x18100;
	s4 =	sand.u32 $0x1, s0;
	s23 =	sshll.u32 s1, $0x1  }
0x4: {  	s28 =	simm.s32 $0x18200;
	s31 =	simm.s32 $0x8;
	s0 =	sor.u32 s4, s23  }
0x5: {  	s29 =	simm.s32 $0x9;
	s1 =	rddreg [dreg:$0x2];
	s7 =	smul.u32 $0x19, s0  }
0x6: {  	p0 =	por $0x0, $0x0;
	[smem:$0x7FF] =	sst s2;
	s0 =	smul.u32 $0x900, s0  }
0x7: {  	_ =	strace $0x80000047;
	s4 =	ssub.s32 $0x2, s4;
	s6 =	sshll.u32 s7, $0x5  }
0x8: {  	s0 =	sand.u32 $0xF00, s0;
	s8 =	sand.u32 $0x70, s7;
	s9 =	sadd.s32 $0x1, s7  }
0x9: {  	s6 =	sand.u32 $0x7000, s6;
	s24 =	sshll.u32 s9, $0x5;
	s10 =	sshll.u32 s9, $0x8  }
0xa: {  	s11 =	sand.u32 $0x70, s9;
	s6 =	sor.u32 s6, s8;
	s8 =	sadd.s32 s5, s0  }
0xb: {  	s23 =	sshll.u32 s9, $0xC;
	s10 =	sand.u32 $0xF00, s10;
	s6 =	sadd.s32 s6, s8  }
0xc: {  	s12 =	sadd.s32 s5, s10;
	[dreg:$0x4] =	wrdreg s6;
	s6 =	sand.u32 $0xF000, s24  }
0xd: {  	s24 =	sshll.u32 s10, $0x4;
	s6 =	sor.u32 s6, s11;
	s11 =	sadd.s32 $0x2, s7  }
0xe: {  	s10 =	sadd.s32 $0x5, s7;
	s13 =	sshll.u32 s11, $0x8;
	s14 =	sshll.u32 s11, $0x5  }
0xf: {  	s15 =	sand.u32 $0x70, s11;
	s6 =	sadd.s32 s6, s12;
	s12 =	sadd.s32 $0x3, s7  }
0x10: {  	s13 =	sand.u32 $0xF00, s13;
	s14 =	sand.u32 $0xF000, s14;
	[dreg:$0x5] =	wrdreg s6  }
0x11: {  	s16 =	sshll.u32 s12, $0x5;
	s18 =	sand.u32 $0x70, s12;
	s25 =	sor.u32 s14, s15  }
0x12: {  	s26 =	sadd.s32 s5, s13;
	s15 =	sshll.u32 s12, $0x8;
	s17 =	sand.u32 $0xF000, s16  }
0x13: {  	s16 =	sshll.u32 s7, $0xF;
	s14 =	sadd.s32 s25, s26;
	s15 =	sand.u32 $0xF00, s15  }
0x14: {  	s6 =	sor.u32 s17, s18;
	s16 =	sand.u32 $0x1F80000, s16;
	s25 =	sshll.u32 s10, $0x8  }
0x15: {  	s26 =	sshll.u32 s10, $0x5;
	[dreg:$0x6] =	wrdreg s14;
	s19 =	sadd.s32 s5, s15  }
0x16: {  	s14 =	sadd.s32 s6, s19;
	s6 =	sshll.u32 s0, $0x7;
	s19 =	sand.u32 $0x70, s10  }
0x17: {  	[dreg:$0x7] =	wrdreg s14;
	s0 =	sor.u32 s6, s16;
	s14 =	sadd.s32 $0x4, s7  }
0x18: {  	s0 =	sshrl.u32 s0, $0x3;
	s20 =	sshll.u32 s14, $0x8;
	s17 =	sshll.u32 s14, $0x5  }
0x19: {  	s18 =	sand.u32 $0x70, s14;
	s16 =	sand.u32 $0xF00, s20;
	s17 =	sand.u32 $0xF000, s17  }
0x1a: {  	s0 =	sadd.s32 s1, s0;
	s17 =	sor.u32 s17, s18;
	s21 =	sadd.s32 s5, s16  }
0x1b: {  	[dreg:$0x8] =	wrdreg s0;
	s0 =	sand.u32 $0x7F0000, s23;
	s18 =	sand.u32 $0xF000, s26  }
0x1c: {  	s23 =	sshll.u32 s13, $0x4;
	s22 =	sadd.s32 s17, s21;
	s0 =	sadd.s32 s1, s0  }
0x1d: {  	s17 =	sand.u32 $0xF00, s25;
	s19 =	sor.u32 s18, s19;
	[dreg:$0x9] =	wrdreg s22  }
0x1e: {  	s0 =	sadd.s32 s24, s0;
	s20 =	sadd.s32 s5, s17;
	s22 =	sshll.u32 s11, $0xC  }
0x1f: {  	s11 =	sadd.s32 $0x6, s7;
	[dreg:$0xa] =	wrdreg s0;
	s21 =	sadd.s32 s19, s20  }
0x20: {  	s0 =	sand.u32 $0x7F0000, s22;
	s24 =	sshll.u32 s11, $0x8;
	s25 =	sshll.u32 s11, $0x5  }
0x21: {  	s26 =	sand.u32 $0x70, s11;
	s22 =	sshll.u32 s12, $0xC;
	s12 =	sadd.s32 $0x7, s7  }
0x22: {  	[dreg:$0xb] =	wrdreg s21;
	s0 =	sadd.s32 s1, s0;
	s13 =	sand.u32 $0xF00, s24  }
0x23: {  	s18 =	sand.u32 $0xF000, s25;
	s24 =	sshll.u32 s12, $0x8;
	s25 =	sshll.u32 s12, $0x5  }
0x24: {  	s0 =	sadd.s32 s23, s0;
	s19 =	sor.u32 s18, s26;
	s20 =	sadd.s32 s5, s13  }
0x25: {  	s23 =	sshll.u32 s15, $0x4;
	s15 =	sand.u32 $0xF00, s24;
	s18 =	sand.u32 $0xF000, s25  }
0x26: {  	s26 =	sand.u32 $0x70, s12;
	[dreg:$0xc] =	wrdreg s0;
	s21 =	sadd.s32 s19, s20  }
0x27: {  	s0 =	sand.u32 $0x7F0000, s22;
	s19 =	sor.u32 s18, s26;
	s20 =	sadd.s32 s5, s15  }
0x28: {  	s22 =	sshll.u32 s14, $0xC;
	s14 =	sadd.s32 $0x8, s7;
	[dreg:$0xd] =	wrdreg s21  }
0x29: {  	s0 =	sadd.s32 s1, s0;
	s21 =	sadd.s32 s19, s20;
	s24 =	sshll.u32 s14, $0x8  }
0x2a: {  	s25 =	sshll.u32 s14, $0x5;
	s26 =	sand.u32 $0x70, s14;
	s0 =	sadd.s32 s23, s0  }
0x2b: {  	[dreg:$0xf] =	wrdreg s21;
	s23 =	sshll.u32 s16, $0x4;
	s16 =	sand.u32 $0xF00, s24  }
0x2c: {  	s18 =	sand.u32 $0xF000, s25;
	[dreg:$0xe] =	wrdreg s0;
	s0 =	sand.u32 $0x7F0000, s22  }
0x2d: {  	s19 =	sor.u32 s18, s26;
	s20 =	sadd.s32 s5, s16;
	s22 =	sshll.u32 s10, $0xC  }
0x2e: {  	s10 =	sadd.s32 $0x9, s7;
	s0 =	sadd.s32 s1, s0;
	s21 =	sadd.s32 s19, s20  }
0x2f: {  	s24 =	sshll.u32 s10, $0x8;
	s25 =	sshll.u32 s10, $0x5;
	s26 =	sand.u32 $0x70, s10  }
0x30: {  	s0 =	sadd.s32 s23, s0;
	[dreg:$0x11] =	wrdreg s21;
	s23 =	sshll.u32 s17, $0x4  }
0x31: {  	s17 =	sand.u32 $0xF00, s24;
	s18 =	sand.u32 $0xF000, s25;
	[dreg:$0x10] =	wrdreg s0  }
0x32: {  	s0 =	sand.u32 $0x7F0000, s22;
	s19 =	sor.u32 s18, s26;
	s20 =	sadd.s32 s5, s17  }
0x33: {  	s22 =	sshll.u32 s11, $0xC;
	s11 =	sadd.s32 $0xA, s7;
	s0 =	sadd.s32 s1, s0  }
0x34: {  	s21 =	sadd.s32 s19, s20;
	s24 =	sshll.u32 s11, $0x8;
	s25 =	sshll.u32 s11, $0x5  }
0x35: {  	s26 =	sand.u32 $0x70, s11;
	s0 =	sadd.s32 s23, s0;
	[dreg:$0x13] =	wrdreg s21  }
0x36: {  	s23 =	sshll.u32 s13, $0x4;
	s13 =	sand.u32 $0xF00, s24;
	s18 =	sand.u32 $0xF000, s25  }
0x37: {  	[dreg:$0x12] =	wrdreg s0;
	s0 =	sand.u32 $0x7F0000, s22;
	s19 =	sor.u32 s18, s26  }
0x38: {  	s20 =	sadd.s32 s5, s13;
	s22 =	sshll.u32 s12, $0xC;
	s12 =	sadd.s32 $0xB, s7  }
0x39: {  	s0 =	sadd.s32 s1, s0;
	s21 =	sadd.s32 s19, s20;
	s24 =	sshll.u32 s12, $0x8  }
0x3a: {  	s25 =	sshll.u32 s12, $0x5;
	s26 =	sand.u32 $0x70, s12;
	s0 =	sadd.s32 s23, s0  }
0x3b: {  	[dreg:$0x15] =	wrdreg s21;
	s23 =	sshll.u32 s15, $0x4;
	s15 =	sand.u32 $0xF00, s24  }
0x3c: {  	s18 =	sand.u32 $0xF000, s25;
	[dreg:$0x14] =	wrdreg s0;
	s0 =	sand.u32 $0x7F0000, s22  }
0x3d: {  	s19 =	sor.u32 s18, s26;
	s20 =	sadd.s32 s5, s15;
	s22 =	sshll.u32 s14, $0xC  }
0x3e: {  	s14 =	sadd.s32 $0xC, s7;
	s0 =	sadd.s32 s1, s0;
	s21 =	sadd.s32 s19, s20  }
0x3f: {  	s24 =	sshll.u32 s14, $0x8;
	s25 =	sshll.u32 s14, $0x5;
	s26 =	sand.u32 $0x70, s14  }
0x40: {  	s0 =	sadd.s32 s23, s0;
	[dreg:$0x17] =	wrdreg s21;
	s23 =	sshll.u32 s16, $0x4  }
0x41: {  	s16 =	sand.u32 $0xF00, s24;
	s18 =	sand.u32 $0xF000, s25;
	[dreg:$0x16] =	wrdreg s0  }
0x42: {  	s0 =	sand.u32 $0x7F0000, s22;
	s19 =	sor.u32 s18, s26;
	s20 =	sadd.s32 s5, s16  }
0x43: {  	s22 =	sshll.u32 s10, $0xC;
	s10 =	sadd.s32 $0xD, s7;
	s0 =	sadd.s32 s1, s0  }
0x44: {  	s21 =	sadd.s32 s19, s20;
	s24 =	sshll.u32 s10, $0x8;
	s25 =	sshll.u32 s10, $0x5  }
0x45: {  	s26 =	sand.u32 $0x70, s10;
	s0 =	sadd.s32 s23, s0;
	[dreg:$0x19] =	wrdreg s21  }
0x46: {  	s23 =	sshll.u32 s17, $0x4;
	s17 =	sand.u32 $0xF00, s24;
	s18 =	sand.u32 $0xF000, s25  }
0x47: {  	[dreg:$0x18] =	wrdreg s0;
	s0 =	sand.u32 $0x7F0000, s22;
	s19 =	sor.u32 s18, s26  }
0x48: {  	s20 =	sadd.s32 s5, s17;
	s22 =	sshll.u32 s11, $0xC;
	s11 =	sadd.s32 $0xE, s7  }
0x49: {  	s0 =	sadd.s32 s1, s0;
	s21 =	sadd.s32 s19, s20;
	s24 =	sshll.u32 s11, $0x8  }
0x4a: {  	s25 =	sshll.u32 s11, $0x5;
	s26 =	sand.u32 $0x70, s11;
	s0 =	sadd.s32 s23, s0  }
0x4b: {  	[dreg:$0x1b] =	wrdreg s21;
	s23 =	sshll.u32 s13, $0x4;
	s13 =	sand.u32 $0xF00, s24  }
0x4c: {  	s18 =	sand.u32 $0xF000, s25;
	s24 =	sshll.u32 s15, $0x4;
	[dreg:$0x1a] =	wrdreg s0  }
0x4d: {  	s0 =	sand.u32 $0x7F0000, s22;
	s19 =	sor.u32 s18, s26;
	s20 =	sadd.s32 s5, s13  }
0x4e: {  	s22 =	sshll.u32 s12, $0xC;
	s12 =	sadd.s32 $0xF, s7;
	s0 =	sadd.s32 s1, s0  }
0x4f: {  	s21 =	sadd.s32 s19, s20;
	s25 =	sshll.u32 s12, $0x8;
	s26 =	sshll.u32 s12, $0x5  }
0x50: {  	s20 =	sand.u32 $0x70, s12;
	s0 =	sadd.s32 s23, s0;
	[dreg:$0x1d] =	wrdreg s21  }
0x51: {  	s23 =	sand.u32 $0x7F0000, s22;
	s18 =	sand.u32 $0xF00, s25;
	s19 =	sand.u32 $0xF000, s26  }
0x52: {  	[dreg:$0x1c] =	wrdreg s0;
	s0 =	sadd.s32 s1, s23;
	s21 =	sor.u32 s19, s20  }
0x53: {  	s22 =	sadd.s32 s5, s18;
	s23 =	sshll.u32 s14, $0xC;
	s14 =	sadd.s32 $0x10, s7  }
0x54: {  	s0 =	sadd.s32 s24, s0;
	s9 =	sand.u32 $0x7F0000, s23;
	s24 =	sshll.u32 s16, $0x4  }
0x55: {  	s25 =	sshll.u32 s14, $0x5;
	s26 =	sand.u32 $0x70, s14;
	s23 =	sshll.u32 s10, $0xC  }
0x56: {  	s14 =	sshll.u32 s14, $0xF;
	[dreg:$0x1e] =	wrdreg s0;
	s0 =	sadd.s32 s21, s22  }
0x57: {  	s9 =	sadd.s32 s1, s9;
	s16 =	sand.u32 $0xF000, s25;
	s14 =	sand.u32 $0x3F80000, s14  }
0x58: {  	[dreg:$0x1f] =	wrdreg s0;
	s20 =	sadd.s32 s24, s9;
	s21 =	sor.u32 s16, s26  }
0x59: {  	s0 =	sand.u32 $0x7F0000, s23;
	s24 =	sshll.u32 s17, $0x4;
	s23 =	sshll.u32 s13, $0x4  }
0x5a: {  	s9 =	sadd.s32 $0x12, s7;
	[smem:$0x7F2] =	sst s20;
	s22 =	sadd.s32 s21, s8  }
0x5b: {  	s8 =	sadd.s32 $0x11, s7;
	s0 =	sadd.s32 s1, s0;
	[smem:$0x7F3] =	sst s22  }
0x5c: {  	s25 =	sshll.u32 s8, $0x8;
	s26 =	sshll.u32 s8, $0x5;
	s17 =	sand.u32 $0x70, s8  }
0x5d: {  	s0 =	sadd.s32 s24, s0;
	s22 =	sshll.u32 s11, $0xC;
	s24 =	sshll.u32 s9, $0x8  }
0x5e: {  	s16 =	sand.u32 $0xF00, s25;
	s15 =	sand.u32 $0xF000, s26;
	[smem:$0x7F4] =	sst s0  }
0x5f: {  	s0 =	sand.u32 $0x7F0000, s22;
	s25 =	sshll.u32 s9, $0x5;
	s10 =	sand.u32 $0xF00, s24  }
0x60: {  	s26 =	sand.u32 $0x70, s9;
	s19 =	sor.u32 s15, s17;
	s20 =	sadd.s32 s5, s16  }
0x61: {  	s0 =	sadd.s32 s1, s0;
	s13 =	sand.u32 $0xF000, s25;
	s15 =	sadd.s32 s5, s10  }
0x62: {  	s21 =	sadd.s32 s19, s20;
	s0 =	sadd.s32 s23, s0;
	s13 =	sor.u32 s13, s26  }
0x63: {  	s19 =	sshll.u32 s12, $0xC;
	s12 =	sadd.s32 $0x13, s7;
	[smem:$0x7F5] =	sst s21  }
0x64: {  	[smem:$0x7F6] =	sst s0;
	s17 =	sadd.s32 s13, s15;
	s20 =	sand.u32 $0x7F0000, s19  }
0x65: {  	s21 =	sshll.u32 s18, $0x4;
	s22 =	sshll.u32 s12, $0x8;
	s23 =	sshll.u32 s12, $0x5  }
0x66: {  	s25 =	sand.u32 $0x70, s12;
	[smem:$0x7F7] =	sst s17;
	s0 =	sadd.s32 s1, s20  }
0x67: {  	s15 =	sand.u32 $0xF00, s22;
	s24 =	sand.u32 $0xF000, s23;
	s17 =	sor.u32 s6, s14  }
0x68: {  	s6 =	sadd.s32 $0x14, s7;
	s23 =	sshrl.u32 s4, $0x1;
	s0 =	sadd.s32 s21, s0  }
0x69: {  	s11 =	sor.u32 s24, s25;
	s26 =	sadd.s32 s5, s15;
	s18 =	sshll.u32 s6, $0x8  }
0x6a: {  	s19 =	sshll.u32 s6, $0x5;
	s21 =	sand.u32 $0x70, s6;
	s14 =	ssub.s32 s4, s23  }
0x6b: {  	s25 =	sshll.u32 s8, $0xC;
	s8 =	sadd.s32 $0x15, s7;
	[smem:$0x7F8] =	sst s0  }
0x6c: {  	s13 =	sadd.s32 s11, s26;
	s0 =	sshrl.u32 s17, $0x3;
	s17 =	sand.u32 $0xF00, s18  }
0x6d: {  	s20 =	sand.u32 $0xF000, s19;
	s26 =	sshll.u32 s16, $0x4;
	s16 =	sshll.u32 s8, $0x8  }
0x6e: {  	s18 =	sshll.u32 s8, $0x5;
	[smem:$0x7F9] =	sst s13;
	s0 =	sadd.s32 s1, s0  }
0x6f: {  	s11 =	sor.u32 s20, s21;
	s22 =	sadd.s32 s5, s17;
	s16 =	sand.u32 $0xF00, s16  }
0x70: {  	s19 =	sand.u32 $0xF000, s18;
	s20 =	sand.u32 $0x70, s8;
	s18 =	sadd.s32 $0x16, s7  }
0x71: {  	[smem:$0x7FA] =	sst s0;
	s24 =	sadd.s32 s11, s22;
	s0 =	sand.u32 $0x7F0000, s25  }
0x72: {  	s21 =	sor.u32 s19, s20;
	s22 =	sadd.s32 s5, s16;
	s11 =	sshll.u32 s18, $0x8  }
0x73: {  	s13 =	sshll.u32 s18, $0x5;
	s16 =	sshll.u32 s16, $0x4;
	[smem:$0x7FB] =	sst s24  }
0x74: {  	s0 =	sadd.s32 s1, s0;
	s23 =	sadd.s32 s21, s22;
	s24 =	sshll.u32 s9, $0xC  }
0x75: {  	s19 =	sand.u32 $0xF00, s11;
	s20 =	sand.u32 $0xF000, s13;
	s21 =	sand.u32 $0x70, s18  }
0x76: {  	s0 =	sadd.s32 s26, s0;
	[smem:$0x7FD] =	sst s23;
	s25 =	sand.u32 $0x7F0000, s24  }
0x77: {  	s26 =	sshll.u32 s10, $0x4;
	s9 =	sor.u32 s20, s21;
	s22 =	sadd.s32 s5, s19  }
0x78: {  	s23 =	sshll.u32 s12, $0xC;
	s24 =	sshll.u32 s15, $0x4;
	s10 =	sadd.s32 $0x17, s7  }
0x79: {  	s7 =	sadd.s32 $0x18, s7;
	[smem:$0x7FC] =	sst s0;
	s0 =	sadd.s32 s1, s25  }
0x7a: {  	s4 =	sadd.s32 s9, s22;
	s25 =	sshll.u32 s10, $0x8;
	s21 =	sand.u32 $0x70, s10  }
0x7b: {  	s11 =	sadd.s32 s26, s0;
	s0 =	sand.u32 $0x7F0000, s23;
	s26 =	sshll.u32 s10, $0x5  }
0x7c: {  	s15 =	sand.u32 $0xF00, s25;
	s23 =	sshll.u32 s17, $0x4;
	s25 =	sshll.u32 s7, $0x5  }
0x7d: {  	s10 =	sshll.u32 s10, $0xC;
	s17 =	simm.s32 $0x18000;
	s0 =	sadd.s32 s1, s0  }
0x7e: {  	s20 =	sand.u32 $0xF000, s26;
	s26 =	sand.u32 $0x70, s7;
	s10 =	sand.u32 $0x7F0000, s10  }
0x7f: {  	s12 =	sor.u32 s20, s21;
	s20 =	sadd.s32 s5, s15;
	s21 =	sshll.u32 s6, $0xC  }
0x80: {  	s13 =	sadd.s32 s24, s0;
	s24 =	sshll.u32 s7, $0x8;
	s7 =	sshll.u32 s7, $0xC  }
0x81: {  	s15 =	sshll.u32 s15, $0x4;
	s10 =	sadd.s32 s1, s10;
	s6 =	sadd.s32 s12, s20  }
0x82: {  	s22 =	sand.u32 $0x7F0000, s21;
	s12 =	sand.u32 $0xF000, s25;
	s20 =	sshll.u32 s8, $0xC  }
0x83: {  	s7 =	sand.u32 $0x7F0000, s7;
	s10 =	sadd.s32 s15, s10;
	s15 =	simm.s32 $0x5  }
0x84: {  	s0 =	sadd.s32 s1, s22;
	s12 =	sor.u32 s12, s26;
	s21 =	sand.u32 $0x7F0000, s20  }
0x85: {  	s22 =	sshll.u32 s18, $0xC;
	s26 =	smax.u32 s14, $0x1;
	s20 =	simm.s32 $0x8000  }
0x86: {  	s18 =	simm.s32 $0x10000;
	s14 =	simm.s32 $0x6;
	s9 =	sadd.s32 s23, s0  }
0x87: {  	s0 =	sand.u32 $0xF00, s24;
	s23 =	sand.u32 $0x7F0000, s22;
	s24 =	sshll.u32 s19, $0x4  }
0x88: {  	s22 =	simm.s32 $0x100;
	p1 =	sne.s32 s26, $0x1;
	s19 =	simm.s32 $0x1  }
0x89: {  	s5 =	sadd.s32 s5, s0;
	s25 =	sadd.s32 s1, s23;
	s0 =	sshll.u32 s0, $0x4  }
.Ltmp0:
0x8a: {  	s23 =	simm.s32 $0x80;
	s8 =	sadd.s32 s12, s5;
	(pc) =	sbr.rel @!p1 .LBB2_3-.Ltmp0, $4  }
0x8b: {  	s5 =	sadd.s32 s1, s21;
	s1 =	sadd.s32 s1, s7;
	s21 =	simm.s32 $0x7  }
0x8c: {  	s12 =	sadd.s32 s16, s5;
	s5 =	sadd.s32 s24, s25;
	s7 =	sadd.s32 s0, s1  }
0x8d: {  	s24 =	simm.s32 $0x400;
	s1 =	sadd.s32 $0xFFFFFFFF, s26;
	s16 =	simm.s32 $0x4  }
0x8e: {  	s26 =	simm.s32 $0x2;
	s25 =	simm.s32 $0x3;
	s0 =	rddreg [dreg:$0x4]  }
0x8f: {  	[smem:$0x7F0] =	sst s1  }
0x90: {  	[tilespmem:s17], [sflag:$0x7] =	stream.strided.gather [hbm4b:s0+s23], $0x100, s24, s23, $0x38;
	[tilespmem:$0x18300] =	vst v63  }
0x91: {  	s1 =	rddreg [dreg:$0x5]  }
0x92: {  	[tilespmem:s30], [sflag:$0x8] =	stream.strided.gather [hbm4b:s1+s23], $0x100, s24, s23, $0x38;
	[tilespmem:$0x18300] =	vst v63  }
0x93: {  	s0 =	rddreg [dreg:$0x6]  }
0x94: {  	[tilespmem:s28], [sflag:$0x9] =	stream.strided.gather [hbm4b:s0+s23], $0x100, s24, s23, $0x38;
	[tilespmem:$0x18300] =	vst v63  }
0x95: {  	_ =	swait.ge [sflag:s21], $0x100  }
0x96: {  	[sflag:s21] =	ssyncset.done $0x0  }
0x97: {  	[sflag:s21] =	ssyncadd.s32 $0xFFFFFF00  }
0x98: {  	[tilespmem:s2], [sflag:$0x1] =	stream.indirect.gather [hbm4b:s3+s22], $0x80, s17, s22, $0xb8;
	[tilespmem:$0x18300] =	vst v63  }
0x99: {  	_ =	swait.ge [sflag:s31], $0x100  }
0x9a: {  	[sflag:s31] =	ssyncset.done $0x0  }
0x9b: {  	[sflag:s31] =	ssyncadd.s32 $0xFFFFFF00  }
0x9c: {  	[tilespmem:s20], [sflag:$0x2] =	stream.indirect.gather [hbm4b:s3+s22], $0x80, s30, s22, $0xb8;
	[tilespmem:$0x18300] =	vst v63  }
0x9d: {  	_ =	swait.ge [sflag:s29], $0x100  }
0x9e: {  	[sflag:s29] =	ssyncset.done $0x0  }
0x9f: {  	[sflag:s29] =	ssyncadd.s32 $0xFFFFFF00  }
0xa0: {  	[tilespmem:s18], [sflag:$0x3] =	stream.indirect.gather [hbm4b:s3+s22], $0x80, s28, s22, $0xb8;
	[tilespmem:$0x18300] =	vst v63  }
0xa1: {  	_ =	swait.ge [sflag:s19], $0x8000  }
0xa2: {  	[sflag:s19] =	ssyncset.done $0x0  }
0xa3: {  	s0 =	rddreg [dreg:$0x7];
	[sflag:s19] =	ssyncadd.s32 $0xFFFF8000  }
0xa4: {  	[tilespmem:s17], [sflag:$0x7] =	stream.strided.gather [hbm4b:s0+s23], $0x100, s24, s23, $0x38;
	[tilespmem:$0x18300] =	vst v63  }
0xa5: {  	s1 =	rddreg [dreg:$0x8]  }
0xa6: {  	[hbm4b:s1+s2] =	stream.linear.scatter [tilespmem:s2], [sflag:$0x4], $0x8000, $0x38;
	[tilespmem:$0x18300] =	vst v63  }
0xa7: {  	_ =	swait.ge [sflag:s16], $0x8000  }
0xa8: {  	[sflag:s16] =	ssyncset.done $0x0  }
0xa9: {  	[sflag:s16] =	ssyncadd.s32 $0xFFFF8000  }
0xaa: {  	_ =	swait.ge [sflag:s21], $0x100  }
0xab: {  	[sflag:s21] =	ssyncset.done $0x0  }
0xac: {  	[sflag:s21] =	ssyncadd.s32 $0xFFFFFF00  }
0xad: {  	[tilespmem:s2], [sflag:$0x1] =	stream.indirect.gather [hbm4b:s3+s22], $0x80, s17, s22, $0xb8;
	[tilespmem:$0x18300] =	vst v63  }
0xae: {  	_ =	swait.ge [sflag:s26], $0x8000  }
0xaf: {  	[sflag:s26] =	ssyncset.done $0x0  }
0xb0: {  	s0 =	rddreg [dreg:$0x9];
	[sflag:s26] =	ssyncadd.s32 $0xFFFF8000  }
0xb1: {  	[tilespmem:s30], [sflag:$0x8] =	stream.strided.gather [hbm4b:s0+s23], $0x100, s24, s23, $0x38;
	[tilespmem:$0x18300] =	vst v63  }
0xb2: {  	s1 =	rddreg [dreg:$0xa]  }
0xb3: {  	[hbm4b:s1+s2] =	stream.linear.scatter [tilespmem:s20], [sflag:$0x5], $0x8000, $0x38;
	[tilespmem:$0x18300] =	vst v63  }
0xb4: {  	_ =	swait.ge [sflag:s15], $0x8000  }
0xb5: {  	[sflag:s15] =	ssyncset.done $0x0  }
0xb6: {  	[sflag:s15] =	ssyncadd.s32 $0xFFFF8000  }
0xb7: {  	_ =	swait.ge [sflag:s31], $0x100  }
0xb8: {  	[sflag:s31] =	ssyncset.done $0x0  }
0xb9: {  	[sflag:s31] =	ssyncadd.s32 $0xFFFFFF00  }
0xba: {  	[tilespmem:s20], [sflag:$0x2] =	stream.indirect.gather [hbm4b:s3+s22], $0x80, s30, s22, $0xb8;
	[tilespmem:$0x18300] =	vst v63  }
0xbb: {  	_ =	swait.ge [sflag:s25], $0x8000  }
0xbc: {  	[sflag:s25] =	ssyncset.done $0x0  }
0xbd: {  	s0 =	rddreg [dreg:$0xb];
	[sflag:s25] =	ssyncadd.s32 $0xFFFF8000  }
0xbe: {  	[tilespmem:s28], [sflag:$0x9] =	stream.strided.gather [hbm4b:s0+s23], $0x100, s24, s23, $0x38;
	[tilespmem:$0x18300] =	vst v63  }
0xbf: {  	s1 =	rddreg [dreg:$0xc]  }
0xc0: {  	[hbm4b:s1+s2] =	stream.linear.scatter [tilespmem:s18], [sflag:$0x6], $0x8000, $0x38;
	[tilespmem:$0x18300] =	vst v63  }
0xc1: {  	_ =	swait.ge [sflag:s14], $0x8000  }
0xc2: {  	[sflag:s14] =	ssyncset.done $0x0  }
0xc3: {  	[sflag:s14] =	ssyncadd.s32 $0xFFFF8000  }
0xc4: {  	_ =	swait.ge [sflag:s29], $0x100  }
0xc5: {  	[sflag:s29] =	ssyncset.done $0x0  }
0xc6: {  	[sflag:s29] =	ssyncadd.s32 $0xFFFFFF00  }
0xc7: {  	[tilespmem:s18], [sflag:$0x3] =	stream.indirect.gather [hbm4b:s3+s22], $0x80, s28, s22, $0xb8;
	[tilespmem:$0x18300] =	vst v63  }
0xc8: {  	_ =	swait.ge [sflag:s19], $0x8000  }
0xc9: {  	[sflag:s19] =	ssyncset.done $0x0  }
0xca: {  	s0 =	rddreg [dreg:$0xd];
	[sflag:s19] =	ssyncadd.s32 $0xFFFF8000  }
0xcb: {  	[tilespmem:s17], [sflag:$0x7] =	stream.strided.gather [hbm4b:s0+s23], $0x100, s24, s23, $0x38;
	[tilespmem:$0x18300] =	vst v63  }
0xcc: {  	s1 =	rddreg [dreg:$0xe]  }
0xcd: {  	[hbm4b:s1+s2] =	stream.linear.scatter [tilespmem:s2], [sflag:$0x4], $0x8000, $0x38;
	[tilespmem:$0x18300] =	vst v63  }
0xce: {  	_ =	swait.ge [sflag:s16], $0x8000  }
0xcf: {  	[sflag:s16] =	ssyncset.done $0x0  }
0xd0: {  	[sflag:s16] =	ssyncadd.s32 $0xFFFF8000  }
0xd1: {  	_ =	swait.ge [sflag:s21], $0x100  }
0xd2: {  	[sflag:s21] =	ssyncset.done $0x0  }
0xd3: {  	[sflag:s21] =	ssyncadd.s32 $0xFFFFFF00  }
0xd4: {  	[tilespmem:s2], [sflag:$0x1] =	stream.indirect.gather [hbm4b:s3+s22], $0x80, s17, s22, $0xb8;
	[tilespmem:$0x18300] =	vst v63  }
0xd5: {  	_ =	swait.ge [sflag:s26], $0x8000  }
0xd6: {  	[sflag:s26] =	ssyncset.done $0x0  }
0xd7: {  	s0 =	rddreg [dreg:$0xf];
	[sflag:s26] =	ssyncadd.s32 $0xFFFF8000  }
0xd8: {  	[tilespmem:s30], [sflag:$0x8] =	stream.strided.gather [hbm4b:s0+s23], $0x100, s24, s23, $0x38;
	[tilespmem:$0x18300] =	vst v63  }
0xd9: {  	s1 =	rddreg [dreg:$0x10]  }
0xda: {  	[hbm4b:s1+s2] =	stream.linear.scatter [tilespmem:s20], [sflag:$0x5], $0x8000, $0x38;
	[tilespmem:$0x18300] =	vst v63  }
0xdb: {  	_ =	swait.ge [sflag:s15], $0x8000  }
0xdc: {  	[sflag:s15] =	ssyncset.done $0x0  }
0xdd: {  	[sflag:s15] =	ssyncadd.s32 $0xFFFF8000  }
0xde: {  	_ =	swait.ge [sflag:s31], $0x100  }
0xdf: {  	[sflag:s31] =	ssyncset.done $0x0  }
0xe0: {  	[sflag:s31] =	ssyncadd.s32 $0xFFFFFF00  }
0xe1: {  	[tilespmem:s20], [sflag:$0x2] =	stream.indirect.gather [hbm4b:s3+s22], $0x80, s30, s22, $0xb8;
	[tilespmem:$0x18300] =	vst v63  }
0xe2: {  	_ =	swait.ge [sflag:s25], $0x8000  }
0xe3: {  	[sflag:s25] =	ssyncset.done $0x0  }
0xe4: {  	s0 =	rddreg [dreg:$0x11];
	[sflag:s25] =	ssyncadd.s32 $0xFFFF8000  }
0xe5: {  	[tilespmem:s28], [sflag:$0x9] =	stream.strided.gather [hbm4b:s0+s23], $0x100, s24, s23, $0x38;
	[tilespmem:$0x18300] =	vst v63  }
0xe6: {  	s1 =	rddreg [dreg:$0x12]  }
0xe7: {  	[hbm4b:s1+s2] =	stream.linear.scatter [tilespmem:s18], [sflag:$0x6], $0x8000, $0x38;
	[tilespmem:$0x18300] =	vst v63  }
0xe8: {  	_ =	swait.ge [sflag:s14], $0x8000  }
0xe9: {  	[sflag:s14] =	ssyncset.done $0x0  }
0xea: {  	[sflag:s14] =	ssyncadd.s32 $0xFFFF8000  }
0xeb: {  	_ =	swait.ge [sflag:s29], $0x100  }
0xec: {  	[sflag:s29] =	ssyncset.done $0x0  }
0xed: {  	[sflag:s29] =	ssyncadd.s32 $0xFFFFFF00  }
0xee: {  	[tilespmem:s18], [sflag:$0x3] =	stream.indirect.gather [hbm4b:s3+s22], $0x80, s28, s22, $0xb8;
	[tilespmem:$0x18300] =	vst v63  }
0xef: {  	_ =	swait.ge [sflag:s19], $0x8000  }
0xf0: {  	[sflag:s19] =	ssyncset.done $0x0  }
0xf1: {  	s0 =	rddreg [dreg:$0x13];
	[sflag:s19] =	ssyncadd.s32 $0xFFFF8000  }
0xf2: {  	[tilespmem:s17], [sflag:$0x7] =	stream.strided.gather [hbm4b:s0+s23], $0x100, s24, s23, $0x38;
	[tilespmem:$0x18300] =	vst v63  }
0xf3: {  	s1 =	rddreg [dreg:$0x14]  }
0xf4: {  	[hbm4b:s1+s2] =	stream.linear.scatter [tilespmem:s2], [sflag:$0x4], $0x8000, $0x38;
	[tilespmem:$0x18300] =	vst v63  }
0xf5: {  	_ =	swait.ge [sflag:s16], $0x8000  }
0xf6: {  	[sflag:s16] =	ssyncset.done $0x0  }
0xf7: {  	[sflag:s16] =	ssyncadd.s32 $0xFFFF8000  }
0xf8: {  	_ =	swait.ge [sflag:s21], $0x100  }
0xf9: {  	[sflag:s21] =	ssyncset.done $0x0  }
0xfa: {  	[sflag:s21] =	ssyncadd.s32 $0xFFFFFF00  }
0xfb: {  	[tilespmem:s2], [sflag:$0x1] =	stream.indirect.gather [hbm4b:s3+s22], $0x80, s17, s22, $0xb8;
	[tilespmem:$0x18300] =	vst v63  }
0xfc: {  	_ =	swait.ge [sflag:s26], $0x8000  }
0xfd: {  	[sflag:s26] =	ssyncset.done $0x0  }
0xfe: {  	s0 =	rddreg [dreg:$0x15];
	[sflag:s26] =	ssyncadd.s32 $0xFFFF8000  }
0xff: {  	[tilespmem:s30], [sflag:$0x8] =	stream.strided.gather [hbm4b:s0+s23], $0x100, s24, s23, $0x38;
	[tilespmem:$0x18300] =	vst v63  }
0x100: {  	s1 =	rddreg [dreg:$0x16]  }
0x101: {  	[hbm4b:s1+s2] =	stream.linear.scatter [tilespmem:s20], [sflag:$0x5], $0x8000, $0x38;
	[tilespmem:$0x18300] =	vst v63  }
0x102: {  	_ =	swait.ge [sflag:s15], $0x8000  }
0x103: {  	[sflag:s15] =	ssyncset.done $0x0  }
0x104: {  	[sflag:s15] =	ssyncadd.s32 $0xFFFF8000  }
0x105: {  	_ =	swait.ge [sflag:s31], $0x100  }
0x106: {  	[sflag:s31] =	ssyncset.done $0x0  }
0x107: {  	[sflag:s31] =	ssyncadd.s32 $0xFFFFFF00  }
0x108: {  	[tilespmem:s20], [sflag:$0x2] =	stream.indirect.gather [hbm4b:s3+s22], $0x80, s30, s22, $0xb8;
	[tilespmem:$0x18300] =	vst v63  }
0x109: {  	_ =	swait.ge [sflag:s25], $0x8000  }
0x10a: {  	[sflag:s25] =	ssyncset.done $0x0  }
0x10b: {  	s0 =	rddreg [dreg:$0x17];
	[sflag:s25] =	ssyncadd.s32 $0xFFFF8000  }
0x10c: {  	[tilespmem:s28], [sflag:$0x9] =	stream.strided.gather [hbm4b:s0+s23], $0x100, s24, s23, $0x38;
	[tilespmem:$0x18300] =	vst v63  }
0x10d: {  	s1 =	rddreg [dreg:$0x18]  }
0x10e: {  	[hbm4b:s1+s2] =	stream.linear.scatter [tilespmem:s18], [sflag:$0x6], $0x8000, $0x38;
	[tilespmem:$0x18300] =	vst v63  }
0x10f: {  	_ =	swait.ge [sflag:s14], $0x8000  }
0x110: {  	[sflag:s14] =	ssyncset.done $0x0  }
0x111: {  	[sflag:s14] =	ssyncadd.s32 $0xFFFF8000  }
0x112: {  	_ =	swait.ge [sflag:s29], $0x100  }
0x113: {  	[sflag:s29] =	ssyncset.done $0x0  }
0x114: {  	[sflag:s29] =	ssyncadd.s32 $0xFFFFFF00  }
0x115: {  	[tilespmem:s18], [sflag:$0x3] =	stream.indirect.gather [hbm4b:s3+s22], $0x80, s28, s22, $0xb8;
	[tilespmem:$0x18300] =	vst v63  }
0x116: {  	_ =	swait.ge [sflag:s19], $0x8000  }
0x117: {  	[sflag:s19] =	ssyncset.done $0x0  }
0x118: {  	s0 =	rddreg [dreg:$0x19];
	[sflag:s19] =	ssyncadd.s32 $0xFFFF8000  }
0x119: {  	[tilespmem:s17], [sflag:$0x7] =	stream.strided.gather [hbm4b:s0+s23], $0x100, s24, s23, $0x38;
	[tilespmem:$0x18300] =	vst v63  }
0x11a: {  	s1 =	rddreg [dreg:$0x1a]  }
0x11b: {  	[hbm4b:s1+s2] =	stream.linear.scatter [tilespmem:s2], [sflag:$0x4], $0x8000, $0x38;
	[tilespmem:$0x18300] =	vst v63  }
0x11c: {  	_ =	swait.ge [sflag:s16], $0x8000  }
0x11d: {  	[sflag:s16] =	ssyncset.done $0x0  }
0x11e: {  	[sflag:s16] =	ssyncadd.s32 $0xFFFF8000  }
0x11f: {  	_ =	swait.ge [sflag:s21], $0x100  }
0x120: {  	[sflag:s21] =	ssyncset.done $0x0  }
0x121: {  	[sflag:s21] =	ssyncadd.s32 $0xFFFFFF00  }
0x122: {  	[tilespmem:s2], [sflag:$0x1] =	stream.indirect.gather [hbm4b:s3+s22], $0x80, s17, s22, $0xb8;
	[tilespmem:$0x18300] =	vst v63  }
0x123: {  	_ =	swait.ge [sflag:s26], $0x8000  }
0x124: {  	[sflag:s26] =	ssyncset.done $0x0  }
0x125: {  	s0 =	rddreg [dreg:$0x1b];
	[sflag:s26] =	ssyncadd.s32 $0xFFFF8000  }
0x126: {  	[tilespmem:s30], [sflag:$0x8] =	stream.strided.gather [hbm4b:s0+s23], $0x100, s24, s23, $0x38;
	[tilespmem:$0x18300] =	vst v63  }
0x127: {  	s1 =	rddreg [dreg:$0x1c]  }
0x128: {  	[hbm4b:s1+s2] =	stream.linear.scatter [tilespmem:s20], [sflag:$0x5], $0x8000, $0x38;
	[tilespmem:$0x18300] =	vst v63  }
0x129: {  	_ =	swait.ge [sflag:s15], $0x8000  }
0x12a: {  	[sflag:s15] =	ssyncset.done $0x0  }
0x12b: {  	[sflag:s15] =	ssyncadd.s32 $0xFFFF8000  }
0x12c: {  	_ =	swait.ge [sflag:s31], $0x100  }
0x12d: {  	[sflag:s31] =	ssyncset.done $0x0  }
0x12e: {  	[sflag:s31] =	ssyncadd.s32 $0xFFFFFF00  }
0x12f: {  	[tilespmem:s20], [sflag:$0x2] =	stream.indirect.gather [hbm4b:s3+s22], $0x80, s30, s22, $0xb8;
	[tilespmem:$0x18300] =	vst v63  }
0x130: {  	_ =	swait.ge [sflag:s25], $0x8000  }
0x131: {  	[sflag:s25] =	ssyncset.done $0x0  }
0x132: {  	s0 =	rddreg [dreg:$0x1d];
	[sflag:s25] =	ssyncadd.s32 $0xFFFF8000  }
0x133: {  	[tilespmem:s28], [sflag:$0x9] =	stream.strided.gather [hbm4b:s0+s23], $0x100, s24, s23, $0x38;
	[tilespmem:$0x18300] =	vst v63  }
0x134: {  	s1 =	rddreg [dreg:$0x1e]  }
0x135: {  	[hbm4b:s1+s2] =	stream.linear.scatter [tilespmem:s18], [sflag:$0x6], $0x8000, $0x38;
	[tilespmem:$0x18300] =	vst v63  }
0x136: {  	_ =	swait.ge [sflag:s14], $0x8000  }
0x137: {  	[sflag:s14] =	ssyncset.done $0x0  }
0x138: {  	[sflag:s14] =	ssyncadd.s32 $0xFFFF8000  }
0x139: {  	_ =	swait.ge [sflag:s29], $0x100  }
0x13a: {  	[sflag:s29] =	ssyncset.done $0x0  }
0x13b: {  	[sflag:s29] =	ssyncadd.s32 $0xFFFFFF00  }
0x13c: {  	[tilespmem:s18], [sflag:$0x3] =	stream.indirect.gather [hbm4b:s3+s22], $0x80, s28, s22, $0xb8;
	[tilespmem:$0x18300] =	vst v63  }
0x13d: {  	_ =	swait.ge [sflag:s19], $0x8000  }
0x13e: {  	s0 =	rddreg [dreg:$0x1f];
	[sflag:s19] =	ssyncset.done $0x0  }
0x13f: {  	s1 =	sld [smem:$0x7F2];
	[sflag:s19] =	ssyncadd.s32 $0xFFFF8000  }
0x140: {  	[tilespmem:s17], [sflag:$0x7] =	stream.strided.gather [hbm4b:s0+s23], $0x100, s24, s23, $0x38;
	[tilespmem:$0x18300] =	vst v63  }
0x141: {  	_ = 	snop  }
0x142: {  	[hbm4b:s1+s2] =	stream.linear.scatter [tilespmem:s2], [sflag:$0x4], $0x8000, $0x38;
	[tilespmem:$0x18300] =	vst v63  }
0x143: {  	_ =	swait.ge [sflag:s16], $0x8000  }
0x144: {  	[sflag:s16] =	ssyncset.done $0x0  }
0x145: {  	[sflag:s16] =	ssyncadd.s32 $0xFFFF8000  }
0x146: {  	_ =	swait.ge [sflag:s21], $0x100  }
0x147: {  	[sflag:s21] =	ssyncset.done $0x0  }
0x148: {  	[sflag:s21] =	ssyncadd.s32 $0xFFFFFF00  }
0x149: {  	[tilespmem:s2], [sflag:$0x1] =	stream.indirect.gather [hbm4b:s3+s22], $0x80, s17, s22, $0xb8;
	[tilespmem:$0x18300] =	vst v63  }
0x14a: {  	_ =	swait.ge [sflag:s26], $0x8000  }
0x14b: {  	s0 =	sld [smem:$0x7F3]  }
0x14c: {  	[sflag:s26] =	ssyncset.done $0x0  }
0x14d: {  	s1 =	sld [smem:$0x7F4];
	[sflag:s26] =	ssyncadd.s32 $0xFFFF8000  }
0x14e: {  	[tilespmem:s30], [sflag:$0x8] =	stream.strided.gather [hbm4b:s0+s23], $0x100, s24, s23, $0x38;
	[tilespmem:$0x18300] =	vst v63  }
0x14f: {  	_ = 	snop  }
0x150: {  	[hbm4b:s1+s2] =	stream.linear.scatter [tilespmem:s20], [sflag:$0x5], $0x8000, $0x38;
	[tilespmem:$0x18300] =	vst v63  }
0x151: {  	_ =	swait.ge [sflag:s15], $0x8000  }
0x152: {  	[sflag:s15] =	ssyncset.done $0x0  }
0x153: {  	[sflag:s15] =	ssyncadd.s32 $0xFFFF8000  }
0x154: {  	_ =	swait.ge [sflag:s31], $0x100  }
0x155: {  	[sflag:s31] =	ssyncset.done $0x0  }
0x156: {  	[sflag:s31] =	ssyncadd.s32 $0xFFFFFF00  }
0x157: {  	[tilespmem:s20], [sflag:$0x2] =	stream.indirect.gather [hbm4b:s3+s22], $0x80, s30, s22, $0xb8;
	[tilespmem:$0x18300] =	vst v63  }
0x158: {  	_ =	swait.ge [sflag:s25], $0x8000  }
0x159: {  	s0 =	sld [smem:$0x7F5]  }
0x15a: {  	[sflag:s25] =	ssyncset.done $0x0  }
0x15b: {  	s1 =	sld [smem:$0x7F6];
	[sflag:s25] =	ssyncadd.s32 $0xFFFF8000  }
0x15c: {  	[tilespmem:s28], [sflag:$0x9] =	stream.strided.gather [hbm4b:s0+s23], $0x100, s24, s23, $0x38;
	[tilespmem:$0x18300] =	vst v63  }
0x15d: {  	_ = 	snop  }
0x15e: {  	[hbm4b:s1+s2] =	stream.linear.scatter [tilespmem:s18], [sflag:$0x6], $0x8000, $0x38;
	[tilespmem:$0x18300] =	vst v63  }
0x15f: {  	_ =	swait.ge [sflag:s14], $0x8000  }
0x160: {  	[sflag:s14] =	ssyncset.done $0x0  }
0x161: {  	[sflag:s14] =	ssyncadd.s32 $0xFFFF8000  }
0x162: {  	_ =	swait.ge [sflag:s29], $0x100  }
0x163: {  	[sflag:s29] =	ssyncset.done $0x0  }
0x164: {  	[sflag:s29] =	ssyncadd.s32 $0xFFFFFF00  }
0x165: {  	[tilespmem:s18], [sflag:$0x3] =	stream.indirect.gather [hbm4b:s3+s22], $0x80, s28, s22, $0xb8;
	[tilespmem:$0x18300] =	vst v63  }
0x166: {  	_ =	swait.ge [sflag:s19], $0x8000  }
0x167: {  	s0 =	sld [smem:$0x7F7]  }
0x168: {  	[sflag:s19] =	ssyncset.done $0x0  }
0x169: {  	s1 =	sld [smem:$0x7F8];
	[sflag:s19] =	ssyncadd.s32 $0xFFFF8000  }
0x16a: {  	[tilespmem:s17], [sflag:$0x7] =	stream.strided.gather [hbm4b:s0+s23], $0x100, s24, s23, $0x38;
	[tilespmem:$0x18300] =	vst v63  }
0x16b: {  	_ = 	snop  }
0x16c: {  	[hbm4b:s1+s2] =	stream.linear.scatter [tilespmem:s2], [sflag:$0x4], $0x8000, $0x38;
	[tilespmem:$0x18300] =	vst v63  }
0x16d: {  	_ =	swait.ge [sflag:s16], $0x8000  }
0x16e: {  	[sflag:s16] =	ssyncset.done $0x0  }
0x16f: {  	[sflag:s16] =	ssyncadd.s32 $0xFFFF8000  }
0x170: {  	_ =	swait.ge [sflag:s21], $0x100  }
0x171: {  	[sflag:s21] =	ssyncset.done $0x0  }
0x172: {  	[sflag:s21] =	ssyncadd.s32 $0xFFFFFF00  }
0x173: {  	[tilespmem:s2], [sflag:$0x1] =	stream.indirect.gather [hbm4b:s3+s22], $0x80, s17, s22, $0xb8;
	[tilespmem:$0x18300] =	vst v63  }
0x174: {  	_ =	swait.ge [sflag:s26], $0x8000  }
0x175: {  	s0 =	sld [smem:$0x7F9]  }
0x176: {  	[sflag:s26] =	ssyncset.done $0x0  }
0x177: {  	s1 =	sld [smem:$0x7FA];
	[sflag:s26] =	ssyncadd.s32 $0xFFFF8000  }
0x178: {  	[tilespmem:s30], [sflag:$0x8] =	stream.strided.gather [hbm4b:s0+s23], $0x100, s24, s23, $0x38;
	[tilespmem:$0x18300] =	vst v63  }
0x179: {  	_ = 	snop  }
0x17a: {  	[hbm4b:s1+s2] =	stream.linear.scatter [tilespmem:s20], [sflag:$0x5], $0x8000, $0x38;
	[tilespmem:$0x18300] =	vst v63  }
0x17b: {  	_ =	swait.ge [sflag:s15], $0x8000  }
0x17c: {  	[sflag:s15] =	ssyncset.done $0x0  }
0x17d: {  	[sflag:s15] =	ssyncadd.s32 $0xFFFF8000  }
0x17e: {  	_ =	swait.ge [sflag:s31], $0x100  }
0x17f: {  	[sflag:s31] =	ssyncset.done $0x0  }
0x180: {  	[sflag:s31] =	ssyncadd.s32 $0xFFFFFF00  }
0x181: {  	[tilespmem:s20], [sflag:$0x2] =	stream.indirect.gather [hbm4b:s3+s22], $0x80, s30, s22, $0xb8;
	[tilespmem:$0x18300] =	vst v63  }
0x182: {  	_ =	swait.ge [sflag:s25], $0x8000  }
0x183: {  	s0 =	sld [smem:$0x7FB]  }
0x184: {  	[sflag:s25] =	ssyncset.done $0x0  }
0x185: {  	s1 =	sld [smem:$0x7FC];
	[sflag:s25] =	ssyncadd.s32 $0xFFFF8000  }
0x186: {  	[tilespmem:s28], [sflag:$0x9] =	stream.strided.gather [hbm4b:s0+s23], $0x100, s24, s23, $0x38;
	[tilespmem:$0x18300] =	vst v63  }
0x187: {  	_ = 	snop  }
0x188: {  	[hbm4b:s1+s2] =	stream.linear.scatter [tilespmem:s18], [sflag:$0x6], $0x8000, $0x38;
	[tilespmem:$0x18300] =	vst v63  }
0x189: {  	_ =	swait.ge [sflag:s14], $0x8000  }
0x18a: {  	[sflag:s14] =	ssyncset.done $0x0  }
0x18b: {  	[sflag:s14] =	ssyncadd.s32 $0xFFFF8000  }
0x18c: {  	_ =	swait.ge [sflag:s29], $0x100  }
0x18d: {  	[sflag:s29] =	ssyncset.done $0x0  }
0x18e: {  	[sflag:s29] =	ssyncadd.s32 $0xFFFFFF00  }
0x18f: {  	[tilespmem:s18], [sflag:$0x3] =	stream.indirect.gather [hbm4b:s3+s22], $0x80, s28, s22, $0xb8;
	[tilespmem:$0x18300] =	vst v63  }
0x190: {  	_ =	swait.ge [sflag:s19], $0x8000  }
0x191: {  	s1 =	sld [smem:$0x7FD]  }
0x192: {  	[sflag:s19] =	ssyncset.done $0x0  }
0x193: {  	[sflag:s19] =	ssyncadd.s32 $0xFFFF8000  }
0x194: {  	[tilespmem:s17], [sflag:$0x7] =	stream.strided.gather [hbm4b:s1+s23], $0x100, s24, s23, $0x38;
	[tilespmem:$0x18300] =	vst v63  }
0x195: {  	_ = 	snop  }
0x196: {  	[hbm4b:s11+s2] =	stream.linear.scatter [tilespmem:s2], [sflag:$0x4], $0x8000, $0x38;
	[tilespmem:$0x18300] =	vst v63  }
0x197: {  	_ =	swait.ge [sflag:s16], $0x8000  }
0x198: {  	[sflag:s16] =	ssyncset.done $0x0  }
0x199: {  	[sflag:s16] =	ssyncadd.s32 $0xFFFF8000  }
0x19a: {  	_ =	swait.ge [sflag:s21], $0x100  }
0x19b: {  	[sflag:s21] =	ssyncset.done $0x0  }
0x19c: {  	[sflag:s21] =	ssyncadd.s32 $0xFFFFFF00  }
0x19d: {  	[tilespmem:s2], [sflag:$0x1] =	stream.indirect.gather [hbm4b:s3+s22], $0x80, s17, s22, $0xb8;
	[tilespmem:$0x18300] =	vst v63  }
0x19e: {  	_ =	swait.ge [sflag:s26], $0x8000  }
0x19f: {  	[sflag:s26] =	ssyncset.done $0x0  }
0x1a0: {  	[sflag:s26] =	ssyncadd.s32 $0xFFFF8000  }
0x1a1: {  	[tilespmem:s30], [sflag:$0x8] =	stream.strided.gather [hbm4b:s4+s23], $0x100, s24, s23, $0x38;
	[tilespmem:$0x18300] =	vst v63  }
0x1a2: {  	_ = 	snop  }
0x1a3: {  	[hbm4b:s13+s2] =	stream.linear.scatter [tilespmem:s20], [sflag:$0x5], $0x8000, $0x38;
	[tilespmem:$0x18300] =	vst v63  }
0x1a4: {  	_ =	swait.ge [sflag:s15], $0x8000  }
0x1a5: {  	[sflag:s15] =	ssyncset.done $0x0  }
0x1a6: {  	[sflag:s15] =	ssyncadd.s32 $0xFFFF8000  }
0x1a7: {  	_ =	swait.ge [sflag:s31], $0x100  }
0x1a8: {  	[sflag:s31] =	ssyncset.done $0x0  }
0x1a9: {  	[sflag:s31] =	ssyncadd.s32 $0xFFFFFF00  }
0x1aa: {  	[tilespmem:s20], [sflag:$0x2] =	stream.indirect.gather [hbm4b:s3+s22], $0x80, s30, s22, $0xb8;
	[tilespmem:$0x18300] =	vst v63  }
0x1ab: {  	_ =	swait.ge [sflag:s25], $0x8000  }
0x1ac: {  	[sflag:s25] =	ssyncset.done $0x0  }
0x1ad: {  	[sflag:s25] =	ssyncadd.s32 $0xFFFF8000  }
0x1ae: {  	[tilespmem:s28], [sflag:$0x9] =	stream.strided.gather [hbm4b:s6+s23], $0x100, s24, s23, $0x38;
	[tilespmem:$0x18300] =	vst v63  }
0x1af: {  	_ = 	snop  }
0x1b0: {  	[hbm4b:s9+s2] =	stream.linear.scatter [tilespmem:s18], [sflag:$0x6], $0x8000, $0x38;
	[tilespmem:$0x18300] =	vst v63  }
0x1b1: {  	_ =	swait.ge [sflag:s14], $0x8000  }
0x1b2: {  	[sflag:s14] =	ssyncset.done $0x0  }
0x1b3: {  	[sflag:s14] =	ssyncadd.s32 $0xFFFF8000  }
0x1b4: {  	_ =	swait.ge [sflag:s29], $0x100  }
0x1b5: {  	[sflag:s29] =	ssyncset.done $0x0  }
0x1b6: {  	[sflag:s29] =	ssyncadd.s32 $0xFFFFFF00  }
0x1b7: {  	[tilespmem:s18], [sflag:$0x3] =	stream.indirect.gather [hbm4b:s3+s22], $0x80, s28, s22, $0xb8;
	[tilespmem:$0x18300] =	vst v63  }
0x1b8: {  	_ =	swait.ge [sflag:s19], $0x8000  }
0x1b9: {  	[sflag:s19] =	ssyncset.done $0x0  }
0x1ba: {  	[sflag:s19] =	ssyncadd.s32 $0xFFFF8000  }
0x1bb: {  	[tilespmem:s17], [sflag:$0x7] =	stream.strided.gather [hbm4b:s8+s23], $0x100, s24, s23, $0x38;
	[tilespmem:$0x18300] =	vst v63  }
0x1bc: {  	_ = 	snop  }
0x1bd: {  	[hbm4b:s12+s2] =	stream.linear.scatter [tilespmem:s2], [sflag:$0x4], $0x8000, $0x38;
	[tilespmem:$0x18300] =	vst v63  }
0x1be: {  	_ =	swait.ge [sflag:s16], $0x8000  }
0x1bf: {  	[sflag:s16] =	ssyncset.done $0x0  }
0x1c0: {  	[sflag:s16] =	ssyncadd.s32 $0xFFFF8000  }
0x1c1: {  	_ =	swait.ge [sflag:s21], $0x100  }
0x1c2: {  	[sflag:s21] =	ssyncset.done $0x0  }
0x1c3: {  	[sflag:s21] =	ssyncadd.s32 $0xFFFFFF00  }
0x1c4: {  	[tilespmem:s2], [sflag:$0x1] =	stream.indirect.gather [hbm4b:s3+s22], $0x80, s17, s22, $0xb8;
	[tilespmem:$0x18300] =	vst v63  }
0x1c5: {  	_ =	swait.ge [sflag:s26], $0x8000  }
0x1c6: {  	[sflag:s26] =	ssyncset.done $0x0  }
0x1c7: {  	[sflag:s26] =	ssyncadd.s32 $0xFFFF8000  }
0x1c8: {  	[hbm4b:s5+s2] =	stream.linear.scatter [tilespmem:s20], [sflag:$0x5], $0x8000, $0x38;
	[tilespmem:$0x18300] =	vst v63  }
0x1c9: {  	_ =	swait.ge [sflag:s25], $0x8000  }
0x1ca: {  	[sflag:s25] =	ssyncset.done $0x0  }
0x1cb: {  	[sflag:s25] =	ssyncadd.s32 $0xFFFF8000  }
0x1cc: {  	[hbm4b:s10+s2] =	stream.linear.scatter [tilespmem:s18], [sflag:$0x6], $0x8000, $0x38;
	[tilespmem:$0x18300] =	vst v63  }
0x1cd: {  	_ =	swait.ge [sflag:s19], $0x8000  }
0x1ce: {  	[sflag:s19] =	ssyncset.done $0x0  }
0x1cf: {  	[sflag:s19] =	ssyncadd.s32 $0xFFFF8000  }
0x1d0: {  	[hbm4b:s7+s2] =	stream.linear.scatter [tilespmem:s2], [sflag:$0x4], $0x8000, $0x38;
	[tilespmem:$0x18300] =	vst v63  }
0x1d1: {  	_ =	swait.ge [sflag:s16], $0x8000  }
0x1d2: {  	[sflag:s16] =	ssyncset.done $0x0  }
0x1d3: {  	[sflag:s16] =	ssyncadd.s32 $0xFFFF8000  }
0x1d4: {  	_ =	swait.ge [sflag:s15], $0x8000  }
0x1d5: {  	s1 =	sld [smem:$0x7F0];
	_ =	sdelay $0x2  }
0x1d6: {  	p1 =	sne.s32 s1, $0x1  }
.Ltmp1:
0x1d7: {  	[sflag:s15] =	ssyncset.done $0x0;
	(pc) =	sbr.rel @!p1 .LBB2_3-.Ltmp1, $4  }
0x1d8: {  	[sflag:s15] =	ssyncadd.s32 $0xFFFF8000  }
0x1d9: {  	_ =	swait.ge [sflag:s14], $0x8000  }
0x1da: {  	p0 =	por $0x1, $0x1;
	s0 =	rddreg [dreg:$0x4]  }
0x1db: {  	s1 =	sadd.s32 $0xFFFFFFFF, s1;
	[sflag:s14] =	ssyncset.done $0x0;
	[smem:$0x7F1] =	sst s13  }
.LBB2_2:
0x1dc: {  	[sflag:s14] =	ssyncadd.s32 $0xFFFF8000;
	s13 =	smov.u32 s12  }
0x1dd: {  	s12 =	smov.u32 s11;
	s11 =	smov.u32 s10;
	s10 =	smov.u32 s9  }
0x1de: {  	s9 =	smov.u32 s8;
	s8 =	smov.u32 s7;
	s7 =	smov.u32 s6  }
0x1df: {  	[tilespmem:s17], [sflag:$0x7] =	stream.strided.gather [hbm4b:s0+s23], $0x100, s24, s23, $0x38;
	[tilespmem:$0x18300] =	vst v63  }
0x1e0: {  	s6 =	smov.u32 s5;
	s5 =	smov.u32 s4;
	s4 =	rddreg [dreg:$0x5]  }
0x1e1: {  	[tilespmem:s30], [sflag:$0x8] =	stream.strided.gather [hbm4b:s4+s23], $0x100, s24, s23, $0x38;
	[tilespmem:$0x18300] =	vst v63  }
0x1e2: {  	s0 =	rddreg [dreg:$0x6]  }
0x1e3: {  	[tilespmem:s28], [sflag:$0x9] =	stream.strided.gather [hbm4b:s0+s23], $0x100, s24, s23, $0x38;
	[tilespmem:$0x18300] =	vst v63  }
0x1e4: {  	_ =	swait.ge [sflag:s21], $0x100  }
0x1e5: {  	[sflag:s21] =	ssyncset.done $0x0  }
0x1e6: {  	[sflag:s21] =	ssyncadd.s32 $0xFFFFFF00  }
0x1e7: {  	[tilespmem:s2], [sflag:$0x1] =	stream.indirect.gather [hbm4b:s3+s22], $0x80, s17, s22, $0xb8;
	[tilespmem:$0x18300] =	vst v63  }
0x1e8: {  	_ =	swait.ge [sflag:s31], $0x100  }
0x1e9: {  	[sflag:s31] =	ssyncset.done $0x0  }
0x1ea: {  	[sflag:s31] =	ssyncadd.s32 $0xFFFFFF00  }
0x1eb: {  	[tilespmem:s20], [sflag:$0x2] =	stream.indirect.gather [hbm4b:s3+s22], $0x80, s30, s22, $0xb8;
	[tilespmem:$0x18300] =	vst v63  }
0x1ec: {  	_ =	swait.ge [sflag:s29], $0x100  }
0x1ed: {  	[sflag:s29] =	ssyncset.done $0x0  }
0x1ee: {  	[sflag:s29] =	ssyncadd.s32 $0xFFFFFF00  }
0x1ef: {  	[tilespmem:s18], [sflag:$0x3] =	stream.indirect.gather [hbm4b:s3+s22], $0x80, s28, s22, $0xb8;
	[tilespmem:$0x18300] =	vst v63  }
0x1f0: {  	_ =	swait.ge [sflag:s19], $0x8000  }
0x1f1: {  	[sflag:s19] =	ssyncset.done $0x0  }
0x1f2: {  	s0 =	rddreg [dreg:$0x7];
	[sflag:s19] =	ssyncadd.s32 $0xFFFF8000  }
0x1f3: {  	[tilespmem:s17], [sflag:$0x7] =	stream.strided.gather [hbm4b:s0+s23], $0x100, s24, s23, $0x38;
	[tilespmem:$0x18300] =	vst v63  }
0x1f4: {  	s4 =	rddreg [dreg:$0x8]  }
0x1f5: {  	[hbm4b:s4+s2] =	stream.linear.scatter [tilespmem:s2], [sflag:$0x4], $0x8000, $0x38;
	[tilespmem:$0x18300] =	vst v63  }
0x1f6: {  	_ =	swait.ge [sflag:s16], $0x8000  }
0x1f7: {  	[sflag:s16] =	ssyncset.done $0x0  }
0x1f8: {  	[sflag:s16] =	ssyncadd.s32 $0xFFFF8000  }
0x1f9: {  	_ =	swait.ge [sflag:s21], $0x100  }
0x1fa: {  	[sflag:s21] =	ssyncset.done $0x0  }
0x1fb: {  	[sflag:s21] =	ssyncadd.s32 $0xFFFFFF00  }
0x1fc: {  	[tilespmem:s2], [sflag:$0x1] =	stream.indirect.gather [hbm4b:s3+s22], $0x80, s17, s22, $0xb8;
	[tilespmem:$0x18300] =	vst v63  }
0x1fd: {  	_ =	swait.ge [sflag:s26], $0x8000  }
0x1fe: {  	[sflag:s26] =	ssyncset.done $0x0  }
0x1ff: {  	s0 =	rddreg [dreg:$0x9];
	[sflag:s26] =	ssyncadd.s32 $0xFFFF8000  }
0x200: {  	[tilespmem:s30], [sflag:$0x8] =	stream.strided.gather [hbm4b:s0+s23], $0x100, s24, s23, $0x38;
	[tilespmem:$0x18300] =	vst v63  }
0x201: {  	s4 =	rddreg [dreg:$0xa]  }
0x202: {  	[hbm4b:s4+s2] =	stream.linear.scatter [tilespmem:s20], [sflag:$0x5], $0x8000, $0x38;
	[tilespmem:$0x18300] =	vst v63  }
0x203: {  	_ =	swait.ge [sflag:s15], $0x8000  }
0x204: {  	[sflag:s15] =	ssyncset.done $0x0  }
0x205: {  	[sflag:s15] =	ssyncadd.s32 $0xFFFF8000  }
0x206: {  	_ =	swait.ge [sflag:s31], $0x100  }
0x207: {  	[sflag:s31] =	ssyncset.done $0x0  }
0x208: {  	[sflag:s31] =	ssyncadd.s32 $0xFFFFFF00  }
0x209: {  	[tilespmem:s20], [sflag:$0x2] =	stream.indirect.gather [hbm4b:s3+s22], $0x80, s30, s22, $0xb8;
	[tilespmem:$0x18300] =	vst v63  }
0x20a: {  	_ =	swait.ge [sflag:s25], $0x8000  }
0x20b: {  	[sflag:s25] =	ssyncset.done $0x0  }
0x20c: {  	s0 =	rddreg [dreg:$0xb];
	[sflag:s25] =	ssyncadd.s32 $0xFFFF8000  }
0x20d: {  	[tilespmem:s28], [sflag:$0x9] =	stream.strided.gather [hbm4b:s0+s23], $0x100, s24, s23, $0x38;
	[tilespmem:$0x18300] =	vst v63  }
0x20e: {  	s4 =	rddreg [dreg:$0xc]  }
0x20f: {  	[hbm4b:s4+s2] =	stream.linear.scatter [tilespmem:s18], [sflag:$0x6], $0x8000, $0x38;
	[tilespmem:$0x18300] =	vst v63  }
0x210: {  	_ =	swait.ge [sflag:s14], $0x8000  }
0x211: {  	[sflag:s14] =	ssyncset.done $0x0  }
0x212: {  	[sflag:s14] =	ssyncadd.s32 $0xFFFF8000  }
0x213: {  	_ =	swait.ge [sflag:s29], $0x100  }
0x214: {  	[sflag:s29] =	ssyncset.done $0x0  }
0x215: {  	[sflag:s29] =	ssyncadd.s32 $0xFFFFFF00  }
0x216: {  	[tilespmem:s18], [sflag:$0x3] =	stream.indirect.gather [hbm4b:s3+s22], $0x80, s28, s22, $0xb8;
	[tilespmem:$0x18300] =	vst v63  }
0x217: {  	_ =	swait.ge [sflag:s19], $0x8000  }
0x218: {  	[sflag:s19] =	ssyncset.done $0x0  }
0x219: {  	s0 =	rddreg [dreg:$0xd];
	[sflag:s19] =	ssyncadd.s32 $0xFFFF8000  }
0x21a: {  	[tilespmem:s17], [sflag:$0x7] =	stream.strided.gather [hbm4b:s0+s23], $0x100, s24, s23, $0x38;
	[tilespmem:$0x18300] =	vst v63  }
0x21b: {  	s4 =	rddreg [dreg:$0xe]  }
0x21c: {  	[hbm4b:s4+s2] =	stream.linear.scatter [tilespmem:s2], [sflag:$0x4], $0x8000, $0x38;
	[tilespmem:$0x18300] =	vst v63  }
0x21d: {  	_ =	swait.ge [sflag:s16], $0x8000  }
0x21e: {  	[sflag:s16] =	ssyncset.done $0x0  }
0x21f: {  	[sflag:s16] =	ssyncadd.s32 $0xFFFF8000  }
0x220: {  	_ =	swait.ge [sflag:s21], $0x100  }
0x221: {  	[sflag:s21] =	ssyncset.done $0x0  }
0x222: {  	[sflag:s21] =	ssyncadd.s32 $0xFFFFFF00  }
0x223: {  	[tilespmem:s2], [sflag:$0x1] =	stream.indirect.gather [hbm4b:s3+s22], $0x80, s17, s22, $0xb8;
	[tilespmem:$0x18300] =	vst v63  }
0x224: {  	_ =	swait.ge [sflag:s26], $0x8000  }
0x225: {  	[sflag:s26] =	ssyncset.done $0x0  }
0x226: {  	s0 =	rddreg [dreg:$0xf];
	[sflag:s26] =	ssyncadd.s32 $0xFFFF8000  }
0x227: {  	[tilespmem:s30], [sflag:$0x8] =	stream.strided.gather [hbm4b:s0+s23], $0x100, s24, s23, $0x38;
	[tilespmem:$0x18300] =	vst v63  }
0x228: {  	s4 =	rddreg [dreg:$0x10]  }
0x229: {  	[hbm4b:s4+s2] =	stream.linear.scatter [tilespmem:s20], [sflag:$0x5], $0x8000, $0x38;
	[tilespmem:$0x18300] =	vst v63  }
0x22a: {  	_ =	swait.ge [sflag:s15], $0x8000  }
0x22b: {  	[sflag:s15] =	ssyncset.done $0x0  }
0x22c: {  	[sflag:s15] =	ssyncadd.s32 $0xFFFF8000  }
0x22d: {  	_ =	swait.ge [sflag:s31], $0x100  }
0x22e: {  	[sflag:s31] =	ssyncset.done $0x0  }
0x22f: {  	[sflag:s31] =	ssyncadd.s32 $0xFFFFFF00  }
0x230: {  	[tilespmem:s20], [sflag:$0x2] =	stream.indirect.gather [hbm4b:s3+s22], $0x80, s30, s22, $0xb8;
	[tilespmem:$0x18300] =	vst v63  }
0x231: {  	_ =	swait.ge [sflag:s25], $0x8000  }
0x232: {  	[sflag:s25] =	ssyncset.done $0x0  }
0x233: {  	s0 =	rddreg [dreg:$0x11];
	[sflag:s25] =	ssyncadd.s32 $0xFFFF8000  }
0x234: {  	[tilespmem:s28], [sflag:$0x9] =	stream.strided.gather [hbm4b:s0+s23], $0x100, s24, s23, $0x38;
	[tilespmem:$0x18300] =	vst v63  }
0x235: {  	s4 =	rddreg [dreg:$0x12]  }
0x236: {  	[hbm4b:s4+s2] =	stream.linear.scatter [tilespmem:s18], [sflag:$0x6], $0x8000, $0x38;
	[tilespmem:$0x18300] =	vst v63  }
0x237: {  	_ =	swait.ge [sflag:s14], $0x8000  }
0x238: {  	[sflag:s14] =	ssyncset.done $0x0  }
0x239: {  	[sflag:s14] =	ssyncadd.s32 $0xFFFF8000  }
0x23a: {  	_ =	swait.ge [sflag:s29], $0x100  }
0x23b: {  	[sflag:s29] =	ssyncset.done $0x0  }
0x23c: {  	[sflag:s29] =	ssyncadd.s32 $0xFFFFFF00  }
0x23d: {  	[tilespmem:s18], [sflag:$0x3] =	stream.indirect.gather [hbm4b:s3+s22], $0x80, s28, s22, $0xb8;
	[tilespmem:$0x18300] =	vst v63  }
0x23e: {  	_ =	swait.ge [sflag:s19], $0x8000  }
0x23f: {  	[sflag:s19] =	ssyncset.done $0x0  }
0x240: {  	s0 =	rddreg [dreg:$0x13];
	[sflag:s19] =	ssyncadd.s32 $0xFFFF8000  }
0x241: {  	[tilespmem:s17], [sflag:$0x7] =	stream.strided.gather [hbm4b:s0+s23], $0x100, s24, s23, $0x38;
	[tilespmem:$0x18300] =	vst v63  }
0x242: {  	s4 =	rddreg [dreg:$0x14]  }
0x243: {  	[hbm4b:s4+s2] =	stream.linear.scatter [tilespmem:s2], [sflag:$0x4], $0x8000, $0x38;
	[tilespmem:$0x18300] =	vst v63  }
0x244: {  	_ =	swait.ge [sflag:s16], $0x8000  }
0x245: {  	[sflag:s16] =	ssyncset.done $0x0  }
0x246: {  	[sflag:s16] =	ssyncadd.s32 $0xFFFF8000  }
0x247: {  	_ =	swait.ge [sflag:s21], $0x100  }
0x248: {  	[sflag:s21] =	ssyncset.done $0x0  }
0x249: {  	[sflag:s21] =	ssyncadd.s32 $0xFFFFFF00  }
0x24a: {  	[tilespmem:s2], [sflag:$0x1] =	stream.indirect.gather [hbm4b:s3+s22], $0x80, s17, s22, $0xb8;
	[tilespmem:$0x18300] =	vst v63  }
0x24b: {  	_ =	swait.ge [sflag:s26], $0x8000  }
0x24c: {  	[sflag:s26] =	ssyncset.done $0x0  }
0x24d: {  	s0 =	rddreg [dreg:$0x15];
	[sflag:s26] =	ssyncadd.s32 $0xFFFF8000  }
0x24e: {  	[tilespmem:s30], [sflag:$0x8] =	stream.strided.gather [hbm4b:s0+s23], $0x100, s24, s23, $0x38;
	[tilespmem:$0x18300] =	vst v63  }
0x24f: {  	s4 =	rddreg [dreg:$0x16]  }
0x250: {  	[hbm4b:s4+s2] =	stream.linear.scatter [tilespmem:s20], [sflag:$0x5], $0x8000, $0x38;
	[tilespmem:$0x18300] =	vst v63  }
0x251: {  	_ =	swait.ge [sflag:s15], $0x8000  }
0x252: {  	[sflag:s15] =	ssyncset.done $0x0  }
0x253: {  	[sflag:s15] =	ssyncadd.s32 $0xFFFF8000  }
0x254: {  	_ =	swait.ge [sflag:s31], $0x100  }
0x255: {  	[sflag:s31] =	ssyncset.done $0x0  }
0x256: {  	[sflag:s31] =	ssyncadd.s32 $0xFFFFFF00  }
0x257: {  	[tilespmem:s20], [sflag:$0x2] =	stream.indirect.gather [hbm4b:s3+s22], $0x80, s30, s22, $0xb8;
	[tilespmem:$0x18300] =	vst v63  }
0x258: {  	_ =	swait.ge [sflag:s25], $0x8000  }
0x259: {  	[sflag:s25] =	ssyncset.done $0x0  }
0x25a: {  	s0 =	rddreg [dreg:$0x17];
	[sflag:s25] =	ssyncadd.s32 $0xFFFF8000  }
0x25b: {  	[tilespmem:s28], [sflag:$0x9] =	stream.strided.gather [hbm4b:s0+s23], $0x100, s24, s23, $0x38;
	[tilespmem:$0x18300] =	vst v63  }
0x25c: {  	s4 =	rddreg [dreg:$0x18]  }
0x25d: {  	[hbm4b:s4+s2] =	stream.linear.scatter [tilespmem:s18], [sflag:$0x6], $0x8000, $0x38;
	[tilespmem:$0x18300] =	vst v63  }
0x25e: {  	_ =	swait.ge [sflag:s14], $0x8000  }
0x25f: {  	[sflag:s14] =	ssyncset.done $0x0  }
0x260: {  	[sflag:s14] =	ssyncadd.s32 $0xFFFF8000  }
0x261: {  	_ =	swait.ge [sflag:s29], $0x100  }
0x262: {  	[sflag:s29] =	ssyncset.done $0x0  }
0x263: {  	[sflag:s29] =	ssyncadd.s32 $0xFFFFFF00  }
0x264: {  	[tilespmem:s18], [sflag:$0x3] =	stream.indirect.gather [hbm4b:s3+s22], $0x80, s28, s22, $0xb8;
	[tilespmem:$0x18300] =	vst v63  }
0x265: {  	_ =	swait.ge [sflag:s19], $0x8000  }
0x266: {  	[sflag:s19] =	ssyncset.done $0x0  }
0x267: {  	s0 =	rddreg [dreg:$0x19];
	[sflag:s19] =	ssyncadd.s32 $0xFFFF8000  }
0x268: {  	[tilespmem:s17], [sflag:$0x7] =	stream.strided.gather [hbm4b:s0+s23], $0x100, s24, s23, $0x38;
	[tilespmem:$0x18300] =	vst v63  }
0x269: {  	s4 =	rddreg [dreg:$0x1a]  }
0x26a: {  	[hbm4b:s4+s2] =	stream.linear.scatter [tilespmem:s2], [sflag:$0x4], $0x8000, $0x38;
	[tilespmem:$0x18300] =	vst v63  }
0x26b: {  	_ =	swait.ge [sflag:s16], $0x8000  }
0x26c: {  	[sflag:s16] =	ssyncset.done $0x0  }
0x26d: {  	[sflag:s16] =	ssyncadd.s32 $0xFFFF8000  }
0x26e: {  	_ =	swait.ge [sflag:s21], $0x100  }
0x26f: {  	[sflag:s21] =	ssyncset.done $0x0  }
0x270: {  	[sflag:s21] =	ssyncadd.s32 $0xFFFFFF00  }
0x271: {  	[tilespmem:s2], [sflag:$0x1] =	stream.indirect.gather [hbm4b:s3+s22], $0x80, s17, s22, $0xb8;
	[tilespmem:$0x18300] =	vst v63  }
0x272: {  	_ =	swait.ge [sflag:s26], $0x8000  }
0x273: {  	[sflag:s26] =	ssyncset.done $0x0  }
0x274: {  	s0 =	rddreg [dreg:$0x1b];
	[sflag:s26] =	ssyncadd.s32 $0xFFFF8000  }
0x275: {  	[tilespmem:s30], [sflag:$0x8] =	stream.strided.gather [hbm4b:s0+s23], $0x100, s24, s23, $0x38;
	[tilespmem:$0x18300] =	vst v63  }
0x276: {  	s4 =	rddreg [dreg:$0x1c]  }
0x277: {  	[hbm4b:s4+s2] =	stream.linear.scatter [tilespmem:s20], [sflag:$0x5], $0x8000, $0x38;
	[tilespmem:$0x18300] =	vst v63  }
0x278: {  	_ =	swait.ge [sflag:s15], $0x8000  }
0x279: {  	[sflag:s15] =	ssyncset.done $0x0  }
0x27a: {  	[sflag:s15] =	ssyncadd.s32 $0xFFFF8000  }
0x27b: {  	_ =	swait.ge [sflag:s31], $0x100  }
0x27c: {  	[sflag:s31] =	ssyncset.done $0x0  }
0x27d: {  	[sflag:s31] =	ssyncadd.s32 $0xFFFFFF00  }
0x27e: {  	[tilespmem:s20], [sflag:$0x2] =	stream.indirect.gather [hbm4b:s3+s22], $0x80, s30, s22, $0xb8;
	[tilespmem:$0x18300] =	vst v63  }
0x27f: {  	_ =	swait.ge [sflag:s25], $0x8000  }
0x280: {  	[sflag:s25] =	ssyncset.done $0x0  }
0x281: {  	s0 =	rddreg [dreg:$0x1d];
	[sflag:s25] =	ssyncadd.s32 $0xFFFF8000  }
0x282: {  	[tilespmem:s28], [sflag:$0x9] =	stream.strided.gather [hbm4b:s0+s23], $0x100, s24, s23, $0x38;
	[tilespmem:$0x18300] =	vst v63  }
0x283: {  	s4 =	rddreg [dreg:$0x1e]  }
0x284: {  	[hbm4b:s4+s2] =	stream.linear.scatter [tilespmem:s18], [sflag:$0x6], $0x8000, $0x38;
	[tilespmem:$0x18300] =	vst v63  }
0x285: {  	_ =	swait.ge [sflag:s14], $0x8000  }
0x286: {  	[sflag:s14] =	ssyncset.done $0x0  }
0x287: {  	[sflag:s14] =	ssyncadd.s32 $0xFFFF8000  }
0x288: {  	_ =	swait.ge [sflag:s29], $0x100  }
0x289: {  	[sflag:s29] =	ssyncset.done $0x0  }
0x28a: {  	[sflag:s29] =	ssyncadd.s32 $0xFFFFFF00  }
0x28b: {  	[tilespmem:s18], [sflag:$0x3] =	stream.indirect.gather [hbm4b:s3+s22], $0x80, s28, s22, $0xb8;
	[tilespmem:$0x18300] =	vst v63  }
0x28c: {  	_ =	swait.ge [sflag:s19], $0x8000  }
0x28d: {  	s0 =	rddreg [dreg:$0x1f];
	[sflag:s19] =	ssyncset.done $0x0  }
0x28e: {  	s4 =	sld [smem:$0x7F2];
	[sflag:s19] =	ssyncadd.s32 $0xFFFF8000  }
0x28f: {  	[tilespmem:s17], [sflag:$0x7] =	stream.strided.gather [hbm4b:s0+s23], $0x100, s24, s23, $0x38;
	[tilespmem:$0x18300] =	vst v63  }
0x290: {  	_ = 	snop  }
0x291: {  	[hbm4b:s4+s2] =	stream.linear.scatter [tilespmem:s2], [sflag:$0x4], $0x8000, $0x38;
	[tilespmem:$0x18300] =	vst v63  }
0x292: {  	_ =	swait.ge [sflag:s16], $0x8000  }
0x293: {  	[sflag:s16] =	ssyncset.done $0x0  }
0x294: {  	[sflag:s16] =	ssyncadd.s32 $0xFFFF8000  }
0x295: {  	_ =	swait.ge [sflag:s21], $0x100  }
0x296: {  	[sflag:s21] =	ssyncset.done $0x0  }
0x297: {  	[sflag:s21] =	ssyncadd.s32 $0xFFFFFF00  }
0x298: {  	[tilespmem:s2], [sflag:$0x1] =	stream.indirect.gather [hbm4b:s3+s22], $0x80, s17, s22, $0xb8;
	[tilespmem:$0x18300] =	vst v63  }
0x299: {  	_ =	swait.ge [sflag:s26], $0x8000  }
0x29a: {  	s0 =	sld [smem:$0x7F3]  }
0x29b: {  	[sflag:s26] =	ssyncset.done $0x0  }
0x29c: {  	s4 =	sld [smem:$0x7F4];
	[sflag:s26] =	ssyncadd.s32 $0xFFFF8000  }
0x29d: {  	[tilespmem:s30], [sflag:$0x8] =	stream.strided.gather [hbm4b:s0+s23], $0x100, s24, s23, $0x38;
	[tilespmem:$0x18300] =	vst v63  }
0x29e: {  	_ = 	snop  }
0x29f: {  	[hbm4b:s4+s2] =	stream.linear.scatter [tilespmem:s20], [sflag:$0x5], $0x8000, $0x38;
	[tilespmem:$0x18300] =	vst v63  }
0x2a0: {  	_ =	swait.ge [sflag:s15], $0x8000  }
0x2a1: {  	[sflag:s15] =	ssyncset.done $0x0  }
0x2a2: {  	[sflag:s15] =	ssyncadd.s32 $0xFFFF8000  }
0x2a3: {  	_ =	swait.ge [sflag:s31], $0x100  }
0x2a4: {  	[sflag:s31] =	ssyncset.done $0x0  }
0x2a5: {  	[sflag:s31] =	ssyncadd.s32 $0xFFFFFF00  }
0x2a6: {  	[tilespmem:s20], [sflag:$0x2] =	stream.indirect.gather [hbm4b:s3+s22], $0x80, s30, s22, $0xb8;
	[tilespmem:$0x18300] =	vst v63  }
0x2a7: {  	_ =	swait.ge [sflag:s25], $0x8000  }
0x2a8: {  	s0 =	sld [smem:$0x7F5]  }
0x2a9: {  	[sflag:s25] =	ssyncset.done $0x0  }
0x2aa: {  	s4 =	sld [smem:$0x7F6];
	[sflag:s25] =	ssyncadd.s32 $0xFFFF8000  }
0x2ab: {  	[tilespmem:s28], [sflag:$0x9] =	stream.strided.gather [hbm4b:s0+s23], $0x100, s24, s23, $0x38;
	[tilespmem:$0x18300] =	vst v63  }
0x2ac: {  	_ = 	snop  }
0x2ad: {  	[hbm4b:s4+s2] =	stream.linear.scatter [tilespmem:s18], [sflag:$0x6], $0x8000, $0x38;
	[tilespmem:$0x18300] =	vst v63  }
0x2ae: {  	_ =	swait.ge [sflag:s14], $0x8000  }
0x2af: {  	[sflag:s14] =	ssyncset.done $0x0  }
0x2b0: {  	[sflag:s14] =	ssyncadd.s32 $0xFFFF8000  }
0x2b1: {  	_ =	swait.ge [sflag:s29], $0x100  }
0x2b2: {  	[sflag:s29] =	ssyncset.done $0x0  }
0x2b3: {  	[sflag:s29] =	ssyncadd.s32 $0xFFFFFF00  }
0x2b4: {  	[tilespmem:s18], [sflag:$0x3] =	stream.indirect.gather [hbm4b:s3+s22], $0x80, s28, s22, $0xb8;
	[tilespmem:$0x18300] =	vst v63  }
0x2b5: {  	_ =	swait.ge [sflag:s19], $0x8000  }
0x2b6: {  	s0 =	sld [smem:$0x7F7]  }
0x2b7: {  	[sflag:s19] =	ssyncset.done $0x0  }
0x2b8: {  	s4 =	sld [smem:$0x7F8];
	[sflag:s19] =	ssyncadd.s32 $0xFFFF8000  }
0x2b9: {  	[tilespmem:s17], [sflag:$0x7] =	stream.strided.gather [hbm4b:s0+s23], $0x100, s24, s23, $0x38;
	[tilespmem:$0x18300] =	vst v63  }
0x2ba: {  	_ = 	snop  }
0x2bb: {  	[hbm4b:s4+s2] =	stream.linear.scatter [tilespmem:s2], [sflag:$0x4], $0x8000, $0x38;
	[tilespmem:$0x18300] =	vst v63  }
0x2bc: {  	_ =	swait.ge [sflag:s16], $0x8000  }
0x2bd: {  	[sflag:s16] =	ssyncset.done $0x0  }
0x2be: {  	[sflag:s16] =	ssyncadd.s32 $0xFFFF8000  }
0x2bf: {  	_ =	swait.ge [sflag:s21], $0x100  }
0x2c0: {  	[sflag:s21] =	ssyncset.done $0x0  }
0x2c1: {  	[sflag:s21] =	ssyncadd.s32 $0xFFFFFF00  }
0x2c2: {  	[tilespmem:s2], [sflag:$0x1] =	stream.indirect.gather [hbm4b:s3+s22], $0x80, s17, s22, $0xb8;
	[tilespmem:$0x18300] =	vst v63  }
0x2c3: {  	_ =	swait.ge [sflag:s26], $0x8000  }
0x2c4: {  	s0 =	sld [smem:$0x7F9]  }
0x2c5: {  	[sflag:s26] =	ssyncset.done $0x0  }
0x2c6: {  	s4 =	sld [smem:$0x7FA];
	[sflag:s26] =	ssyncadd.s32 $0xFFFF8000  }
0x2c7: {  	[tilespmem:s30], [sflag:$0x8] =	stream.strided.gather [hbm4b:s0+s23], $0x100, s24, s23, $0x38;
	[tilespmem:$0x18300] =	vst v63  }
0x2c8: {  	_ = 	snop  }
0x2c9: {  	[hbm4b:s4+s2] =	stream.linear.scatter [tilespmem:s20], [sflag:$0x5], $0x8000, $0x38;
	[tilespmem:$0x18300] =	vst v63  }
0x2ca: {  	_ =	swait.ge [sflag:s15], $0x8000  }
0x2cb: {  	[sflag:s15] =	ssyncset.done $0x0  }
0x2cc: {  	[sflag:s15] =	ssyncadd.s32 $0xFFFF8000  }
0x2cd: {  	_ =	swait.ge [sflag:s31], $0x100  }
0x2ce: {  	[sflag:s31] =	ssyncset.done $0x0  }
0x2cf: {  	[sflag:s31] =	ssyncadd.s32 $0xFFFFFF00  }
0x2d0: {  	[tilespmem:s20], [sflag:$0x2] =	stream.indirect.gather [hbm4b:s3+s22], $0x80, s30, s22, $0xb8;
	[tilespmem:$0x18300] =	vst v63  }
0x2d1: {  	_ =	swait.ge [sflag:s25], $0x8000  }
0x2d2: {  	s0 =	sld [smem:$0x7FB]  }
0x2d3: {  	[sflag:s25] =	ssyncset.done $0x0  }
0x2d4: {  	s4 =	sld [smem:$0x7FC];
	[sflag:s25] =	ssyncadd.s32 $0xFFFF8000  }
0x2d5: {  	[tilespmem:s28], [sflag:$0x9] =	stream.strided.gather [hbm4b:s0+s23], $0x100, s24, s23, $0x38;
	[tilespmem:$0x18300] =	vst v63  }
0x2d6: {  	_ = 	snop  }
0x2d7: {  	[hbm4b:s4+s2] =	stream.linear.scatter [tilespmem:s18], [sflag:$0x6], $0x8000, $0x38;
	[tilespmem:$0x18300] =	vst v63  }
0x2d8: {  	s4 =	smov.u32 s5;
	s5 =	smov.u32 s6  }
0x2d9: {  	s6 =	smov.u32 s7;
	s7 =	smov.u32 s8;
	s8 =	smov.u32 s9  }
0x2da: {  	s9 =	smov.u32 s10;
	s10 =	smov.u32 s11;
	s11 =	smov.u32 s12  }
0x2db: {  	s12 =	smov.u32 s13;
	s13 =	sld [smem:$0x7F1];
	_ =	swait.ge [sflag:s14], $0x8000  }
0x2dc: {  	[sflag:s14] =	ssyncset.done $0x0  }
0x2dd: {  	[sflag:s14] =	ssyncadd.s32 $0xFFFF8000  }
0x2de: {  	_ =	swait.ge [sflag:s29], $0x100  }
0x2df: {  	[sflag:s29] =	ssyncset.done $0x0  }
0x2e0: {  	[sflag:s29] =	ssyncadd.s32 $0xFFFFFF00  }
0x2e1: {  	[tilespmem:s18], [sflag:$0x3] =	stream.indirect.gather [hbm4b:s3+s22], $0x80, s28, s22, $0xb8;
	[tilespmem:$0x18300] =	vst v63  }
0x2e2: {  	_ =	swait.ge [sflag:s19], $0x8000  }
0x2e3: {  	s0 =	sld [smem:$0x7FD]  }
0x2e4: {  	[sflag:s19] =	ssyncset.done $0x0  }
0x2e5: {  	[sflag:s19] =	ssyncadd.s32 $0xFFFF8000  }
0x2e6: {  	[tilespmem:s17], [sflag:$0x7] =	stream.strided.gather [hbm4b:s0+s23], $0x100, s24, s23, $0x38;
	[tilespmem:$0x18300] =	vst v63  }
0x2e7: {  	_ = 	snop  }
0x2e8: {  	[hbm4b:s11+s2] =	stream.linear.scatter [tilespmem:s2], [sflag:$0x4], $0x8000, $0x38;
	[tilespmem:$0x18300] =	vst v63  }
0x2e9: {  	_ =	swait.ge [sflag:s16], $0x8000  }
0x2ea: {  	[sflag:s16] =	ssyncset.done $0x0  }
0x2eb: {  	[sflag:s16] =	ssyncadd.s32 $0xFFFF8000  }
0x2ec: {  	_ =	swait.ge [sflag:s21], $0x100  }
0x2ed: {  	[sflag:s21] =	ssyncset.done $0x0  }
0x2ee: {  	[sflag:s21] =	ssyncadd.s32 $0xFFFFFF00  }
0x2ef: {  	[tilespmem:s2], [sflag:$0x1] =	stream.indirect.gather [hbm4b:s3+s22], $0x80, s17, s22, $0xb8;
	[tilespmem:$0x18300] =	vst v63  }
0x2f0: {  	_ =	swait.ge [sflag:s26], $0x8000  }
0x2f1: {  	[sflag:s26] =	ssyncset.done $0x0  }
0x2f2: {  	[sflag:s26] =	ssyncadd.s32 $0xFFFF8000  }
0x2f3: {  	[tilespmem:s30], [sflag:$0x8] =	stream.strided.gather [hbm4b:s4+s23], $0x100, s24, s23, $0x38;
	[tilespmem:$0x18300] =	vst v63  }
0x2f4: {  	_ = 	snop  }
0x2f5: {  	[hbm4b:s13+s2] =	stream.linear.scatter [tilespmem:s20], [sflag:$0x5], $0x8000, $0x38;
	[tilespmem:$0x18300] =	vst v63  }
0x2f6: {  	_ =	swait.ge [sflag:s15], $0x8000  }
0x2f7: {  	[sflag:s15] =	ssyncset.done $0x0  }
0x2f8: {  	[sflag:s15] =	ssyncadd.s32 $0xFFFF8000  }
0x2f9: {  	_ =	swait.ge [sflag:s31], $0x100  }
0x2fa: {  	[sflag:s31] =	ssyncset.done $0x0  }
0x2fb: {  	[sflag:s31] =	ssyncadd.s32 $0xFFFFFF00  }
0x2fc: {  	[tilespmem:s20], [sflag:$0x2] =	stream.indirect.gather [hbm4b:s3+s22], $0x80, s30, s22, $0xb8;
	[tilespmem:$0x18300] =	vst v63  }
0x2fd: {  	_ =	swait.ge [sflag:s25], $0x8000  }
0x2fe: {  	[sflag:s25] =	ssyncset.done $0x0  }
0x2ff: {  	[sflag:s25] =	ssyncadd.s32 $0xFFFF8000  }
0x300: {  	[tilespmem:s28], [sflag:$0x9] =	stream.strided.gather [hbm4b:s6+s23], $0x100, s24, s23, $0x38;
	[tilespmem:$0x18300] =	vst v63  }
0x301: {  	_ = 	snop  }
0x302: {  	[hbm4b:s9+s2] =	stream.linear.scatter [tilespmem:s18], [sflag:$0x6], $0x8000, $0x38;
	[tilespmem:$0x18300] =	vst v63  }
0x303: {  	_ =	swait.ge [sflag:s14], $0x8000  }
0x304: {  	[sflag:s14] =	ssyncset.done $0x0  }
0x305: {  	[sflag:s14] =	ssyncadd.s32 $0xFFFF8000  }
0x306: {  	_ =	swait.ge [sflag:s29], $0x100  }
0x307: {  	[sflag:s29] =	ssyncset.done $0x0  }
0x308: {  	[sflag:s29] =	ssyncadd.s32 $0xFFFFFF00  }
0x309: {  	[tilespmem:s18], [sflag:$0x3] =	stream.indirect.gather [hbm4b:s3+s22], $0x80, s28, s22, $0xb8;
	[tilespmem:$0x18300] =	vst v63  }
0x30a: {  	_ =	swait.ge [sflag:s19], $0x8000  }
0x30b: {  	[sflag:s19] =	ssyncset.done $0x0  }
0x30c: {  	[sflag:s19] =	ssyncadd.s32 $0xFFFF8000  }
0x30d: {  	[tilespmem:s17], [sflag:$0x7] =	stream.strided.gather [hbm4b:s8+s23], $0x100, s24, s23, $0x38;
	[tilespmem:$0x18300] =	vst v63  }
0x30e: {  	_ = 	snop  }
0x30f: {  	[hbm4b:s12+s2] =	stream.linear.scatter [tilespmem:s2], [sflag:$0x4], $0x8000, $0x38;
	[tilespmem:$0x18300] =	vst v63  }
0x310: {  	_ =	swait.ge [sflag:s16], $0x8000  }
0x311: {  	[sflag:s16] =	ssyncset.done $0x0  }
0x312: {  	[sflag:s16] =	ssyncadd.s32 $0xFFFF8000  }
0x313: {  	_ =	swait.ge [sflag:s21], $0x100  }
0x314: {  	[sflag:s21] =	ssyncset.done $0x0  }
0x315: {  	[sflag:s21] =	ssyncadd.s32 $0xFFFFFF00  }
0x316: {  	[tilespmem:s2], [sflag:$0x1] =	stream.indirect.gather [hbm4b:s3+s22], $0x80, s17, s22, $0xb8;
	[tilespmem:$0x18300] =	vst v63  }
0x317: {  	_ =	swait.ge [sflag:s26], $0x8000  }
0x318: {  	[sflag:s26] =	ssyncset.done $0x0  }
0x319: {  	[sflag:s26] =	ssyncadd.s32 $0xFFFF8000  }
0x31a: {  	[hbm4b:s5+s2] =	stream.linear.scatter [tilespmem:s20], [sflag:$0x5], $0x8000, $0x38;
	[tilespmem:$0x18300] =	vst v63  }
0x31b: {  	_ =	swait.ge [sflag:s25], $0x8000  }
0x31c: {  	[sflag:s25] =	ssyncset.done $0x0  }
0x31d: {  	[sflag:s25] =	ssyncadd.s32 $0xFFFF8000  }
0x31e: {  	[hbm4b:s10+s2] =	stream.linear.scatter [tilespmem:s18], [sflag:$0x6], $0x8000, $0x38;
	[tilespmem:$0x18300] =	vst v63  }
0x31f: {  	_ =	swait.ge [sflag:s19], $0x8000  }
0x320: {  	[sflag:s19] =	ssyncset.done $0x0  }
0x321: {  	[sflag:s19] =	ssyncadd.s32 $0xFFFF8000  }
0x322: {  	[hbm4b:s7+s2] =	stream.linear.scatter [tilespmem:s2], [sflag:$0x4], $0x8000, $0x38;
	[tilespmem:$0x18300] =	vst v63  }
0x323: {  	_ =	swait.ge [sflag:s16], $0x8000  }
0x324: {  	[sflag:s16] =	ssyncset.done $0x0  }
0x325: {  	p1 =	sne.s32 s1, $0x1;
	[sflag:s16] =	ssyncadd.s32 $0xFFFF8000  }
.Ltmp2:
0x326: {  	_ =	swait.ge [sflag:s15], $0x8000;
	(pc) =	sbr.rel @p1 .LBB2_2-.Ltmp2, $4  }
0x327: {  	[sflag:s15] =	ssyncset.done $0x0  }
0x328: {  	[sflag:s15] =	ssyncadd.s32 $0xFFFF8000  }
0x329: {  	_ =	swait.ge [sflag:s14], $0x8000  }
0x32a: {  	s1 =	sadd.s32 $0xFFFFFFFF, s1;
	s0 =	rddreg [dreg:$0x4];
	[sflag:s14] =	ssyncset.done $0x0  }
.LBB2_3:
0x32b: {  	[sflag:s14] =	ssyncadd.s32 @p0 $0xFFFF8000  }
0x32c: {  	[tilespmem:s17], [sflag:$0x7] =	stream.strided.gather [hbm4b:s0+s23], $0x100, s24, s23, $0x38;
	[tilespmem:$0x18300] =	vst v63  }
0x32d: {  	s1 =	rddreg [dreg:$0x5]  }
0x32e: {  	[tilespmem:s30], [sflag:$0x8] =	stream.strided.gather [hbm4b:s1+s23], $0x100, s24, s23, $0x38;
	[tilespmem:$0x18300] =	vst v63  }
0x32f: {  	s0 =	rddreg [dreg:$0x6]  }
0x330: {  	[tilespmem:s28], [sflag:$0x9] =	stream.strided.gather [hbm4b:s0+s23], $0x100, s24, s23, $0x38;
	[tilespmem:$0x18300] =	vst v63  }
0x331: {  	_ =	swait.ge [sflag:s21], $0x100  }
0x332: {  	[sflag:s21] =	ssyncset.done $0x0  }
0x333: {  	[sflag:s21] =	ssyncadd.s32 $0xFFFFFF00  }
0x334: {  	[tilespmem:s2], [sflag:$0x1] =	stream.indirect.gather [hbm4b:s3+s22], $0x80, s17, s22, $0xb8;
	[tilespmem:$0x18300] =	vst v63  }
0x335: {  	_ =	swait.ge [sflag:s31], $0x100  }
0x336: {  	[sflag:s31] =	ssyncset.done $0x0  }
0x337: {  	[sflag:s31] =	ssyncadd.s32 $0xFFFFFF00  }
0x338: {  	[tilespmem:s20], [sflag:$0x2] =	stream.indirect.gather [hbm4b:s3+s22], $0x80, s30, s22, $0xb8;
	[tilespmem:$0x18300] =	vst v63  }
0x339: {  	_ =	swait.ge [sflag:s29], $0x100  }
0x33a: {  	[sflag:s29] =	ssyncset.done $0x0  }
0x33b: {  	[sflag:s29] =	ssyncadd.s32 $0xFFFFFF00  }
0x33c: {  	[tilespmem:s18], [sflag:$0x3] =	stream.indirect.gather [hbm4b:s3+s22], $0x80, s28, s22, $0xb8;
	[tilespmem:$0x18300] =	vst v63  }
0x33d: {  	_ =	swait.ge [sflag:s19], $0x8000  }
0x33e: {  	[sflag:s19] =	ssyncset.done $0x0  }
0x33f: {  	s0 =	rddreg [dreg:$0x7];
	[sflag:s19] =	ssyncadd.s32 $0xFFFF8000  }
0x340: {  	[tilespmem:s17], [sflag:$0x7] =	stream.strided.gather [hbm4b:s0+s23], $0x100, s24, s23, $0x38;
	[tilespmem:$0x18300] =	vst v63  }
0x341: {  	s1 =	rddreg [dreg:$0x8]  }
0x342: {  	[hbm4b:s1+s2] =	stream.linear.scatter [tilespmem:s2], [sflag:$0x4], $0x8000, $0x38;
	[tilespmem:$0x18300] =	vst v63  }
0x343: {  	_ =	swait.ge [sflag:s16], $0x8000  }
0x344: {  	[sflag:s16] =	ssyncset.done $0x0  }
0x345: {  	[sflag:s16] =	ssyncadd.s32 $0xFFFF8000  }
0x346: {  	_ =	swait.ge [sflag:s21], $0x100  }
0x347: {  	[sflag:s21] =	ssyncset.done $0x0  }
0x348: {  	[sflag:s21] =	ssyncadd.s32 $0xFFFFFF00  }
0x349: {  	[tilespmem:s2], [sflag:$0x1] =	stream.indirect.gather [hbm4b:s3+s22], $0x80, s17, s22, $0xb8;
	[tilespmem:$0x18300] =	vst v63  }
0x34a: {  	_ =	swait.ge [sflag:s26], $0x8000  }
0x34b: {  	[sflag:s26] =	ssyncset.done $0x0  }
0x34c: {  	s0 =	rddreg [dreg:$0x9];
	[sflag:s26] =	ssyncadd.s32 $0xFFFF8000  }
0x34d: {  	[tilespmem:s30], [sflag:$0x8] =	stream.strided.gather [hbm4b:s0+s23], $0x100, s24, s23, $0x38;
	[tilespmem:$0x18300] =	vst v63  }
0x34e: {  	s1 =	rddreg [dreg:$0xa]  }
0x34f: {  	[hbm4b:s1+s2] =	stream.linear.scatter [tilespmem:s20], [sflag:$0x5], $0x8000, $0x38;
	[tilespmem:$0x18300] =	vst v63  }
0x350: {  	_ =	swait.ge [sflag:s15], $0x8000  }
0x351: {  	[sflag:s15] =	ssyncset.done $0x0  }
0x352: {  	[sflag:s15] =	ssyncadd.s32 $0xFFFF8000  }
0x353: {  	_ =	swait.ge [sflag:s31], $0x100  }
0x354: {  	[sflag:s31] =	ssyncset.done $0x0  }
0x355: {  	[sflag:s31] =	ssyncadd.s32 $0xFFFFFF00  }
0x356: {  	[tilespmem:s20], [sflag:$0x2] =	stream.indirect.gather [hbm4b:s3+s22], $0x80, s30, s22, $0xb8;
	[tilespmem:$0x18300] =	vst v63  }
0x357: {  	_ =	swait.ge [sflag:s25], $0x8000  }
0x358: {  	[sflag:s25] =	ssyncset.done $0x0  }
0x359: {  	s0 =	rddreg [dreg:$0xb];
	[sflag:s25] =	ssyncadd.s32 $0xFFFF8000  }
0x35a: {  	[tilespmem:s28], [sflag:$0x9] =	stream.strided.gather [hbm4b:s0+s23], $0x100, s24, s23, $0x38;
	[tilespmem:$0x18300] =	vst v63  }
0x35b: {  	s1 =	rddreg [dreg:$0xc]  }
0x35c: {  	[hbm4b:s1+s2] =	stream.linear.scatter [tilespmem:s18], [sflag:$0x6], $0x8000, $0x38;
	[tilespmem:$0x18300] =	vst v63  }
0x35d: {  	_ =	swait.ge [sflag:s14], $0x8000  }
0x35e: {  	[sflag:s14] =	ssyncset.done $0x0  }
0x35f: {  	[sflag:s14] =	ssyncadd.s32 $0xFFFF8000  }
0x360: {  	_ =	swait.ge [sflag:s29], $0x100  }
0x361: {  	[sflag:s29] =	ssyncset.done $0x0  }
0x362: {  	[sflag:s29] =	ssyncadd.s32 $0xFFFFFF00  }
0x363: {  	[tilespmem:s18], [sflag:$0x3] =	stream.indirect.gather [hbm4b:s3+s22], $0x80, s28, s22, $0xb8;
	[tilespmem:$0x18300] =	vst v63  }
0x364: {  	_ =	swait.ge [sflag:s19], $0x8000  }
0x365: {  	[sflag:s19] =	ssyncset.done $0x0  }
0x366: {  	s0 =	rddreg [dreg:$0xd];
	[sflag:s19] =	ssyncadd.s32 $0xFFFF8000  }
0x367: {  	[tilespmem:s17], [sflag:$0x7] =	stream.strided.gather [hbm4b:s0+s23], $0x100, s24, s23, $0x38;
	[tilespmem:$0x18300] =	vst v63  }
0x368: {  	s1 =	rddreg [dreg:$0xe]  }
0x369: {  	[hbm4b:s1+s2] =	stream.linear.scatter [tilespmem:s2], [sflag:$0x4], $0x8000, $0x38;
	[tilespmem:$0x18300] =	vst v63  }
0x36a: {  	_ =	swait.ge [sflag:s16], $0x8000  }
0x36b: {  	[sflag:s16] =	ssyncset.done $0x0  }
0x36c: {  	[sflag:s16] =	ssyncadd.s32 $0xFFFF8000  }
0x36d: {  	_ =	swait.ge [sflag:s21], $0x100  }
0x36e: {  	[sflag:s21] =	ssyncset.done $0x0  }
0x36f: {  	[sflag:s21] =	ssyncadd.s32 $0xFFFFFF00  }
0x370: {  	[tilespmem:s2], [sflag:$0x1] =	stream.indirect.gather [hbm4b:s3+s22], $0x80, s17, s22, $0xb8;
	[tilespmem:$0x18300] =	vst v63  }
0x371: {  	_ =	swait.ge [sflag:s26], $0x8000  }
0x372: {  	[sflag:s26] =	ssyncset.done $0x0  }
0x373: {  	s0 =	rddreg [dreg:$0xf];
	[sflag:s26] =	ssyncadd.s32 $0xFFFF8000  }
0x374: {  	[tilespmem:s30], [sflag:$0x8] =	stream.strided.gather [hbm4b:s0+s23], $0x100, s24, s23, $0x38;
	[tilespmem:$0x18300] =	vst v63  }
0x375: {  	s1 =	rddreg [dreg:$0x10]  }
0x376: {  	[hbm4b:s1+s2] =	stream.linear.scatter [tilespmem:s20], [sflag:$0x5], $0x8000, $0x38;
	[tilespmem:$0x18300] =	vst v63  }
0x377: {  	_ =	swait.ge [sflag:s15], $0x8000  }
0x378: {  	[sflag:s15] =	ssyncset.done $0x0  }
0x379: {  	[sflag:s15] =	ssyncadd.s32 $0xFFFF8000  }
0x37a: {  	_ =	swait.ge [sflag:s31], $0x100  }
0x37b: {  	[sflag:s31] =	ssyncset.done $0x0  }
0x37c: {  	[sflag:s31] =	ssyncadd.s32 $0xFFFFFF00  }
0x37d: {  	[tilespmem:s20], [sflag:$0x2] =	stream.indirect.gather [hbm4b:s3+s22], $0x80, s30, s22, $0xb8;
	[tilespmem:$0x18300] =	vst v63  }
0x37e: {  	_ =	swait.ge [sflag:s25], $0x8000  }
0x37f: {  	[sflag:s25] =	ssyncset.done $0x0  }
0x380: {  	s0 =	rddreg [dreg:$0x11];
	[sflag:s25] =	ssyncadd.s32 $0xFFFF8000  }
0x381: {  	[tilespmem:s28], [sflag:$0x9] =	stream.strided.gather [hbm4b:s0+s23], $0x100, s24, s23, $0x38;
	[tilespmem:$0x18300] =	vst v63  }
0x382: {  	s1 =	rddreg [dreg:$0x12]  }
0x383: {  	[hbm4b:s1+s2] =	stream.linear.scatter [tilespmem:s18], [sflag:$0x6], $0x8000, $0x38;
	[tilespmem:$0x18300] =	vst v63  }
0x384: {  	_ =	swait.ge [sflag:s14], $0x8000  }
0x385: {  	[sflag:s14] =	ssyncset.done $0x0  }
0x386: {  	[sflag:s14] =	ssyncadd.s32 $0xFFFF8000  }
0x387: {  	_ =	swait.ge [sflag:s29], $0x100  }
0x388: {  	[sflag:s29] =	ssyncset.done $0x0  }
0x389: {  	[sflag:s29] =	ssyncadd.s32 $0xFFFFFF00  }
0x38a: {  	[tilespmem:s18], [sflag:$0x3] =	stream.indirect.gather [hbm4b:s3+s22], $0x80, s28, s22, $0xb8;
	[tilespmem:$0x18300] =	vst v63  }
0x38b: {  	_ =	swait.ge [sflag:s19], $0x8000  }
0x38c: {  	[sflag:s19] =	ssyncset.done $0x0  }
0x38d: {  	s0 =	rddreg [dreg:$0x13];
	[sflag:s19] =	ssyncadd.s32 $0xFFFF8000  }
0x38e: {  	[tilespmem:s17], [sflag:$0x7] =	stream.strided.gather [hbm4b:s0+s23], $0x100, s24, s23, $0x38;
	[tilespmem:$0x18300] =	vst v63  }
0x38f: {  	s1 =	rddreg [dreg:$0x14]  }
0x390: {  	[hbm4b:s1+s2] =	stream.linear.scatter [tilespmem:s2], [sflag:$0x4], $0x8000, $0x38;
	[tilespmem:$0x18300] =	vst v63  }
0x391: {  	_ =	swait.ge [sflag:s16], $0x8000  }
0x392: {  	[sflag:s16] =	ssyncset.done $0x0  }
0x393: {  	[sflag:s16] =	ssyncadd.s32 $0xFFFF8000  }
0x394: {  	_ =	swait.ge [sflag:s21], $0x100  }
0x395: {  	[sflag:s21] =	ssyncset.done $0x0  }
0x396: {  	[sflag:s21] =	ssyncadd.s32 $0xFFFFFF00  }
0x397: {  	[tilespmem:s2], [sflag:$0x1] =	stream.indirect.gather [hbm4b:s3+s22], $0x80, s17, s22, $0xb8;
	[tilespmem:$0x18300] =	vst v63  }
0x398: {  	_ =	swait.ge [sflag:s26], $0x8000  }
0x399: {  	[sflag:s26] =	ssyncset.done $0x0  }
0x39a: {  	s0 =	rddreg [dreg:$0x15];
	[sflag:s26] =	ssyncadd.s32 $0xFFFF8000  }
0x39b: {  	[tilespmem:s30], [sflag:$0x8] =	stream.strided.gather [hbm4b:s0+s23], $0x100, s24, s23, $0x38;
	[tilespmem:$0x18300] =	vst v63  }
0x39c: {  	s1 =	rddreg [dreg:$0x16]  }
0x39d: {  	[hbm4b:s1+s2] =	stream.linear.scatter [tilespmem:s20], [sflag:$0x5], $0x8000, $0x38;
	[tilespmem:$0x18300] =	vst v63  }
0x39e: {  	_ =	swait.ge [sflag:s15], $0x8000  }
0x39f: {  	[sflag:s15] =	ssyncset.done $0x0  }
0x3a0: {  	[sflag:s15] =	ssyncadd.s32 $0xFFFF8000  }
0x3a1: {  	_ =	swait.ge [sflag:s31], $0x100  }
0x3a2: {  	[sflag:s31] =	ssyncset.done $0x0  }
0x3a3: {  	[sflag:s31] =	ssyncadd.s32 $0xFFFFFF00  }
0x3a4: {  	[tilespmem:s20], [sflag:$0x2] =	stream.indirect.gather [hbm4b:s3+s22], $0x80, s30, s22, $0xb8;
	[tilespmem:$0x18300] =	vst v63  }
0x3a5: {  	_ =	swait.ge [sflag:s25], $0x8000  }
0x3a6: {  	[sflag:s25] =	ssyncset.done $0x0  }
0x3a7: {  	s0 =	rddreg [dreg:$0x17];
	[sflag:s25] =	ssyncadd.s32 $0xFFFF8000  }
0x3a8: {  	[tilespmem:s28], [sflag:$0x9] =	stream.strided.gather [hbm4b:s0+s23], $0x100, s24, s23, $0x38;
	[tilespmem:$0x18300] =	vst v63  }
0x3a9: {  	s1 =	rddreg [dreg:$0x18]  }
0x3aa: {  	[hbm4b:s1+s2] =	stream.linear.scatter [tilespmem:s18], [sflag:$0x6], $0x8000, $0x38;
	[tilespmem:$0x18300] =	vst v63  }
0x3ab: {  	_ =	swait.ge [sflag:s14], $0x8000  }
0x3ac: {  	[sflag:s14] =	ssyncset.done $0x0  }
0x3ad: {  	[sflag:s14] =	ssyncadd.s32 $0xFFFF8000  }
0x3ae: {  	_ =	swait.ge [sflag:s29], $0x100  }
0x3af: {  	[sflag:s29] =	ssyncset.done $0x0  }
0x3b0: {  	[sflag:s29] =	ssyncadd.s32 $0xFFFFFF00  }
0x3b1: {  	[tilespmem:s18], [sflag:$0x3] =	stream.indirect.gather [hbm4b:s3+s22], $0x80, s28, s22, $0xb8;
	[tilespmem:$0x18300] =	vst v63  }
0x3b2: {  	_ =	swait.ge [sflag:s19], $0x8000  }
0x3b3: {  	[sflag:s19] =	ssyncset.done $0x0  }
0x3b4: {  	s0 =	rddreg [dreg:$0x19];
	[sflag:s19] =	ssyncadd.s32 $0xFFFF8000  }
0x3b5: {  	[tilespmem:s17], [sflag:$0x7] =	stream.strided.gather [hbm4b:s0+s23], $0x100, s24, s23, $0x38;
	[tilespmem:$0x18300] =	vst v63  }
0x3b6: {  	s1 =	rddreg [dreg:$0x1a]  }
0x3b7: {  	[hbm4b:s1+s2] =	stream.linear.scatter [tilespmem:s2], [sflag:$0x4], $0x8000, $0x38;
	[tilespmem:$0x18300] =	vst v63  }
0x3b8: {  	_ =	swait.ge [sflag:s16], $0x8000  }
0x3b9: {  	[sflag:s16] =	ssyncset.done $0x0  }
0x3ba: {  	[sflag:s16] =	ssyncadd.s32 $0xFFFF8000  }
0x3bb: {  	_ =	swait.ge [sflag:s21], $0x100  }
0x3bc: {  	[sflag:s21] =	ssyncset.done $0x0  }
0x3bd: {  	[sflag:s21] =	ssyncadd.s32 $0xFFFFFF00  }
0x3be: {  	[tilespmem:s2], [sflag:$0x1] =	stream.indirect.gather [hbm4b:s3+s22], $0x80, s17, s22, $0xb8;
	[tilespmem:$0x18300] =	vst v63  }
0x3bf: {  	_ =	swait.ge [sflag:s26], $0x8000  }
0x3c0: {  	[sflag:s26] =	ssyncset.done $0x0  }
0x3c1: {  	s0 =	rddreg [dreg:$0x1b];
	[sflag:s26] =	ssyncadd.s32 $0xFFFF8000  }
0x3c2: {  	[tilespmem:s30], [sflag:$0x8] =	stream.strided.gather [hbm4b:s0+s23], $0x100, s24, s23, $0x38;
	[tilespmem:$0x18300] =	vst v63  }
0x3c3: {  	s1 =	rddreg [dreg:$0x1c]  }
0x3c4: {  	[hbm4b:s1+s2] =	stream.linear.scatter [tilespmem:s20], [sflag:$0x5], $0x8000, $0x38;
	[tilespmem:$0x18300] =	vst v63  }
0x3c5: {  	_ =	swait.ge [sflag:s15], $0x8000  }
0x3c6: {  	[sflag:s15] =	ssyncset.done $0x0  }
0x3c7: {  	[sflag:s15] =	ssyncadd.s32 $0xFFFF8000  }
0x3c8: {  	_ =	swait.ge [sflag:s31], $0x100  }
0x3c9: {  	[sflag:s31] =	ssyncset.done $0x0  }
0x3ca: {  	[sflag:s31] =	ssyncadd.s32 $0xFFFFFF00  }
0x3cb: {  	[tilespmem:s20], [sflag:$0x2] =	stream.indirect.gather [hbm4b:s3+s22], $0x80, s30, s22, $0xb8;
	[tilespmem:$0x18300] =	vst v63  }
0x3cc: {  	_ =	swait.ge [sflag:s25], $0x8000  }
0x3cd: {  	[sflag:s25] =	ssyncset.done $0x0  }
0x3ce: {  	s0 =	rddreg [dreg:$0x1d];
	[sflag:s25] =	ssyncadd.s32 $0xFFFF8000  }
0x3cf: {  	[tilespmem:s28], [sflag:$0x9] =	stream.strided.gather [hbm4b:s0+s23], $0x100, s24, s23, $0x38;
	[tilespmem:$0x18300] =	vst v63  }
0x3d0: {  	s1 =	rddreg [dreg:$0x1e]  }
0x3d1: {  	[hbm4b:s1+s2] =	stream.linear.scatter [tilespmem:s18], [sflag:$0x6], $0x8000, $0x38;
	[tilespmem:$0x18300] =	vst v63  }
0x3d2: {  	_ =	swait.ge [sflag:s14], $0x8000  }
0x3d3: {  	[sflag:s14] =	ssyncset.done $0x0  }
0x3d4: {  	[sflag:s14] =	ssyncadd.s32 $0xFFFF8000  }
0x3d5: {  	_ =	swait.ge [sflag:s29], $0x100  }
0x3d6: {  	[sflag:s29] =	ssyncset.done $0x0  }
0x3d7: {  	[sflag:s29] =	ssyncadd.s32 $0xFFFFFF00  }
0x3d8: {  	[tilespmem:s18], [sflag:$0x3] =	stream.indirect.gather [hbm4b:s3+s22], $0x80, s28, s22, $0xb8;
	[tilespmem:$0x18300] =	vst v63  }
0x3d9: {  	_ =	swait.ge [sflag:s19], $0x8000  }
0x3da: {  	s0 =	rddreg [dreg:$0x1f];
	[sflag:s19] =	ssyncset.done $0x0  }
0x3db: {  	s1 =	sld [smem:$0x7F2];
	[sflag:s19] =	ssyncadd.s32 $0xFFFF8000  }
0x3dc: {  	[tilespmem:s17], [sflag:$0x7] =	stream.strided.gather [hbm4b:s0+s23], $0x100, s24, s23, $0x38;
	[tilespmem:$0x18300] =	vst v63  }
0x3dd: {  	_ = 	snop  }
0x3de: {  	[hbm4b:s1+s2] =	stream.linear.scatter [tilespmem:s2], [sflag:$0x4], $0x8000, $0x38;
	[tilespmem:$0x18300] =	vst v63  }
0x3df: {  	_ =	swait.ge [sflag:s16], $0x8000  }
0x3e0: {  	[sflag:s16] =	ssyncset.done $0x0  }
0x3e1: {  	[sflag:s16] =	ssyncadd.s32 $0xFFFF8000  }
0x3e2: {  	_ =	swait.ge [sflag:s21], $0x100  }
0x3e3: {  	[sflag:s21] =	ssyncset.done $0x0  }
0x3e4: {  	[sflag:s21] =	ssyncadd.s32 $0xFFFFFF00  }
0x3e5: {  	[tilespmem:s2], [sflag:$0x1] =	stream.indirect.gather [hbm4b:s3+s22], $0x80, s17, s22, $0xb8;
	[tilespmem:$0x18300] =	vst v63  }
0x3e6: {  	_ =	swait.ge [sflag:s26], $0x8000  }
0x3e7: {  	s0 =	sld [smem:$0x7F3]  }
0x3e8: {  	[sflag:s26] =	ssyncset.done $0x0  }
0x3e9: {  	s1 =	sld [smem:$0x7F4];
	[sflag:s26] =	ssyncadd.s32 $0xFFFF8000  }
0x3ea: {  	[tilespmem:s30], [sflag:$0x8] =	stream.strided.gather [hbm4b:s0+s23], $0x100, s24, s23, $0x38;
	[tilespmem:$0x18300] =	vst v63  }
0x3eb: {  	_ = 	snop  }
0x3ec: {  	[hbm4b:s1+s2] =	stream.linear.scatter [tilespmem:s20], [sflag:$0x5], $0x8000, $0x38;
	[tilespmem:$0x18300] =	vst v63  }
0x3ed: {  	_ =	swait.ge [sflag:s15], $0x8000  }
0x3ee: {  	[sflag:s15] =	ssyncset.done $0x0  }
0x3ef: {  	[sflag:s15] =	ssyncadd.s32 $0xFFFF8000  }
0x3f0: {  	_ =	swait.ge [sflag:s31], $0x100  }
0x3f1: {  	[sflag:s31] =	ssyncset.done $0x0  }
0x3f2: {  	[sflag:s31] =	ssyncadd.s32 $0xFFFFFF00  }
0x3f3: {  	[tilespmem:s20], [sflag:$0x2] =	stream.indirect.gather [hbm4b:s3+s22], $0x80, s30, s22, $0xb8;
	[tilespmem:$0x18300] =	vst v63  }
0x3f4: {  	_ =	swait.ge [sflag:s25], $0x8000  }
0x3f5: {  	s0 =	sld [smem:$0x7F5]  }
0x3f6: {  	[sflag:s25] =	ssyncset.done $0x0  }
0x3f7: {  	s1 =	sld [smem:$0x7F6];
	[sflag:s25] =	ssyncadd.s32 $0xFFFF8000  }
0x3f8: {  	[tilespmem:s28], [sflag:$0x9] =	stream.strided.gather [hbm4b:s0+s23], $0x100, s24, s23, $0x38;
	[tilespmem:$0x18300] =	vst v63  }
0x3f9: {  	_ = 	snop  }
0x3fa: {  	[hbm4b:s1+s2] =	stream.linear.scatter [tilespmem:s18], [sflag:$0x6], $0x8000, $0x38;
	[tilespmem:$0x18300] =	vst v63  }
0x3fb: {  	_ =	swait.ge [sflag:s14], $0x8000  }
0x3fc: {  	[sflag:s14] =	ssyncset.done $0x0  }
0x3fd: {  	[sflag:s14] =	ssyncadd.s32 $0xFFFF8000  }
0x3fe: {  	_ =	swait.ge [sflag:s29], $0x100  }
0x3ff: {  	[sflag:s29] =	ssyncset.done $0x0  }
0x400: {  	[sflag:s29] =	ssyncadd.s32 $0xFFFFFF00  }
0x401: {  	[tilespmem:s18], [sflag:$0x3] =	stream.indirect.gather [hbm4b:s3+s22], $0x80, s28, s22, $0xb8;
	[tilespmem:$0x18300] =	vst v63  }
0x402: {  	_ =	swait.ge [sflag:s19], $0x8000  }
0x403: {  	s0 =	sld [smem:$0x7F7]  }
0x404: {  	[sflag:s19] =	ssyncset.done $0x0  }
0x405: {  	s1 =	sld [smem:$0x7F8];
	[sflag:s19] =	ssyncadd.s32 $0xFFFF8000  }
0x406: {  	[tilespmem:s17], [sflag:$0x7] =	stream.strided.gather [hbm4b:s0+s23], $0x100, s24, s23, $0x38;
	[tilespmem:$0x18300] =	vst v63  }
0x407: {  	_ = 	snop  }
0x408: {  	[hbm4b:s1+s2] =	stream.linear.scatter [tilespmem:s2], [sflag:$0x4], $0x8000, $0x38;
	[tilespmem:$0x18300] =	vst v63  }
0x409: {  	_ =	swait.ge [sflag:s16], $0x8000  }
0x40a: {  	[sflag:s16] =	ssyncset.done $0x0  }
0x40b: {  	[sflag:s16] =	ssyncadd.s32 $0xFFFF8000  }
0x40c: {  	_ =	swait.ge [sflag:s21], $0x100  }
0x40d: {  	[sflag:s21] =	ssyncset.done $0x0  }
0x40e: {  	[sflag:s21] =	ssyncadd.s32 $0xFFFFFF00  }
0x40f: {  	[tilespmem:s2], [sflag:$0x1] =	stream.indirect.gather [hbm4b:s3+s22], $0x80, s17, s22, $0xb8;
	[tilespmem:$0x18300] =	vst v63  }
0x410: {  	_ =	swait.ge [sflag:s26], $0x8000  }
0x411: {  	s0 =	sld [smem:$0x7F9]  }
0x412: {  	[sflag:s26] =	ssyncset.done $0x0  }
0x413: {  	s1 =	sld [smem:$0x7FA];
	[sflag:s26] =	ssyncadd.s32 $0xFFFF8000  }
0x414: {  	[tilespmem:s30], [sflag:$0x8] =	stream.strided.gather [hbm4b:s0+s23], $0x100, s24, s23, $0x38;
	[tilespmem:$0x18300] =	vst v63  }
0x415: {  	_ = 	snop  }
0x416: {  	[hbm4b:s1+s2] =	stream.linear.scatter [tilespmem:s20], [sflag:$0x5], $0x8000, $0x38;
	[tilespmem:$0x18300] =	vst v63  }
0x417: {  	_ =	swait.ge [sflag:s15], $0x8000  }
0x418: {  	[sflag:s15] =	ssyncset.done $0x0  }
0x419: {  	[sflag:s15] =	ssyncadd.s32 $0xFFFF8000  }
0x41a: {  	_ =	swait.ge [sflag:s31], $0x100  }
0x41b: {  	[sflag:s31] =	ssyncset.done $0x0  }
0x41c: {  	[sflag:s31] =	ssyncadd.s32 $0xFFFFFF00  }
0x41d: {  	[tilespmem:s20], [sflag:$0x2] =	stream.indirect.gather [hbm4b:s3+s22], $0x80, s30, s22, $0xb8;
	[tilespmem:$0x18300] =	vst v63  }
0x41e: {  	_ =	swait.ge [sflag:s25], $0x8000  }
0x41f: {  	s0 =	sld [smem:$0x7FB]  }
0x420: {  	[sflag:s25] =	ssyncset.done $0x0  }
0x421: {  	s1 =	sld [smem:$0x7FC];
	[sflag:s25] =	ssyncadd.s32 $0xFFFF8000  }
0x422: {  	[tilespmem:s28], [sflag:$0x9] =	stream.strided.gather [hbm4b:s0+s23], $0x100, s24, s23, $0x38;
	[tilespmem:$0x18300] =	vst v63  }
0x423: {  	_ = 	snop  }
0x424: {  	[hbm4b:s1+s2] =	stream.linear.scatter [tilespmem:s18], [sflag:$0x6], $0x8000, $0x38;
	[tilespmem:$0x18300] =	vst v63  }
0x425: {  	_ =	swait.ge [sflag:s14], $0x8000  }
0x426: {  	[sflag:s14] =	ssyncset.done $0x0  }
0x427: {  	[sflag:s14] =	ssyncadd.s32 $0xFFFF8000  }
0x428: {  	_ =	swait.ge [sflag:s29], $0x100  }
0x429: {  	[sflag:s29] =	ssyncset.done $0x0  }
0x42a: {  	[sflag:s29] =	ssyncadd.s32 $0xFFFFFF00  }
0x42b: {  	[tilespmem:s18], [sflag:$0x3] =	stream.indirect.gather [hbm4b:s3+s22], $0x80, s28, s22, $0xb8;
	[tilespmem:$0x18300] =	vst v63  }
0x42c: {  	_ =	swait.ge [sflag:s19], $0x8000  }
0x42d: {  	s1 =	sld [smem:$0x7FD]  }
0x42e: {  	[sflag:s19] =	ssyncset.done $0x0  }
0x42f: {  	[sflag:s19] =	ssyncadd.s32 $0xFFFF8000  }
0x430: {  	[tilespmem:s17], [sflag:$0x7] =	stream.strided.gather [hbm4b:s1+s23], $0x100, s24, s23, $0x38;
	[tilespmem:$0x18300] =	vst v63  }
0x431: {  	_ = 	snop  }
0x432: {  	[hbm4b:s11+s2] =	stream.linear.scatter [tilespmem:s2], [sflag:$0x4], $0x8000, $0x38;
	[tilespmem:$0x18300] =	vst v63  }
0x433: {  	_ =	swait.ge [sflag:s16], $0x8000  }
0x434: {  	[sflag:s16] =	ssyncset.done $0x0  }
0x435: {  	[sflag:s16] =	ssyncadd.s32 $0xFFFF8000  }
0x436: {  	_ =	swait.ge [sflag:s21], $0x100  }
0x437: {  	[sflag:s21] =	ssyncset.done $0x0  }
0x438: {  	[sflag:s21] =	ssyncadd.s32 $0xFFFFFF00  }
0x439: {  	[tilespmem:s2], [sflag:$0x1] =	stream.indirect.gather [hbm4b:s3+s22], $0x80, s17, s22, $0xb8;
	[tilespmem:$0x18300] =	vst v63  }
0x43a: {  	_ =	swait.ge [sflag:s26], $0x8000  }
0x43b: {  	[sflag:s26] =	ssyncset.done $0x0  }
0x43c: {  	[sflag:s26] =	ssyncadd.s32 $0xFFFF8000  }
0x43d: {  	[tilespmem:s30], [sflag:$0x8] =	stream.strided.gather [hbm4b:s4+s23], $0x100, s24, s23, $0x38;
	[tilespmem:$0x18300] =	vst v63  }
0x43e: {  	_ = 	snop  }
0x43f: {  	[hbm4b:s13+s2] =	stream.linear.scatter [tilespmem:s20], [sflag:$0x5], $0x8000, $0x38;
	[tilespmem:$0x18300] =	vst v63  }
0x440: {  	_ =	swait.ge [sflag:s15], $0x8000  }
0x441: {  	[sflag:s15] =	ssyncset.done $0x0  }
0x442: {  	[sflag:s15] =	ssyncadd.s32 $0xFFFF8000  }
0x443: {  	_ =	swait.ge [sflag:s31], $0x100  }
0x444: {  	[sflag:s31] =	ssyncset.done $0x0  }
0x445: {  	[sflag:s31] =	ssyncadd.s32 $0xFFFFFF00  }
0x446: {  	[tilespmem:s20], [sflag:$0x2] =	stream.indirect.gather [hbm4b:s3+s22], $0x80, s30, s22, $0xb8;
	[tilespmem:$0x18300] =	vst v63  }
0x447: {  	_ =	swait.ge [sflag:s25], $0x8000  }
0x448: {  	[sflag:s25] =	ssyncset.done $0x0  }
0x449: {  	[sflag:s25] =	ssyncadd.s32 $0xFFFF8000  }
0x44a: {  	[tilespmem:s28], [sflag:$0x9] =	stream.strided.gather [hbm4b:s6+s23], $0x100, s24, s23, $0x38;
	[tilespmem:$0x18300] =	vst v63  }
0x44b: {  	_ = 	snop  }
0x44c: {  	[hbm4b:s9+s2] =	stream.linear.scatter [tilespmem:s18], [sflag:$0x6], $0x8000, $0x38;
	[tilespmem:$0x18300] =	vst v63  }
0x44d: {  	_ =	swait.ge [sflag:s14], $0x8000  }
0x44e: {  	[sflag:s14] =	ssyncset.done $0x0  }
0x44f: {  	[sflag:s14] =	ssyncadd.s32 $0xFFFF8000  }
0x450: {  	_ =	swait.ge [sflag:s29], $0x100  }
0x451: {  	[sflag:s29] =	ssyncset.done $0x0  }
0x452: {  	[sflag:s29] =	ssyncadd.s32 $0xFFFFFF00  }
0x453: {  	[tilespmem:s18], [sflag:$0x3] =	stream.indirect.gather [hbm4b:s3+s22], $0x80, s28, s22, $0xb8;
	[tilespmem:$0x18300] =	vst v63  }
0x454: {  	_ =	swait.ge [sflag:s19], $0x8000  }
0x455: {  	[sflag:s19] =	ssyncset.done $0x0  }
0x456: {  	[sflag:s19] =	ssyncadd.s32 $0xFFFF8000  }
0x457: {  	[tilespmem:s17], [sflag:$0x7] =	stream.strided.gather [hbm4b:s8+s23], $0x100, s24, s23, $0x38;
	[tilespmem:$0x18300] =	vst v63  }
0x458: {  	_ = 	snop  }
0x459: {  	[hbm4b:s12+s2] =	stream.linear.scatter [tilespmem:s2], [sflag:$0x4], $0x8000, $0x38;
	[tilespmem:$0x18300] =	vst v63  }
0x45a: {  	_ =	swait.ge [sflag:s16], $0x8000  }
0x45b: {  	[sflag:s16] =	ssyncset.done $0x0  }
0x45c: {  	[sflag:s16] =	ssyncadd.s32 $0xFFFF8000  }
0x45d: {  	_ =	swait.ge [sflag:s21], $0x100  }
0x45e: {  	[sflag:s21] =	ssyncset.done $0x0  }
0x45f: {  	[sflag:s21] =	ssyncadd.s32 $0xFFFFFF00  }
0x460: {  	[tilespmem:s2], [sflag:$0x1] =	stream.indirect.gather [hbm4b:s3+s22], $0x80, s17, s22, $0xb8;
	[tilespmem:$0x18300] =	vst v63  }
0x461: {  	_ =	swait.ge [sflag:s26], $0x8000  }
0x462: {  	[sflag:s26] =	ssyncset.done $0x0  }
0x463: {  	[sflag:s26] =	ssyncadd.s32 $0xFFFF8000  }
0x464: {  	[hbm4b:s5+s2] =	stream.linear.scatter [tilespmem:s20], [sflag:$0x5], $0x8000, $0x38;
	[tilespmem:$0x18300] =	vst v63  }
0x465: {  	_ =	swait.ge [sflag:s25], $0x8000  }
0x466: {  	[sflag:s25] =	ssyncset.done $0x0  }
0x467: {  	[sflag:s25] =	ssyncadd.s32 $0xFFFF8000  }
0x468: {  	[hbm4b:s10+s2] =	stream.linear.scatter [tilespmem:s18], [sflag:$0x6], $0x8000, $0x38;
	[tilespmem:$0x18300] =	vst v63  }
0x469: {  	_ =	swait.ge [sflag:s19], $0x8000  }
0x46a: {  	[sflag:s19] =	ssyncset.done $0x0  }
0x46b: {  	[sflag:s19] =	ssyncadd.s32 $0xFFFF8000  }
0x46c: {  	[hbm4b:s7+s2] =	stream.linear.scatter [tilespmem:s2], [sflag:$0x4], $0x8000, $0x38;
	[tilespmem:$0x18300] =	vst v63  }
0x46d: {  	_ =	swait.ge [sflag:s16], $0x8000  }
0x46e: {  	[sflag:s16] =	ssyncset.done $0x0  }
0x46f: {  	[sflag:s16] =	ssyncadd.s32 $0xFFFF8000  }
0x470: {  	_ =	swait.ge [sflag:s15], $0x8000  }
0x471: {  	[sflag:s15] =	ssyncset.done $0x0  }
0x472: {  	[sflag:s15] =	ssyncadd.s32 $0xFFFF8000  }
0x473: {  	_ =	swait.ge [sflag:s14], $0x8000  }
0x474: {  	[sflag:s14] =	ssyncset.done $0x0  }
0x475: {  	[sflag:s14] =	ssyncadd.s32 $0xFFFF8000  }
0x476: {  	_ =	sfence.sel $0x180000  }
0x477: {  	[bflag:$0x0] =	sbarrier.arrive $0xFFFF  }
0x478: {  	_ =	strace $0x90000047  }
0x479: {  	s31 =	stileid.u32;
	[bflag:$0x2] =	sbarrier.arrive $0xFFFF  }
0x47a: {  	p0 =	sne.s32 s31, $0x0;
	s0 =	rddreg [dreg:$0x3]  }
0x47b: {  	s0 =	sadd.s32 @!p0 $0x100000, s0  }
0x47c: {  	[sflag:s0] =	ssyncadd.tile.s32 @!p0 $0x1;
	_ =	shalt  }
.Lfunc_end2:
_tile_overlayer_lowered:
.L_overlay_start_2:
0x47d: {  	(tag) =	ssettag $0x2  }
0x47e: {  	s0 =	rddreg [dreg:$0x0];
	s2 =	stileid.u32  }
0x47f: {  	s1 =	rddreg [dreg:$0x1];
	p0 =	sne.s32 s2, $0x0  }
0x480: {  	s3 =	rddreg [dreg:$0x2];
	[bflag:$0x3] =	sbarrier.arrive $0xFFFF;
	s2 =	simm.s32 @!p0 $0x1C0A  }
0x481: {  	[timem:s3], [sflag:s2] =	dma.local @!p0 [hbm:s0], s1  }
0x482: {  	s0 =	simm.s32 @!p0 $0xA  }
0x483: {  	_ =	swait.ge @!p0 [sflag:s0], s1  }
0x484: {  	s1 =	ssub.s32 @!p0 $0x0, s1;
	[sflag:s0] =	ssyncset.done @!p0 $0x0  }
0x485: {  	[sflag:s0] =	ssyncadd.s32 @!p0 s1  }
0x486: {  	[bflag:$0x3] =	sbarrier.arrive $0xFFFF  }
0x487: {  	_ =	shalt  }

</sc_bundles>
